<compile_context>
chip_gen: v7x
topology: tpu7x:2x2x1
jax: 0.10.2.dev20260603
libtpu: 0.0.44.dev20260713+nightly
codegen_flags: <defaults>
</compile_context>

<pallas_src>
import functools

import jax
import jax.numpy as jnp
from jax import lax
from jax.experimental import pallas as pl
from jax.experimental.pallas import tpu as pltpu
from jax.experimental.pallas import tpu_sc as plsc

DIM = 32
NC, NS = 2, 16
NW = NC * NS
SUBB = 16
TBLK = 4 * SUBB * 512
PASS = 128


def _rsqrt16(x):
    i = plsc.bitcast(x, jnp.int32)
    i = jnp.int32(0x5F3759DF) - (i >> 1)
    y = plsc.bitcast(i, jnp.float32)
    for _ in range(3):
        y = y * (1.5 - 0.5 * x * y * y)
    return y


def _repack_body(u_ref, i_ref, ou_ref, oi_ref):
    for ref, out in ((u_ref, ou_ref), (i_ref, oi_ref)):
        for i in range(TBLK // 512):
            y = jnp.concatenate(
                [ref[:, pl.ds((4 * i + s) * 128, 128)] for s in range(4)],
                axis=0)
            out[pl.ds(i * 128, 128), :] = y.T


@functools.cache
def _repack_fn(V):
    grid = (V + TBLK - 1) // TBLK
    return pl.pallas_call(
        _repack_body,
        grid=(grid,),
        in_specs=[pl.BlockSpec((DIM, TBLK), lambda i: (0, i))] * 2,
        out_specs=[pl.BlockSpec((SUBB * 512, 128), lambda i: (i, 0))] * 2,
        out_shape=[jax.ShapeDtypeStruct(
            (grid * SUBB * 512, 128), jnp.float32)] * 2,
    )


@functools.cache
def _fused_fn(B):
    b_w = B // NW
    n_pass = b_w // PASS
    mesh = plsc.VectorSubcoreMesh(
        core_axis_name="c", subcore_axis_name="s",
        num_cores=NC, num_subcores=NS)

    def body(idx_hbm, utab_hbm, itab_hbm, out_hbm,
             idx_v, poff_v, widx, rows_u, rows_p, rows_n, out_v, sem):
        wid = lax.axis_index("s") * NC + lax.axis_index("c")
        pltpu.sync_copy(idx_hbm.at[wid], idx_v)

        tabs = ((utab_hbm, rows_u, 0), (itab_hbm, rows_p, 1),
                (itab_hbm, rows_n, 2))

        def gen_and_fire(p, buf):
            def gen(s, x):
                for _, _, t in tabs:
                    ids = idx_v[pl.ds(t * b_w + p * PASS + s * 16, 16)]
                    row = ((ids >> 9) << 7) + (ids & 127)
                    poff = ((ids >> 7) & 3) << 5
                    widx[buf, t, pl.ds(s * 16, 16)] = row
                    poff_v[buf, t, pl.ds(s * 16, 16)] = poff
                return x
            lax.fori_loop(0, PASS // 16, gen, 0)
            for tab, rows, t in tabs:
                pltpu.async_copy(tab.at[widx.at[buf, t]], rows.at[buf], sem)

        gen_and_fire(0, 0)

        eps = jnp.float32(1e-12)
        lane = lax.iota(jnp.int32, 16)

        def step(p, x):
            buf = lax.rem(p, 2)
            nbuf = lax.rem(p + 1, 2)

            @pl.when(p + 1 < n_pass)
            def _():
                gen_and_fire(p + 1, nbuf)

            for tab, rows, t in tabs:
                pltpu.make_async_copy(
                    tab.at[widx.at[buf, t]], rows.at[buf], sem).wait()

            def sub(s, y):
                pu = poff_v[buf, 0, pl.ds(s * 16, 16)]
                pp_ = poff_v[buf, 1, pl.ds(s * 16, 16)]
                pn = poff_v[buf, 2, pl.ds(s * 16, 16)]
                zero = jnp.zeros((16,), jnp.float32)
                uu = pp = nn = up = un = zero
                for r in range(16):
                    il = s * 16 + r
                    u0 = rows_u[buf, il, pl.ds(pu[r], 16)]
                    u1 = rows_u[buf, il, pl.ds(pu[r] + 16, 16)]
                    p0 = rows_p[buf, il, pl.ds(pp_[r], 16)]
                    p1 = rows_p[buf, il, pl.ds(pp_[r] + 16, 16)]
                    n0 = rows_n[buf, il, pl.ds(pn[r], 16)]
                    n1 = rows_n[buf, il, pl.ds(pn[r] + 16, 16)]
                    m = lane == r
                    uu = jnp.where(m, jnp.sum(u0 * u0 + u1 * u1), uu)
                    pp = jnp.where(m, jnp.sum(p0 * p0 + p1 * p1), pp)
                    nn = jnp.where(m, jnp.sum(n0 * n0 + n1 * n1), nn)
                    up = jnp.where(m, jnp.sum(u0 * p0 + u1 * p1), up)
                    un = jnp.where(m, jnp.sum(u0 * n0 + u1 * n1), un)
                uu = jnp.maximum(uu, eps)
                pos = up * _rsqrt16(uu * jnp.maximum(pp, eps))
                neg = un * _rsqrt16(uu * jnp.maximum(nn, eps))
                out_v[pl.ds(p * PASS + s * 16, 16)] = (
                    jnp.maximum(neg - pos + 1.0, 0.0))
                return y

            lax.fori_loop(0, PASS // 16, sub, 0)
            return x

        lax.fori_loop(0, n_pass, step, 0)
        pltpu.sync_copy(out_v, out_hbm.at[pl.ds(wid * b_w, b_w)])

    return pl.kernel(
        body,
        out_type=jax.ShapeDtypeStruct((B,), jnp.float32),
        mesh=mesh,
        compiler_params=pltpu.CompilerParams(
            use_tc_tiling_on_sc=False, needs_layout_passes=False),
        scratch_types=[
            pltpu.VMEM((3 * b_w,), jnp.int32),
            pltpu.VMEM((2, 3, PASS), jnp.int32),
            pltpu.VMEM((2, 3, PASS), jnp.int32),
            pltpu.VMEM((2, PASS, 128), jnp.float32),
            pltpu.VMEM((2, PASS, 128), jnp.float32),
            pltpu.VMEM((2, PASS, 128), jnp.float32),
            pltpu.VMEM((b_w,), jnp.float32),
            pltpu.SemaphoreType.DMA,
        ],
    )


def kernel(user_input, pos_item_input, neg_item_input, user_table, item_table):
    B = user_input.shape[0]
    V = user_table.shape[0]
    b_w = B // NW
    idx = jnp.concatenate(
        [user_input.astype(jnp.int32).reshape(NW, b_w),
         pos_item_input.astype(jnp.int32).reshape(NW, b_w),
         neg_item_input.astype(jnp.int32).reshape(NW, b_w)], axis=1)
    tab_u, tab_i = _repack_fn(V)(user_table.T, item_table.T)
    out = _fused_fn(B)(idx, tab_u, tab_i)
    return out.reshape(B, 1)

# --- scband reference (transcript-rebuilt; emitter-appended) ---
"""Pipeline reference for scband-triplet-model-7267084665533 (READ-ONLY COPY).

The authoritative reference and input builder live on the scoring server;
editing this copy changes nothing except your own understanding.
"""

import jax, jax.numpy as jnp
import numpy as np

VOCAB = 1000000
DIM = 32
BATCH = 16384
MARGIN = 1.0

def _l2_normalize(x, eps=1e-12):
    # matches tf.nn.l2_normalize used by keras Dot(normalize=True)
    sq = jnp.sum(x * x, axis=-1, keepdims=True)
    return x * jax.lax.rsqrt(jnp.maximum(sq, eps))

def setup_inputs(seed: int = 0) -> dict:
    key = jax.random.key(seed)
    k0, k1, k2, k3, k4 = jax.random.split(key, 5)
    # StringLookup output range is [0, VOCAB] (0 = OOV), embedding table has VOCAB+1 rows
    user_input = jax.random.randint(k0, (BATCH, 1), 0, VOCAB + 1, dtype=jnp.int64 if jax.config.jax_enable_x64 else jnp.int32)
    pos_item_input = jax.random.randint(k1, (BATCH, 1), 0, VOCAB + 1, dtype=user_input.dtype)
    neg_item_input = jax.random.randint(k2, (BATCH, 1), 0, VOCAB + 1, dtype=user_input.dtype)
    user_table = jax.random.normal(k3, (VOCAB + 1, DIM), dtype=jnp.float32) * 0.05
    item_table = jax.random.normal(k4, (VOCAB + 1, DIM), dtype=jnp.float32) * 0.05
    return {
        "user_input": user_input,
        "pos_item_input": pos_item_input,
        "neg_item_input": neg_item_input,
        "user_table": user_table,
        "item_table": item_table,
    }

def reference(user_input, pos_item_input, neg_item_input, user_table, item_table):
    # embedding lookups (StringLookup replaced by precomputed integer ids)
    u = jnp.take(user_table, user_input.reshape(-1), axis=0)      # [B, DIM]
    p = jnp.take(item_table, pos_item_input.reshape(-1), axis=0)  # [B, DIM]
    n = jnp.take(item_table, neg_item_input.reshape(-1), axis=0)  # [B, DIM]
    # Dot(axes=1, normalize=True) == cosine similarity -> [B, 1]
    un = _l2_normalize(u)
    pn = _l2_normalize(p)
    nn = _l2_normalize(n)
    pos_sim = jnp.sum(un * pn, axis=-1, keepdims=True)
    neg_sim = jnp.sum(un * nn, axis=-1, keepdims=True)
    # MarginLoss
    return jnp.maximum(neg_sim - pos_sim + MARGIN, 0.0)

if __name__ == "__main__":
    import jax
    _d = setup_inputs()
    print(jax.jit(kernel)(*tuple(_d.values())))

</pallas_src>

<mosaic_0001>
#map = affine_map<(d0, d1) -> (0, 0)>
#map1 = affine_map<(d0, d1) -> (0)>
module attributes {stable_mosaic.version = 14 : i64} {
  func.func @body(%arg0: i32, %arg1: i32, %arg2: memref<32x1536xi32, #tpu.memory_space<hbm>>, %arg3: memref<253952x128xf32, #tpu.memory_space<hbm>>, %arg4: memref<253952x128xf32, #tpu.memory_space<hbm>>, %arg5: memref<16384xf32, #tpu.memory_space<hbm>>, %arg6: memref<1536xi32, #tpu.memory_space<vmem>>, %arg7: memref<2x3x128xi32, #tpu.memory_space<vmem>>, %arg8: memref<2x3x128xi32, #tpu.memory_space<vmem>>, %arg9: memref<2x128x128xf32, #tpu.memory_space<vmem>>, %arg10: memref<2x128x128xf32, #tpu.memory_space<vmem>>, %arg11: memref<2x128x128xf32, #tpu.memory_space<vmem>>, %arg12: memref<512xf32, #tpu.memory_space<vmem>>, %arg13: memref<!tpu.dma_semaphore, #tpu.memory_space<semaphore_mem>>) attributes {dimension_semantics = [#tpu.dimension_semantics<core_parallel>, #tpu.dimension_semantics<subcore_parallel>], iteration_bounds = array<i64: 2, 16>, scalar_prefetch = 0 : i64, scratch_operands = 8 : i64, tpu.core_type = #tpu.core_type<sc_vector_subcore>, window_params = [{transform_indices = #map}, {transform_indices = #map}, {transform_indices = #map}, {transform_indices = #map1}]} {
    %mul3A = arith.constant 2 : i32
    %mul3A_0 = arith.muli %arg1, %mul3A : i32
    %add3A = arith.addi %mul3A_0, %arg0 : i32
    "tpu.region"() ({
      %run_scoped3A = tpu.sem_alloc : memref<!tpu.dma_semaphore, #tpu.memory_space<semaphore_mem>>
      %dma_start3A_53 = arith.constant 0 : i32
      %dma_start3A_54 = tpu.memref_slice %arg2[%add3A, %dma_start3A_53] : memref<32x1536xi32, #tpu.memory_space<hbm>> -> memref<1x1536xi32, #tpu.memory_space<hbm>>
      %dma_start3A_55 = tpu.memref_squeeze %dma_start3A_54 : memref<1x1536xi32, #tpu.memory_space<hbm>> -> memref<1536xi32, #tpu.memory_space<hbm>>
      %dma_start3A_56 = arith.constant 0 : i32
      %dma_start3A_57 = tpu.memref_slice %arg2[%add3A, %dma_start3A_56] : memref<32x1536xi32, #tpu.memory_space<hbm>> -> memref<1x1536xi32, #tpu.memory_space<hbm>>
      %dma_start3A_58 = tpu.memref_squeeze %dma_start3A_57 : memref<1x1536xi32, #tpu.memory_space<hbm>> -> memref<1536xi32, #tpu.memory_space<hbm>>
      tpu.enqueue_dma source(%dma_start3A_58 : memref<1536xi32, #tpu.memory_space<hbm>>) target(%arg6 : memref<1536xi32, #tpu.memory_space<vmem>>) target_semaphore(%run_scoped3A : memref<!tpu.dma_semaphore, #tpu.memory_space<semaphore_mem>>)
      %dma_wait3A = arith.constant 0 : i32
      %dma_wait3A_59 = tpu.memref_slice %arg2[%add3A, %dma_wait3A] : memref<32x1536xi32, #tpu.memory_space<hbm>> -> memref<1x1536xi32, #tpu.memory_space<hbm>>
      %dma_wait3A_60 = tpu.memref_squeeze %dma_wait3A_59 : memref<1x1536xi32, #tpu.memory_space<hbm>> -> memref<1536xi32, #tpu.memory_space<hbm>>
      %dma_wait3A_61 = arith.constant 0 : i32
      %dma_wait3A_62 = tpu.memref_slice %arg2[%add3A, %dma_wait3A_61] : memref<32x1536xi32, #tpu.memory_space<hbm>> -> memref<1x1536xi32, #tpu.memory_space<hbm>>
      %dma_wait3A_63 = tpu.memref_squeeze %dma_wait3A_62 : memref<1x1536xi32, #tpu.memory_space<hbm>> -> memref<1536xi32, #tpu.memory_space<hbm>>
      tpu.wait_dma2 semaphore(%run_scoped3A : memref<!tpu.dma_semaphore, #tpu.memory_space<semaphore_mem>>) src(%dma_wait3A_63 : memref<1536xi32, #tpu.memory_space<hbm>>) dst(%arg6 : memref<1536xi32, #tpu.memory_space<vmem>>)
      tpu.yield
    }) : () -> ()
    %scan3A = arith.constant 0 : i32
    %scan3A_1 = arith.constant 0 : i32
    %scan3A_2 = arith.constant 8 : i32
    %scan3A_3 = arith.addi %scan3A_1, %scan3A_2 : i32
    %scan3A_4 = arith.constant 1 : i32
    scf.for %scan3A_53 = %scan3A_1 to %scan3A_3 step %scan3A_4  : i32 {
      %mul3A_54 = arith.constant 16 : i32
      %mul3A_55 = arith.muli %scan3A_53, %mul3A_54 : i32
      %add3A_56 = arith.constant 0 : i32
      %add3A_57 = arith.addi %add3A_56, %mul3A_55 : i32
      %get3A = arith.index_cast %add3A_57 : i32 to index
      %get3A_58 = tpu.vector_load %arg6[%get3A] {strides = array<i32>} : memref<1536xi32, #tpu.memory_space<vmem>>, vector<16xi32>,
      %shift_right_arithmetic3A = arith.constant 9 : i32
      %shift_right_arithmetic3A_59 = vector.broadcast %shift_right_arithmetic3A : i32 to vector<16xi32>
      %shift_right_arithmetic3A_60 = arith.shrsi %get3A_58, %shift_right_arithmetic3A_59 : vector<16xi32>
      %shift_left3A = arith.constant 7 : i32
      %shift_left3A_61 = vector.broadcast %shift_left3A : i32 to vector<16xi32>
      %shift_left3A_62 = arith.shli %shift_right_arithmetic3A_60, %shift_left3A_61 : vector<16xi32>
      %and3A = arith.constant 127 : i32
      %and3A_63 = vector.broadcast %and3A : i32 to vector<16xi32>
      %and3A_64 = arith.andi %get3A_58, %and3A_63 : vector<16xi32>
      %add3A_65 = arith.addi %shift_left3A_62, %and3A_64 : vector<16xi32>
      %shift_right_arithmetic3A_66 = arith.constant 7 : i32
      %shift_right_arithmetic3A_67 = vector.broadcast %shift_right_arithmetic3A_66 : i32 to vector<16xi32>
      %shift_right_arithmetic3A_68 = arith.shrsi %get3A_58, %shift_right_arithmetic3A_67 : vector<16xi32>
      %and3A_69 = arith.constant 3 : i32
      %and3A_70 = vector.broadcast %and3A_69 : i32 to vector<16xi32>
      %and3A_71 = arith.andi %shift_right_arithmetic3A_68, %and3A_70 : vector<16xi32>
      %shift_left3A_72 = arith.constant 5 : i32
      %shift_left3A_73 = vector.broadcast %shift_left3A_72 : i32 to vector<16xi32>
      %shift_left3A_74 = arith.shli %and3A_71, %shift_left3A_73 : vector<16xi32>
      %mul3A_75 = arith.constant 16 : i32
      %mul3A_76 = arith.muli %scan3A_53, %mul3A_75 : i32
      %swap3A = arith.constant 0 : i32
      %swap3A_77 = arith.constant 0 : i32
      %swap3A_78 = arith.index_cast %swap3A : i32 to index
      %swap3A_79 = arith.index_cast %swap3A_77 : i32 to index
      %swap3A_80 = arith.index_cast %mul3A_76 : i32 to index
      %swap3A_81 = tpu.vector_load %arg8[%swap3A_78, %swap3A_79, %swap3A_80] {strides = array<i32>} : memref<2x3x128xi32, #tpu.memory_space<vmem>>, vector<16xi32>,
      tpu.vector_store %arg8[%swap3A_78, %swap3A_79, %swap3A_80], %add3A_65 {strides = array<i32>} : memref<2x3x128xi32, #tpu.memory_space<vmem>>, vector<16xi32>,
      %mul3A_82 = arith.constant 16 : i32
      %mul3A_83 = arith.muli %scan3A_53, %mul3A_82 : i32
      %swap3A_84 = arith.constant 0 : i32
      %swap3A_85 = arith.constant 0 : i32
      %swap3A_86 = arith.index_cast %swap3A_84 : i32 to index
      %swap3A_87 = arith.index_cast %swap3A_85 : i32 to index
      %swap3A_88 = arith.index_cast %mul3A_83 : i32 to index
      %swap3A_89 = tpu.vector_load %arg7[%swap3A_86, %swap3A_87, %swap3A_88] {strides = array<i32>} : memref<2x3x128xi32, #tpu.memory_space<vmem>>, vector<16xi32>,
      tpu.vector_store %arg7[%swap3A_86, %swap3A_87, %swap3A_88], %shift_left3A_74 {strides = array<i32>} : memref<2x3x128xi32, #tpu.memory_space<vmem>>, vector<16xi32>,
      %mul3A_90 = arith.constant 16 : i32
      %mul3A_91 = arith.muli %scan3A_53, %mul3A_90 : i32
      %add3A_92 = arith.constant 512 : i32
      %add3A_93 = arith.addi %add3A_92, %mul3A_91 : i32
      %get3A_94 = arith.index_cast %add3A_93 : i32 to index
      %get3A_95 = tpu.vector_load %arg6[%get3A_94] {strides = array<i32>} : memref<1536xi32, #tpu.memory_space<vmem>>, vector<16xi32>,
      %shift_right_arithmetic3A_96 = arith.constant 9 : i32
      %shift_right_arithmetic3A_97 = vector.broadcast %shift_right_arithmetic3A_96 : i32 to vector<16xi32>
      %shift_right_arithmetic3A_98 = arith.shrsi %get3A_95, %shift_right_arithmetic3A_97 : vector<16xi32>
      %shift_left3A_99 = arith.constant 7 : i32
      %shift_left3A_100 = vector.broadcast %shift_left3A_99 : i32 to vector<16xi32>
      %shift_left3A_101 = arith.shli %shift_right_arithmetic3A_98, %shift_left3A_100 : vector<16xi32>
      %and3A_102 = arith.constant 127 : i32
      %and3A_103 = vector.broadcast %and3A_102 : i32 to vector<16xi32>
      %and3A_104 = arith.andi %get3A_95, %and3A_103 : vector<16xi32>
      %add3A_105 = arith.addi %shift_left3A_101, %and3A_104 : vector<16xi32>
      %shift_right_arithmetic3A_106 = arith.constant 7 : i32
      %shift_right_arithmetic3A_107 = vector.broadcast %shift_right_arithmetic3A_106 : i32 to vector<16xi32>
      %shift_right_arithmetic3A_108 = arith.shrsi %get3A_95, %shift_right_arithmetic3A_107 : vector<16xi32>
      %and3A_109 = arith.constant 3 : i32
      %and3A_110 = vector.broadcast %and3A_109 : i32 to vector<16xi32>
      %and3A_111 = arith.andi %shift_right_arithmetic3A_108, %and3A_110 : vector<16xi32>
      %shift_left3A_112 = arith.constant 5 : i32
      %shift_left3A_113 = vector.broadcast %shift_left3A_112 : i32 to vector<16xi32>
      %shift_left3A_114 = arith.shli %and3A_111, %shift_left3A_113 : vector<16xi32>
      %mul3A_115 = arith.constant 16 : i32
      %mul3A_116 = arith.muli %scan3A_53, %mul3A_115 : i32
      %swap3A_117 = arith.constant 0 : i32
      %swap3A_118 = arith.constant 1 : i32
      %swap3A_119 = arith.index_cast %swap3A_117 : i32 to index
      %swap3A_120 = arith.index_cast %swap3A_118 : i32 to index
      %swap3A_121 = arith.index_cast %mul3A_116 : i32 to index
      %swap3A_122 = tpu.vector_load %arg8[%swap3A_119, %swap3A_120, %swap3A_121] {strides = array<i32>} : memref<2x3x128xi32, #tpu.memory_space<vmem>>, vector<16xi32>,
      tpu.vector_store %arg8[%swap3A_119, %swap3A_120, %swap3A_121], %add3A_105 {strides = array<i32>} : memref<2x3x128xi32, #tpu.memory_space<vmem>>, vector<16xi32>,
      %mul3A_123 = arith.constant 16 : i32
      %mul3A_124 = arith.muli %scan3A_53, %mul3A_123 : i32
      %swap3A_125 = arith.constant 0 : i32
      %swap3A_126 = arith.constant 1 : i32
      %swap3A_127 = arith.index_cast %swap3A_125 : i32 to index
      %swap3A_128 = arith.index_cast %swap3A_126 : i32 to index
      %swap3A_129 = arith.index_cast %mul3A_124 : i32 to index
      %swap3A_130 = tpu.vector_load %arg7[%swap3A_127, %swap3A_128, %swap3A_129] {strides = array<i32>} : memref<2x3x128xi32, #tpu.memory_space<vmem>>, vector<16xi32>,
      tpu.vector_store %arg7[%swap3A_127, %swap3A_128, %swap3A_129], %shift_left3A_114 {strides = array<i32>} : memref<2x3x128xi32, #tpu.memory_space<vmem>>, vector<16xi32>,
      %mul3A_131 = arith.constant 16 : i32
      %mul3A_132 = arith.muli %scan3A_53, %mul3A_131 : i32
      %add3A_133 = arith.constant 1024 : i32
      %add3A_134 = arith.addi %add3A_133, %mul3A_132 : i32
      %get3A_135 = arith.index_cast %add3A_134 : i32 to index
      %get3A_136 = tpu.vector_load %arg6[%get3A_135] {strides = array<i32>} : memref<1536xi32, #tpu.memory_space<vmem>>, vector<16xi32>,
      %shift_right_arithmetic3A_137 = arith.constant 9 : i32
      %shift_right_arithmetic3A_138 = vector.broadcast %shift_right_arithmetic3A_137 : i32 to vector<16xi32>
      %shift_right_arithmetic3A_139 = arith.shrsi %get3A_136, %shift_right_arithmetic3A_138 : vector<16xi32>
      %shift_left3A_140 = arith.constant 7 : i32
      %shift_left3A_141 = vector.broadcast %shift_left3A_140 : i32 to vector<16xi32>
      %shift_left3A_142 = arith.shli %shift_right_arithmetic3A_139, %shift_left3A_141 : vector<16xi32>
      %and3A_143 = arith.constant 127 : i32
      %and3A_144 = vector.broadcast %and3A_143 : i32 to vector<16xi32>
      %and3A_145 = arith.andi %get3A_136, %and3A_144 : vector<16xi32>
      %add3A_146 = arith.addi %shift_left3A_142, %and3A_145 : vector<16xi32>
      %shift_right_arithmetic3A_147 = arith.constant 7 : i32
      %shift_right_arithmetic3A_148 = vector.broadcast %shift_right_arithmetic3A_147 : i32 to vector<16xi32>
      %shift_right_arithmetic3A_149 = arith.shrsi %get3A_136, %shift_right_arithmetic3A_148 : vector<16xi32>
      %and3A_150 = arith.constant 3 : i32
      %and3A_151 = vector.broadcast %and3A_150 : i32 to vector<16xi32>
      %and3A_152 = arith.andi %shift_right_arithmetic3A_149, %and3A_151 : vector<16xi32>
      %shift_left3A_153 = arith.constant 5 : i32
      %shift_left3A_154 = vector.broadcast %shift_left3A_153 : i32 to vector<16xi32>
      %shift_left3A_155 = arith.shli %and3A_152, %shift_left3A_154 : vector<16xi32>
      %mul3A_156 = arith.constant 16 : i32
      %mul3A_157 = arith.muli %scan3A_53, %mul3A_156 : i32
      %swap3A_158 = arith.constant 0 : i32
      %swap3A_159 = arith.constant 2 : i32
      %swap3A_160 = arith.index_cast %swap3A_158 : i32 to index
      %swap3A_161 = arith.index_cast %swap3A_159 : i32 to index
      %swap3A_162 = arith.index_cast %mul3A_157 : i32 to index
      %swap3A_163 = tpu.vector_load %arg8[%swap3A_160, %swap3A_161, %swap3A_162] {strides = array<i32>} : memref<2x3x128xi32, #tpu.memory_space<vmem>>, vector<16xi32>,
      tpu.vector_store %arg8[%swap3A_160, %swap3A_161, %swap3A_162], %add3A_146 {strides = array<i32>} : memref<2x3x128xi32, #tpu.memory_space<vmem>>, vector<16xi32>,
      %mul3A_164 = arith.constant 16 : i32
      %mul3A_165 = arith.muli %scan3A_53, %mul3A_164 : i32
      %swap3A_166 = arith.constant 0 : i32
      %swap3A_167 = arith.constant 2 : i32
      %swap3A_168 = arith.index_cast %swap3A_166 : i32 to index
      %swap3A_169 = arith.index_cast %swap3A_167 : i32 to index
      %swap3A_170 = arith.index_cast %mul3A_165 : i32 to index
      %swap3A_171 = tpu.vector_load %arg7[%swap3A_168, %swap3A_169, %swap3A_170] {strides = array<i32>} : memref<2x3x128xi32, #tpu.memory_space<vmem>>, vector<16xi32>,
      tpu.vector_store %arg7[%swap3A_168, %swap3A_169, %swap3A_170], %shift_left3A_155 {strides = array<i32>} : memref<2x3x128xi32, #tpu.memory_space<vmem>>, vector<16xi32>,
    }
    %scan3A_5 = arith.constant 8 : i32
    %dma_start3A = arith.constant 0 : i32
    %dma_start3A_6 = arith.constant 0 : i32
    %dma_start3A_7 = arith.constant 0 : i32
    %dma_start3A_8 = arith.constant 0 : i32
    %dma_start3A_9 = arith.constant 0 : i32
    %dma_start3A_10 = tpu.memref_slice %arg9[%dma_start3A_7, %dma_start3A_8, %dma_start3A_9] : memref<2x128x128xf32, #tpu.memory_space<vmem>> -> memref<1x128x128xf32, #tpu.memory_space<vmem>>
    %dma_start3A_11 = tpu.memref_squeeze %dma_start3A_10 : memref<1x128x128xf32, #tpu.memory_space<vmem>> -> memref<128x128xf32, #tpu.memory_space<vmem>>
    %dma_start3A_12 = arith.constant 0 : i32
    %dma_start3A_13 = tpu.memref_slice %arg8[%dma_start3A, %dma_start3A_6, %dma_start3A_12] : memref<2x3x128xi32, #tpu.memory_space<vmem>> -> memref<1x1x128xi32, #tpu.memory_space<vmem>>
    %dma_start3A_14 = tpu.memref_squeeze %dma_start3A_13 : memref<1x1x128xi32, #tpu.memory_space<vmem>> -> memref<128xi32, #tpu.memory_space<vmem>>
    %dma_start3A_15 = arith.constant 0 : i32
    %dma_start3A_16 = arith.constant 0 : i32
    %dma_start3A_17 = tpu.memref_slice %arg3[%dma_start3A_15, %dma_start3A_16] : memref<253952x128xf32, #tpu.memory_space<hbm>> -> memref<253952x128xf32, #tpu.memory_space<hbm>>
    tpu.enqueue_indirect_dma source(%dma_start3A_17 : memref<253952x128xf32, #tpu.memory_space<hbm>>) target(%dma_start3A_11 : memref<128x128xf32, #tpu.memory_space<vmem>>) offsets(%dma_start3A_14 : memref<128xi32, #tpu.memory_space<vmem>>) semaphore(%arg13 : memref<!tpu.dma_semaphore, #tpu.memory_space<semaphore_mem>>)
    %dma_start3A_18 = arith.constant 0 : i32
    %dma_start3A_19 = arith.constant 1 : i32
    %dma_start3A_20 = arith.constant 0 : i32
    %dma_start3A_21 = arith.constant 0 : i32
    %dma_start3A_22 = arith.constant 0 : i32
    %dma_start3A_23 = tpu.memref_slice %arg10[%dma_start3A_20, %dma_start3A_21, %dma_start3A_22] : memref<2x128x128xf32, #tpu.memory_space<vmem>> -> memref<1x128x128xf32, #tpu.memory_space<vmem>>
    %dma_start3A_24 = tpu.memref_squeeze %dma_start3A_23 : memref<1x128x128xf32, #tpu.memory_space<vmem>> -> memref<128x128xf32, #tpu.memory_space<vmem>>
    %dma_start3A_25 = arith.constant 0 : i32
    %dma_start3A_26 = tpu.memref_slice %arg8[%dma_start3A_18, %dma_start3A_19, %dma_start3A_25] : memref<2x3x128xi32, #tpu.memory_space<vmem>> -> memref<1x1x128xi32, #tpu.memory_space<vmem>>
    %dma_start3A_27 = tpu.memref_squeeze %dma_start3A_26 : memref<1x1x128xi32, #tpu.memory_space<vmem>> -> memref<128xi32, #tpu.memory_space<vmem>>
    %dma_start3A_28 = arith.constant 0 : i32
    %dma_start3A_29 = arith.constant 0 : i32
    %dma_start3A_30 = tpu.memref_slice %arg4[%dma_start3A_28, %dma_start3A_29] : memref<253952x128xf32, #tpu.memory_space<hbm>> -> memref<253952x128xf32, #tpu.memory_space<hbm>>
    tpu.enqueue_indirect_dma source(%dma_start3A_30 : memref<253952x128xf32, #tpu.memory_space<hbm>>) target(%dma_start3A_24 : memref<128x128xf32, #tpu.memory_space<vmem>>) offsets(%dma_start3A_27 : memref<128xi32, #tpu.memory_space<vmem>>) semaphore(%arg13 : memref<!tpu.dma_semaphore, #tpu.memory_space<semaphore_mem>>)
    %dma_start3A_31 = arith.constant 0 : i32
    %dma_start3A_32 = arith.constant 2 : i32
    %dma_start3A_33 = arith.constant 0 : i32
    %dma_start3A_34 = arith.constant 0 : i32
    %dma_start3A_35 = arith.constant 0 : i32
    %dma_start3A_36 = tpu.memref_slice %arg11[%dma_start3A_33, %dma_start3A_34, %dma_start3A_35] : memref<2x128x128xf32, #tpu.memory_space<vmem>> -> memref<1x128x128xf32, #tpu.memory_space<vmem>>
    %dma_start3A_37 = tpu.memref_squeeze %dma_start3A_36 : memref<1x128x128xf32, #tpu.memory_space<vmem>> -> memref<128x128xf32, #tpu.memory_space<vmem>>
    %dma_start3A_38 = arith.constant 0 : i32
    %dma_start3A_39 = tpu.memref_slice %arg8[%dma_start3A_31, %dma_start3A_32, %dma_start3A_38] : memref<2x3x128xi32, #tpu.memory_space<vmem>> -> memref<1x1x128xi32, #tpu.memory_space<vmem>>
    %dma_start3A_40 = tpu.memref_squeeze %dma_start3A_39 : memref<1x1x128xi32, #tpu.memory_space<vmem>> -> memref<128xi32, #tpu.memory_space<vmem>>
    %dma_start3A_41 = arith.constant 0 : i32
    %dma_start3A_42 = arith.constant 0 : i32
    %dma_start3A_43 = tpu.memref_slice %arg4[%dma_start3A_41, %dma_start3A_42] : memref<253952x128xf32, #tpu.memory_space<hbm>> -> memref<253952x128xf32, #tpu.memory_space<hbm>>
    tpu.enqueue_indirect_dma source(%dma_start3A_43 : memref<253952x128xf32, #tpu.memory_space<hbm>>) target(%dma_start3A_37 : memref<128x128xf32, #tpu.memory_space<vmem>>) offsets(%dma_start3A_40 : memref<128xi32, #tpu.memory_space<vmem>>) semaphore(%arg13 : memref<!tpu.dma_semaphore, #tpu.memory_space<semaphore_mem>>)
    %iota3A = tpu.iota {dimensions = array<i32: 0>} : vector<16xi32>
    %scan3A_44 = arith.constant 0 : i32
    %scan3A_45 = arith.constant 9.99999996E-13 : f32
    %scan3A_46 = arith.constant 0 : i32
    %scan3A_47 = arith.constant 4 : i32
    %scan3A_48 = arith.addi %scan3A_46, %scan3A_47 : i32
    %scan3A_49 = arith.constant 1 : i32
    scf.for %scan3A_53 = %scan3A_46 to %scan3A_48 step %scan3A_49  : i32 {
      %rem3A = arith.constant 2 : i32
      %rem3A_54 = arith.remsi %scan3A_53, %rem3A : i32
      %add3A_55 = arith.constant 1 : i32
      %add3A_56 = arith.addi %scan3A_53, %add3A_55 : i32
      %rem3A_57 = arith.constant 2 : i32
      %rem3A_58 = arith.remsi %add3A_56, %rem3A_57 : i32
      %add3A_59 = arith.constant 1 : i32
      %add3A_60 = arith.addi %scan3A_53, %add3A_59 : i32
      %lt3A = arith.constant 4 : i32
      %lt3A_61 = arith.cmpi slt, %add3A_60, %lt3A : i32
      %convert_element_type3A = arith.extui %lt3A_61 : i1 to i32
      %cond3A = arith.constant 0 : i32
      %cond3A_62 = arith.cmpi ne, %convert_element_type3A, %cond3A : i32
      scf.if %cond3A_62 {
        %add3A_101 = arith.constant 1 : i32
        %add3A_102 = arith.addi %scan3A_53, %add3A_101 : i32
        %scan3A_103 = arith.constant 0 : i32
        %scan3A_104 = arith.constant 0 : i32
        %scan3A_105 = arith.constant 8 : i32
        %scan3A_106 = arith.addi %scan3A_104, %scan3A_105 : i32
        %scan3A_107 = arith.constant 1 : i32
        scf.for %scan3A_142 = %scan3A_104 to %scan3A_106 step %scan3A_107  : i32 {
          %mul3A_143 = arith.constant 128 : i32
          %mul3A_144 = arith.muli %add3A_102, %mul3A_143 : i32
          %add3A_145 = arith.constant 0 : i32
          %add3A_146 = arith.addi %add3A_145, %mul3A_144 : i32
          %mul3A_147 = arith.constant 16 : i32
          %mul3A_148 = arith.muli %scan3A_142, %mul3A_147 : i32
          %add3A_149 = arith.addi %add3A_146, %mul3A_148 : i32
          %get3A = arith.index_cast %add3A_149 : i32 to index
          %get3A_150 = tpu.vector_load %arg6[%get3A] {strides = array<i32>} : memref<1536xi32, #tpu.memory_space<vmem>>, vector<16xi32>,
          %shift_right_arithmetic3A = arith.constant 9 : i32
          %shift_right_arithmetic3A_151 = vector.broadcast %shift_right_arithmetic3A : i32 to vector<16xi32>
          %shift_right_arithmetic3A_152 = arith.shrsi %get3A_150, %shift_right_arithmetic3A_151 : vector<16xi32>
          %shift_left3A = arith.constant 7 : i32
          %shift_left3A_153 = vector.broadcast %shift_left3A : i32 to vector<16xi32>
          %shift_left3A_154 = arith.shli %shift_right_arithmetic3A_152, %shift_left3A_153 : vector<16xi32>
          %and3A = arith.constant 127 : i32
          %and3A_155 = vector.broadcast %and3A : i32 to vector<16xi32>
          %and3A_156 = arith.andi %get3A_150, %and3A_155 : vector<16xi32>
          %add3A_157 = arith.addi %shift_left3A_154, %and3A_156 : vector<16xi32>
          %shift_right_arithmetic3A_158 = arith.constant 7 : i32
          %shift_right_arithmetic3A_159 = vector.broadcast %shift_right_arithmetic3A_158 : i32 to vector<16xi32>
          %shift_right_arithmetic3A_160 = arith.shrsi %get3A_150, %shift_right_arithmetic3A_159 : vector<16xi32>
          %and3A_161 = arith.constant 3 : i32
          %and3A_162 = vector.broadcast %and3A_161 : i32 to vector<16xi32>
          %and3A_163 = arith.andi %shift_right_arithmetic3A_160, %and3A_162 : vector<16xi32>
          %shift_left3A_164 = arith.constant 5 : i32
          %shift_left3A_165 = vector.broadcast %shift_left3A_164 : i32 to vector<16xi32>
          %shift_left3A_166 = arith.shli %and3A_163, %shift_left3A_165 : vector<16xi32>
          %mul3A_167 = arith.constant 16 : i32
          %mul3A_168 = arith.muli %scan3A_142, %mul3A_167 : i32
          %swap3A = arith.constant 0 : i32
          %swap3A_169 = arith.index_cast %rem3A_58 : i32 to index
          %swap3A_170 = arith.index_cast %swap3A : i32 to index
          %swap3A_171 = arith.index_cast %mul3A_168 : i32 to index
          %swap3A_172 = tpu.vector_load %arg8[%swap3A_169, %swap3A_170, %swap3A_171] {strides = array<i32>} : memref<2x3x128xi32, #tpu.memory_space<vmem>>, vector<16xi32>,
          tpu.vector_store %arg8[%swap3A_169, %swap3A_170, %swap3A_171], %add3A_157 {strides = array<i32>} : memref<2x3x128xi32, #tpu.memory_space<vmem>>, vector<16xi32>,
          %mul3A_173 = arith.constant 16 : i32
          %mul3A_174 = arith.muli %scan3A_142, %mul3A_173 : i32
          %swap3A_175 = arith.constant 0 : i32
          %swap3A_176 = arith.index_cast %rem3A_58 : i32 to index
          %swap3A_177 = arith.index_cast %swap3A_175 : i32 to index
          %swap3A_178 = arith.index_cast %mul3A_174 : i32 to index
          %swap3A_179 = tpu.vector_load %arg7[%swap3A_176, %swap3A_177, %swap3A_178] {strides = array<i32>} : memref<2x3x128xi32, #tpu.memory_space<vmem>>, vector<16xi32>,
          tpu.vector_store %arg7[%swap3A_176, %swap3A_177, %swap3A_178], %shift_left3A_166 {strides = array<i32>} : memref<2x3x128xi32, #tpu.memory_space<vmem>>, vector<16xi32>,
          %mul3A_180 = arith.constant 128 : i32
          %mul3A_181 = arith.muli %add3A_102, %mul3A_180 : i32
          %add3A_182 = arith.constant 512 : i32
          %add3A_183 = arith.addi %add3A_182, %mul3A_181 : i32
          %mul3A_184 = arith.constant 16 : i32
          %mul3A_185 = arith.muli %scan3A_142, %mul3A_184 : i32
          %add3A_186 = arith.addi %add3A_183, %mul3A_185 : i32
          %get3A_187 = arith.index_cast %add3A_186 : i32 to index
          %get3A_188 = tpu.vector_load %arg6[%get3A_187] {strides = array<i32>} : memref<1536xi32, #tpu.memory_space<vmem>>, vector<16xi32>,
          %shift_right_arithmetic3A_189 = arith.constant 9 : i32
          %shift_right_arithmetic3A_190 = vector.broadcast %shift_right_arithmetic3A_189 : i32 to vector<16xi32>
          %shift_right_arithmetic3A_191 = arith.shrsi %get3A_188, %shift_right_arithmetic3A_190 : vector<16xi32>
          %shift_left3A_192 = arith.constant 7 : i32
          %shift_left3A_193 = vector.broadcast %shift_left3A_192 : i32 to vector<16xi32>
          %shift_left3A_194 = arith.shli %shift_right_arithmetic3A_191, %shift_left3A_193 : vector<16xi32>
          %and3A_195 = arith.constant 127 : i32
          %and3A_196 = vector.broadcast %and3A_195 : i32 to vector<16xi32>
          %and3A_197 = arith.andi %get3A_188, %and3A_196 : vector<16xi32>
          %add3A_198 = arith.addi %shift_left3A_194, %and3A_197 : vector<16xi32>
          %shift_right_arithmetic3A_199 = arith.constant 7 : i32
          %shift_right_arithmetic3A_200 = vector.broadcast %shift_right_arithmetic3A_199 : i32 to vector<16xi32>
          %shift_right_arithmetic3A_201 = arith.shrsi %get3A_188, %shift_right_arithmetic3A_200 : vector<16xi32>
          %and3A_202 = arith.constant 3 : i32
          %and3A_203 = vector.broadcast %and3A_202 : i32 to vector<16xi32>
          %and3A_204 = arith.andi %shift_right_arithmetic3A_201, %and3A_203 : vector<16xi32>
          %shift_left3A_205 = arith.constant 5 : i32
          %shift_left3A_206 = vector.broadcast %shift_left3A_205 : i32 to vector<16xi32>
          %shift_left3A_207 = arith.shli %and3A_204, %shift_left3A_206 : vector<16xi32>
          %mul3A_208 = arith.constant 16 : i32
          %mul3A_209 = arith.muli %scan3A_142, %mul3A_208 : i32
          %swap3A_210 = arith.constant 1 : i32
          %swap3A_211 = arith.index_cast %rem3A_58 : i32 to index
          %swap3A_212 = arith.index_cast %swap3A_210 : i32 to index
          %swap3A_213 = arith.index_cast %mul3A_209 : i32 to index
          %swap3A_214 = tpu.vector_load %arg8[%swap3A_211, %swap3A_212, %swap3A_213] {strides = array<i32>} : memref<2x3x128xi32, #tpu.memory_space<vmem>>, vector<16xi32>,
          tpu.vector_store %arg8[%swap3A_211, %swap3A_212, %swap3A_213], %add3A_198 {strides = array<i32>} : memref<2x3x128xi32, #tpu.memory_space<vmem>>, vector<16xi32>,
          %mul3A_215 = arith.constant 16 : i32
          %mul3A_216 = arith.muli %scan3A_142, %mul3A_215 : i32
          %swap3A_217 = arith.constant 1 : i32
          %swap3A_218 = arith.index_cast %rem3A_58 : i32 to index
          %swap3A_219 = arith.index_cast %swap3A_217 : i32 to index
          %swap3A_220 = arith.index_cast %mul3A_216 : i32 to index
          %swap3A_221 = tpu.vector_load %arg7[%swap3A_218, %swap3A_219, %swap3A_220] {strides = array<i32>} : memref<2x3x128xi32, #tpu.memory_space<vmem>>, vector<16xi32>,
          tpu.vector_store %arg7[%swap3A_218, %swap3A_219, %swap3A_220], %shift_left3A_207 {strides = array<i32>} : memref<2x3x128xi32, #tpu.memory_space<vmem>>, vector<16xi32>,
          %mul3A_222 = arith.constant 128 : i32
          %mul3A_223 = arith.muli %add3A_102, %mul3A_222 : i32
          %add3A_224 = arith.constant 1024 : i32
          %add3A_225 = arith.addi %add3A_224, %mul3A_223 : i32
          %mul3A_226 = arith.constant 16 : i32
          %mul3A_227 = arith.muli %scan3A_142, %mul3A_226 : i32
          %add3A_228 = arith.addi %add3A_225, %mul3A_227 : i32
          %get3A_229 = arith.index_cast %add3A_228 : i32 to index
          %get3A_230 = tpu.vector_load %arg6[%get3A_229] {strides = array<i32>} : memref<1536xi32, #tpu.memory_space<vmem>>, vector<16xi32>,
          %shift_right_arithmetic3A_231 = arith.constant 9 : i32
          %shift_right_arithmetic3A_232 = vector.broadcast %shift_right_arithmetic3A_231 : i32 to vector<16xi32>
          %shift_right_arithmetic3A_233 = arith.shrsi %get3A_230, %shift_right_arithmetic3A_232 : vector<16xi32>
          %shift_left3A_234 = arith.constant 7 : i32
          %shift_left3A_235 = vector.broadcast %shift_left3A_234 : i32 to vector<16xi32>
          %shift_left3A_236 = arith.shli %shift_right_arithmetic3A_233, %shift_left3A_235 : vector<16xi32>
          %and3A_237 = arith.constant 127 : i32
          %and3A_238 = vector.broadcast %and3A_237 : i32 to vector<16xi32>
          %and3A_239 = arith.andi %get3A_230, %and3A_238 : vector<16xi32>
          %add3A_240 = arith.addi %shift_left3A_236, %and3A_239 : vector<16xi32>
          %shift_right_arithmetic3A_241 = arith.constant 7 : i32
          %shift_right_arithmetic3A_242 = vector.broadcast %shift_right_arithmetic3A_241 : i32 to vector<16xi32>
          %shift_right_arithmetic3A_243 = arith.shrsi %get3A_230, %shift_right_arithmetic3A_242 : vector<16xi32>
          %and3A_244 = arith.constant 3 : i32
          %and3A_245 = vector.broadcast %and3A_244 : i32 to vector<16xi32>
          %and3A_246 = arith.andi %shift_right_arithmetic3A_243, %and3A_245 : vector<16xi32>
          %shift_left3A_247 = arith.constant 5 : i32
          %shift_left3A_248 = vector.broadcast %shift_left3A_247 : i32 to vector<16xi32>
          %shift_left3A_249 = arith.shli %and3A_246, %shift_left3A_248 : vector<16xi32>
          %mul3A_250 = arith.constant 16 : i32
          %mul3A_251 = arith.muli %scan3A_142, %mul3A_250 : i32
          %swap3A_252 = arith.constant 2 : i32
          %swap3A_253 = arith.index_cast %rem3A_58 : i32 to index
          %swap3A_254 = arith.index_cast %swap3A_252 : i32 to index
          %swap3A_255 = arith.index_cast %mul3A_251 : i32 to index
          %swap3A_256 = tpu.vector_load %arg8[%swap3A_253, %swap3A_254, %swap3A_255] {strides = array<i32>} : memref<2x3x128xi32, #tpu.memory_space<vmem>>, vector<16xi32>,
          tpu.vector_store %arg8[%swap3A_253, %swap3A_254, %swap3A_255], %add3A_240 {strides = array<i32>} : memref<2x3x128xi32, #tpu.memory_space<vmem>>, vector<16xi32>,
          %mul3A_257 = arith.constant 16 : i32
          %mul3A_258 = arith.muli %scan3A_142, %mul3A_257 : i32
          %swap3A_259 = arith.constant 2 : i32
          %swap3A_260 = arith.index_cast %rem3A_58 : i32 to index
          %swap3A_261 = arith.index_cast %swap3A_259 : i32 to index
          %swap3A_262 = arith.index_cast %mul3A_258 : i32 to index
          %swap3A_263 = tpu.vector_load %arg7[%swap3A_260, %swap3A_261, %swap3A_262] {strides = array<i32>} : memref<2x3x128xi32, #tpu.memory_space<vmem>>, vector<16xi32>,
          tpu.vector_store %arg7[%swap3A_260, %swap3A_261, %swap3A_262], %shift_left3A_249 {strides = array<i32>} : memref<2x3x128xi32, #tpu.memory_space<vmem>>, vector<16xi32>,
        }
        %scan3A_108 = arith.constant 8 : i32
        %dma_start3A_109 = arith.constant 0 : i32
        %dma_start3A_110 = arith.constant 0 : i32
        %dma_start3A_111 = arith.constant 0 : i32
        %dma_start3A_112 = tpu.memref_slice %arg9[%rem3A_58, %dma_start3A_110, %dma_start3A_111] : memref<2x128x128xf32, #tpu.memory_space<vmem>> -> memref<1x128x128xf32, #tpu.memory_space<vmem>>
        %dma_start3A_113 = tpu.memref_squeeze %dma_start3A_112 : memref<1x128x128xf32, #tpu.memory_space<vmem>> -> memref<128x128xf32, #tpu.memory_space<vmem>>
        %dma_start3A_114 = arith.constant 0 : i32
        %dma_start3A_115 = tpu.memref_slice %arg8[%rem3A_58, %dma_start3A_109, %dma_start3A_114] : memref<2x3x128xi32, #tpu.memory_space<vmem>> -> memref<1x1x128xi32, #tpu.memory_space<vmem>>
        %dma_start3A_116 = tpu.memref_squeeze %dma_start3A_115 : memref<1x1x128xi32, #tpu.memory_space<vmem>> -> memref<128xi32, #tpu.memory_space<vmem>>
        %dma_start3A_117 = arith.constant 0 : i32
        %dma_start3A_118 = arith.constant 0 : i32
        %dma_start3A_119 = tpu.memref_slice %arg3[%dma_start3A_117, %dma_start3A_118] : memref<253952x128xf32, #tpu.memory_space<hbm>> -> memref<253952x128xf32, #tpu.memory_space<hbm>>
        tpu.enqueue_indirect_dma source(%dma_start3A_119 : memref<253952x128xf32, #tpu.memory_space<hbm>>) target(%dma_start3A_113 : memref<128x128xf32, #tpu.memory_space<vmem>>) offsets(%dma_start3A_116 : memref<128xi32, #tpu.memory_space<vmem>>) semaphore(%arg13 : memref<!tpu.dma_semaphore, #tpu.memory_space<semaphore_mem>>)
        %dma_start3A_120 = arith.constant 1 : i32
        %dma_start3A_121 = arith.constant 0 : i32
        %dma_start3A_122 = arith.constant 0 : i32
        %dma_start3A_123 = tpu.memref_slice %arg10[%rem3A_58, %dma_start3A_121, %dma_start3A_122] : memref<2x128x128xf32, #tpu.memory_space<vmem>> -> memref<1x128x128xf32, #tpu.memory_space<vmem>>
        %dma_start3A_124 = tpu.memref_squeeze %dma_start3A_123 : memref<1x128x128xf32, #tpu.memory_space<vmem>> -> memref<128x128xf32, #tpu.memory_space<vmem>>
        %dma_start3A_125 = arith.constant 0 : i32
        %dma_start3A_126 = tpu.memref_slice %arg8[%rem3A_58, %dma_start3A_120, %dma_start3A_125] : memref<2x3x128xi32, #tpu.memory_space<vmem>> -> memref<1x1x128xi32, #tpu.memory_space<vmem>>
        %dma_start3A_127 = tpu.memref_squeeze %dma_start3A_126 : memref<1x1x128xi32, #tpu.memory_space<vmem>> -> memref<128xi32, #tpu.memory_space<vmem>>
        %dma_start3A_128 = arith.constant 0 : i32
        %dma_start3A_129 = arith.constant 0 : i32
        %dma_start3A_130 = tpu.memref_slice %arg4[%dma_start3A_128, %dma_start3A_129] : memref<253952x128xf32, #tpu.memory_space<hbm>> -> memref<253952x128xf32, #tpu.memory_space<hbm>>
        tpu.enqueue_indirect_dma source(%dma_start3A_130 : memref<253952x128xf32, #tpu.memory_space<hbm>>) target(%dma_start3A_124 : memref<128x128xf32, #tpu.memory_space<vmem>>) offsets(%dma_start3A_127 : memref<128xi32, #tpu.memory_space<vmem>>) semaphore(%arg13 : memref<!tpu.dma_semaphore, #tpu.memory_space<semaphore_mem>>)
        %dma_start3A_131 = arith.constant 2 : i32
        %dma_start3A_132 = arith.constant 0 : i32
        %dma_start3A_133 = arith.constant 0 : i32
        %dma_start3A_134 = tpu.memref_slice %arg11[%rem3A_58, %dma_start3A_132, %dma_start3A_133] : memref<2x128x128xf32, #tpu.memory_space<vmem>> -> memref<1x128x128xf32, #tpu.memory_space<vmem>>
        %dma_start3A_135 = tpu.memref_squeeze %dma_start3A_134 : memref<1x128x128xf32, #tpu.memory_space<vmem>> -> memref<128x128xf32, #tpu.memory_space<vmem>>
        %dma_start3A_136 = arith.constant 0 : i32
        %dma_start3A_137 = tpu.memref_slice %arg8[%rem3A_58, %dma_start3A_131, %dma_start3A_136] : memref<2x3x128xi32, #tpu.memory_space<vmem>> -> memref<1x1x128xi32, #tpu.memory_space<vmem>>
        %dma_start3A_138 = tpu.memref_squeeze %dma_start3A_137 : memref<1x1x128xi32, #tpu.memory_space<vmem>> -> memref<128xi32, #tpu.memory_space<vmem>>
        %dma_start3A_139 = arith.constant 0 : i32
        %dma_start3A_140 = arith.constant 0 : i32
        %dma_start3A_141 = tpu.memref_slice %arg4[%dma_start3A_139, %dma_start3A_140] : memref<253952x128xf32, #tpu.memory_space<hbm>> -> memref<253952x128xf32, #tpu.memory_space<hbm>>
        tpu.enqueue_indirect_dma source(%dma_start3A_141 : memref<253952x128xf32, #tpu.memory_space<hbm>>) target(%dma_start3A_135 : memref<128x128xf32, #tpu.memory_space<vmem>>) offsets(%dma_start3A_138 : memref<128xi32, #tpu.memory_space<vmem>>) semaphore(%arg13 : memref<!tpu.dma_semaphore, #tpu.memory_space<semaphore_mem>>)
      } else {
      }
      %dma_wait3A = arith.constant 0 : i32
      %dma_wait3A_63 = arith.constant 0 : i32
      %dma_wait3A_64 = arith.constant 0 : i32
      %dma_wait3A_65 = tpu.memref_slice %arg9[%rem3A_54, %dma_wait3A_63, %dma_wait3A_64] : memref<2x128x128xf32, #tpu.memory_space<vmem>> -> memref<1x128x128xf32, #tpu.memory_space<vmem>>
      %dma_wait3A_66 = tpu.memref_squeeze %dma_wait3A_65 : memref<1x128x128xf32, #tpu.memory_space<vmem>> -> memref<128x128xf32, #tpu.memory_space<vmem>>
      %dma_wait3A_67 = arith.constant 0 : i32
      %dma_wait3A_68 = tpu.memref_slice %arg8[%rem3A_54, %dma_wait3A, %dma_wait3A_67] : memref<2x3x128xi32, #tpu.memory_space<vmem>> -> memref<1x1x128xi32, #tpu.memory_space<vmem>>
      %dma_wait3A_69 = tpu.memref_squeeze %dma_wait3A_68 : memref<1x1x128xi32, #tpu.memory_space<vmem>> -> memref<128xi32, #tpu.memory_space<vmem>>
      %dma_wait3A_70 = arith.constant 0 : i32
      %dma_wait3A_71 = arith.constant 0 : i32
      %dma_wait3A_72 = tpu.memref_slice %arg3[%dma_wait3A_70, %dma_wait3A_71] : memref<253952x128xf32, #tpu.memory_space<hbm>> -> memref<253952x128xf32, #tpu.memory_space<hbm>>
      tpu.wait_indirect_dma semaphore(%arg13 : memref<!tpu.dma_semaphore, #tpu.memory_space<semaphore_mem>>) src(%dma_wait3A_72 : memref<253952x128xf32, #tpu.memory_space<hbm>>) dst(%dma_wait3A_66 : memref<128x128xf32, #tpu.memory_space<vmem>>)
      %dma_wait3A_73 = arith.constant 1 : i32
      %dma_wait3A_74 = arith.constant 0 : i32
      %dma_wait3A_75 = arith.constant 0 : i32
      %dma_wait3A_76 = tpu.memref_slice %arg10[%rem3A_54, %dma_wait3A_74, %dma_wait3A_75] : memref<2x128x128xf32, #tpu.memory_space<vmem>> -> memref<1x128x128xf32, #tpu.memory_space<vmem>>
      %dma_wait3A_77 = tpu.memref_squeeze %dma_wait3A_76 : memref<1x128x128xf32, #tpu.memory_space<vmem>> -> memref<128x128xf32, #tpu.memory_space<vmem>>
      %dma_wait3A_78 = arith.constant 0 : i32
      %dma_wait3A_79 = tpu.memref_slice %arg8[%rem3A_54, %dma_wait3A_73, %dma_wait3A_78] : memref<2x3x128xi32, #tpu.memory_space<vmem>> -> memref<1x1x128xi32, #tpu.memory_space<vmem>>
      %dma_wait3A_80 = tpu.memref_squeeze %dma_wait3A_79 : memref<1x1x128xi32, #tpu.memory_space<vmem>> -> memref<128xi32, #tpu.memory_space<vmem>>
      %dma_wait3A_81 = arith.constant 0 : i32
      %dma_wait3A_82 = arith.constant 0 : i32
      %dma_wait3A_83 = tpu.memref_slice %arg4[%dma_wait3A_81, %dma_wait3A_82] : memref<253952x128xf32, #tpu.memory_space<hbm>> -> memref<253952x128xf32, #tpu.memory_space<hbm>>
      tpu.wait_indirect_dma semaphore(%arg13 : memref<!tpu.dma_semaphore, #tpu.memory_space<semaphore_mem>>) src(%dma_wait3A_83 : memref<253952x128xf32, #tpu.memory_space<hbm>>) dst(%dma_wait3A_77 : memref<128x128xf32, #tpu.memory_space<vmem>>)
      %dma_wait3A_84 = arith.constant 2 : i32
      %dma_wait3A_85 = arith.constant 0 : i32
      %dma_wait3A_86 = arith.constant 0 : i32
      %dma_wait3A_87 = tpu.memref_slice %arg11[%rem3A_54, %dma_wait3A_85, %dma_wait3A_86] : memref<2x128x128xf32, #tpu.memory_space<vmem>> -> memref<1x128x128xf32, #tpu.memory_space<vmem>>
      %dma_wait3A_88 = tpu.memref_squeeze %dma_wait3A_87 : memref<1x128x128xf32, #tpu.memory_space<vmem>> -> memref<128x128xf32, #tpu.memory_space<vmem>>
      %dma_wait3A_89 = arith.constant 0 : i32
      %dma_wait3A_90 = tpu.memref_slice %arg8[%rem3A_54, %dma_wait3A_84, %dma_wait3A_89] : memref<2x3x128xi32, #tpu.memory_space<vmem>> -> memref<1x1x128xi32, #tpu.memory_space<vmem>>
      %dma_wait3A_91 = tpu.memref_squeeze %dma_wait3A_90 : memref<1x1x128xi32, #tpu.memory_space<vmem>> -> memref<128xi32, #tpu.memory_space<vmem>>
      %dma_wait3A_92 = arith.constant 0 : i32
      %dma_wait3A_93 = arith.constant 0 : i32
      %dma_wait3A_94 = tpu.memref_slice %arg4[%dma_wait3A_92, %dma_wait3A_93] : memref<253952x128xf32, #tpu.memory_space<hbm>> -> memref<253952x128xf32, #tpu.memory_space<hbm>>
      tpu.wait_indirect_dma semaphore(%arg13 : memref<!tpu.dma_semaphore, #tpu.memory_space<semaphore_mem>>) src(%dma_wait3A_94 : memref<253952x128xf32, #tpu.memory_space<hbm>>) dst(%dma_wait3A_88 : memref<128x128xf32, #tpu.memory_space<vmem>>)
      %scan3A_95 = arith.constant 0 : i32
      %scan3A_96 = arith.constant 0 : i32
      %scan3A_97 = arith.constant 8 : i32
      %scan3A_98 = arith.addi %scan3A_96, %scan3A_97 : i32
      %scan3A_99 = arith.constant 1 : i32
      scf.for %scan3A_101 = %scan3A_96 to %scan3A_98 step %scan3A_99  : i32 {
        %mul3A_102 = arith.constant 16 : i32
        %mul3A_103 = arith.muli %scan3A_101, %mul3A_102 : i32
        %get3A = arith.constant 0 : i32
        %get3A_104 = arith.index_cast %rem3A_54 : i32 to index
        %get3A_105 = arith.index_cast %get3A : i32 to index
        %get3A_106 = arith.index_cast %mul3A_103 : i32 to index
        %get3A_107 = tpu.vector_load %arg7[%get3A_104, %get3A_105, %get3A_106] {strides = array<i32>} : memref<2x3x128xi32, #tpu.memory_space<vmem>>, vector<16xi32>,
        %mul3A_108 = arith.constant 16 : i32
        %mul3A_109 = arith.muli %scan3A_101, %mul3A_108 : i32
        %get3A_110 = arith.constant 1 : i32
        %get3A_111 = arith.index_cast %rem3A_54 : i32 to index
        %get3A_112 = arith.index_cast %get3A_110 : i32 to index
        %get3A_113 = arith.index_cast %mul3A_109 : i32 to index
        %get3A_114 = tpu.vector_load %arg7[%get3A_111, %get3A_112, %get3A_113] {strides = array<i32>} : memref<2x3x128xi32, #tpu.memory_space<vmem>>, vector<16xi32>,
        %mul3A_115 = arith.constant 16 : i32
        %mul3A_116 = arith.muli %scan3A_101, %mul3A_115 : i32
        %get3A_117 = arith.constant 2 : i32
        %get3A_118 = arith.index_cast %rem3A_54 : i32 to index
        %get3A_119 = arith.index_cast %get3A_117 : i32 to index
        %get3A_120 = arith.index_cast %mul3A_116 : i32 to index
        %get3A_121 = tpu.vector_load %arg7[%get3A_118, %get3A_119, %get3A_120] {strides = array<i32>} : memref<2x3x128xi32, #tpu.memory_space<vmem>>, vector<16xi32>,
        %broadcast_in_dim3A = arith.constant 0.000000e+00 : f32
        %broadcast_in_dim3A_122 = vector.broadcast %broadcast_in_dim3A : f32 to vector<16xf32>
        %mul3A_123 = arith.constant 16 : i32
        %mul3A_124 = arith.muli %scan3A_101, %mul3A_123 : i32
        %add3A_125 = arith.constant 0 : i32
        %add3A_126 = arith.addi %mul3A_124, %add3A_125 : i32
        %slice3A = vector.extract_strided_slice %get3A_107 {offsets = [0], sizes = [1], strides = [1]} : vector<16xi32> to vector<1xi32>
        %squeeze3A = vector.extract %slice3A[0] : i32 from vector<1xi32>
        %get3A_127 = arith.index_cast %rem3A_54 : i32 to index
        %get3A_128 = arith.index_cast %add3A_126 : i32 to index
        %get3A_129 = arith.index_cast %squeeze3A : i32 to index
        %get3A_130 = tpu.vector_load %arg9[%get3A_127, %get3A_128, %get3A_129] {strides = array<i32>} : memref<2x128x128xf32, #tpu.memory_space<vmem>>, vector<16xf32>,
        %slice3A_131 = vector.extract_strided_slice %get3A_107 {offsets = [0], sizes = [1], strides = [1]} : vector<16xi32> to vector<1xi32>
        %squeeze3A_132 = vector.extract %slice3A_131[0] : i32 from vector<1xi32>
        %add3A_133 = arith.constant 16 : i32
        %add3A_134 = arith.addi %squeeze3A_132, %add3A_133 : i32
        %get3A_135 = arith.index_cast %rem3A_54 : i32 to index
        %get3A_136 = arith.index_cast %add3A_126 : i32 to index
        %get3A_137 = arith.index_cast %add3A_134 : i32 to index
        %get3A_138 = tpu.vector_load %arg9[%get3A_135, %get3A_136, %get3A_137] {strides = array<i32>} : memref<2x128x128xf32, #tpu.memory_space<vmem>>, vector<16xf32>,
        %slice3A_139 = vector.extract_strided_slice %get3A_114 {offsets = [0], sizes = [1], strides = [1]} : vector<16xi32> to vector<1xi32>
        %squeeze3A_140 = vector.extract %slice3A_139[0] : i32 from vector<1xi32>
        %get3A_141 = arith.index_cast %rem3A_54 : i32 to index
        %get3A_142 = arith.index_cast %add3A_126 : i32 to index
        %get3A_143 = arith.index_cast %squeeze3A_140 : i32 to index
        %get3A_144 = tpu.vector_load %arg10[%get3A_141, %get3A_142, %get3A_143] {strides = array<i32>} : memref<2x128x128xf32, #tpu.memory_space<vmem>>, vector<16xf32>,
        %slice3A_145 = vector.extract_strided_slice %get3A_114 {offsets = [0], sizes = [1], strides = [1]} : vector<16xi32> to vector<1xi32>
        %squeeze3A_146 = vector.extract %slice3A_145[0] : i32 from vector<1xi32>
        %add3A_147 = arith.constant 16 : i32
        %add3A_148 = arith.addi %squeeze3A_146, %add3A_147 : i32
        %get3A_149 = arith.index_cast %rem3A_54 : i32 to index
        %get3A_150 = arith.index_cast %add3A_126 : i32 to index
        %get3A_151 = arith.index_cast %add3A_148 : i32 to index
        %get3A_152 = tpu.vector_load %arg10[%get3A_149, %get3A_150, %get3A_151] {strides = array<i32>} : memref<2x128x128xf32, #tpu.memory_space<vmem>>, vector<16xf32>,
        %slice3A_153 = vector.extract_strided_slice %get3A_121 {offsets = [0], sizes = [1], strides = [1]} : vector<16xi32> to vector<1xi32>
        %squeeze3A_154 = vector.extract %slice3A_153[0] : i32 from vector<1xi32>
        %get3A_155 = arith.index_cast %rem3A_54 : i32 to index
        %get3A_156 = arith.index_cast %add3A_126 : i32 to index
        %get3A_157 = arith.index_cast %squeeze3A_154 : i32 to index
        %get3A_158 = tpu.vector_load %arg11[%get3A_155, %get3A_156, %get3A_157] {strides = array<i32>} : memref<2x128x128xf32, #tpu.memory_space<vmem>>, vector<16xf32>,
        %slice3A_159 = vector.extract_strided_slice %get3A_121 {offsets = [0], sizes = [1], strides = [1]} : vector<16xi32> to vector<1xi32>
        %squeeze3A_160 = vector.extract %slice3A_159[0] : i32 from vector<1xi32>
        %add3A_161 = arith.constant 16 : i32
        %add3A_162 = arith.addi %squeeze3A_160, %add3A_161 : i32
        %get3A_163 = arith.index_cast %rem3A_54 : i32 to index
        %get3A_164 = arith.index_cast %add3A_126 : i32 to index
        %get3A_165 = arith.index_cast %add3A_162 : i32 to index
        %get3A_166 = tpu.vector_load %arg11[%get3A_163, %get3A_164, %get3A_165] {strides = array<i32>} : memref<2x128x128xf32, #tpu.memory_space<vmem>>, vector<16xf32>,
        %eq3A = arith.constant 0 : i32
        %eq3A_167 = vector.broadcast %eq3A : i32 to vector<16xi32>
        %eq3A_168 = arith.cmpi eq, %iota3A, %eq3A_167 : vector<16xi32>
        %mul3A_169 = arith.mulf %get3A_130, %get3A_130 : vector<16xf32>
        %mul3A_170 = arith.mulf %get3A_138, %get3A_138 : vector<16xf32>
        %add3A_171 = arith.addf %mul3A_169, %mul3A_170 : vector<16xf32>
        %reduce_sum3A = arith.constant true
        %reduce_sum3A_172 = vector.broadcast %reduce_sum3A : i1 to vector<16xi1>
        %reduce_sum3A_173 = tpu.scan <sum>, %add3A_171 masked %reduce_sum3A_172 : vector<16xf32>, vector<16xi1> -> vector<16xf32>
        %reduce_sum3A_174 = vector.extract %reduce_sum3A_173[15] : f32 from vector<16xf32>
        %broadcast_in_dim3A_175 = vector.broadcast %reduce_sum3A_174 : f32 to vector<16xf32>
        %select_n3A = arith.select %eq3A_168, %broadcast_in_dim3A_175, %broadcast_in_dim3A_122 : vector<16xi1>, vector<16xf32>
        %mul3A_176 = arith.mulf %get3A_144, %get3A_144 : vector<16xf32>
        %mul3A_177 = arith.mulf %get3A_152, %get3A_152 : vector<16xf32>
        %add3A_178 = arith.addf %mul3A_176, %mul3A_177 : vector<16xf32>
        %reduce_sum3A_179 = arith.constant true
        %reduce_sum3A_180 = vector.broadcast %reduce_sum3A_179 : i1 to vector<16xi1>
        %reduce_sum3A_181 = tpu.scan <sum>, %add3A_178 masked %reduce_sum3A_180 : vector<16xf32>, vector<16xi1> -> vector<16xf32>
        %reduce_sum3A_182 = vector.extract %reduce_sum3A_181[15] : f32 from vector<16xf32>
        %broadcast_in_dim3A_183 = vector.broadcast %reduce_sum3A_182 : f32 to vector<16xf32>
        %select_n3A_184 = arith.select %eq3A_168, %broadcast_in_dim3A_183, %broadcast_in_dim3A_122 : vector<16xi1>, vector<16xf32>
        %mul3A_185 = arith.mulf %get3A_158, %get3A_158 : vector<16xf32>
        %mul3A_186 = arith.mulf %get3A_166, %get3A_166 : vector<16xf32>
        %add3A_187 = arith.addf %mul3A_185, %mul3A_186 : vector<16xf32>
        %reduce_sum3A_188 = arith.constant true
        %reduce_sum3A_189 = vector.broadcast %reduce_sum3A_188 : i1 to vector<16xi1>
        %reduce_sum3A_190 = tpu.scan <sum>, %add3A_187 masked %reduce_sum3A_189 : vector<16xf32>, vector<16xi1> -> vector<16xf32>
        %reduce_sum3A_191 = vector.extract %reduce_sum3A_190[15] : f32 from vector<16xf32>
        %broadcast_in_dim3A_192 = vector.broadcast %reduce_sum3A_191 : f32 to vector<16xf32>
        %select_n3A_193 = arith.select %eq3A_168, %broadcast_in_dim3A_192, %broadcast_in_dim3A_122 : vector<16xi1>, vector<16xf32>
        %mul3A_194 = arith.mulf %get3A_130, %get3A_144 : vector<16xf32>
        %mul3A_195 = arith.mulf %get3A_138, %get3A_152 : vector<16xf32>
        %add3A_196 = arith.addf %mul3A_194, %mul3A_195 : vector<16xf32>
        %reduce_sum3A_197 = arith.constant true
        %reduce_sum3A_198 = vector.broadcast %reduce_sum3A_197 : i1 to vector<16xi1>
        %reduce_sum3A_199 = tpu.scan <sum>, %add3A_196 masked %reduce_sum3A_198 : vector<16xf32>, vector<16xi1> -> vector<16xf32>
        %reduce_sum3A_200 = vector.extract %reduce_sum3A_199[15] : f32 from vector<16xf32>
        %broadcast_in_dim3A_201 = vector.broadcast %reduce_sum3A_200 : f32 to vector<16xf32>
        %select_n3A_202 = arith.select %eq3A_168, %broadcast_in_dim3A_201, %broadcast_in_dim3A_122 : vector<16xi1>, vector<16xf32>
        %mul3A_203 = arith.mulf %get3A_130, %get3A_158 : vector<16xf32>
        %mul3A_204 = arith.mulf %get3A_138, %get3A_166 : vector<16xf32>
        %add3A_205 = arith.addf %mul3A_203, %mul3A_204 : vector<16xf32>
        %reduce_sum3A_206 = arith.constant true
        %reduce_sum3A_207 = vector.broadcast %reduce_sum3A_206 : i1 to vector<16xi1>
        %reduce_sum3A_208 = tpu.scan <sum>, %add3A_205 masked %reduce_sum3A_207 : vector<16xf32>, vector<16xi1> -> vector<16xf32>
        %reduce_sum3A_209 = vector.extract %reduce_sum3A_208[15] : f32 from vector<16xf32>
        %broadcast_in_dim3A_210 = vector.broadcast %reduce_sum3A_209 : f32 to vector<16xf32>
        %select_n3A_211 = arith.select %eq3A_168, %broadcast_in_dim3A_210, %broadcast_in_dim3A_122 : vector<16xi1>, vector<16xf32>
        %mul3A_212 = arith.constant 16 : i32
        %mul3A_213 = arith.muli %scan3A_101, %mul3A_212 : i32
        %add3A_214 = arith.constant 1 : i32
        %add3A_215 = arith.addi %mul3A_213, %add3A_214 : i32
        %slice3A_216 = vector.extract_strided_slice %get3A_107 {offsets = [1], sizes = [1], strides = [1]} : vector<16xi32> to vector<1xi32>
        %squeeze3A_217 = vector.extract %slice3A_216[0] : i32 from vector<1xi32>
        %get3A_218 = arith.index_cast %rem3A_54 : i32 to index
        %get3A_219 = arith.index_cast %add3A_215 : i32 to index
        %get3A_220 = arith.index_cast %squeeze3A_217 : i32 to index
        %get3A_221 = tpu.vector_load %arg9[%get3A_218, %get3A_219, %get3A_220] {strides = array<i32>} : memref<2x128x128xf32, #tpu.memory_space<vmem>>, vector<16xf32>,
        %slice3A_222 = vector.extract_strided_slice %get3A_107 {offsets = [1], sizes = [1], strides = [1]} : vector<16xi32> to vector<1xi32>
        %squeeze3A_223 = vector.extract %slice3A_222[0] : i32 from vector<1xi32>
        %add3A_224 = arith.constant 16 : i32
        %add3A_225 = arith.addi %squeeze3A_223, %add3A_224 : i32
        %get3A_226 = arith.index_cast %rem3A_54 : i32 to index
        %get3A_227 = arith.index_cast %add3A_215 : i32 to index
        %get3A_228 = arith.index_cast %add3A_225 : i32 to index
        %get3A_229 = tpu.vector_load %arg9[%get3A_226, %get3A_227, %get3A_228] {strides = array<i32>} : memref<2x128x128xf32, #tpu.memory_space<vmem>>, vector<16xf32>,
        %slice3A_230 = vector.extract_strided_slice %get3A_114 {offsets = [1], sizes = [1], strides = [1]} : vector<16xi32> to vector<1xi32>
        %squeeze3A_231 = vector.extract %slice3A_230[0] : i32 from vector<1xi32>
        %get3A_232 = arith.index_cast %rem3A_54 : i32 to index
        %get3A_233 = arith.index_cast %add3A_215 : i32 to index
        %get3A_234 = arith.index_cast %squeeze3A_231 : i32 to index
        %get3A_235 = tpu.vector_load %arg10[%get3A_232, %get3A_233, %get3A_234] {strides = array<i32>} : memref<2x128x128xf32, #tpu.memory_space<vmem>>, vector<16xf32>,
        %slice3A_236 = vector.extract_strided_slice %get3A_114 {offsets = [1], sizes = [1], strides = [1]} : vector<16xi32> to vector<1xi32>
        %squeeze3A_237 = vector.extract %slice3A_236[0] : i32 from vector<1xi32>
        %add3A_238 = arith.constant 16 : i32
        %add3A_239 = arith.addi %squeeze3A_237, %add3A_238 : i32
        %get3A_240 = arith.index_cast %rem3A_54 : i32 to index
        %get3A_241 = arith.index_cast %add3A_215 : i32 to index
        %get3A_242 = arith.index_cast %add3A_239 : i32 to index
        %get3A_243 = tpu.vector_load %arg10[%get3A_240, %get3A_241, %get3A_242] {strides = array<i32>} : memref<2x128x128xf32, #tpu.memory_space<vmem>>, vector<16xf32>,
        %slice3A_244 = vector.extract_strided_slice %get3A_121 {offsets = [1], sizes = [1], strides = [1]} : vector<16xi32> to vector<1xi32>
        %squeeze3A_245 = vector.extract %slice3A_244[0] : i32 from vector<1xi32>
        %get3A_246 = arith.index_cast %rem3A_54 : i32 to index
        %get3A_247 = arith.index_cast %add3A_215 : i32 to index
        %get3A_248 = arith.index_cast %squeeze3A_245 : i32 to index
        %get3A_249 = tpu.vector_load %arg11[%get3A_246, %get3A_247, %get3A_248] {strides = array<i32>} : memref<2x128x128xf32, #tpu.memory_space<vmem>>, vector<16xf32>,
        %slice3A_250 = vector.extract_strided_slice %get3A_121 {offsets = [1], sizes = [1], strides = [1]} : vector<16xi32> to vector<1xi32>
        %squeeze3A_251 = vector.extract %slice3A_250[0] : i32 from vector<1xi32>
        %add3A_252 = arith.constant 16 : i32
        %add3A_253 = arith.addi %squeeze3A_251, %add3A_252 : i32
        %get3A_254 = arith.index_cast %rem3A_54 : i32 to index
        %get3A_255 = arith.index_cast %add3A_215 : i32 to index
        %get3A_256 = arith.index_cast %add3A_253 : i32 to index
        %get3A_257 = tpu.vector_load %arg11[%get3A_254, %get3A_255, %get3A_256] {strides = array<i32>} : memref<2x128x128xf32, #tpu.memory_space<vmem>>, vector<16xf32>,
        %eq3A_258 = arith.constant 1 : i32
        %eq3A_259 = vector.broadcast %eq3A_258 : i32 to vector<16xi32>
        %eq3A_260 = arith.cmpi eq, %iota3A, %eq3A_259 : vector<16xi32>
        %mul3A_261 = arith.mulf %get3A_221, %get3A_221 : vector<16xf32>
        %mul3A_262 = arith.mulf %get3A_229, %get3A_229 : vector<16xf32>
        %add3A_263 = arith.addf %mul3A_261, %mul3A_262 : vector<16xf32>
        %reduce_sum3A_264 = arith.constant true
        %reduce_sum3A_265 = vector.broadcast %reduce_sum3A_264 : i1 to vector<16xi1>
        %reduce_sum3A_266 = tpu.scan <sum>, %add3A_263 masked %reduce_sum3A_265 : vector<16xf32>, vector<16xi1> -> vector<16xf32>
        %reduce_sum3A_267 = vector.extract %reduce_sum3A_266[15] : f32 from vector<16xf32>
        %broadcast_in_dim3A_268 = vector.broadcast %reduce_sum3A_267 : f32 to vector<16xf32>
        %select_n3A_269 = arith.select %eq3A_260, %broadcast_in_dim3A_268, %select_n3A : vector<16xi1>, vector<16xf32>
        %mul3A_270 = arith.mulf %get3A_235, %get3A_235 : vector<16xf32>
        %mul3A_271 = arith.mulf %get3A_243, %get3A_243 : vector<16xf32>
        %add3A_272 = arith.addf %mul3A_270, %mul3A_271 : vector<16xf32>
        %reduce_sum3A_273 = arith.constant true
        %reduce_sum3A_274 = vector.broadcast %reduce_sum3A_273 : i1 to vector<16xi1>
        %reduce_sum3A_275 = tpu.scan <sum>, %add3A_272 masked %reduce_sum3A_274 : vector<16xf32>, vector<16xi1> -> vector<16xf32>
        %reduce_sum3A_276 = vector.extract %reduce_sum3A_275[15] : f32 from vector<16xf32>
        %broadcast_in_dim3A_277 = vector.broadcast %reduce_sum3A_276 : f32 to vector<16xf32>
        %select_n3A_278 = arith.select %eq3A_260, %broadcast_in_dim3A_277, %select_n3A_184 : vector<16xi1>, vector<16xf32>
        %mul3A_279 = arith.mulf %get3A_249, %get3A_249 : vector<16xf32>
        %mul3A_280 = arith.mulf %get3A_257, %get3A_257 : vector<16xf32>
        %add3A_281 = arith.addf %mul3A_279, %mul3A_280 : vector<16xf32>
        %reduce_sum3A_282 = arith.constant true
        %reduce_sum3A_283 = vector.broadcast %reduce_sum3A_282 : i1 to vector<16xi1>
        %reduce_sum3A_284 = tpu.scan <sum>, %add3A_281 masked %reduce_sum3A_283 : vector<16xf32>, vector<16xi1> -> vector<16xf32>
        %reduce_sum3A_285 = vector.extract %reduce_sum3A_284[15] : f32 from vector<16xf32>
        %broadcast_in_dim3A_286 = vector.broadcast %reduce_sum3A_285 : f32 to vector<16xf32>
        %select_n3A_287 = arith.select %eq3A_260, %broadcast_in_dim3A_286, %select_n3A_193 : vector<16xi1>, vector<16xf32>
        %mul3A_288 = arith.mulf %get3A_221, %get3A_235 : vector<16xf32>
        %mul3A_289 = arith.mulf %get3A_229, %get3A_243 : vector<16xf32>
        %add3A_290 = arith.addf %mul3A_288, %mul3A_289 : vector<16xf32>
        %reduce_sum3A_291 = arith.constant true
        %reduce_sum3A_292 = vector.broadcast %reduce_sum3A_291 : i1 to vector<16xi1>
        %reduce_sum3A_293 = tpu.scan <sum>, %add3A_290 masked %reduce_sum3A_292 : vector<16xf32>, vector<16xi1> -> vector<16xf32>
        %reduce_sum3A_294 = vector.extract %reduce_sum3A_293[15] : f32 from vector<16xf32>
        %broadcast_in_dim3A_295 = vector.broadcast %reduce_sum3A_294 : f32 to vector<16xf32>
        %select_n3A_296 = arith.select %eq3A_260, %broadcast_in_dim3A_295, %select_n3A_202 : vector<16xi1>, vector<16xf32>
        %mul3A_297 = arith.mulf %get3A_221, %get3A_249 : vector<16xf32>
        %mul3A_298 = arith.mulf %get3A_229, %get3A_257 : vector<16xf32>
        %add3A_299 = arith.addf %mul3A_297, %mul3A_298 : vector<16xf32>
        %reduce_sum3A_300 = arith.constant true
        %reduce_sum3A_301 = vector.broadcast %reduce_sum3A_300 : i1 to vector<16xi1>
        %reduce_sum3A_302 = tpu.scan <sum>, %add3A_299 masked %reduce_sum3A_301 : vector<16xf32>, vector<16xi1> -> vector<16xf32>
        %reduce_sum3A_303 = vector.extract %reduce_sum3A_302[15] : f32 from vector<16xf32>
        %broadcast_in_dim3A_304 = vector.broadcast %reduce_sum3A_303 : f32 to vector<16xf32>
        %select_n3A_305 = arith.select %eq3A_260, %broadcast_in_dim3A_304, %select_n3A_211 : vector<16xi1>, vector<16xf32>
        %mul3A_306 = arith.constant 16 : i32
        %mul3A_307 = arith.muli %scan3A_101, %mul3A_306 : i32
        %add3A_308 = arith.constant 2 : i32
        %add3A_309 = arith.addi %mul3A_307, %add3A_308 : i32
        %slice3A_310 = vector.extract_strided_slice %get3A_107 {offsets = [2], sizes = [1], strides = [1]} : vector<16xi32> to vector<1xi32>
        %squeeze3A_311 = vector.extract %slice3A_310[0] : i32 from vector<1xi32>
        %get3A_312 = arith.index_cast %rem3A_54 : i32 to index
        %get3A_313 = arith.index_cast %add3A_309 : i32 to index
        %get3A_314 = arith.index_cast %squeeze3A_311 : i32 to index
        %get3A_315 = tpu.vector_load %arg9[%get3A_312, %get3A_313, %get3A_314] {strides = array<i32>} : memref<2x128x128xf32, #tpu.memory_space<vmem>>, vector<16xf32>,
        %slice3A_316 = vector.extract_strided_slice %get3A_107 {offsets = [2], sizes = [1], strides = [1]} : vector<16xi32> to vector<1xi32>
        %squeeze3A_317 = vector.extract %slice3A_316[0] : i32 from vector<1xi32>
        %add3A_318 = arith.constant 16 : i32
        %add3A_319 = arith.addi %squeeze3A_317, %add3A_318 : i32
        %get3A_320 = arith.index_cast %rem3A_54 : i32 to index
        %get3A_321 = arith.index_cast %add3A_309 : i32 to index
        %get3A_322 = arith.index_cast %add3A_319 : i32 to index
        %get3A_323 = tpu.vector_load %arg9[%get3A_320, %get3A_321, %get3A_322] {strides = array<i32>} : memref<2x128x128xf32, #tpu.memory_space<vmem>>, vector<16xf32>,
        %slice3A_324 = vector.extract_strided_slice %get3A_114 {offsets = [2], sizes = [1], strides = [1]} : vector<16xi32> to vector<1xi32>
        %squeeze3A_325 = vector.extract %slice3A_324[0] : i32 from vector<1xi32>
        %get3A_326 = arith.index_cast %rem3A_54 : i32 to index
        %get3A_327 = arith.index_cast %add3A_309 : i32 to index
        %get3A_328 = arith.index_cast %squeeze3A_325 : i32 to index
        %get3A_329 = tpu.vector_load %arg10[%get3A_326, %get3A_327, %get3A_328] {strides = array<i32>} : memref<2x128x128xf32, #tpu.memory_space<vmem>>, vector<16xf32>,
        %slice3A_330 = vector.extract_strided_slice %get3A_114 {offsets = [2], sizes = [1], strides = [1]} : vector<16xi32> to vector<1xi32>
        %squeeze3A_331 = vector.extract %slice3A_330[0] : i32 from vector<1xi32>
        %add3A_332 = arith.constant 16 : i32
        %add3A_333 = arith.addi %squeeze3A_331, %add3A_332 : i32
        %get3A_334 = arith.index_cast %rem3A_54 : i32 to index
        %get3A_335 = arith.index_cast %add3A_309 : i32 to index
        %get3A_336 = arith.index_cast %add3A_333 : i32 to index
        %get3A_337 = tpu.vector_load %arg10[%get3A_334, %get3A_335, %get3A_336] {strides = array<i32>} : memref<2x128x128xf32, #tpu.memory_space<vmem>>, vector<16xf32>,
        %slice3A_338 = vector.extract_strided_slice %get3A_121 {offsets = [2], sizes = [1], strides = [1]} : vector<16xi32> to vector<1xi32>
        %squeeze3A_339 = vector.extract %slice3A_338[0] : i32 from vector<1xi32>
        %get3A_340 = arith.index_cast %rem3A_54 : i32 to index
        %get3A_341 = arith.index_cast %add3A_309 : i32 to index
        %get3A_342 = arith.index_cast %squeeze3A_339 : i32 to index
        %get3A_343 = tpu.vector_load %arg11[%get3A_340, %get3A_341, %get3A_342] {strides = array<i32>} : memref<2x128x128xf32, #tpu.memory_space<vmem>>, vector<16xf32>,
        %slice3A_344 = vector.extract_strided_slice %get3A_121 {offsets = [2], sizes = [1], strides = [1]} : vector<16xi32> to vector<1xi32>
        %squeeze3A_345 = vector.extract %slice3A_344[0] : i32 from vector<1xi32>
        %add3A_346 = arith.constant 16 : i32
        %add3A_347 = arith.addi %squeeze3A_345, %add3A_346 : i32
        %get3A_348 = arith.index_cast %rem3A_54 : i32 to index
        %get3A_349 = arith.index_cast %add3A_309 : i32 to index
        %get3A_350 = arith.index_cast %add3A_347 : i32 to index
        %get3A_351 = tpu.vector_load %arg11[%get3A_348, %get3A_349, %get3A_350] {strides = array<i32>} : memref<2x128x128xf32, #tpu.memory_space<vmem>>, vector<16xf32>,
        %eq3A_352 = arith.constant 2 : i32
        %eq3A_353 = vector.broadcast %eq3A_352 : i32 to vector<16xi32>
        %eq3A_354 = arith.cmpi eq, %iota3A, %eq3A_353 : vector<16xi32>
        %mul3A_355 = arith.mulf %get3A_315, %get3A_315 : vector<16xf32>
        %mul3A_356 = arith.mulf %get3A_323, %get3A_323 : vector<16xf32>
        %add3A_357 = arith.addf %mul3A_355, %mul3A_356 : vector<16xf32>
        %reduce_sum3A_358 = arith.constant true
        %reduce_sum3A_359 = vector.broadcast %reduce_sum3A_358 : i1 to vector<16xi1>
        %reduce_sum3A_360 = tpu.scan <sum>, %add3A_357 masked %reduce_sum3A_359 : vector<16xf32>, vector<16xi1> -> vector<16xf32>
        %reduce_sum3A_361 = vector.extract %reduce_sum3A_360[15] : f32 from vector<16xf32>
        %broadcast_in_dim3A_362 = vector.broadcast %reduce_sum3A_361 : f32 to vector<16xf32>
        %select_n3A_363 = arith.select %eq3A_354, %broadcast_in_dim3A_362, %select_n3A_269 : vector<16xi1>, vector<16xf32>
        %mul3A_364 = arith.mulf %get3A_329, %get3A_329 : vector<16xf32>
        %mul3A_365 = arith.mulf %get3A_337, %get3A_337 : vector<16xf32>
        %add3A_366 = arith.addf %mul3A_364, %mul3A_365 : vector<16xf32>
        %reduce_sum3A_367 = arith.constant true
        %reduce_sum3A_368 = vector.broadcast %reduce_sum3A_367 : i1 to vector<16xi1>
        %reduce_sum3A_369 = tpu.scan <sum>, %add3A_366 masked %reduce_sum3A_368 : vector<16xf32>, vector<16xi1> -> vector<16xf32>
        %reduce_sum3A_370 = vector.extract %reduce_sum3A_369[15] : f32 from vector<16xf32>
        %broadcast_in_dim3A_371 = vector.broadcast %reduce_sum3A_370 : f32 to vector<16xf32>
        %select_n3A_372 = arith.select %eq3A_354, %broadcast_in_dim3A_371, %select_n3A_278 : vector<16xi1>, vector<16xf32>
        %mul3A_373 = arith.mulf %get3A_343, %get3A_343 : vector<16xf32>
        %mul3A_374 = arith.mulf %get3A_351, %get3A_351 : vector<16xf32>
        %add3A_375 = arith.addf %mul3A_373, %mul3A_374 : vector<16xf32>
        %reduce_sum3A_376 = arith.constant true
        %reduce_sum3A_377 = vector.broadcast %reduce_sum3A_376 : i1 to vector<16xi1>
        %reduce_sum3A_378 = tpu.scan <sum>, %add3A_375 masked %reduce_sum3A_377 : vector<16xf32>, vector<16xi1> -> vector<16xf32>
        %reduce_sum3A_379 = vector.extract %reduce_sum3A_378[15] : f32 from vector<16xf32>
        %broadcast_in_dim3A_380 = vector.broadcast %reduce_sum3A_379 : f32 to vector<16xf32>
        %select_n3A_381 = arith.select %eq3A_354, %broadcast_in_dim3A_380, %select_n3A_287 : vector<16xi1>, vector<16xf32>
        %mul3A_382 = arith.mulf %get3A_315, %get3A_329 : vector<16xf32>
        %mul3A_383 = arith.mulf %get3A_323, %get3A_337 : vector<16xf32>
        %add3A_384 = arith.addf %mul3A_382, %mul3A_383 : vector<16xf32>
        %reduce_sum3A_385 = arith.constant true
        %reduce_sum3A_386 = vector.broadcast %reduce_sum3A_385 : i1 to vector<16xi1>
        %reduce_sum3A_387 = tpu.scan <sum>, %add3A_384 masked %reduce_sum3A_386 : vector<16xf32>, vector<16xi1> -> vector<16xf32>
        %reduce_sum3A_388 = vector.extract %reduce_sum3A_387[15] : f32 from vector<16xf32>
        %broadcast_in_dim3A_389 = vector.broadcast %reduce_sum3A_388 : f32 to vector<16xf32>
        %select_n3A_390 = arith.select %eq3A_354, %broadcast_in_dim3A_389, %select_n3A_296 : vector<16xi1>, vector<16xf32>
        %mul3A_391 = arith.mulf %get3A_315, %get3A_343 : vector<16xf32>
        %mul3A_392 = arith.mulf %get3A_323, %get3A_351 : vector<16xf32>
        %add3A_393 = arith.addf %mul3A_391, %mul3A_392 : vector<16xf32>
        %reduce_sum3A_394 = arith.constant true
        %reduce_sum3A_395 = vector.broadcast %reduce_sum3A_394 : i1 to vector<16xi1>
        %reduce_sum3A_396 = tpu.scan <sum>, %add3A_393 masked %reduce_sum3A_395 : vector<16xf32>, vector<16xi1> -> vector<16xf32>
        %reduce_sum3A_397 = vector.extract %reduce_sum3A_396[15] : f32 from vector<16xf32>
        %broadcast_in_dim3A_398 = vector.broadcast %reduce_sum3A_397 : f32 to vector<16xf32>
        %select_n3A_399 = arith.select %eq3A_354, %broadcast_in_dim3A_398, %select_n3A_305 : vector<16xi1>, vector<16xf32>
        %mul3A_400 = arith.constant 16 : i32
        %mul3A_401 = arith.muli %scan3A_101, %mul3A_400 : i32
        %add3A_402 = arith.constant 3 : i32
        %add3A_403 = arith.addi %mul3A_401, %add3A_402 : i32
        %slice3A_404 = vector.extract_strided_slice %get3A_107 {offsets = [3], sizes = [1], strides = [1]} : vector<16xi32> to vector<1xi32>
        %squeeze3A_405 = vector.extract %slice3A_404[0] : i32 from vector<1xi32>
        %get3A_406 = arith.index_cast %rem3A_54 : i32 to index
        %get3A_407 = arith.index_cast %add3A_403 : i32 to index
        %get3A_408 = arith.index_cast %squeeze3A_405 : i32 to index
        %get3A_409 = tpu.vector_load %arg9[%get3A_406, %get3A_407, %get3A_408] {strides = array<i32>} : memref<2x128x128xf32, #tpu.memory_space<vmem>>, vector<16xf32>,
        %slice3A_410 = vector.extract_strided_slice %get3A_107 {offsets = [3], sizes = [1], strides = [1]} : vector<16xi32> to vector<1xi32>
        %squeeze3A_411 = vector.extract %slice3A_410[0] : i32 from vector<1xi32>
        %add3A_412 = arith.constant 16 : i32
        %add3A_413 = arith.addi %squeeze3A_411, %add3A_412 : i32
        %get3A_414 = arith.index_cast %rem3A_54 : i32 to index
        %get3A_415 = arith.index_cast %add3A_403 : i32 to index
        %get3A_416 = arith.index_cast %add3A_413 : i32 to index
        %get3A_417 = tpu.vector_load %arg9[%get3A_414, %get3A_415, %get3A_416] {strides = array<i32>} : memref<2x128x128xf32, #tpu.memory_space<vmem>>, vector<16xf32>,
        %slice3A_418 = vector.extract_strided_slice %get3A_114 {offsets = [3], sizes = [1], strides = [1]} : vector<16xi32> to vector<1xi32>
        %squeeze3A_419 = vector.extract %slice3A_418[0] : i32 from vector<1xi32>
        %get3A_420 = arith.index_cast %rem3A_54 : i32 to index
        %get3A_421 = arith.index_cast %add3A_403 : i32 to index
        %get3A_422 = arith.index_cast %squeeze3A_419 : i32 to index
        %get3A_423 = tpu.vector_load %arg10[%get3A_420, %get3A_421, %get3A_422] {strides = array<i32>} : memref<2x128x128xf32, #tpu.memory_space<vmem>>, vector<16xf32>,
        %slice3A_424 = vector.extract_strided_slice %get3A_114 {offsets = [3], sizes = [1], strides = [1]} : vector<16xi32> to vector<1xi32>
        %squeeze3A_425 = vector.extract %slice3A_424[0] : i32 from vector<1xi32>
        %add3A_426 = arith.constant 16 : i32
        %add3A_427 = arith.addi %squeeze3A_425, %add3A_426 : i32
        %get3A_428 = arith.index_cast %rem3A_54 : i32 to index
        %get3A_429 = arith.index_cast %add3A_403 : i32 to index
        %get3A_430 = arith.index_cast %add3A_427 : i32 to index
        %get3A_431 = tpu.vector_load %arg10[%get3A_428, %get3A_429, %get3A_430] {strides = array<i32>} : memref<2x128x128xf32, #tpu.memory_space<vmem>>, vector<16xf32>,
        %slice3A_432 = vector.extract_strided_slice %get3A_121 {offsets = [3], sizes = [1], strides = [1]} : vector<16xi32> to vector<1xi32>
        %squeeze3A_433 = vector.extract %slice3A_432[0] : i32 from vector<1xi32>
        %get3A_434 = arith.index_cast %rem3A_54 : i32 to index
        %get3A_435 = arith.index_cast %add3A_403 : i32 to index
        %get3A_436 = arith.index_cast %squeeze3A_433 : i32 to index
        %get3A_437 = tpu.vector_load %arg11[%get3A_434, %get3A_435, %get3A_436] {strides = array<i32>} : memref<2x128x128xf32, #tpu.memory_space<vmem>>, vector<16xf32>,
        %slice3A_438 = vector.extract_strided_slice %get3A_121 {offsets = [3], sizes = [1], strides = [1]} : vector<16xi32> to vector<1xi32>
        %squeeze3A_439 = vector.extract %slice3A_438[0] : i32 from vector<1xi32>
        %add3A_440 = arith.constant 16 : i32
        %add3A_441 = arith.addi %squeeze3A_439, %add3A_440 : i32
        %get3A_442 = arith.index_cast %rem3A_54 : i32 to index
        %get3A_443 = arith.index_cast %add3A_403 : i32 to index
        %get3A_444 = arith.index_cast %add3A_441 : i32 to index
        %get3A_445 = tpu.vector_load %arg11[%get3A_442, %get3A_443, %get3A_444] {strides = array<i32>} : memref<2x128x128xf32, #tpu.memory_space<vmem>>, vector<16xf32>,
        %eq3A_446 = arith.constant 3 : i32
        %eq3A_447 = vector.broadcast %eq3A_446 : i32 to vector<16xi32>
        %eq3A_448 = arith.cmpi eq, %iota3A, %eq3A_447 : vector<16xi32>
        %mul3A_449 = arith.mulf %get3A_409, %get3A_409 : vector<16xf32>
        %mul3A_450 = arith.mulf %get3A_417, %get3A_417 : vector<16xf32>
        %add3A_451 = arith.addf %mul3A_449, %mul3A_450 : vector<16xf32>
        %reduce_sum3A_452 = arith.constant true
        %reduce_sum3A_453 = vector.broadcast %reduce_sum3A_452 : i1 to vector<16xi1>
        %reduce_sum3A_454 = tpu.scan <sum>, %add3A_451 masked %reduce_sum3A_453 : vector<16xf32>, vector<16xi1> -> vector<16xf32>
        %reduce_sum3A_455 = vector.extract %reduce_sum3A_454[15] : f32 from vector<16xf32>
        %broadcast_in_dim3A_456 = vector.broadcast %reduce_sum3A_455 : f32 to vector<16xf32>
        %select_n3A_457 = arith.select %eq3A_448, %broadcast_in_dim3A_456, %select_n3A_363 : vector<16xi1>, vector<16xf32>
        %mul3A_458 = arith.mulf %get3A_423, %get3A_423 : vector<16xf32>
        %mul3A_459 = arith.mulf %get3A_431, %get3A_431 : vector<16xf32>
        %add3A_460 = arith.addf %mul3A_458, %mul3A_459 : vector<16xf32>
        %reduce_sum3A_461 = arith.constant true
        %reduce_sum3A_462 = vector.broadcast %reduce_sum3A_461 : i1 to vector<16xi1>
        %reduce_sum3A_463 = tpu.scan <sum>, %add3A_460 masked %reduce_sum3A_462 : vector<16xf32>, vector<16xi1> -> vector<16xf32>
        %reduce_sum3A_464 = vector.extract %reduce_sum3A_463[15] : f32 from vector<16xf32>
        %broadcast_in_dim3A_465 = vector.broadcast %reduce_sum3A_464 : f32 to vector<16xf32>
        %select_n3A_466 = arith.select %eq3A_448, %broadcast_in_dim3A_465, %select_n3A_372 : vector<16xi1>, vector<16xf32>
        %mul3A_467 = arith.mulf %get3A_437, %get3A_437 : vector<16xf32>
        %mul3A_468 = arith.mulf %get3A_445, %get3A_445 : vector<16xf32>
        %add3A_469 = arith.addf %mul3A_467, %mul3A_468 : vector<16xf32>
        %reduce_sum3A_470 = arith.constant true
        %reduce_sum3A_471 = vector.broadcast %reduce_sum3A_470 : i1 to vector<16xi1>
        %reduce_sum3A_472 = tpu.scan <sum>, %add3A_469 masked %reduce_sum3A_471 : vector<16xf32>, vector<16xi1> -> vector<16xf32>
        %reduce_sum3A_473 = vector.extract %reduce_sum3A_472[15] : f32 from vector<16xf32>
        %broadcast_in_dim3A_474 = vector.broadcast %reduce_sum3A_473 : f32 to vector<16xf32>
        %select_n3A_475 = arith.select %eq3A_448, %broadcast_in_dim3A_474, %select_n3A_381 : vector<16xi1>, vector<16xf32>
        %mul3A_476 = arith.mulf %get3A_409, %get3A_423 : vector<16xf32>
        %mul3A_477 = arith.mulf %get3A_417, %get3A_431 : vector<16xf32>
        %add3A_478 = arith.addf %mul3A_476, %mul3A_477 : vector<16xf32>
        %reduce_sum3A_479 = arith.constant true
        %reduce_sum3A_480 = vector.broadcast %reduce_sum3A_479 : i1 to vector<16xi1>
        %reduce_sum3A_481 = tpu.scan <sum>, %add3A_478 masked %reduce_sum3A_480 : vector<16xf32>, vector<16xi1> -> vector<16xf32>
        %reduce_sum3A_482 = vector.extract %reduce_sum3A_481[15] : f32 from vector<16xf32>
        %broadcast_in_dim3A_483 = vector.broadcast %reduce_sum3A_482 : f32 to vector<16xf32>
        %select_n3A_484 = arith.select %eq3A_448, %broadcast_in_dim3A_483, %select_n3A_390 : vector<16xi1>, vector<16xf32>
        %mul3A_485 = arith.mulf %get3A_409, %get3A_437 : vector<16xf32>
        %mul3A_486 = arith.mulf %get3A_417, %get3A_445 : vector<16xf32>
        %add3A_487 = arith.addf %mul3A_485, %mul3A_486 : vector<16xf32>
        %reduce_sum3A_488 = arith.constant true
        %reduce_sum3A_489 = vector.broadcast %reduce_sum3A_488 : i1 to vector<16xi1>
        %reduce_sum3A_490 = tpu.scan <sum>, %add3A_487 masked %reduce_sum3A_489 : vector<16xf32>, vector<16xi1> -> vector<16xf32>
        %reduce_sum3A_491 = vector.extract %reduce_sum3A_490[15] : f32 from vector<16xf32>
        %broadcast_in_dim3A_492 = vector.broadcast %reduce_sum3A_491 : f32 to vector<16xf32>
        %select_n3A_493 = arith.select %eq3A_448, %broadcast_in_dim3A_492, %select_n3A_399 : vector<16xi1>, vector<16xf32>
        %mul3A_494 = arith.constant 16 : i32
        %mul3A_495 = arith.muli %scan3A_101, %mul3A_494 : i32
        %add3A_496 = arith.constant 4 : i32
        %add3A_497 = arith.addi %mul3A_495, %add3A_496 : i32
        %slice3A_498 = vector.extract_strided_slice %get3A_107 {offsets = [4], sizes = [1], strides = [1]} : vector<16xi32> to vector<1xi32>
        %squeeze3A_499 = vector.extract %slice3A_498[0] : i32 from vector<1xi32>
        %get3A_500 = arith.index_cast %rem3A_54 : i32 to index
        %get3A_501 = arith.index_cast %add3A_497 : i32 to index
        %get3A_502 = arith.index_cast %squeeze3A_499 : i32 to index
        %get3A_503 = tpu.vector_load %arg9[%get3A_500, %get3A_501, %get3A_502] {strides = array<i32>} : memref<2x128x128xf32, #tpu.memory_space<vmem>>, vector<16xf32>,
        %slice3A_504 = vector.extract_strided_slice %get3A_107 {offsets = [4], sizes = [1], strides = [1]} : vector<16xi32> to vector<1xi32>
        %squeeze3A_505 = vector.extract %slice3A_504[0] : i32 from vector<1xi32>
        %add3A_506 = arith.constant 16 : i32
        %add3A_507 = arith.addi %squeeze3A_505, %add3A_506 : i32
        %get3A_508 = arith.index_cast %rem3A_54 : i32 to index
        %get3A_509 = arith.index_cast %add3A_497 : i32 to index
        %get3A_510 = arith.index_cast %add3A_507 : i32 to index
        %get3A_511 = tpu.vector_load %arg9[%get3A_508, %get3A_509, %get3A_510] {strides = array<i32>} : memref<2x128x128xf32, #tpu.memory_space<vmem>>, vector<16xf32>,
        %slice3A_512 = vector.extract_strided_slice %get3A_114 {offsets = [4], sizes = [1], strides = [1]} : vector<16xi32> to vector<1xi32>
        %squeeze3A_513 = vector.extract %slice3A_512[0] : i32 from vector<1xi32>
        %get3A_514 = arith.index_cast %rem3A_54 : i32 to index
        %get3A_515 = arith.index_cast %add3A_497 : i32 to index
        %get3A_516 = arith.index_cast %squeeze3A_513 : i32 to index
        %get3A_517 = tpu.vector_load %arg10[%get3A_514, %get3A_515, %get3A_516] {strides = array<i32>} : memref<2x128x128xf32, #tpu.memory_space<vmem>>, vector<16xf32>,
        %slice3A_518 = vector.extract_strided_slice %get3A_114 {offsets = [4], sizes = [1], strides = [1]} : vector<16xi32> to vector<1xi32>
        %squeeze3A_519 = vector.extract %slice3A_518[0] : i32 from vector<1xi32>
        %add3A_520 = arith.constant 16 : i32
        %add3A_521 = arith.addi %squeeze3A_519, %add3A_520 : i32
        %get3A_522 = arith.index_cast %rem3A_54 : i32 to index
        %get3A_523 = arith.index_cast %add3A_497 : i32 to index
        %get3A_524 = arith.index_cast %add3A_521 : i32 to index
        %get3A_525 = tpu.vector_load %arg10[%get3A_522, %get3A_523, %get3A_524] {strides = array<i32>} : memref<2x128x128xf32, #tpu.memory_space<vmem>>, vector<16xf32>,
        %slice3A_526 = vector.extract_strided_slice %get3A_121 {offsets = [4], sizes = [1], strides = [1]} : vector<16xi32> to vector<1xi32>
        %squeeze3A_527 = vector.extract %slice3A_526[0] : i32 from vector<1xi32>
        %get3A_528 = arith.index_cast %rem3A_54 : i32 to index
        %get3A_529 = arith.index_cast %add3A_497 : i32 to index
        %get3A_530 = arith.index_cast %squeeze3A_527 : i32 to index
        %get3A_531 = tpu.vector_load %arg11[%get3A_528, %get3A_529, %get3A_530] {strides = array<i32>} : memref<2x128x128xf32, #tpu.memory_space<vmem>>, vector<16xf32>,
        %slice3A_532 = vector.extract_strided_slice %get3A_121 {offsets = [4], sizes = [1], strides = [1]} : vector<16xi32> to vector<1xi32>
        %squeeze3A_533 = vector.extract %slice3A_532[0] : i32 from vector<1xi32>
        %add3A_534 = arith.constant 16 : i32
        %add3A_535 = arith.addi %squeeze3A_533, %add3A_534 : i32
        %get3A_536 = arith.index_cast %rem3A_54 : i32 to index
        %get3A_537 = arith.index_cast %add3A_497 : i32 to index
        %get3A_538 = arith.index_cast %add3A_535 : i32 to index
        %get3A_539 = tpu.vector_load %arg11[%get3A_536, %get3A_537, %get3A_538] {strides = array<i32>} : memref<2x128x128xf32, #tpu.memory_space<vmem>>, vector<16xf32>,
        %eq3A_540 = arith.constant 4 : i32
        %eq3A_541 = vector.broadcast %eq3A_540 : i32 to vector<16xi32>
        %eq3A_542 = arith.cmpi eq, %iota3A, %eq3A_541 : vector<16xi32>
        %mul3A_543 = arith.mulf %get3A_503, %get3A_503 : vector<16xf32>
        %mul3A_544 = arith.mulf %get3A_511, %get3A_511 : vector<16xf32>
        %add3A_545 = arith.addf %mul3A_543, %mul3A_544 : vector<16xf32>
        %reduce_sum3A_546 = arith.constant true
        %reduce_sum3A_547 = vector.broadcast %reduce_sum3A_546 : i1 to vector<16xi1>
        %reduce_sum3A_548 = tpu.scan <sum>, %add3A_545 masked %reduce_sum3A_547 : vector<16xf32>, vector<16xi1> -> vector<16xf32>
        %reduce_sum3A_549 = vector.extract %reduce_sum3A_548[15] : f32 from vector<16xf32>
        %broadcast_in_dim3A_550 = vector.broadcast %reduce_sum3A_549 : f32 to vector<16xf32>
        %select_n3A_551 = arith.select %eq3A_542, %broadcast_in_dim3A_550, %select_n3A_457 : vector<16xi1>, vector<16xf32>
        %mul3A_552 = arith.mulf %get3A_517, %get3A_517 : vector<16xf32>
        %mul3A_553 = arith.mulf %get3A_525, %get3A_525 : vector<16xf32>
        %add3A_554 = arith.addf %mul3A_552, %mul3A_553 : vector<16xf32>
        %reduce_sum3A_555 = arith.constant true
        %reduce_sum3A_556 = vector.broadcast %reduce_sum3A_555 : i1 to vector<16xi1>
        %reduce_sum3A_557 = tpu.scan <sum>, %add3A_554 masked %reduce_sum3A_556 : vector<16xf32>, vector<16xi1> -> vector<16xf32>
        %reduce_sum3A_558 = vector.extract %reduce_sum3A_557[15] : f32 from vector<16xf32>
        %broadcast_in_dim3A_559 = vector.broadcast %reduce_sum3A_558 : f32 to vector<16xf32>
        %select_n3A_560 = arith.select %eq3A_542, %broadcast_in_dim3A_559, %select_n3A_466 : vector<16xi1>, vector<16xf32>
        %mul3A_561 = arith.mulf %get3A_531, %get3A_531 : vector<16xf32>
        %mul3A_562 = arith.mulf %get3A_539, %get3A_539 : vector<16xf32>
        %add3A_563 = arith.addf %mul3A_561, %mul3A_562 : vector<16xf32>
        %reduce_sum3A_564 = arith.constant true
        %reduce_sum3A_565 = vector.broadcast %reduce_sum3A_564 : i1 to vector<16xi1>
        %reduce_sum3A_566 = tpu.scan <sum>, %add3A_563 masked %reduce_sum3A_565 : vector<16xf32>, vector<16xi1> -> vector<16xf32>
        %reduce_sum3A_567 = vector.extract %reduce_sum3A_566[15] : f32 from vector<16xf32>
        %broadcast_in_dim3A_568 = vector.broadcast %reduce_sum3A_567 : f32 to vector<16xf32>
        %select_n3A_569 = arith.select %eq3A_542, %broadcast_in_dim3A_568, %select_n3A_475 : vector<16xi1>, vector<16xf32>
        %mul3A_570 = arith.mulf %get3A_503, %get3A_517 : vector<16xf32>
        %mul3A_571 = arith.mulf %get3A_511, %get3A_525 : vector<16xf32>
        %add3A_572 = arith.addf %mul3A_570, %mul3A_571 : vector<16xf32>
        %reduce_sum3A_573 = arith.constant true
        %reduce_sum3A_574 = vector.broadcast %reduce_sum3A_573 : i1 to vector<16xi1>
        %reduce_sum3A_575 = tpu.scan <sum>, %add3A_572 masked %reduce_sum3A_574 : vector<16xf32>, vector<16xi1> -> vector<16xf32>
        %reduce_sum3A_576 = vector.extract %reduce_sum3A_575[15] : f32 from vector<16xf32>
        %broadcast_in_dim3A_577 = vector.broadcast %reduce_sum3A_576 : f32 to vector<16xf32>
        %select_n3A_578 = arith.select %eq3A_542, %broadcast_in_dim3A_577, %select_n3A_484 : vector<16xi1>, vector<16xf32>
        %mul3A_579 = arith.mulf %get3A_503, %get3A_531 : vector<16xf32>
        %mul3A_580 = arith.mulf %get3A_511, %get3A_539 : vector<16xf32>
        %add3A_581 = arith.addf %mul3A_579, %mul3A_580 : vector<16xf32>
        %reduce_sum3A_582 = arith.constant true
        %reduce_sum3A_583 = vector.broadcast %reduce_sum3A_582 : i1 to vector<16xi1>
        %reduce_sum3A_584 = tpu.scan <sum>, %add3A_581 masked %reduce_sum3A_583 : vector<16xf32>, vector<16xi1> -> vector<16xf32>
        %reduce_sum3A_585 = vector.extract %reduce_sum3A_584[15] : f32 from vector<16xf32>
        %broadcast_in_dim3A_586 = vector.broadcast %reduce_sum3A_585 : f32 to vector<16xf32>
        %select_n3A_587 = arith.select %eq3A_542, %broadcast_in_dim3A_586, %select_n3A_493 : vector<16xi1>, vector<16xf32>
        %mul3A_588 = arith.constant 16 : i32
        %mul3A_589 = arith.muli %scan3A_101, %mul3A_588 : i32
        %add3A_590 = arith.constant 5 : i32
        %add3A_591 = arith.addi %mul3A_589, %add3A_590 : i32
        %slice3A_592 = vector.extract_strided_slice %get3A_107 {offsets = [5], sizes = [1], strides = [1]} : vector<16xi32> to vector<1xi32>
        %squeeze3A_593 = vector.extract %slice3A_592[0] : i32 from vector<1xi32>
        %get3A_594 = arith.index_cast %rem3A_54 : i32 to index
        %get3A_595 = arith.index_cast %add3A_591 : i32 to index
        %get3A_596 = arith.index_cast %squeeze3A_593 : i32 to index
        %get3A_597 = tpu.vector_load %arg9[%get3A_594, %get3A_595, %get3A_596] {strides = array<i32>} : memref<2x128x128xf32, #tpu.memory_space<vmem>>, vector<16xf32>,
        %slice3A_598 = vector.extract_strided_slice %get3A_107 {offsets = [5], sizes = [1], strides = [1]} : vector<16xi32> to vector<1xi32>
        %squeeze3A_599 = vector.extract %slice3A_598[0] : i32 from vector<1xi32>
        %add3A_600 = arith.constant 16 : i32
        %add3A_601 = arith.addi %squeeze3A_599, %add3A_600 : i32
        %get3A_602 = arith.index_cast %rem3A_54 : i32 to index
        %get3A_603 = arith.index_cast %add3A_591 : i32 to index
        %get3A_604 = arith.index_cast %add3A_601 : i32 to index
        %get3A_605 = tpu.vector_load %arg9[%get3A_602, %get3A_603, %get3A_604] {strides = array<i32>} : memref<2x128x128xf32, #tpu.memory_space<vmem>>, vector<16xf32>,
        %slice3A_606 = vector.extract_strided_slice %get3A_114 {offsets = [5], sizes = [1], strides = [1]} : vector<16xi32> to vector<1xi32>
        %squeeze3A_607 = vector.extract %slice3A_606[0] : i32 from vector<1xi32>
        %get3A_608 = arith.index_cast %rem3A_54 : i32 to index
        %get3A_609 = arith.index_cast %add3A_591 : i32 to index
        %get3A_610 = arith.index_cast %squeeze3A_607 : i32 to index
        %get3A_611 = tpu.vector_load %arg10[%get3A_608, %get3A_609, %get3A_610] {strides = array<i32>} : memref<2x128x128xf32, #tpu.memory_space<vmem>>, vector<16xf32>,
        %slice3A_612 = vector.extract_strided_slice %get3A_114 {offsets = [5], sizes = [1], strides = [1]} : vector<16xi32> to vector<1xi32>
        %squeeze3A_613 = vector.extract %slice3A_612[0] : i32 from vector<1xi32>
        %add3A_614 = arith.constant 16 : i32
        %add3A_615 = arith.addi %squeeze3A_613, %add3A_614 : i32
        %get3A_616 = arith.index_cast %rem3A_54 : i32 to index
        %get3A_617 = arith.index_cast %add3A_591 : i32 to index
        %get3A_618 = arith.index_cast %add3A_615 : i32 to index
        %get3A_619 = tpu.vector_load %arg10[%get3A_616, %get3A_617, %get3A_618] {strides = array<i32>} : memref<2x128x128xf32, #tpu.memory_space<vmem>>, vector<16xf32>,
        %slice3A_620 = vector.extract_strided_slice %get3A_121 {offsets = [5], sizes = [1], strides = [1]} : vector<16xi32> to vector<1xi32>
        %squeeze3A_621 = vector.extract %slice3A_620[0] : i32 from vector<1xi32>
        %get3A_622 = arith.index_cast %rem3A_54 : i32 to index
        %get3A_623 = arith.index_cast %add3A_591 : i32 to index
        %get3A_624 = arith.index_cast %squeeze3A_621 : i32 to index
        %get3A_625 = tpu.vector_load %arg11[%get3A_622, %get3A_623, %get3A_624] {strides = array<i32>} : memref<2x128x128xf32, #tpu.memory_space<vmem>>, vector<16xf32>,
        %slice3A_626 = vector.extract_strided_slice %get3A_121 {offsets = [5], sizes = [1], strides = [1]} : vector<16xi32> to vector<1xi32>
        %squeeze3A_627 = vector.extract %slice3A_626[0] : i32 from vector<1xi32>
        %add3A_628 = arith.constant 16 : i32
        %add3A_629 = arith.addi %squeeze3A_627, %add3A_628 : i32
        %get3A_630 = arith.index_cast %rem3A_54 : i32 to index
        %get3A_631 = arith.index_cast %add3A_591 : i32 to index
        %get3A_632 = arith.index_cast %add3A_629 : i32 to index
        %get3A_633 = tpu.vector_load %arg11[%get3A_630, %get3A_631, %get3A_632] {strides = array<i32>} : memref<2x128x128xf32, #tpu.memory_space<vmem>>, vector<16xf32>,
        %eq3A_634 = arith.constant 5 : i32
        %eq3A_635 = vector.broadcast %eq3A_634 : i32 to vector<16xi32>
        %eq3A_636 = arith.cmpi eq, %iota3A, %eq3A_635 : vector<16xi32>
        %mul3A_637 = arith.mulf %get3A_597, %get3A_597 : vector<16xf32>
        %mul3A_638 = arith.mulf %get3A_605, %get3A_605 : vector<16xf32>
        %add3A_639 = arith.addf %mul3A_637, %mul3A_638 : vector<16xf32>
        %reduce_sum3A_640 = arith.constant true
        %reduce_sum3A_641 = vector.broadcast %reduce_sum3A_640 : i1 to vector<16xi1>
        %reduce_sum3A_642 = tpu.scan <sum>, %add3A_639 masked %reduce_sum3A_641 : vector<16xf32>, vector<16xi1> -> vector<16xf32>
        %reduce_sum3A_643 = vector.extract %reduce_sum3A_642[15] : f32 from vector<16xf32>
        %broadcast_in_dim3A_644 = vector.broadcast %reduce_sum3A_643 : f32 to vector<16xf32>
        %select_n3A_645 = arith.select %eq3A_636, %broadcast_in_dim3A_644, %select_n3A_551 : vector<16xi1>, vector<16xf32>
        %mul3A_646 = arith.mulf %get3A_611, %get3A_611 : vector<16xf32>
        %mul3A_647 = arith.mulf %get3A_619, %get3A_619 : vector<16xf32>
        %add3A_648 = arith.addf %mul3A_646, %mul3A_647 : vector<16xf32>
        %reduce_sum3A_649 = arith.constant true
        %reduce_sum3A_650 = vector.broadcast %reduce_sum3A_649 : i1 to vector<16xi1>
        %reduce_sum3A_651 = tpu.scan <sum>, %add3A_648 masked %reduce_sum3A_650 : vector<16xf32>, vector<16xi1> -> vector<16xf32>
        %reduce_sum3A_652 = vector.extract %reduce_sum3A_651[15] : f32 from vector<16xf32>
        %broadcast_in_dim3A_653 = vector.broadcast %reduce_sum3A_652 : f32 to vector<16xf32>
        %select_n3A_654 = arith.select %eq3A_636, %broadcast_in_dim3A_653, %select_n3A_560 : vector<16xi1>, vector<16xf32>
        %mul3A_655 = arith.mulf %get3A_625, %get3A_625 : vector<16xf32>
        %mul3A_656 = arith.mulf %get3A_633, %get3A_633 : vector<16xf32>
        %add3A_657 = arith.addf %mul3A_655, %mul3A_656 : vector<16xf32>
        %reduce_sum3A_658 = arith.constant true
        %reduce_sum3A_659 = vector.broadcast %reduce_sum3A_658 : i1 to vector<16xi1>
        %reduce_sum3A_660 = tpu.scan <sum>, %add3A_657 masked %reduce_sum3A_659 : vector<16xf32>, vector<16xi1> -> vector<16xf32>
        %reduce_sum3A_661 = vector.extract %reduce_sum3A_660[15] : f32 from vector<16xf32>
        %broadcast_in_dim3A_662 = vector.broadcast %reduce_sum3A_661 : f32 to vector<16xf32>
        %select_n3A_663 = arith.select %eq3A_636, %broadcast_in_dim3A_662, %select_n3A_569 : vector<16xi1>, vector<16xf32>
        %mul3A_664 = arith.mulf %get3A_597, %get3A_611 : vector<16xf32>
        %mul3A_665 = arith.mulf %get3A_605, %get3A_619 : vector<16xf32>
        %add3A_666 = arith.addf %mul3A_664, %mul3A_665 : vector<16xf32>
        %reduce_sum3A_667 = arith.constant true
        %reduce_sum3A_668 = vector.broadcast %reduce_sum3A_667 : i1 to vector<16xi1>
        %reduce_sum3A_669 = tpu.scan <sum>, %add3A_666 masked %reduce_sum3A_668 : vector<16xf32>, vector<16xi1> -> vector<16xf32>
        %reduce_sum3A_670 = vector.extract %reduce_sum3A_669[15] : f32 from vector<16xf32>
        %broadcast_in_dim3A_671 = vector.broadcast %reduce_sum3A_670 : f32 to vector<16xf32>
        %select_n3A_672 = arith.select %eq3A_636, %broadcast_in_dim3A_671, %select_n3A_578 : vector<16xi1>, vector<16xf32>
        %mul3A_673 = arith.mulf %get3A_597, %get3A_625 : vector<16xf32>
        %mul3A_674 = arith.mulf %get3A_605, %get3A_633 : vector<16xf32>
        %add3A_675 = arith.addf %mul3A_673, %mul3A_674 : vector<16xf32>
        %reduce_sum3A_676 = arith.constant true
        %reduce_sum3A_677 = vector.broadcast %reduce_sum3A_676 : i1 to vector<16xi1>
        %reduce_sum3A_678 = tpu.scan <sum>, %add3A_675 masked %reduce_sum3A_677 : vector<16xf32>, vector<16xi1> -> vector<16xf32>
        %reduce_sum3A_679 = vector.extract %reduce_sum3A_678[15] : f32 from vector<16xf32>
        %broadcast_in_dim3A_680 = vector.broadcast %reduce_sum3A_679 : f32 to vector<16xf32>
        %select_n3A_681 = arith.select %eq3A_636, %broadcast_in_dim3A_680, %select_n3A_587 : vector<16xi1>, vector<16xf32>
        %mul3A_682 = arith.constant 16 : i32
        %mul3A_683 = arith.muli %scan3A_101, %mul3A_682 : i32
        %add3A_684 = arith.constant 6 : i32
        %add3A_685 = arith.addi %mul3A_683, %add3A_684 : i32
        %slice3A_686 = vector.extract_strided_slice %get3A_107 {offsets = [6], sizes = [1], strides = [1]} : vector<16xi32> to vector<1xi32>
        %squeeze3A_687 = vector.extract %slice3A_686[0] : i32 from vector<1xi32>
        %get3A_688 = arith.index_cast %rem3A_54 : i32 to index
        %get3A_689 = arith.index_cast %add3A_685 : i32 to index
        %get3A_690 = arith.index_cast %squeeze3A_687 : i32 to index
        %get3A_691 = tpu.vector_load %arg9[%get3A_688, %get3A_689, %get3A_690] {strides = array<i32>} : memref<2x128x128xf32, #tpu.memory_space<vmem>>, vector<16xf32>,
        %slice3A_692 = vector.extract_strided_slice %get3A_107 {offsets = [6], sizes = [1], strides = [1]} : vector<16xi32> to vector<1xi32>
        %squeeze3A_693 = vector.extract %slice3A_692[0] : i32 from vector<1xi32>
        %add3A_694 = arith.constant 16 : i32
        %add3A_695 = arith.addi %squeeze3A_693, %add3A_694 : i32
        %get3A_696 = arith.index_cast %rem3A_54 : i32 to index
        %get3A_697 = arith.index_cast %add3A_685 : i32 to index
        %get3A_698 = arith.index_cast %add3A_695 : i32 to index
        %get3A_699 = tpu.vector_load %arg9[%get3A_696, %get3A_697, %get3A_698] {strides = array<i32>} : memref<2x128x128xf32, #tpu.memory_space<vmem>>, vector<16xf32>,
        %slice3A_700 = vector.extract_strided_slice %get3A_114 {offsets = [6], sizes = [1], strides = [1]} : vector<16xi32> to vector<1xi32>
        %squeeze3A_701 = vector.extract %slice3A_700[0] : i32 from vector<1xi32>
        %get3A_702 = arith.index_cast %rem3A_54 : i32 to index
        %get3A_703 = arith.index_cast %add3A_685 : i32 to index
        %get3A_704 = arith.index_cast %squeeze3A_701 : i32 to index
        %get3A_705 = tpu.vector_load %arg10[%get3A_702, %get3A_703, %get3A_704] {strides = array<i32>} : memref<2x128x128xf32, #tpu.memory_space<vmem>>, vector<16xf32>,
        %slice3A_706 = vector.extract_strided_slice %get3A_114 {offsets = [6], sizes = [1], strides = [1]} : vector<16xi32> to vector<1xi32>
        %squeeze3A_707 = vector.extract %slice3A_706[0] : i32 from vector<1xi32>
        %add3A_708 = arith.constant 16 : i32
        %add3A_709 = arith.addi %squeeze3A_707, %add3A_708 : i32
        %get3A_710 = arith.index_cast %rem3A_54 : i32 to index
        %get3A_711 = arith.index_cast %add3A_685 : i32 to index
        %get3A_712 = arith.index_cast %add3A_709 : i32 to index
        %get3A_713 = tpu.vector_load %arg10[%get3A_710, %get3A_711, %get3A_712] {strides = array<i32>} : memref<2x128x128xf32, #tpu.memory_space<vmem>>, vector<16xf32>,
        %slice3A_714 = vector.extract_strided_slice %get3A_121 {offsets = [6], sizes = [1], strides = [1]} : vector<16xi32> to vector<1xi32>
        %squeeze3A_715 = vector.extract %slice3A_714[0] : i32 from vector<1xi32>
        %get3A_716 = arith.index_cast %rem3A_54 : i32 to index
        %get3A_717 = arith.index_cast %add3A_685 : i32 to index
        %get3A_718 = arith.index_cast %squeeze3A_715 : i32 to index
        %get3A_719 = tpu.vector_load %arg11[%get3A_716, %get3A_717, %get3A_718] {strides = array<i32>} : memref<2x128x128xf32, #tpu.memory_space<vmem>>, vector<16xf32>,
        %slice3A_720 = vector.extract_strided_slice %get3A_121 {offsets = [6], sizes = [1], strides = [1]} : vector<16xi32> to vector<1xi32>
        %squeeze3A_721 = vector.extract %slice3A_720[0] : i32 from vector<1xi32>
        %add3A_722 = arith.constant 16 : i32
        %add3A_723 = arith.addi %squeeze3A_721, %add3A_722 : i32
        %get3A_724 = arith.index_cast %rem3A_54 : i32 to index
        %get3A_725 = arith.index_cast %add3A_685 : i32 to index
        %get3A_726 = arith.index_cast %add3A_723 : i32 to index
        %get3A_727 = tpu.vector_load %arg11[%get3A_724, %get3A_725, %get3A_726] {strides = array<i32>} : memref<2x128x128xf32, #tpu.memory_space<vmem>>, vector<16xf32>,
        %eq3A_728 = arith.constant 6 : i32
        %eq3A_729 = vector.broadcast %eq3A_728 : i32 to vector<16xi32>
        %eq3A_730 = arith.cmpi eq, %iota3A, %eq3A_729 : vector<16xi32>
        %mul3A_731 = arith.mulf %get3A_691, %get3A_691 : vector<16xf32>
        %mul3A_732 = arith.mulf %get3A_699, %get3A_699 : vector<16xf32>
        %add3A_733 = arith.addf %mul3A_731, %mul3A_732 : vector<16xf32>
        %reduce_sum3A_734 = arith.constant true
        %reduce_sum3A_735 = vector.broadcast %reduce_sum3A_734 : i1 to vector<16xi1>
        %reduce_sum3A_736 = tpu.scan <sum>, %add3A_733 masked %reduce_sum3A_735 : vector<16xf32>, vector<16xi1> -> vector<16xf32>
        %reduce_sum3A_737 = vector.extract %reduce_sum3A_736[15] : f32 from vector<16xf32>
        %broadcast_in_dim3A_738 = vector.broadcast %reduce_sum3A_737 : f32 to vector<16xf32>
        %select_n3A_739 = arith.select %eq3A_730, %broadcast_in_dim3A_738, %select_n3A_645 : vector<16xi1>, vector<16xf32>
        %mul3A_740 = arith.mulf %get3A_705, %get3A_705 : vector<16xf32>
        %mul3A_741 = arith.mulf %get3A_713, %get3A_713 : vector<16xf32>
        %add3A_742 = arith.addf %mul3A_740, %mul3A_741 : vector<16xf32>
        %reduce_sum3A_743 = arith.constant true
        %reduce_sum3A_744 = vector.broadcast %reduce_sum3A_743 : i1 to vector<16xi1>
        %reduce_sum3A_745 = tpu.scan <sum>, %add3A_742 masked %reduce_sum3A_744 : vector<16xf32>, vector<16xi1> -> vector<16xf32>
        %reduce_sum3A_746 = vector.extract %reduce_sum3A_745[15] : f32 from vector<16xf32>
        %broadcast_in_dim3A_747 = vector.broadcast %reduce_sum3A_746 : f32 to vector<16xf32>
        %select_n3A_748 = arith.select %eq3A_730, %broadcast_in_dim3A_747, %select_n3A_654 : vector<16xi1>, vector<16xf32>
        %mul3A_749 = arith.mulf %get3A_719, %get3A_719 : vector<16xf32>
        %mul3A_750 = arith.mulf %get3A_727, %get3A_727 : vector<16xf32>
        %add3A_751 = arith.addf %mul3A_749, %mul3A_750 : vector<16xf32>
        %reduce_sum3A_752 = arith.constant true
        %reduce_sum3A_753 = vector.broadcast %reduce_sum3A_752 : i1 to vector<16xi1>
        %reduce_sum3A_754 = tpu.scan <sum>, %add3A_751 masked %reduce_sum3A_753 : vector<16xf32>, vector<16xi1> -> vector<16xf32>
        %reduce_sum3A_755 = vector.extract %reduce_sum3A_754[15] : f32 from vector<16xf32>
        %broadcast_in_dim3A_756 = vector.broadcast %reduce_sum3A_755 : f32 to vector<16xf32>
        %select_n3A_757 = arith.select %eq3A_730, %broadcast_in_dim3A_756, %select_n3A_663 : vector<16xi1>, vector<16xf32>
        %mul3A_758 = arith.mulf %get3A_691, %get3A_705 : vector<16xf32>
        %mul3A_759 = arith.mulf %get3A_699, %get3A_713 : vector<16xf32>
        %add3A_760 = arith.addf %mul3A_758, %mul3A_759 : vector<16xf32>
        %reduce_sum3A_761 = arith.constant true
        %reduce_sum3A_762 = vector.broadcast %reduce_sum3A_761 : i1 to vector<16xi1>
        %reduce_sum3A_763 = tpu.scan <sum>, %add3A_760 masked %reduce_sum3A_762 : vector<16xf32>, vector<16xi1> -> vector<16xf32>
        %reduce_sum3A_764 = vector.extract %reduce_sum3A_763[15] : f32 from vector<16xf32>
        %broadcast_in_dim3A_765 = vector.broadcast %reduce_sum3A_764 : f32 to vector<16xf32>
        %select_n3A_766 = arith.select %eq3A_730, %broadcast_in_dim3A_765, %select_n3A_672 : vector<16xi1>, vector<16xf32>
        %mul3A_767 = arith.mulf %get3A_691, %get3A_719 : vector<16xf32>
        %mul3A_768 = arith.mulf %get3A_699, %get3A_727 : vector<16xf32>
        %add3A_769 = arith.addf %mul3A_767, %mul3A_768 : vector<16xf32>
        %reduce_sum3A_770 = arith.constant true
        %reduce_sum3A_771 = vector.broadcast %reduce_sum3A_770 : i1 to vector<16xi1>
        %reduce_sum3A_772 = tpu.scan <sum>, %add3A_769 masked %reduce_sum3A_771 : vector<16xf32>, vector<16xi1> -> vector<16xf32>
        %reduce_sum3A_773 = vector.extract %reduce_sum3A_772[15] : f32 from vector<16xf32>
        %broadcast_in_dim3A_774 = vector.broadcast %reduce_sum3A_773 : f32 to vector<16xf32>
        %select_n3A_775 = arith.select %eq3A_730, %broadcast_in_dim3A_774, %select_n3A_681 : vector<16xi1>, vector<16xf32>
        %mul3A_776 = arith.constant 16 : i32
        %mul3A_777 = arith.muli %scan3A_101, %mul3A_776 : i32
        %add3A_778 = arith.constant 7 : i32
        %add3A_779 = arith.addi %mul3A_777, %add3A_778 : i32
        %slice3A_780 = vector.extract_strided_slice %get3A_107 {offsets = [7], sizes = [1], strides = [1]} : vector<16xi32> to vector<1xi32>
        %squeeze3A_781 = vector.extract %slice3A_780[0] : i32 from vector<1xi32>
        %get3A_782 = arith.index_cast %rem3A_54 : i32 to index
        %get3A_783 = arith.index_cast %add3A_779 : i32 to index
        %get3A_784 = arith.index_cast %squeeze3A_781 : i32 to index
        %get3A_785 = tpu.vector_load %arg9[%get3A_782, %get3A_783, %get3A_784] {strides = array<i32>} : memref<2x128x128xf32, #tpu.memory_space<vmem>>, vector<16xf32>,
        %slice3A_786 = vector.extract_strided_slice %get3A_107 {offsets = [7], sizes = [1], strides = [1]} : vector<16xi32> to vector<1xi32>
        %squeeze3A_787 = vector.extract %slice3A_786[0] : i32 from vector<1xi32>
        %add3A_788 = arith.constant 16 : i32
        %add3A_789 = arith.addi %squeeze3A_787, %add3A_788 : i32
        %get3A_790 = arith.index_cast %rem3A_54 : i32 to index
        %get3A_791 = arith.index_cast %add3A_779 : i32 to index
        %get3A_792 = arith.index_cast %add3A_789 : i32 to index
        %get3A_793 = tpu.vector_load %arg9[%get3A_790, %get3A_791, %get3A_792] {strides = array<i32>} : memref<2x128x128xf32, #tpu.memory_space<vmem>>, vector<16xf32>,
        %slice3A_794 = vector.extract_strided_slice %get3A_114 {offsets = [7], sizes = [1], strides = [1]} : vector<16xi32> to vector<1xi32>
        %squeeze3A_795 = vector.extract %slice3A_794[0] : i32 from vector<1xi32>
        %get3A_796 = arith.index_cast %rem3A_54 : i32 to index
        %get3A_797 = arith.index_cast %add3A_779 : i32 to index
        %get3A_798 = arith.index_cast %squeeze3A_795 : i32 to index
        %get3A_799 = tpu.vector_load %arg10[%get3A_796, %get3A_797, %get3A_798] {strides = array<i32>} : memref<2x128x128xf32, #tpu.memory_space<vmem>>, vector<16xf32>,
        %slice3A_800 = vector.extract_strided_slice %get3A_114 {offsets = [7], sizes = [1], strides = [1]} : vector<16xi32> to vector<1xi32>
        %squeeze3A_801 = vector.extract %slice3A_800[0] : i32 from vector<1xi32>
        %add3A_802 = arith.constant 16 : i32
        %add3A_803 = arith.addi %squeeze3A_801, %add3A_802 : i32
        %get3A_804 = arith.index_cast %rem3A_54 : i32 to index
        %get3A_805 = arith.index_cast %add3A_779 : i32 to index
        %get3A_806 = arith.index_cast %add3A_803 : i32 to index
        %get3A_807 = tpu.vector_load %arg10[%get3A_804, %get3A_805, %get3A_806] {strides = array<i32>} : memref<2x128x128xf32, #tpu.memory_space<vmem>>, vector<16xf32>,
        %slice3A_808 = vector.extract_strided_slice %get3A_121 {offsets = [7], sizes = [1], strides = [1]} : vector<16xi32> to vector<1xi32>
        %squeeze3A_809 = vector.extract %slice3A_808[0] : i32 from vector<1xi32>
        %get3A_810 = arith.index_cast %rem3A_54 : i32 to index
        %get3A_811 = arith.index_cast %add3A_779 : i32 to index
        %get3A_812 = arith.index_cast %squeeze3A_809 : i32 to index
        %get3A_813 = tpu.vector_load %arg11[%get3A_810, %get3A_811, %get3A_812] {strides = array<i32>} : memref<2x128x128xf32, #tpu.memory_space<vmem>>, vector<16xf32>,
        %slice3A_814 = vector.extract_strided_slice %get3A_121 {offsets = [7], sizes = [1], strides = [1]} : vector<16xi32> to vector<1xi32>
        %squeeze3A_815 = vector.extract %slice3A_814[0] : i32 from vector<1xi32>
        %add3A_816 = arith.constant 16 : i32
        %add3A_817 = arith.addi %squeeze3A_815, %add3A_816 : i32
        %get3A_818 = arith.index_cast %rem3A_54 : i32 to index
        %get3A_819 = arith.index_cast %add3A_779 : i32 to index
        %get3A_820 = arith.index_cast %add3A_817 : i32 to index
        %get3A_821 = tpu.vector_load %arg11[%get3A_818, %get3A_819, %get3A_820] {strides = array<i32>} : memref<2x128x128xf32, #tpu.memory_space<vmem>>, vector<16xf32>,
        %eq3A_822 = arith.constant 7 : i32
        %eq3A_823 = vector.broadcast %eq3A_822 : i32 to vector<16xi32>
        %eq3A_824 = arith.cmpi eq, %iota3A, %eq3A_823 : vector<16xi32>
        %mul3A_825 = arith.mulf %get3A_785, %get3A_785 : vector<16xf32>
        %mul3A_826 = arith.mulf %get3A_793, %get3A_793 : vector<16xf32>
        %add3A_827 = arith.addf %mul3A_825, %mul3A_826 : vector<16xf32>
        %reduce_sum3A_828 = arith.constant true
        %reduce_sum3A_829 = vector.broadcast %reduce_sum3A_828 : i1 to vector<16xi1>
        %reduce_sum3A_830 = tpu.scan <sum>, %add3A_827 masked %reduce_sum3A_829 : vector<16xf32>, vector<16xi1> -> vector<16xf32>
        %reduce_sum3A_831 = vector.extract %reduce_sum3A_830[15] : f32 from vector<16xf32>
        %broadcast_in_dim3A_832 = vector.broadcast %reduce_sum3A_831 : f32 to vector<16xf32>
        %select_n3A_833 = arith.select %eq3A_824, %broadcast_in_dim3A_832, %select_n3A_739 : vector<16xi1>, vector<16xf32>
        %mul3A_834 = arith.mulf %get3A_799, %get3A_799 : vector<16xf32>
        %mul3A_835 = arith.mulf %get3A_807, %get3A_807 : vector<16xf32>
        %add3A_836 = arith.addf %mul3A_834, %mul3A_835 : vector<16xf32>
        %reduce_sum3A_837 = arith.constant true
        %reduce_sum3A_838 = vector.broadcast %reduce_sum3A_837 : i1 to vector<16xi1>
        %reduce_sum3A_839 = tpu.scan <sum>, %add3A_836 masked %reduce_sum3A_838 : vector<16xf32>, vector<16xi1> -> vector<16xf32>
        %reduce_sum3A_840 = vector.extract %reduce_sum3A_839[15] : f32 from vector<16xf32>
        %broadcast_in_dim3A_841 = vector.broadcast %reduce_sum3A_840 : f32 to vector<16xf32>
        %select_n3A_842 = arith.select %eq3A_824, %broadcast_in_dim3A_841, %select_n3A_748 : vector<16xi1>, vector<16xf32>
        %mul3A_843 = arith.mulf %get3A_813, %get3A_813 : vector<16xf32>
        %mul3A_844 = arith.mulf %get3A_821, %get3A_821 : vector<16xf32>
        %add3A_845 = arith.addf %mul3A_843, %mul3A_844 : vector<16xf32>
        %reduce_sum3A_846 = arith.constant true
        %reduce_sum3A_847 = vector.broadcast %reduce_sum3A_846 : i1 to vector<16xi1>
        %reduce_sum3A_848 = tpu.scan <sum>, %add3A_845 masked %reduce_sum3A_847 : vector<16xf32>, vector<16xi1> -> vector<16xf32>
        %reduce_sum3A_849 = vector.extract %reduce_sum3A_848[15] : f32 from vector<16xf32>
        %broadcast_in_dim3A_850 = vector.broadcast %reduce_sum3A_849 : f32 to vector<16xf32>
        %select_n3A_851 = arith.select %eq3A_824, %broadcast_in_dim3A_850, %select_n3A_757 : vector<16xi1>, vector<16xf32>
        %mul3A_852 = arith.mulf %get3A_785, %get3A_799 : vector<16xf32>
        %mul3A_853 = arith.mulf %get3A_793, %get3A_807 : vector<16xf32>
        %add3A_854 = arith.addf %mul3A_852, %mul3A_853 : vector<16xf32>
        %reduce_sum3A_855 = arith.constant true
        %reduce_sum3A_856 = vector.broadcast %reduce_sum3A_855 : i1 to vector<16xi1>
        %reduce_sum3A_857 = tpu.scan <sum>, %add3A_854 masked %reduce_sum3A_856 : vector<16xf32>, vector<16xi1> -> vector<16xf32>
        %reduce_sum3A_858 = vector.extract %reduce_sum3A_857[15] : f32 from vector<16xf32>
        %broadcast_in_dim3A_859 = vector.broadcast %reduce_sum3A_858 : f32 to vector<16xf32>
        %select_n3A_860 = arith.select %eq3A_824, %broadcast_in_dim3A_859, %select_n3A_766 : vector<16xi1>, vector<16xf32>
        %mul3A_861 = arith.mulf %get3A_785, %get3A_813 : vector<16xf32>
        %mul3A_862 = arith.mulf %get3A_793, %get3A_821 : vector<16xf32>
        %add3A_863 = arith.addf %mul3A_861, %mul3A_862 : vector<16xf32>
        %reduce_sum3A_864 = arith.constant true
        %reduce_sum3A_865 = vector.broadcast %reduce_sum3A_864 : i1 to vector<16xi1>
        %reduce_sum3A_866 = tpu.scan <sum>, %add3A_863 masked %reduce_sum3A_865 : vector<16xf32>, vector<16xi1> -> vector<16xf32>
        %reduce_sum3A_867 = vector.extract %reduce_sum3A_866[15] : f32 from vector<16xf32>
        %broadcast_in_dim3A_868 = vector.broadcast %reduce_sum3A_867 : f32 to vector<16xf32>
        %select_n3A_869 = arith.select %eq3A_824, %broadcast_in_dim3A_868, %select_n3A_775 : vector<16xi1>, vector<16xf32>
        %mul3A_870 = arith.constant 16 : i32
        %mul3A_871 = arith.muli %scan3A_101, %mul3A_870 : i32
        %add3A_872 = arith.constant 8 : i32
        %add3A_873 = arith.addi %mul3A_871, %add3A_872 : i32
        %slice3A_874 = vector.extract_strided_slice %get3A_107 {offsets = [8], sizes = [1], strides = [1]} : vector<16xi32> to vector<1xi32>
        %squeeze3A_875 = vector.extract %slice3A_874[0] : i32 from vector<1xi32>
        %get3A_876 = arith.index_cast %rem3A_54 : i32 to index
        %get3A_877 = arith.index_cast %add3A_873 : i32 to index
        %get3A_878 = arith.index_cast %squeeze3A_875 : i32 to index
        %get3A_879 = tpu.vector_load %arg9[%get3A_876, %get3A_877, %get3A_878] {strides = array<i32>} : memref<2x128x128xf32, #tpu.memory_space<vmem>>, vector<16xf32>,
        %slice3A_880 = vector.extract_strided_slice %get3A_107 {offsets = [8], sizes = [1], strides = [1]} : vector<16xi32> to vector<1xi32>
        %squeeze3A_881 = vector.extract %slice3A_880[0] : i32 from vector<1xi32>
        %add3A_882 = arith.constant 16 : i32
        %add3A_883 = arith.addi %squeeze3A_881, %add3A_882 : i32
        %get3A_884 = arith.index_cast %rem3A_54 : i32 to index
        %get3A_885 = arith.index_cast %add3A_873 : i32 to index
        %get3A_886 = arith.index_cast %add3A_883 : i32 to index
        %get3A_887 = tpu.vector_load %arg9[%get3A_884, %get3A_885, %get3A_886] {strides = array<i32>} : memref<2x128x128xf32, #tpu.memory_space<vmem>>, vector<16xf32>,
        %slice3A_888 = vector.extract_strided_slice %get3A_114 {offsets = [8], sizes = [1], strides = [1]} : vector<16xi32> to vector<1xi32>
        %squeeze3A_889 = vector.extract %slice3A_888[0] : i32 from vector<1xi32>
        %get3A_890 = arith.index_cast %rem3A_54 : i32 to index
        %get3A_891 = arith.index_cast %add3A_873 : i32 to index
        %get3A_892 = arith.index_cast %squeeze3A_889 : i32 to index
        %get3A_893 = tpu.vector_load %arg10[%get3A_890, %get3A_891, %get3A_892] {strides = array<i32>} : memref<2x128x128xf32, #tpu.memory_space<vmem>>, vector<16xf32>,
        %slice3A_894 = vector.extract_strided_slice %get3A_114 {offsets = [8], sizes = [1], strides = [1]} : vector<16xi32> to vector<1xi32>
        %squeeze3A_895 = vector.extract %slice3A_894[0] : i32 from vector<1xi32>
        %add3A_896 = arith.constant 16 : i32
        %add3A_897 = arith.addi %squeeze3A_895, %add3A_896 : i32
        %get3A_898 = arith.index_cast %rem3A_54 : i32 to index
        %get3A_899 = arith.index_cast %add3A_873 : i32 to index
        %get3A_900 = arith.index_cast %add3A_897 : i32 to index
        %get3A_901 = tpu.vector_load %arg10[%get3A_898, %get3A_899, %get3A_900] {strides = array<i32>} : memref<2x128x128xf32, #tpu.memory_space<vmem>>, vector<16xf32>,
        %slice3A_902 = vector.extract_strided_slice %get3A_121 {offsets = [8], sizes = [1], strides = [1]} : vector<16xi32> to vector<1xi32>
        %squeeze3A_903 = vector.extract %slice3A_902[0] : i32 from vector<1xi32>
        %get3A_904 = arith.index_cast %rem3A_54 : i32 to index
        %get3A_905 = arith.index_cast %add3A_873 : i32 to index
        %get3A_906 = arith.index_cast %squeeze3A_903 : i32 to index
        %get3A_907 = tpu.vector_load %arg11[%get3A_904, %get3A_905, %get3A_906] {strides = array<i32>} : memref<2x128x128xf32, #tpu.memory_space<vmem>>, vector<16xf32>,
        %slice3A_908 = vector.extract_strided_slice %get3A_121 {offsets = [8], sizes = [1], strides = [1]} : vector<16xi32> to vector<1xi32>
        %squeeze3A_909 = vector.extract %slice3A_908[0] : i32 from vector<1xi32>
        %add3A_910 = arith.constant 16 : i32
        %add3A_911 = arith.addi %squeeze3A_909, %add3A_910 : i32
        %get3A_912 = arith.index_cast %rem3A_54 : i32 to index
        %get3A_913 = arith.index_cast %add3A_873 : i32 to index
        %get3A_914 = arith.index_cast %add3A_911 : i32 to index
        %get3A_915 = tpu.vector_load %arg11[%get3A_912, %get3A_913, %get3A_914] {strides = array<i32>} : memref<2x128x128xf32, #tpu.memory_space<vmem>>, vector<16xf32>,
        %eq3A_916 = arith.constant 8 : i32
        %eq3A_917 = vector.broadcast %eq3A_916 : i32 to vector<16xi32>
        %eq3A_918 = arith.cmpi eq, %iota3A, %eq3A_917 : vector<16xi32>
        %mul3A_919 = arith.mulf %get3A_879, %get3A_879 : vector<16xf32>
        %mul3A_920 = arith.mulf %get3A_887, %get3A_887 : vector<16xf32>
        %add3A_921 = arith.addf %mul3A_919, %mul3A_920 : vector<16xf32>
        %reduce_sum3A_922 = arith.constant true
        %reduce_sum3A_923 = vector.broadcast %reduce_sum3A_922 : i1 to vector<16xi1>
        %reduce_sum3A_924 = tpu.scan <sum>, %add3A_921 masked %reduce_sum3A_923 : vector<16xf32>, vector<16xi1> -> vector<16xf32>
        %reduce_sum3A_925 = vector.extract %reduce_sum3A_924[15] : f32 from vector<16xf32>
        %broadcast_in_dim3A_926 = vector.broadcast %reduce_sum3A_925 : f32 to vector<16xf32>
        %select_n3A_927 = arith.select %eq3A_918, %broadcast_in_dim3A_926, %select_n3A_833 : vector<16xi1>, vector<16xf32>
        %mul3A_928 = arith.mulf %get3A_893, %get3A_893 : vector<16xf32>
        %mul3A_929 = arith.mulf %get3A_901, %get3A_901 : vector<16xf32>
        %add3A_930 = arith.addf %mul3A_928, %mul3A_929 : vector<16xf32>
        %reduce_sum3A_931 = arith.constant true
        %reduce_sum3A_932 = vector.broadcast %reduce_sum3A_931 : i1 to vector<16xi1>
        %reduce_sum3A_933 = tpu.scan <sum>, %add3A_930 masked %reduce_sum3A_932 : vector<16xf32>, vector<16xi1> -> vector<16xf32>
        %reduce_sum3A_934 = vector.extract %reduce_sum3A_933[15] : f32 from vector<16xf32>
        %broadcast_in_dim3A_935 = vector.broadcast %reduce_sum3A_934 : f32 to vector<16xf32>
        %select_n3A_936 = arith.select %eq3A_918, %broadcast_in_dim3A_935, %select_n3A_842 : vector<16xi1>, vector<16xf32>
        %mul3A_937 = arith.mulf %get3A_907, %get3A_907 : vector<16xf32>
        %mul3A_938 = arith.mulf %get3A_915, %get3A_915 : vector<16xf32>
        %add3A_939 = arith.addf %mul3A_937, %mul3A_938 : vector<16xf32>
        %reduce_sum3A_940 = arith.constant true
        %reduce_sum3A_941 = vector.broadcast %reduce_sum3A_940 : i1 to vector<16xi1>
        %reduce_sum3A_942 = tpu.scan <sum>, %add3A_939 masked %reduce_sum3A_941 : vector<16xf32>, vector<16xi1> -> vector<16xf32>
        %reduce_sum3A_943 = vector.extract %reduce_sum3A_942[15] : f32 from vector<16xf32>
        %broadcast_in_dim3A_944 = vector.broadcast %reduce_sum3A_943 : f32 to vector<16xf32>
        %select_n3A_945 = arith.select %eq3A_918, %broadcast_in_dim3A_944, %select_n3A_851 : vector<16xi1>, vector<16xf32>
        %mul3A_946 = arith.mulf %get3A_879, %get3A_893 : vector<16xf32>
        %mul3A_947 = arith.mulf %get3A_887, %get3A_901 : vector<16xf32>
        %add3A_948 = arith.addf %mul3A_946, %mul3A_947 : vector<16xf32>
        %reduce_sum3A_949 = arith.constant true
        %reduce_sum3A_950 = vector.broadcast %reduce_sum3A_949 : i1 to vector<16xi1>
        %reduce_sum3A_951 = tpu.scan <sum>, %add3A_948 masked %reduce_sum3A_950 : vector<16xf32>, vector<16xi1> -> vector<16xf32>
        %reduce_sum3A_952 = vector.extract %reduce_sum3A_951[15] : f32 from vector<16xf32>
        %broadcast_in_dim3A_953 = vector.broadcast %reduce_sum3A_952 : f32 to vector<16xf32>
        %select_n3A_954 = arith.select %eq3A_918, %broadcast_in_dim3A_953, %select_n3A_860 : vector<16xi1>, vector<16xf32>
        %mul3A_955 = arith.mulf %get3A_879, %get3A_907 : vector<16xf32>
        %mul3A_956 = arith.mulf %get3A_887, %get3A_915 : vector<16xf32>
        %add3A_957 = arith.addf %mul3A_955, %mul3A_956 : vector<16xf32>
        %reduce_sum3A_958 = arith.constant true
        %reduce_sum3A_959 = vector.broadcast %reduce_sum3A_958 : i1 to vector<16xi1>
        %reduce_sum3A_960 = tpu.scan <sum>, %add3A_957 masked %reduce_sum3A_959 : vector<16xf32>, vector<16xi1> -> vector<16xf32>
        %reduce_sum3A_961 = vector.extract %reduce_sum3A_960[15] : f32 from vector<16xf32>
        %broadcast_in_dim3A_962 = vector.broadcast %reduce_sum3A_961 : f32 to vector<16xf32>
        %select_n3A_963 = arith.select %eq3A_918, %broadcast_in_dim3A_962, %select_n3A_869 : vector<16xi1>, vector<16xf32>
        %mul3A_964 = arith.constant 16 : i32
        %mul3A_965 = arith.muli %scan3A_101, %mul3A_964 : i32
        %add3A_966 = arith.constant 9 : i32
        %add3A_967 = arith.addi %mul3A_965, %add3A_966 : i32
        %slice3A_968 = vector.extract_strided_slice %get3A_107 {offsets = [9], sizes = [1], strides = [1]} : vector<16xi32> to vector<1xi32>
        %squeeze3A_969 = vector.extract %slice3A_968[0] : i32 from vector<1xi32>
        %get3A_970 = arith.index_cast %rem3A_54 : i32 to index
        %get3A_971 = arith.index_cast %add3A_967 : i32 to index
        %get3A_972 = arith.index_cast %squeeze3A_969 : i32 to index
        %get3A_973 = tpu.vector_load %arg9[%get3A_970, %get3A_971, %get3A_972] {strides = array<i32>} : memref<2x128x128xf32, #tpu.memory_space<vmem>>, vector<16xf32>,
        %slice3A_974 = vector.extract_strided_slice %get3A_107 {offsets = [9], sizes = [1], strides = [1]} : vector<16xi32> to vector<1xi32>
        %squeeze3A_975 = vector.extract %slice3A_974[0] : i32 from vector<1xi32>
        %add3A_976 = arith.constant 16 : i32
        %add3A_977 = arith.addi %squeeze3A_975, %add3A_976 : i32
        %get3A_978 = arith.index_cast %rem3A_54 : i32 to index
        %get3A_979 = arith.index_cast %add3A_967 : i32 to index
        %get3A_980 = arith.index_cast %add3A_977 : i32 to index
        %get3A_981 = tpu.vector_load %arg9[%get3A_978, %get3A_979, %get3A_980] {strides = array<i32>} : memref<2x128x128xf32, #tpu.memory_space<vmem>>, vector<16xf32>,
        %slice3A_982 = vector.extract_strided_slice %get3A_114 {offsets = [9], sizes = [1], strides = [1]} : vector<16xi32> to vector<1xi32>
        %squeeze3A_983 = vector.extract %slice3A_982[0] : i32 from vector<1xi32>
        %get3A_984 = arith.index_cast %rem3A_54 : i32 to index
        %get3A_985 = arith.index_cast %add3A_967 : i32 to index
        %get3A_986 = arith.index_cast %squeeze3A_983 : i32 to index
        %get3A_987 = tpu.vector_load %arg10[%get3A_984, %get3A_985, %get3A_986] {strides = array<i32>} : memref<2x128x128xf32, #tpu.memory_space<vmem>>, vector<16xf32>,
        %slice3A_988 = vector.extract_strided_slice %get3A_114 {offsets = [9], sizes = [1], strides = [1]} : vector<16xi32> to vector<1xi32>
        %squeeze3A_989 = vector.extract %slice3A_988[0] : i32 from vector<1xi32>
        %add3A_990 = arith.constant 16 : i32
        %add3A_991 = arith.addi %squeeze3A_989, %add3A_990 : i32
        %get3A_992 = arith.index_cast %rem3A_54 : i32 to index
        %get3A_993 = arith.index_cast %add3A_967 : i32 to index
        %get3A_994 = arith.index_cast %add3A_991 : i32 to index
        %get3A_995 = tpu.vector_load %arg10[%get3A_992, %get3A_993, %get3A_994] {strides = array<i32>} : memref<2x128x128xf32, #tpu.memory_space<vmem>>, vector<16xf32>,
        %slice3A_996 = vector.extract_strided_slice %get3A_121 {offsets = [9], sizes = [1], strides = [1]} : vector<16xi32> to vector<1xi32>
        %squeeze3A_997 = vector.extract %slice3A_996[0] : i32 from vector<1xi32>
        %get3A_998 = arith.index_cast %rem3A_54 : i32 to index
        %get3A_999 = arith.index_cast %add3A_967 : i32 to index
        %get3A_1000 = arith.index_cast %squeeze3A_997 : i32 to index
        %get3A_1001 = tpu.vector_load %arg11[%get3A_998, %get3A_999, %get3A_1000] {strides = array<i32>} : memref<2x128x128xf32, #tpu.memory_space<vmem>>, vector<16xf32>,
        %slice3A_1002 = vector.extract_strided_slice %get3A_121 {offsets = [9], sizes = [1], strides = [1]} : vector<16xi32> to vector<1xi32>
        %squeeze3A_1003 = vector.extract %slice3A_1002[0] : i32 from vector<1xi32>
        %add3A_1004 = arith.constant 16 : i32
        %add3A_1005 = arith.addi %squeeze3A_1003, %add3A_1004 : i32
        %get3A_1006 = arith.index_cast %rem3A_54 : i32 to index
        %get3A_1007 = arith.index_cast %add3A_967 : i32 to index
        %get3A_1008 = arith.index_cast %add3A_1005 : i32 to index
        %get3A_1009 = tpu.vector_load %arg11[%get3A_1006, %get3A_1007, %get3A_1008] {strides = array<i32>} : memref<2x128x128xf32, #tpu.memory_space<vmem>>, vector<16xf32>,
        %eq3A_1010 = arith.constant 9 : i32
        %eq3A_1011 = vector.broadcast %eq3A_1010 : i32 to vector<16xi32>
        %eq3A_1012 = arith.cmpi eq, %iota3A, %eq3A_1011 : vector<16xi32>
        %mul3A_1013 = arith.mulf %get3A_973, %get3A_973 : vector<16xf32>
        %mul3A_1014 = arith.mulf %get3A_981, %get3A_981 : vector<16xf32>
        %add3A_1015 = arith.addf %mul3A_1013, %mul3A_1014 : vector<16xf32>
        %reduce_sum3A_1016 = arith.constant true
        %reduce_sum3A_1017 = vector.broadcast %reduce_sum3A_1016 : i1 to vector<16xi1>
        %reduce_sum3A_1018 = tpu.scan <sum>, %add3A_1015 masked %reduce_sum3A_1017 : vector<16xf32>, vector<16xi1> -> vector<16xf32>
        %reduce_sum3A_1019 = vector.extract %reduce_sum3A_1018[15] : f32 from vector<16xf32>
        %broadcast_in_dim3A_1020 = vector.broadcast %reduce_sum3A_1019 : f32 to vector<16xf32>
        %select_n3A_1021 = arith.select %eq3A_1012, %broadcast_in_dim3A_1020, %select_n3A_927 : vector<16xi1>, vector<16xf32>
        %mul3A_1022 = arith.mulf %get3A_987, %get3A_987 : vector<16xf32>
        %mul3A_1023 = arith.mulf %get3A_995, %get3A_995 : vector<16xf32>
        %add3A_1024 = arith.addf %mul3A_1022, %mul3A_1023 : vector<16xf32>
        %reduce_sum3A_1025 = arith.constant true
        %reduce_sum3A_1026 = vector.broadcast %reduce_sum3A_1025 : i1 to vector<16xi1>
        %reduce_sum3A_1027 = tpu.scan <sum>, %add3A_1024 masked %reduce_sum3A_1026 : vector<16xf32>, vector<16xi1> -> vector<16xf32>
        %reduce_sum3A_1028 = vector.extract %reduce_sum3A_1027[15] : f32 from vector<16xf32>
        %broadcast_in_dim3A_1029 = vector.broadcast %reduce_sum3A_1028 : f32 to vector<16xf32>
        %select_n3A_1030 = arith.select %eq3A_1012, %broadcast_in_dim3A_1029, %select_n3A_936 : vector<16xi1>, vector<16xf32>
        %mul3A_1031 = arith.mulf %get3A_1001, %get3A_1001 : vector<16xf32>
        %mul3A_1032 = arith.mulf %get3A_1009, %get3A_1009 : vector<16xf32>
        %add3A_1033 = arith.addf %mul3A_1031, %mul3A_1032 : vector<16xf32>
        %reduce_sum3A_1034 = arith.constant true
        %reduce_sum3A_1035 = vector.broadcast %reduce_sum3A_1034 : i1 to vector<16xi1>
        %reduce_sum3A_1036 = tpu.scan <sum>, %add3A_1033 masked %reduce_sum3A_1035 : vector<16xf32>, vector<16xi1> -> vector<16xf32>
        %reduce_sum3A_1037 = vector.extract %reduce_sum3A_1036[15] : f32 from vector<16xf32>
        %broadcast_in_dim3A_1038 = vector.broadcast %reduce_sum3A_1037 : f32 to vector<16xf32>
        %select_n3A_1039 = arith.select %eq3A_1012, %broadcast_in_dim3A_1038, %select_n3A_945 : vector<16xi1>, vector<16xf32>
        %mul3A_1040 = arith.mulf %get3A_973, %get3A_987 : vector<16xf32>
        %mul3A_1041 = arith.mulf %get3A_981, %get3A_995 : vector<16xf32>
        %add3A_1042 = arith.addf %mul3A_1040, %mul3A_1041 : vector<16xf32>
        %reduce_sum3A_1043 = arith.constant true
        %reduce_sum3A_1044 = vector.broadcast %reduce_sum3A_1043 : i1 to vector<16xi1>
        %reduce_sum3A_1045 = tpu.scan <sum>, %add3A_1042 masked %reduce_sum3A_1044 : vector<16xf32>, vector<16xi1> -> vector<16xf32>
        %reduce_sum3A_1046 = vector.extract %reduce_sum3A_1045[15] : f32 from vector<16xf32>
        %broadcast_in_dim3A_1047 = vector.broadcast %reduce_sum3A_1046 : f32 to vector<16xf32>
        %select_n3A_1048 = arith.select %eq3A_1012, %broadcast_in_dim3A_1047, %select_n3A_954 : vector<16xi1>, vector<16xf32>
        %mul3A_1049 = arith.mulf %get3A_973, %get3A_1001 : vector<16xf32>
        %mul3A_1050 = arith.mulf %get3A_981, %get3A_1009 : vector<16xf32>
        %add3A_1051 = arith.addf %mul3A_1049, %mul3A_1050 : vector<16xf32>
        %reduce_sum3A_1052 = arith.constant true
        %reduce_sum3A_1053 = vector.broadcast %reduce_sum3A_1052 : i1 to vector<16xi1>
        %reduce_sum3A_1054 = tpu.scan <sum>, %add3A_1051 masked %reduce_sum3A_1053 : vector<16xf32>, vector<16xi1> -> vector<16xf32>
        %reduce_sum3A_1055 = vector.extract %reduce_sum3A_1054[15] : f32 from vector<16xf32>
        %broadcast_in_dim3A_1056 = vector.broadcast %reduce_sum3A_1055 : f32 to vector<16xf32>
        %select_n3A_1057 = arith.select %eq3A_1012, %broadcast_in_dim3A_1056, %select_n3A_963 : vector<16xi1>, vector<16xf32>
        %mul3A_1058 = arith.constant 16 : i32
        %mul3A_1059 = arith.muli %scan3A_101, %mul3A_1058 : i32
        %add3A_1060 = arith.constant 10 : i32
        %add3A_1061 = arith.addi %mul3A_1059, %add3A_1060 : i32
        %slice3A_1062 = vector.extract_strided_slice %get3A_107 {offsets = [10], sizes = [1], strides = [1]} : vector<16xi32> to vector<1xi32>
        %squeeze3A_1063 = vector.extract %slice3A_1062[0] : i32 from vector<1xi32>
        %get3A_1064 = arith.index_cast %rem3A_54 : i32 to index
        %get3A_1065 = arith.index_cast %add3A_1061 : i32 to index
        %get3A_1066 = arith.index_cast %squeeze3A_1063 : i32 to index
        %get3A_1067 = tpu.vector_load %arg9[%get3A_1064, %get3A_1065, %get3A_1066] {strides = array<i32>} : memref<2x128x128xf32, #tpu.memory_space<vmem>>, vector<16xf32>,
        %slice3A_1068 = vector.extract_strided_slice %get3A_107 {offsets = [10], sizes = [1], strides = [1]} : vector<16xi32> to vector<1xi32>
        %squeeze3A_1069 = vector.extract %slice3A_1068[0] : i32 from vector<1xi32>
        %add3A_1070 = arith.constant 16 : i32
        %add3A_1071 = arith.addi %squeeze3A_1069, %add3A_1070 : i32
        %get3A_1072 = arith.index_cast %rem3A_54 : i32 to index
        %get3A_1073 = arith.index_cast %add3A_1061 : i32 to index
        %get3A_1074 = arith.index_cast %add3A_1071 : i32 to index
        %get3A_1075 = tpu.vector_load %arg9[%get3A_1072, %get3A_1073, %get3A_1074] {strides = array<i32>} : memref<2x128x128xf32, #tpu.memory_space<vmem>>, vector<16xf32>,
        %slice3A_1076 = vector.extract_strided_slice %get3A_114 {offsets = [10], sizes = [1], strides = [1]} : vector<16xi32> to vector<1xi32>
        %squeeze3A_1077 = vector.extract %slice3A_1076[0] : i32 from vector<1xi32>
        %get3A_1078 = arith.index_cast %rem3A_54 : i32 to index
        %get3A_1079 = arith.index_cast %add3A_1061 : i32 to index
        %get3A_1080 = arith.index_cast %squeeze3A_1077 : i32 to index
        %get3A_1081 = tpu.vector_load %arg10[%get3A_1078, %get3A_1079, %get3A_1080] {strides = array<i32>} : memref<2x128x128xf32, #tpu.memory_space<vmem>>, vector<16xf32>,
        %slice3A_1082 = vector.extract_strided_slice %get3A_114 {offsets = [10], sizes = [1], strides = [1]} : vector<16xi32> to vector<1xi32>
        %squeeze3A_1083 = vector.extract %slice3A_1082[0] : i32 from vector<1xi32>
        %add3A_1084 = arith.constant 16 : i32
        %add3A_1085 = arith.addi %squeeze3A_1083, %add3A_1084 : i32
        %get3A_1086 = arith.index_cast %rem3A_54 : i32 to index
        %get3A_1087 = arith.index_cast %add3A_1061 : i32 to index
        %get3A_1088 = arith.index_cast %add3A_1085 : i32 to index
        %get3A_1089 = tpu.vector_load %arg10[%get3A_1086, %get3A_1087, %get3A_1088] {strides = array<i32>} : memref<2x128x128xf32, #tpu.memory_space<vmem>>, vector<16xf32>,
        %slice3A_1090 = vector.extract_strided_slice %get3A_121 {offsets = [10], sizes = [1], strides = [1]} : vector<16xi32> to vector<1xi32>
        %squeeze3A_1091 = vector.extract %slice3A_1090[0] : i32 from vector<1xi32>
        %get3A_1092 = arith.index_cast %rem3A_54 : i32 to index
        %get3A_1093 = arith.index_cast %add3A_1061 : i32 to index
        %get3A_1094 = arith.index_cast %squeeze3A_1091 : i32 to index
        %get3A_1095 = tpu.vector_load %arg11[%get3A_1092, %get3A_1093, %get3A_1094] {strides = array<i32>} : memref<2x128x128xf32, #tpu.memory_space<vmem>>, vector<16xf32>,
        %slice3A_1096 = vector.extract_strided_slice %get3A_121 {offsets = [10], sizes = [1], strides = [1]} : vector<16xi32> to vector<1xi32>
        %squeeze3A_1097 = vector.extract %slice3A_1096[0] : i32 from vector<1xi32>
        %add3A_1098 = arith.constant 16 : i32
        %add3A_1099 = arith.addi %squeeze3A_1097, %add3A_1098 : i32
        %get3A_1100 = arith.index_cast %rem3A_54 : i32 to index
        %get3A_1101 = arith.index_cast %add3A_1061 : i32 to index
        %get3A_1102 = arith.index_cast %add3A_1099 : i32 to index
        %get3A_1103 = tpu.vector_load %arg11[%get3A_1100, %get3A_1101, %get3A_1102] {strides = array<i32>} : memref<2x128x128xf32, #tpu.memory_space<vmem>>, vector<16xf32>,
        %eq3A_1104 = arith.constant 10 : i32
        %eq3A_1105 = vector.broadcast %eq3A_1104 : i32 to vector<16xi32>
        %eq3A_1106 = arith.cmpi eq, %iota3A, %eq3A_1105 : vector<16xi32>
        %mul3A_1107 = arith.mulf %get3A_1067, %get3A_1067 : vector<16xf32>
        %mul3A_1108 = arith.mulf %get3A_1075, %get3A_1075 : vector<16xf32>
        %add3A_1109 = arith.addf %mul3A_1107, %mul3A_1108 : vector<16xf32>
        %reduce_sum3A_1110 = arith.constant true
        %reduce_sum3A_1111 = vector.broadcast %reduce_sum3A_1110 : i1 to vector<16xi1>
        %reduce_sum3A_1112 = tpu.scan <sum>, %add3A_1109 masked %reduce_sum3A_1111 : vector<16xf32>, vector<16xi1> -> vector<16xf32>
        %reduce_sum3A_1113 = vector.extract %reduce_sum3A_1112[15] : f32 from vector<16xf32>
        %broadcast_in_dim3A_1114 = vector.broadcast %reduce_sum3A_1113 : f32 to vector<16xf32>
        %select_n3A_1115 = arith.select %eq3A_1106, %broadcast_in_dim3A_1114, %select_n3A_1021 : vector<16xi1>, vector<16xf32>
        %mul3A_1116 = arith.mulf %get3A_1081, %get3A_1081 : vector<16xf32>
        %mul3A_1117 = arith.mulf %get3A_1089, %get3A_1089 : vector<16xf32>
        %add3A_1118 = arith.addf %mul3A_1116, %mul3A_1117 : vector<16xf32>
        %reduce_sum3A_1119 = arith.constant true
        %reduce_sum3A_1120 = vector.broadcast %reduce_sum3A_1119 : i1 to vector<16xi1>
        %reduce_sum3A_1121 = tpu.scan <sum>, %add3A_1118 masked %reduce_sum3A_1120 : vector<16xf32>, vector<16xi1> -> vector<16xf32>
        %reduce_sum3A_1122 = vector.extract %reduce_sum3A_1121[15] : f32 from vector<16xf32>
        %broadcast_in_dim3A_1123 = vector.broadcast %reduce_sum3A_1122 : f32 to vector<16xf32>
        %select_n3A_1124 = arith.select %eq3A_1106, %broadcast_in_dim3A_1123, %select_n3A_1030 : vector<16xi1>, vector<16xf32>
        %mul3A_1125 = arith.mulf %get3A_1095, %get3A_1095 : vector<16xf32>
        %mul3A_1126 = arith.mulf %get3A_1103, %get3A_1103 : vector<16xf32>
        %add3A_1127 = arith.addf %mul3A_1125, %mul3A_1126 : vector<16xf32>
        %reduce_sum3A_1128 = arith.constant true
        %reduce_sum3A_1129 = vector.broadcast %reduce_sum3A_1128 : i1 to vector<16xi1>
        %reduce_sum3A_1130 = tpu.scan <sum>, %add3A_1127 masked %reduce_sum3A_1129 : vector<16xf32>, vector<16xi1> -> vector<16xf32>
        %reduce_sum3A_1131 = vector.extract %reduce_sum3A_1130[15] : f32 from vector<16xf32>
        %broadcast_in_dim3A_1132 = vector.broadcast %reduce_sum3A_1131 : f32 to vector<16xf32>
        %select_n3A_1133 = arith.select %eq3A_1106, %broadcast_in_dim3A_1132, %select_n3A_1039 : vector<16xi1>, vector<16xf32>
        %mul3A_1134 = arith.mulf %get3A_1067, %get3A_1081 : vector<16xf32>
        %mul3A_1135 = arith.mulf %get3A_1075, %get3A_1089 : vector<16xf32>
        %add3A_1136 = arith.addf %mul3A_1134, %mul3A_1135 : vector<16xf32>
        %reduce_sum3A_1137 = arith.constant true
        %reduce_sum3A_1138 = vector.broadcast %reduce_sum3A_1137 : i1 to vector<16xi1>
        %reduce_sum3A_1139 = tpu.scan <sum>, %add3A_1136 masked %reduce_sum3A_1138 : vector<16xf32>, vector<16xi1> -> vector<16xf32>
        %reduce_sum3A_1140 = vector.extract %reduce_sum3A_1139[15] : f32 from vector<16xf32>
        %broadcast_in_dim3A_1141 = vector.broadcast %reduce_sum3A_1140 : f32 to vector<16xf32>
        %select_n3A_1142 = arith.select %eq3A_1106, %broadcast_in_dim3A_1141, %select_n3A_1048 : vector<16xi1>, vector<16xf32>
        %mul3A_1143 = arith.mulf %get3A_1067, %get3A_1095 : vector<16xf32>
        %mul3A_1144 = arith.mulf %get3A_1075, %get3A_1103 : vector<16xf32>
        %add3A_1145 = arith.addf %mul3A_1143, %mul3A_1144 : vector<16xf32>
        %reduce_sum3A_1146 = arith.constant true
        %reduce_sum3A_1147 = vector.broadcast %reduce_sum3A_1146 : i1 to vector<16xi1>
        %reduce_sum3A_1148 = tpu.scan <sum>, %add3A_1145 masked %reduce_sum3A_1147 : vector<16xf32>, vector<16xi1> -> vector<16xf32>
        %reduce_sum3A_1149 = vector.extract %reduce_sum3A_1148[15] : f32 from vector<16xf32>
        %broadcast_in_dim3A_1150 = vector.broadcast %reduce_sum3A_1149 : f32 to vector<16xf32>
        %select_n3A_1151 = arith.select %eq3A_1106, %broadcast_in_dim3A_1150, %select_n3A_1057 : vector<16xi1>, vector<16xf32>
        %mul3A_1152 = arith.constant 16 : i32
        %mul3A_1153 = arith.muli %scan3A_101, %mul3A_1152 : i32
        %add3A_1154 = arith.constant 11 : i32
        %add3A_1155 = arith.addi %mul3A_1153, %add3A_1154 : i32
        %slice3A_1156 = vector.extract_strided_slice %get3A_107 {offsets = [11], sizes = [1], strides = [1]} : vector<16xi32> to vector<1xi32>
        %squeeze3A_1157 = vector.extract %slice3A_1156[0] : i32 from vector<1xi32>
        %get3A_1158 = arith.index_cast %rem3A_54 : i32 to index
        %get3A_1159 = arith.index_cast %add3A_1155 : i32 to index
        %get3A_1160 = arith.index_cast %squeeze3A_1157 : i32 to index
        %get3A_1161 = tpu.vector_load %arg9[%get3A_1158, %get3A_1159, %get3A_1160] {strides = array<i32>} : memref<2x128x128xf32, #tpu.memory_space<vmem>>, vector<16xf32>,
        %slice3A_1162 = vector.extract_strided_slice %get3A_107 {offsets = [11], sizes = [1], strides = [1]} : vector<16xi32> to vector<1xi32>
        %squeeze3A_1163 = vector.extract %slice3A_1162[0] : i32 from vector<1xi32>
        %add3A_1164 = arith.constant 16 : i32
        %add3A_1165 = arith.addi %squeeze3A_1163, %add3A_1164 : i32
        %get3A_1166 = arith.index_cast %rem3A_54 : i32 to index
        %get3A_1167 = arith.index_cast %add3A_1155 : i32 to index
        %get3A_1168 = arith.index_cast %add3A_1165 : i32 to index
        %get3A_1169 = tpu.vector_load %arg9[%get3A_1166, %get3A_1167, %get3A_1168] {strides = array<i32>} : memref<2x128x128xf32, #tpu.memory_space<vmem>>, vector<16xf32>,
        %slice3A_1170 = vector.extract_strided_slice %get3A_114 {offsets = [11], sizes = [1], strides = [1]} : vector<16xi32> to vector<1xi32>
        %squeeze3A_1171 = vector.extract %slice3A_1170[0] : i32 from vector<1xi32>
        %get3A_1172 = arith.index_cast %rem3A_54 : i32 to index
        %get3A_1173 = arith.index_cast %add3A_1155 : i32 to index
        %get3A_1174 = arith.index_cast %squeeze3A_1171 : i32 to index
        %get3A_1175 = tpu.vector_load %arg10[%get3A_1172, %get3A_1173, %get3A_1174] {strides = array<i32>} : memref<2x128x128xf32, #tpu.memory_space<vmem>>, vector<16xf32>,
        %slice3A_1176 = vector.extract_strided_slice %get3A_114 {offsets = [11], sizes = [1], strides = [1]} : vector<16xi32> to vector<1xi32>
        %squeeze3A_1177 = vector.extract %slice3A_1176[0] : i32 from vector<1xi32>
        %add3A_1178 = arith.constant 16 : i32
        %add3A_1179 = arith.addi %squeeze3A_1177, %add3A_1178 : i32
        %get3A_1180 = arith.index_cast %rem3A_54 : i32 to index
        %get3A_1181 = arith.index_cast %add3A_1155 : i32 to index
        %get3A_1182 = arith.index_cast %add3A_1179 : i32 to index
        %get3A_1183 = tpu.vector_load %arg10[%get3A_1180, %get3A_1181, %get3A_1182] {strides = array<i32>} : memref<2x128x128xf32, #tpu.memory_space<vmem>>, vector<16xf32>,
        %slice3A_1184 = vector.extract_strided_slice %get3A_121 {offsets = [11], sizes = [1], strides = [1]} : vector<16xi32> to vector<1xi32>
        %squeeze3A_1185 = vector.extract %slice3A_1184[0] : i32 from vector<1xi32>
        %get3A_1186 = arith.index_cast %rem3A_54 : i32 to index
        %get3A_1187 = arith.index_cast %add3A_1155 : i32 to index
        %get3A_1188 = arith.index_cast %squeeze3A_1185 : i32 to index
        %get3A_1189 = tpu.vector_load %arg11[%get3A_1186, %get3A_1187, %get3A_1188] {strides = array<i32>} : memref<2x128x128xf32, #tpu.memory_space<vmem>>, vector<16xf32>,
        %slice3A_1190 = vector.extract_strided_slice %get3A_121 {offsets = [11], sizes = [1], strides = [1]} : vector<16xi32> to vector<1xi32>
        %squeeze3A_1191 = vector.extract %slice3A_1190[0] : i32 from vector<1xi32>
        %add3A_1192 = arith.constant 16 : i32
        %add3A_1193 = arith.addi %squeeze3A_1191, %add3A_1192 : i32
        %get3A_1194 = arith.index_cast %rem3A_54 : i32 to index
        %get3A_1195 = arith.index_cast %add3A_1155 : i32 to index
        %get3A_1196 = arith.index_cast %add3A_1193 : i32 to index
        %get3A_1197 = tpu.vector_load %arg11[%get3A_1194, %get3A_1195, %get3A_1196] {strides = array<i32>} : memref<2x128x128xf32, #tpu.memory_space<vmem>>, vector<16xf32>,
        %eq3A_1198 = arith.constant 11 : i32
        %eq3A_1199 = vector.broadcast %eq3A_1198 : i32 to vector<16xi32>
        %eq3A_1200 = arith.cmpi eq, %iota3A, %eq3A_1199 : vector<16xi32>
        %mul3A_1201 = arith.mulf %get3A_1161, %get3A_1161 : vector<16xf32>
        %mul3A_1202 = arith.mulf %get3A_1169, %get3A_1169 : vector<16xf32>
        %add3A_1203 = arith.addf %mul3A_1201, %mul3A_1202 : vector<16xf32>
        %reduce_sum3A_1204 = arith.constant true
        %reduce_sum3A_1205 = vector.broadcast %reduce_sum3A_1204 : i1 to vector<16xi1>
        %reduce_sum3A_1206 = tpu.scan <sum>, %add3A_1203 masked %reduce_sum3A_1205 : vector<16xf32>, vector<16xi1> -> vector<16xf32>
        %reduce_sum3A_1207 = vector.extract %reduce_sum3A_1206[15] : f32 from vector<16xf32>
        %broadcast_in_dim3A_1208 = vector.broadcast %reduce_sum3A_1207 : f32 to vector<16xf32>
        %select_n3A_1209 = arith.select %eq3A_1200, %broadcast_in_dim3A_1208, %select_n3A_1115 : vector<16xi1>, vector<16xf32>
        %mul3A_1210 = arith.mulf %get3A_1175, %get3A_1175 : vector<16xf32>
        %mul3A_1211 = arith.mulf %get3A_1183, %get3A_1183 : vector<16xf32>
        %add3A_1212 = arith.addf %mul3A_1210, %mul3A_1211 : vector<16xf32>
        %reduce_sum3A_1213 = arith.constant true
        %reduce_sum3A_1214 = vector.broadcast %reduce_sum3A_1213 : i1 to vector<16xi1>
        %reduce_sum3A_1215 = tpu.scan <sum>, %add3A_1212 masked %reduce_sum3A_1214 : vector<16xf32>, vector<16xi1> -> vector<16xf32>
        %reduce_sum3A_1216 = vector.extract %reduce_sum3A_1215[15] : f32 from vector<16xf32>
        %broadcast_in_dim3A_1217 = vector.broadcast %reduce_sum3A_1216 : f32 to vector<16xf32>
        %select_n3A_1218 = arith.select %eq3A_1200, %broadcast_in_dim3A_1217, %select_n3A_1124 : vector<16xi1>, vector<16xf32>
        %mul3A_1219 = arith.mulf %get3A_1189, %get3A_1189 : vector<16xf32>
        %mul3A_1220 = arith.mulf %get3A_1197, %get3A_1197 : vector<16xf32>
        %add3A_1221 = arith.addf %mul3A_1219, %mul3A_1220 : vector<16xf32>
        %reduce_sum3A_1222 = arith.constant true
        %reduce_sum3A_1223 = vector.broadcast %reduce_sum3A_1222 : i1 to vector<16xi1>
        %reduce_sum3A_1224 = tpu.scan <sum>, %add3A_1221 masked %reduce_sum3A_1223 : vector<16xf32>, vector<16xi1> -> vector<16xf32>
        %reduce_sum3A_1225 = vector.extract %reduce_sum3A_1224[15] : f32 from vector<16xf32>
        %broadcast_in_dim3A_1226 = vector.broadcast %reduce_sum3A_1225 : f32 to vector<16xf32>
        %select_n3A_1227 = arith.select %eq3A_1200, %broadcast_in_dim3A_1226, %select_n3A_1133 : vector<16xi1>, vector<16xf32>
        %mul3A_1228 = arith.mulf %get3A_1161, %get3A_1175 : vector<16xf32>
        %mul3A_1229 = arith.mulf %get3A_1169, %get3A_1183 : vector<16xf32>
        %add3A_1230 = arith.addf %mul3A_1228, %mul3A_1229 : vector<16xf32>
        %reduce_sum3A_1231 = arith.constant true
        %reduce_sum3A_1232 = vector.broadcast %reduce_sum3A_1231 : i1 to vector<16xi1>
        %reduce_sum3A_1233 = tpu.scan <sum>, %add3A_1230 masked %reduce_sum3A_1232 : vector<16xf32>, vector<16xi1> -> vector<16xf32>
        %reduce_sum3A_1234 = vector.extract %reduce_sum3A_1233[15] : f32 from vector<16xf32>
        %broadcast_in_dim3A_1235 = vector.broadcast %reduce_sum3A_1234 : f32 to vector<16xf32>
        %select_n3A_1236 = arith.select %eq3A_1200, %broadcast_in_dim3A_1235, %select_n3A_1142 : vector<16xi1>, vector<16xf32>
        %mul3A_1237 = arith.mulf %get3A_1161, %get3A_1189 : vector<16xf32>
        %mul3A_1238 = arith.mulf %get3A_1169, %get3A_1197 : vector<16xf32>
        %add3A_1239 = arith.addf %mul3A_1237, %mul3A_1238 : vector<16xf32>
        %reduce_sum3A_1240 = arith.constant true
        %reduce_sum3A_1241 = vector.broadcast %reduce_sum3A_1240 : i1 to vector<16xi1>
        %reduce_sum3A_1242 = tpu.scan <sum>, %add3A_1239 masked %reduce_sum3A_1241 : vector<16xf32>, vector<16xi1> -> vector<16xf32>
        %reduce_sum3A_1243 = vector.extract %reduce_sum3A_1242[15] : f32 from vector<16xf32>
        %broadcast_in_dim3A_1244 = vector.broadcast %reduce_sum3A_1243 : f32 to vector<16xf32>
        %select_n3A_1245 = arith.select %eq3A_1200, %broadcast_in_dim3A_1244, %select_n3A_1151 : vector<16xi1>, vector<16xf32>
        %mul3A_1246 = arith.constant 16 : i32
        %mul3A_1247 = arith.muli %scan3A_101, %mul3A_1246 : i32
        %add3A_1248 = arith.constant 12 : i32
        %add3A_1249 = arith.addi %mul3A_1247, %add3A_1248 : i32
        %slice3A_1250 = vector.extract_strided_slice %get3A_107 {offsets = [12], sizes = [1], strides = [1]} : vector<16xi32> to vector<1xi32>
        %squeeze3A_1251 = vector.extract %slice3A_1250[0] : i32 from vector<1xi32>
        %get3A_1252 = arith.index_cast %rem3A_54 : i32 to index
        %get3A_1253 = arith.index_cast %add3A_1249 : i32 to index
        %get3A_1254 = arith.index_cast %squeeze3A_1251 : i32 to index
        %get3A_1255 = tpu.vector_load %arg9[%get3A_1252, %get3A_1253, %get3A_1254] {strides = array<i32>} : memref<2x128x128xf32, #tpu.memory_space<vmem>>, vector<16xf32>,
        %slice3A_1256 = vector.extract_strided_slice %get3A_107 {offsets = [12], sizes = [1], strides = [1]} : vector<16xi32> to vector<1xi32>
        %squeeze3A_1257 = vector.extract %slice3A_1256[0] : i32 from vector<1xi32>
        %add3A_1258 = arith.constant 16 : i32
        %add3A_1259 = arith.addi %squeeze3A_1257, %add3A_1258 : i32
        %get3A_1260 = arith.index_cast %rem3A_54 : i32 to index
        %get3A_1261 = arith.index_cast %add3A_1249 : i32 to index
        %get3A_1262 = arith.index_cast %add3A_1259 : i32 to index
        %get3A_1263 = tpu.vector_load %arg9[%get3A_1260, %get3A_1261, %get3A_1262] {strides = array<i32>} : memref<2x128x128xf32, #tpu.memory_space<vmem>>, vector<16xf32>,
        %slice3A_1264 = vector.extract_strided_slice %get3A_114 {offsets = [12], sizes = [1], strides = [1]} : vector<16xi32> to vector<1xi32>
        %squeeze3A_1265 = vector.extract %slice3A_1264[0] : i32 from vector<1xi32>
        %get3A_1266 = arith.index_cast %rem3A_54 : i32 to index
        %get3A_1267 = arith.index_cast %add3A_1249 : i32 to index
        %get3A_1268 = arith.index_cast %squeeze3A_1265 : i32 to index
        %get3A_1269 = tpu.vector_load %arg10[%get3A_1266, %get3A_1267, %get3A_1268] {strides = array<i32>} : memref<2x128x128xf32, #tpu.memory_space<vmem>>, vector<16xf32>,
        %slice3A_1270 = vector.extract_strided_slice %get3A_114 {offsets = [12], sizes = [1], strides = [1]} : vector<16xi32> to vector<1xi32>
        %squeeze3A_1271 = vector.extract %slice3A_1270[0] : i32 from vector<1xi32>
        %add3A_1272 = arith.constant 16 : i32
        %add3A_1273 = arith.addi %squeeze3A_1271, %add3A_1272 : i32
        %get3A_1274 = arith.index_cast %rem3A_54 : i32 to index
        %get3A_1275 = arith.index_cast %add3A_1249 : i32 to index
        %get3A_1276 = arith.index_cast %add3A_1273 : i32 to index
        %get3A_1277 = tpu.vector_load %arg10[%get3A_1274, %get3A_1275, %get3A_1276] {strides = array<i32>} : memref<2x128x128xf32, #tpu.memory_space<vmem>>, vector<16xf32>,
        %slice3A_1278 = vector.extract_strided_slice %get3A_121 {offsets = [12], sizes = [1], strides = [1]} : vector<16xi32> to vector<1xi32>
        %squeeze3A_1279 = vector.extract %slice3A_1278[0] : i32 from vector<1xi32>
        %get3A_1280 = arith.index_cast %rem3A_54 : i32 to index
        %get3A_1281 = arith.index_cast %add3A_1249 : i32 to index
        %get3A_1282 = arith.index_cast %squeeze3A_1279 : i32 to index
        %get3A_1283 = tpu.vector_load %arg11[%get3A_1280, %get3A_1281, %get3A_1282] {strides = array<i32>} : memref<2x128x128xf32, #tpu.memory_space<vmem>>, vector<16xf32>,
        %slice3A_1284 = vector.extract_strided_slice %get3A_121 {offsets = [12], sizes = [1], strides = [1]} : vector<16xi32> to vector<1xi32>
        %squeeze3A_1285 = vector.extract %slice3A_1284[0] : i32 from vector<1xi32>
        %add3A_1286 = arith.constant 16 : i32
        %add3A_1287 = arith.addi %squeeze3A_1285, %add3A_1286 : i32
        %get3A_1288 = arith.index_cast %rem3A_54 : i32 to index
        %get3A_1289 = arith.index_cast %add3A_1249 : i32 to index
        %get3A_1290 = arith.index_cast %add3A_1287 : i32 to index
        %get3A_1291 = tpu.vector_load %arg11[%get3A_1288, %get3A_1289, %get3A_1290] {strides = array<i32>} : memref<2x128x128xf32, #tpu.memory_space<vmem>>, vector<16xf32>,
        %eq3A_1292 = arith.constant 12 : i32
        %eq3A_1293 = vector.broadcast %eq3A_1292 : i32 to vector<16xi32>
        %eq3A_1294 = arith.cmpi eq, %iota3A, %eq3A_1293 : vector<16xi32>
        %mul3A_1295 = arith.mulf %get3A_1255, %get3A_1255 : vector<16xf32>
        %mul3A_1296 = arith.mulf %get3A_1263, %get3A_1263 : vector<16xf32>
        %add3A_1297 = arith.addf %mul3A_1295, %mul3A_1296 : vector<16xf32>
        %reduce_sum3A_1298 = arith.constant true
        %reduce_sum3A_1299 = vector.broadcast %reduce_sum3A_1298 : i1 to vector<16xi1>
        %reduce_sum3A_1300 = tpu.scan <sum>, %add3A_1297 masked %reduce_sum3A_1299 : vector<16xf32>, vector<16xi1> -> vector<16xf32>
        %reduce_sum3A_1301 = vector.extract %reduce_sum3A_1300[15] : f32 from vector<16xf32>
        %broadcast_in_dim3A_1302 = vector.broadcast %reduce_sum3A_1301 : f32 to vector<16xf32>
        %select_n3A_1303 = arith.select %eq3A_1294, %broadcast_in_dim3A_1302, %select_n3A_1209 : vector<16xi1>, vector<16xf32>
        %mul3A_1304 = arith.mulf %get3A_1269, %get3A_1269 : vector<16xf32>
        %mul3A_1305 = arith.mulf %get3A_1277, %get3A_1277 : vector<16xf32>
        %add3A_1306 = arith.addf %mul3A_1304, %mul3A_1305 : vector<16xf32>
        %reduce_sum3A_1307 = arith.constant true
        %reduce_sum3A_1308 = vector.broadcast %reduce_sum3A_1307 : i1 to vector<16xi1>
        %reduce_sum3A_1309 = tpu.scan <sum>, %add3A_1306 masked %reduce_sum3A_1308 : vector<16xf32>, vector<16xi1> -> vector<16xf32>
        %reduce_sum3A_1310 = vector.extract %reduce_sum3A_1309[15] : f32 from vector<16xf32>
        %broadcast_in_dim3A_1311 = vector.broadcast %reduce_sum3A_1310 : f32 to vector<16xf32>
        %select_n3A_1312 = arith.select %eq3A_1294, %broadcast_in_dim3A_1311, %select_n3A_1218 : vector<16xi1>, vector<16xf32>
        %mul3A_1313 = arith.mulf %get3A_1283, %get3A_1283 : vector<16xf32>
        %mul3A_1314 = arith.mulf %get3A_1291, %get3A_1291 : vector<16xf32>
        %add3A_1315 = arith.addf %mul3A_1313, %mul3A_1314 : vector<16xf32>
        %reduce_sum3A_1316 = arith.constant true
        %reduce_sum3A_1317 = vector.broadcast %reduce_sum3A_1316 : i1 to vector<16xi1>
        %reduce_sum3A_1318 = tpu.scan <sum>, %add3A_1315 masked %reduce_sum3A_1317 : vector<16xf32>, vector<16xi1> -> vector<16xf32>
        %reduce_sum3A_1319 = vector.extract %reduce_sum3A_1318[15] : f32 from vector<16xf32>
        %broadcast_in_dim3A_1320 = vector.broadcast %reduce_sum3A_1319 : f32 to vector<16xf32>
        %select_n3A_1321 = arith.select %eq3A_1294, %broadcast_in_dim3A_1320, %select_n3A_1227 : vector<16xi1>, vector<16xf32>
        %mul3A_1322 = arith.mulf %get3A_1255, %get3A_1269 : vector<16xf32>
        %mul3A_1323 = arith.mulf %get3A_1263, %get3A_1277 : vector<16xf32>
        %add3A_1324 = arith.addf %mul3A_1322, %mul3A_1323 : vector<16xf32>
        %reduce_sum3A_1325 = arith.constant true
        %reduce_sum3A_1326 = vector.broadcast %reduce_sum3A_1325 : i1 to vector<16xi1>
        %reduce_sum3A_1327 = tpu.scan <sum>, %add3A_1324 masked %reduce_sum3A_1326 : vector<16xf32>, vector<16xi1> -> vector<16xf32>
        %reduce_sum3A_1328 = vector.extract %reduce_sum3A_1327[15] : f32 from vector<16xf32>
        %broadcast_in_dim3A_1329 = vector.broadcast %reduce_sum3A_1328 : f32 to vector<16xf32>
        %select_n3A_1330 = arith.select %eq3A_1294, %broadcast_in_dim3A_1329, %select_n3A_1236 : vector<16xi1>, vector<16xf32>
        %mul3A_1331 = arith.mulf %get3A_1255, %get3A_1283 : vector<16xf32>
        %mul3A_1332 = arith.mulf %get3A_1263, %get3A_1291 : vector<16xf32>
        %add3A_1333 = arith.addf %mul3A_1331, %mul3A_1332 : vector<16xf32>
        %reduce_sum3A_1334 = arith.constant true
        %reduce_sum3A_1335 = vector.broadcast %reduce_sum3A_1334 : i1 to vector<16xi1>
        %reduce_sum3A_1336 = tpu.scan <sum>, %add3A_1333 masked %reduce_sum3A_1335 : vector<16xf32>, vector<16xi1> -> vector<16xf32>
        %reduce_sum3A_1337 = vector.extract %reduce_sum3A_1336[15] : f32 from vector<16xf32>
        %broadcast_in_dim3A_1338 = vector.broadcast %reduce_sum3A_1337 : f32 to vector<16xf32>
        %select_n3A_1339 = arith.select %eq3A_1294, %broadcast_in_dim3A_1338, %select_n3A_1245 : vector<16xi1>, vector<16xf32>
        %mul3A_1340 = arith.constant 16 : i32
        %mul3A_1341 = arith.muli %scan3A_101, %mul3A_1340 : i32
        %add3A_1342 = arith.constant 13 : i32
        %add3A_1343 = arith.addi %mul3A_1341, %add3A_1342 : i32
        %slice3A_1344 = vector.extract_strided_slice %get3A_107 {offsets = [13], sizes = [1], strides = [1]} : vector<16xi32> to vector<1xi32>
        %squeeze3A_1345 = vector.extract %slice3A_1344[0] : i32 from vector<1xi32>
        %get3A_1346 = arith.index_cast %rem3A_54 : i32 to index
        %get3A_1347 = arith.index_cast %add3A_1343 : i32 to index
        %get3A_1348 = arith.index_cast %squeeze3A_1345 : i32 to index
        %get3A_1349 = tpu.vector_load %arg9[%get3A_1346, %get3A_1347, %get3A_1348] {strides = array<i32>} : memref<2x128x128xf32, #tpu.memory_space<vmem>>, vector<16xf32>,
        %slice3A_1350 = vector.extract_strided_slice %get3A_107 {offsets = [13], sizes = [1], strides = [1]} : vector<16xi32> to vector<1xi32>
        %squeeze3A_1351 = vector.extract %slice3A_1350[0] : i32 from vector<1xi32>
        %add3A_1352 = arith.constant 16 : i32
        %add3A_1353 = arith.addi %squeeze3A_1351, %add3A_1352 : i32
        %get3A_1354 = arith.index_cast %rem3A_54 : i32 to index
        %get3A_1355 = arith.index_cast %add3A_1343 : i32 to index
        %get3A_1356 = arith.index_cast %add3A_1353 : i32 to index
        %get3A_1357 = tpu.vector_load %arg9[%get3A_1354, %get3A_1355, %get3A_1356] {strides = array<i32>} : memref<2x128x128xf32, #tpu.memory_space<vmem>>, vector<16xf32>,
        %slice3A_1358 = vector.extract_strided_slice %get3A_114 {offsets = [13], sizes = [1], strides = [1]} : vector<16xi32> to vector<1xi32>
        %squeeze3A_1359 = vector.extract %slice3A_1358[0] : i32 from vector<1xi32>
        %get3A_1360 = arith.index_cast %rem3A_54 : i32 to index
        %get3A_1361 = arith.index_cast %add3A_1343 : i32 to index
        %get3A_1362 = arith.index_cast %squeeze3A_1359 : i32 to index
        %get3A_1363 = tpu.vector_load %arg10[%get3A_1360, %get3A_1361, %get3A_1362] {strides = array<i32>} : memref<2x128x128xf32, #tpu.memory_space<vmem>>, vector<16xf32>,
        %slice3A_1364 = vector.extract_strided_slice %get3A_114 {offsets = [13], sizes = [1], strides = [1]} : vector<16xi32> to vector<1xi32>
        %squeeze3A_1365 = vector.extract %slice3A_1364[0] : i32 from vector<1xi32>
        %add3A_1366 = arith.constant 16 : i32
        %add3A_1367 = arith.addi %squeeze3A_1365, %add3A_1366 : i32
        %get3A_1368 = arith.index_cast %rem3A_54 : i32 to index
        %get3A_1369 = arith.index_cast %add3A_1343 : i32 to index
        %get3A_1370 = arith.index_cast %add3A_1367 : i32 to index
        %get3A_1371 = tpu.vector_load %arg10[%get3A_1368, %get3A_1369, %get3A_1370] {strides = array<i32>} : memref<2x128x128xf32, #tpu.memory_space<vmem>>, vector<16xf32>,
        %slice3A_1372 = vector.extract_strided_slice %get3A_121 {offsets = [13], sizes = [1], strides = [1]} : vector<16xi32> to vector<1xi32>
        %squeeze3A_1373 = vector.extract %slice3A_1372[0] : i32 from vector<1xi32>
        %get3A_1374 = arith.index_cast %rem3A_54 : i32 to index
        %get3A_1375 = arith.index_cast %add3A_1343 : i32 to index
        %get3A_1376 = arith.index_cast %squeeze3A_1373 : i32 to index
        %get3A_1377 = tpu.vector_load %arg11[%get3A_1374, %get3A_1375, %get3A_1376] {strides = array<i32>} : memref<2x128x128xf32, #tpu.memory_space<vmem>>, vector<16xf32>,
        %slice3A_1378 = vector.extract_strided_slice %get3A_121 {offsets = [13], sizes = [1], strides = [1]} : vector<16xi32> to vector<1xi32>
        %squeeze3A_1379 = vector.extract %slice3A_1378[0] : i32 from vector<1xi32>
        %add3A_1380 = arith.constant 16 : i32
        %add3A_1381 = arith.addi %squeeze3A_1379, %add3A_1380 : i32
        %get3A_1382 = arith.index_cast %rem3A_54 : i32 to index
        %get3A_1383 = arith.index_cast %add3A_1343 : i32 to index
        %get3A_1384 = arith.index_cast %add3A_1381 : i32 to index
        %get3A_1385 = tpu.vector_load %arg11[%get3A_1382, %get3A_1383, %get3A_1384] {strides = array<i32>} : memref<2x128x128xf32, #tpu.memory_space<vmem>>, vector<16xf32>,
        %eq3A_1386 = arith.constant 13 : i32
        %eq3A_1387 = vector.broadcast %eq3A_1386 : i32 to vector<16xi32>
        %eq3A_1388 = arith.cmpi eq, %iota3A, %eq3A_1387 : vector<16xi32>
        %mul3A_1389 = arith.mulf %get3A_1349, %get3A_1349 : vector<16xf32>
        %mul3A_1390 = arith.mulf %get3A_1357, %get3A_1357 : vector<16xf32>
        %add3A_1391 = arith.addf %mul3A_1389, %mul3A_1390 : vector<16xf32>
        %reduce_sum3A_1392 = arith.constant true
        %reduce_sum3A_1393 = vector.broadcast %reduce_sum3A_1392 : i1 to vector<16xi1>
        %reduce_sum3A_1394 = tpu.scan <sum>, %add3A_1391 masked %reduce_sum3A_1393 : vector<16xf32>, vector<16xi1> -> vector<16xf32>
        %reduce_sum3A_1395 = vector.extract %reduce_sum3A_1394[15] : f32 from vector<16xf32>
        %broadcast_in_dim3A_1396 = vector.broadcast %reduce_sum3A_1395 : f32 to vector<16xf32>
        %select_n3A_1397 = arith.select %eq3A_1388, %broadcast_in_dim3A_1396, %select_n3A_1303 : vector<16xi1>, vector<16xf32>
        %mul3A_1398 = arith.mulf %get3A_1363, %get3A_1363 : vector<16xf32>
        %mul3A_1399 = arith.mulf %get3A_1371, %get3A_1371 : vector<16xf32>
        %add3A_1400 = arith.addf %mul3A_1398, %mul3A_1399 : vector<16xf32>
        %reduce_sum3A_1401 = arith.constant true
        %reduce_sum3A_1402 = vector.broadcast %reduce_sum3A_1401 : i1 to vector<16xi1>
        %reduce_sum3A_1403 = tpu.scan <sum>, %add3A_1400 masked %reduce_sum3A_1402 : vector<16xf32>, vector<16xi1> -> vector<16xf32>
        %reduce_sum3A_1404 = vector.extract %reduce_sum3A_1403[15] : f32 from vector<16xf32>
        %broadcast_in_dim3A_1405 = vector.broadcast %reduce_sum3A_1404 : f32 to vector<16xf32>
        %select_n3A_1406 = arith.select %eq3A_1388, %broadcast_in_dim3A_1405, %select_n3A_1312 : vector<16xi1>, vector<16xf32>
        %mul3A_1407 = arith.mulf %get3A_1377, %get3A_1377 : vector<16xf32>
        %mul3A_1408 = arith.mulf %get3A_1385, %get3A_1385 : vector<16xf32>
        %add3A_1409 = arith.addf %mul3A_1407, %mul3A_1408 : vector<16xf32>
        %reduce_sum3A_1410 = arith.constant true
        %reduce_sum3A_1411 = vector.broadcast %reduce_sum3A_1410 : i1 to vector<16xi1>
        %reduce_sum3A_1412 = tpu.scan <sum>, %add3A_1409 masked %reduce_sum3A_1411 : vector<16xf32>, vector<16xi1> -> vector<16xf32>
        %reduce_sum3A_1413 = vector.extract %reduce_sum3A_1412[15] : f32 from vector<16xf32>
        %broadcast_in_dim3A_1414 = vector.broadcast %reduce_sum3A_1413 : f32 to vector<16xf32>
        %select_n3A_1415 = arith.select %eq3A_1388, %broadcast_in_dim3A_1414, %select_n3A_1321 : vector<16xi1>, vector<16xf32>
        %mul3A_1416 = arith.mulf %get3A_1349, %get3A_1363 : vector<16xf32>
        %mul3A_1417 = arith.mulf %get3A_1357, %get3A_1371 : vector<16xf32>
        %add3A_1418 = arith.addf %mul3A_1416, %mul3A_1417 : vector<16xf32>
        %reduce_sum3A_1419 = arith.constant true
        %reduce_sum3A_1420 = vector.broadcast %reduce_sum3A_1419 : i1 to vector<16xi1>
        %reduce_sum3A_1421 = tpu.scan <sum>, %add3A_1418 masked %reduce_sum3A_1420 : vector<16xf32>, vector<16xi1> -> vector<16xf32>
        %reduce_sum3A_1422 = vector.extract %reduce_sum3A_1421[15] : f32 from vector<16xf32>
        %broadcast_in_dim3A_1423 = vector.broadcast %reduce_sum3A_1422 : f32 to vector<16xf32>
        %select_n3A_1424 = arith.select %eq3A_1388, %broadcast_in_dim3A_1423, %select_n3A_1330 : vector<16xi1>, vector<16xf32>
        %mul3A_1425 = arith.mulf %get3A_1349, %get3A_1377 : vector<16xf32>
        %mul3A_1426 = arith.mulf %get3A_1357, %get3A_1385 : vector<16xf32>
        %add3A_1427 = arith.addf %mul3A_1425, %mul3A_1426 : vector<16xf32>
        %reduce_sum3A_1428 = arith.constant true
        %reduce_sum3A_1429 = vector.broadcast %reduce_sum3A_1428 : i1 to vector<16xi1>
        %reduce_sum3A_1430 = tpu.scan <sum>, %add3A_1427 masked %reduce_sum3A_1429 : vector<16xf32>, vector<16xi1> -> vector<16xf32>
        %reduce_sum3A_1431 = vector.extract %reduce_sum3A_1430[15] : f32 from vector<16xf32>
        %broadcast_in_dim3A_1432 = vector.broadcast %reduce_sum3A_1431 : f32 to vector<16xf32>
        %select_n3A_1433 = arith.select %eq3A_1388, %broadcast_in_dim3A_1432, %select_n3A_1339 : vector<16xi1>, vector<16xf32>
        %mul3A_1434 = arith.constant 16 : i32
        %mul3A_1435 = arith.muli %scan3A_101, %mul3A_1434 : i32
        %add3A_1436 = arith.constant 14 : i32
        %add3A_1437 = arith.addi %mul3A_1435, %add3A_1436 : i32
        %slice3A_1438 = vector.extract_strided_slice %get3A_107 {offsets = [14], sizes = [1], strides = [1]} : vector<16xi32> to vector<1xi32>
        %squeeze3A_1439 = vector.extract %slice3A_1438[0] : i32 from vector<1xi32>
        %get3A_1440 = arith.index_cast %rem3A_54 : i32 to index
        %get3A_1441 = arith.index_cast %add3A_1437 : i32 to index
        %get3A_1442 = arith.index_cast %squeeze3A_1439 : i32 to index
        %get3A_1443 = tpu.vector_load %arg9[%get3A_1440, %get3A_1441, %get3A_1442] {strides = array<i32>} : memref<2x128x128xf32, #tpu.memory_space<vmem>>, vector<16xf32>,
        %slice3A_1444 = vector.extract_strided_slice %get3A_107 {offsets = [14], sizes = [1], strides = [1]} : vector<16xi32> to vector<1xi32>
        %squeeze3A_1445 = vector.extract %slice3A_1444[0] : i32 from vector<1xi32>
        %add3A_1446 = arith.constant 16 : i32
        %add3A_1447 = arith.addi %squeeze3A_1445, %add3A_1446 : i32
        %get3A_1448 = arith.index_cast %rem3A_54 : i32 to index
        %get3A_1449 = arith.index_cast %add3A_1437 : i32 to index
        %get3A_1450 = arith.index_cast %add3A_1447 : i32 to index
        %get3A_1451 = tpu.vector_load %arg9[%get3A_1448, %get3A_1449, %get3A_1450] {strides = array<i32>} : memref<2x128x128xf32, #tpu.memory_space<vmem>>, vector<16xf32>,
        %slice3A_1452 = vector.extract_strided_slice %get3A_114 {offsets = [14], sizes = [1], strides = [1]} : vector<16xi32> to vector<1xi32>
        %squeeze3A_1453 = vector.extract %slice3A_1452[0] : i32 from vector<1xi32>
        %get3A_1454 = arith.index_cast %rem3A_54 : i32 to index
        %get3A_1455 = arith.index_cast %add3A_1437 : i32 to index
        %get3A_1456 = arith.index_cast %squeeze3A_1453 : i32 to index
        %get3A_1457 = tpu.vector_load %arg10[%get3A_1454, %get3A_1455, %get3A_1456] {strides = array<i32>} : memref<2x128x128xf32, #tpu.memory_space<vmem>>, vector<16xf32>,
        %slice3A_1458 = vector.extract_strided_slice %get3A_114 {offsets = [14], sizes = [1], strides = [1]} : vector<16xi32> to vector<1xi32>
        %squeeze3A_1459 = vector.extract %slice3A_1458[0] : i32 from vector<1xi32>
        %add3A_1460 = arith.constant 16 : i32
        %add3A_1461 = arith.addi %squeeze3A_1459, %add3A_1460 : i32
        %get3A_1462 = arith.index_cast %rem3A_54 : i32 to index
        %get3A_1463 = arith.index_cast %add3A_1437 : i32 to index
        %get3A_1464 = arith.index_cast %add3A_1461 : i32 to index
        %get3A_1465 = tpu.vector_load %arg10[%get3A_1462, %get3A_1463, %get3A_1464] {strides = array<i32>} : memref<2x128x128xf32, #tpu.memory_space<vmem>>, vector<16xf32>,
        %slice3A_1466 = vector.extract_strided_slice %get3A_121 {offsets = [14], sizes = [1], strides = [1]} : vector<16xi32> to vector<1xi32>
        %squeeze3A_1467 = vector.extract %slice3A_1466[0] : i32 from vector<1xi32>
        %get3A_1468 = arith.index_cast %rem3A_54 : i32 to index
        %get3A_1469 = arith.index_cast %add3A_1437 : i32 to index
        %get3A_1470 = arith.index_cast %squeeze3A_1467 : i32 to index
        %get3A_1471 = tpu.vector_load %arg11[%get3A_1468, %get3A_1469, %get3A_1470] {strides = array<i32>} : memref<2x128x128xf32, #tpu.memory_space<vmem>>, vector<16xf32>,
        %slice3A_1472 = vector.extract_strided_slice %get3A_121 {offsets = [14], sizes = [1], strides = [1]} : vector<16xi32> to vector<1xi32>
        %squeeze3A_1473 = vector.extract %slice3A_1472[0] : i32 from vector<1xi32>
        %add3A_1474 = arith.constant 16 : i32
        %add3A_1475 = arith.addi %squeeze3A_1473, %add3A_1474 : i32
        %get3A_1476 = arith.index_cast %rem3A_54 : i32 to index
        %get3A_1477 = arith.index_cast %add3A_1437 : i32 to index
        %get3A_1478 = arith.index_cast %add3A_1475 : i32 to index
        %get3A_1479 = tpu.vector_load %arg11[%get3A_1476, %get3A_1477, %get3A_1478] {strides = array<i32>} : memref<2x128x128xf32, #tpu.memory_space<vmem>>, vector<16xf32>,
        %eq3A_1480 = arith.constant 14 : i32
        %eq3A_1481 = vector.broadcast %eq3A_1480 : i32 to vector<16xi32>
        %eq3A_1482 = arith.cmpi eq, %iota3A, %eq3A_1481 : vector<16xi32>
        %mul3A_1483 = arith.mulf %get3A_1443, %get3A_1443 : vector<16xf32>
        %mul3A_1484 = arith.mulf %get3A_1451, %get3A_1451 : vector<16xf32>
        %add3A_1485 = arith.addf %mul3A_1483, %mul3A_1484 : vector<16xf32>
        %reduce_sum3A_1486 = arith.constant true
        %reduce_sum3A_1487 = vector.broadcast %reduce_sum3A_1486 : i1 to vector<16xi1>
        %reduce_sum3A_1488 = tpu.scan <sum>, %add3A_1485 masked %reduce_sum3A_1487 : vector<16xf32>, vector<16xi1> -> vector<16xf32>
        %reduce_sum3A_1489 = vector.extract %reduce_sum3A_1488[15] : f32 from vector<16xf32>
        %broadcast_in_dim3A_1490 = vector.broadcast %reduce_sum3A_1489 : f32 to vector<16xf32>
        %select_n3A_1491 = arith.select %eq3A_1482, %broadcast_in_dim3A_1490, %select_n3A_1397 : vector<16xi1>, vector<16xf32>
        %mul3A_1492 = arith.mulf %get3A_1457, %get3A_1457 : vector<16xf32>
        %mul3A_1493 = arith.mulf %get3A_1465, %get3A_1465 : vector<16xf32>
        %add3A_1494 = arith.addf %mul3A_1492, %mul3A_1493 : vector<16xf32>
        %reduce_sum3A_1495 = arith.constant true
        %reduce_sum3A_1496 = vector.broadcast %reduce_sum3A_1495 : i1 to vector<16xi1>
        %reduce_sum3A_1497 = tpu.scan <sum>, %add3A_1494 masked %reduce_sum3A_1496 : vector<16xf32>, vector<16xi1> -> vector<16xf32>
        %reduce_sum3A_1498 = vector.extract %reduce_sum3A_1497[15] : f32 from vector<16xf32>
        %broadcast_in_dim3A_1499 = vector.broadcast %reduce_sum3A_1498 : f32 to vector<16xf32>
        %select_n3A_1500 = arith.select %eq3A_1482, %broadcast_in_dim3A_1499, %select_n3A_1406 : vector<16xi1>, vector<16xf32>
        %mul3A_1501 = arith.mulf %get3A_1471, %get3A_1471 : vector<16xf32>
        %mul3A_1502 = arith.mulf %get3A_1479, %get3A_1479 : vector<16xf32>
        %add3A_1503 = arith.addf %mul3A_1501, %mul3A_1502 : vector<16xf32>
        %reduce_sum3A_1504 = arith.constant true
        %reduce_sum3A_1505 = vector.broadcast %reduce_sum3A_1504 : i1 to vector<16xi1>
        %reduce_sum3A_1506 = tpu.scan <sum>, %add3A_1503 masked %reduce_sum3A_1505 : vector<16xf32>, vector<16xi1> -> vector<16xf32>
        %reduce_sum3A_1507 = vector.extract %reduce_sum3A_1506[15] : f32 from vector<16xf32>
        %broadcast_in_dim3A_1508 = vector.broadcast %reduce_sum3A_1507 : f32 to vector<16xf32>
        %select_n3A_1509 = arith.select %eq3A_1482, %broadcast_in_dim3A_1508, %select_n3A_1415 : vector<16xi1>, vector<16xf32>
        %mul3A_1510 = arith.mulf %get3A_1443, %get3A_1457 : vector<16xf32>
        %mul3A_1511 = arith.mulf %get3A_1451, %get3A_1465 : vector<16xf32>
        %add3A_1512 = arith.addf %mul3A_1510, %mul3A_1511 : vector<16xf32>
        %reduce_sum3A_1513 = arith.constant true
        %reduce_sum3A_1514 = vector.broadcast %reduce_sum3A_1513 : i1 to vector<16xi1>
        %reduce_sum3A_1515 = tpu.scan <sum>, %add3A_1512 masked %reduce_sum3A_1514 : vector<16xf32>, vector<16xi1> -> vector<16xf32>
        %reduce_sum3A_1516 = vector.extract %reduce_sum3A_1515[15] : f32 from vector<16xf32>
        %broadcast_in_dim3A_1517 = vector.broadcast %reduce_sum3A_1516 : f32 to vector<16xf32>
        %select_n3A_1518 = arith.select %eq3A_1482, %broadcast_in_dim3A_1517, %select_n3A_1424 : vector<16xi1>, vector<16xf32>
        %mul3A_1519 = arith.mulf %get3A_1443, %get3A_1471 : vector<16xf32>
        %mul3A_1520 = arith.mulf %get3A_1451, %get3A_1479 : vector<16xf32>
        %add3A_1521 = arith.addf %mul3A_1519, %mul3A_1520 : vector<16xf32>
        %reduce_sum3A_1522 = arith.constant true
        %reduce_sum3A_1523 = vector.broadcast %reduce_sum3A_1522 : i1 to vector<16xi1>
        %reduce_sum3A_1524 = tpu.scan <sum>, %add3A_1521 masked %reduce_sum3A_1523 : vector<16xf32>, vector<16xi1> -> vector<16xf32>
        %reduce_sum3A_1525 = vector.extract %reduce_sum3A_1524[15] : f32 from vector<16xf32>
        %broadcast_in_dim3A_1526 = vector.broadcast %reduce_sum3A_1525 : f32 to vector<16xf32>
        %select_n3A_1527 = arith.select %eq3A_1482, %broadcast_in_dim3A_1526, %select_n3A_1433 : vector<16xi1>, vector<16xf32>
        %mul3A_1528 = arith.constant 16 : i32
        %mul3A_1529 = arith.muli %scan3A_101, %mul3A_1528 : i32
        %add3A_1530 = arith.constant 15 : i32
        %add3A_1531 = arith.addi %mul3A_1529, %add3A_1530 : i32
        %slice3A_1532 = vector.extract_strided_slice %get3A_107 {offsets = [15], sizes = [1], strides = [1]} : vector<16xi32> to vector<1xi32>
        %squeeze3A_1533 = vector.extract %slice3A_1532[0] : i32 from vector<1xi32>
        %get3A_1534 = arith.index_cast %rem3A_54 : i32 to index
        %get3A_1535 = arith.index_cast %add3A_1531 : i32 to index
        %get3A_1536 = arith.index_cast %squeeze3A_1533 : i32 to index
        %get3A_1537 = tpu.vector_load %arg9[%get3A_1534, %get3A_1535, %get3A_1536] {strides = array<i32>} : memref<2x128x128xf32, #tpu.memory_space<vmem>>, vector<16xf32>,
        %slice3A_1538 = vector.extract_strided_slice %get3A_107 {offsets = [15], sizes = [1], strides = [1]} : vector<16xi32> to vector<1xi32>
        %squeeze3A_1539 = vector.extract %slice3A_1538[0] : i32 from vector<1xi32>
        %add3A_1540 = arith.constant 16 : i32
        %add3A_1541 = arith.addi %squeeze3A_1539, %add3A_1540 : i32
        %get3A_1542 = arith.index_cast %rem3A_54 : i32 to index
        %get3A_1543 = arith.index_cast %add3A_1531 : i32 to index
        %get3A_1544 = arith.index_cast %add3A_1541 : i32 to index
        %get3A_1545 = tpu.vector_load %arg9[%get3A_1542, %get3A_1543, %get3A_1544] {strides = array<i32>} : memref<2x128x128xf32, #tpu.memory_space<vmem>>, vector<16xf32>,
        %slice3A_1546 = vector.extract_strided_slice %get3A_114 {offsets = [15], sizes = [1], strides = [1]} : vector<16xi32> to vector<1xi32>
        %squeeze3A_1547 = vector.extract %slice3A_1546[0] : i32 from vector<1xi32>
        %get3A_1548 = arith.index_cast %rem3A_54 : i32 to index
        %get3A_1549 = arith.index_cast %add3A_1531 : i32 to index
        %get3A_1550 = arith.index_cast %squeeze3A_1547 : i32 to index
        %get3A_1551 = tpu.vector_load %arg10[%get3A_1548, %get3A_1549, %get3A_1550] {strides = array<i32>} : memref<2x128x128xf32, #tpu.memory_space<vmem>>, vector<16xf32>,
        %slice3A_1552 = vector.extract_strided_slice %get3A_114 {offsets = [15], sizes = [1], strides = [1]} : vector<16xi32> to vector<1xi32>
        %squeeze3A_1553 = vector.extract %slice3A_1552[0] : i32 from vector<1xi32>
        %add3A_1554 = arith.constant 16 : i32
        %add3A_1555 = arith.addi %squeeze3A_1553, %add3A_1554 : i32
        %get3A_1556 = arith.index_cast %rem3A_54 : i32 to index
        %get3A_1557 = arith.index_cast %add3A_1531 : i32 to index
        %get3A_1558 = arith.index_cast %add3A_1555 : i32 to index
        %get3A_1559 = tpu.vector_load %arg10[%get3A_1556, %get3A_1557, %get3A_1558] {strides = array<i32>} : memref<2x128x128xf32, #tpu.memory_space<vmem>>, vector<16xf32>,
        %slice3A_1560 = vector.extract_strided_slice %get3A_121 {offsets = [15], sizes = [1], strides = [1]} : vector<16xi32> to vector<1xi32>
        %squeeze3A_1561 = vector.extract %slice3A_1560[0] : i32 from vector<1xi32>
        %get3A_1562 = arith.index_cast %rem3A_54 : i32 to index
        %get3A_1563 = arith.index_cast %add3A_1531 : i32 to index
        %get3A_1564 = arith.index_cast %squeeze3A_1561 : i32 to index
        %get3A_1565 = tpu.vector_load %arg11[%get3A_1562, %get3A_1563, %get3A_1564] {strides = array<i32>} : memref<2x128x128xf32, #tpu.memory_space<vmem>>, vector<16xf32>,
        %slice3A_1566 = vector.extract_strided_slice %get3A_121 {offsets = [15], sizes = [1], strides = [1]} : vector<16xi32> to vector<1xi32>
        %squeeze3A_1567 = vector.extract %slice3A_1566[0] : i32 from vector<1xi32>
        %add3A_1568 = arith.constant 16 : i32
        %add3A_1569 = arith.addi %squeeze3A_1567, %add3A_1568 : i32
        %get3A_1570 = arith.index_cast %rem3A_54 : i32 to index
        %get3A_1571 = arith.index_cast %add3A_1531 : i32 to index
        %get3A_1572 = arith.index_cast %add3A_1569 : i32 to index
        %get3A_1573 = tpu.vector_load %arg11[%get3A_1570, %get3A_1571, %get3A_1572] {strides = array<i32>} : memref<2x128x128xf32, #tpu.memory_space<vmem>>, vector<16xf32>,
        %eq3A_1574 = arith.constant 15 : i32
        %eq3A_1575 = vector.broadcast %eq3A_1574 : i32 to vector<16xi32>
        %eq3A_1576 = arith.cmpi eq, %iota3A, %eq3A_1575 : vector<16xi32>
        %mul3A_1577 = arith.mulf %get3A_1537, %get3A_1537 : vector<16xf32>
        %mul3A_1578 = arith.mulf %get3A_1545, %get3A_1545 : vector<16xf32>
        %add3A_1579 = arith.addf %mul3A_1577, %mul3A_1578 : vector<16xf32>
        %reduce_sum3A_1580 = arith.constant true
        %reduce_sum3A_1581 = vector.broadcast %reduce_sum3A_1580 : i1 to vector<16xi1>
        %reduce_sum3A_1582 = tpu.scan <sum>, %add3A_1579 masked %reduce_sum3A_1581 : vector<16xf32>, vector<16xi1> -> vector<16xf32>
        %reduce_sum3A_1583 = vector.extract %reduce_sum3A_1582[15] : f32 from vector<16xf32>
        %broadcast_in_dim3A_1584 = vector.broadcast %reduce_sum3A_1583 : f32 to vector<16xf32>
        %select_n3A_1585 = arith.select %eq3A_1576, %broadcast_in_dim3A_1584, %select_n3A_1491 : vector<16xi1>, vector<16xf32>
        %mul3A_1586 = arith.mulf %get3A_1551, %get3A_1551 : vector<16xf32>
        %mul3A_1587 = arith.mulf %get3A_1559, %get3A_1559 : vector<16xf32>
        %add3A_1588 = arith.addf %mul3A_1586, %mul3A_1587 : vector<16xf32>
        %reduce_sum3A_1589 = arith.constant true
        %reduce_sum3A_1590 = vector.broadcast %reduce_sum3A_1589 : i1 to vector<16xi1>
        %reduce_sum3A_1591 = tpu.scan <sum>, %add3A_1588 masked %reduce_sum3A_1590 : vector<16xf32>, vector<16xi1> -> vector<16xf32>
        %reduce_sum3A_1592 = vector.extract %reduce_sum3A_1591[15] : f32 from vector<16xf32>
        %broadcast_in_dim3A_1593 = vector.broadcast %reduce_sum3A_1592 : f32 to vector<16xf32>
        %select_n3A_1594 = arith.select %eq3A_1576, %broadcast_in_dim3A_1593, %select_n3A_1500 : vector<16xi1>, vector<16xf32>
        %mul3A_1595 = arith.mulf %get3A_1565, %get3A_1565 : vector<16xf32>
        %mul3A_1596 = arith.mulf %get3A_1573, %get3A_1573 : vector<16xf32>
        %add3A_1597 = arith.addf %mul3A_1595, %mul3A_1596 : vector<16xf32>
        %reduce_sum3A_1598 = arith.constant true
        %reduce_sum3A_1599 = vector.broadcast %reduce_sum3A_1598 : i1 to vector<16xi1>
        %reduce_sum3A_1600 = tpu.scan <sum>, %add3A_1597 masked %reduce_sum3A_1599 : vector<16xf32>, vector<16xi1> -> vector<16xf32>
        %reduce_sum3A_1601 = vector.extract %reduce_sum3A_1600[15] : f32 from vector<16xf32>
        %broadcast_in_dim3A_1602 = vector.broadcast %reduce_sum3A_1601 : f32 to vector<16xf32>
        %select_n3A_1603 = arith.select %eq3A_1576, %broadcast_in_dim3A_1602, %select_n3A_1509 : vector<16xi1>, vector<16xf32>
        %mul3A_1604 = arith.mulf %get3A_1537, %get3A_1551 : vector<16xf32>
        %mul3A_1605 = arith.mulf %get3A_1545, %get3A_1559 : vector<16xf32>
        %add3A_1606 = arith.addf %mul3A_1604, %mul3A_1605 : vector<16xf32>
        %reduce_sum3A_1607 = arith.constant true
        %reduce_sum3A_1608 = vector.broadcast %reduce_sum3A_1607 : i1 to vector<16xi1>
        %reduce_sum3A_1609 = tpu.scan <sum>, %add3A_1606 masked %reduce_sum3A_1608 : vector<16xf32>, vector<16xi1> -> vector<16xf32>
        %reduce_sum3A_1610 = vector.extract %reduce_sum3A_1609[15] : f32 from vector<16xf32>
        %broadcast_in_dim3A_1611 = vector.broadcast %reduce_sum3A_1610 : f32 to vector<16xf32>
        %select_n3A_1612 = arith.select %eq3A_1576, %broadcast_in_dim3A_1611, %select_n3A_1518 : vector<16xi1>, vector<16xf32>
        %mul3A_1613 = arith.mulf %get3A_1537, %get3A_1565 : vector<16xf32>
        %mul3A_1614 = arith.mulf %get3A_1545, %get3A_1573 : vector<16xf32>
        %add3A_1615 = arith.addf %mul3A_1613, %mul3A_1614 : vector<16xf32>
        %reduce_sum3A_1616 = arith.constant true
        %reduce_sum3A_1617 = vector.broadcast %reduce_sum3A_1616 : i1 to vector<16xi1>
        %reduce_sum3A_1618 = tpu.scan <sum>, %add3A_1615 masked %reduce_sum3A_1617 : vector<16xf32>, vector<16xi1> -> vector<16xf32>
        %reduce_sum3A_1619 = vector.extract %reduce_sum3A_1618[15] : f32 from vector<16xf32>
        %broadcast_in_dim3A_1620 = vector.broadcast %reduce_sum3A_1619 : f32 to vector<16xf32>
        %select_n3A_1621 = arith.select %eq3A_1576, %broadcast_in_dim3A_1620, %select_n3A_1527 : vector<16xi1>, vector<16xf32>
        %max3A = vector.broadcast %scan3A_45 : f32 to vector<16xf32>
        %max3A_1622 = arith.maximumf %select_n3A_1585, %max3A : vector<16xf32>
        %max3A_1623 = vector.broadcast %scan3A_45 : f32 to vector<16xf32>
        %max3A_1624 = arith.maximumf %select_n3A_1594, %max3A_1623 : vector<16xf32>
        %mul3A_1625 = arith.mulf %max3A_1622, %max3A_1624 : vector<16xf32>
        %bitcast3A = vector.bitcast %mul3A_1625 : vector<16xf32> to vector<16xi32>
        %shift_right_arithmetic3A = arith.constant 1 : i32
        %shift_right_arithmetic3A_1626 = vector.broadcast %shift_right_arithmetic3A : i32 to vector<16xi32>
        %shift_right_arithmetic3A_1627 = arith.shrsi %bitcast3A, %shift_right_arithmetic3A_1626 : vector<16xi32>
        %sub3A = arith.constant 1597463007 : i32
        %sub3A_1628 = vector.broadcast %sub3A : i32 to vector<16xi32>
        %sub3A_1629 = arith.subi %sub3A_1628, %shift_right_arithmetic3A_1627 : vector<16xi32>
        %bitcast3A_1630 = vector.bitcast %sub3A_1629 : vector<16xi32> to vector<16xf32>
        %mul3A_1631 = arith.constant 5.000000e-01 : f32
        %mul3A_1632 = vector.broadcast %mul3A_1631 : f32 to vector<16xf32>
        %mul3A_1633 = arith.mulf %mul3A_1632, %mul3A_1625 : vector<16xf32>
        %mul3A_1634 = arith.mulf %mul3A_1633, %bitcast3A_1630 : vector<16xf32>
        %mul3A_1635 = arith.mulf %mul3A_1634, %bitcast3A_1630 : vector<16xf32>
        %sub3A_1636 = arith.constant 1.500000e+00 : f32
        %sub3A_1637 = vector.broadcast %sub3A_1636 : f32 to vector<16xf32>
        %sub3A_1638 = arith.subf %sub3A_1637, %mul3A_1635 : vector<16xf32>
        %mul3A_1639 = arith.mulf %bitcast3A_1630, %sub3A_1638 : vector<16xf32>
        %mul3A_1640 = arith.constant 5.000000e-01 : f32
        %mul3A_1641 = vector.broadcast %mul3A_1640 : f32 to vector<16xf32>
        %mul3A_1642 = arith.mulf %mul3A_1641, %mul3A_1625 : vector<16xf32>
        %mul3A_1643 = arith.mulf %mul3A_1642, %mul3A_1639 : vector<16xf32>
        %mul3A_1644 = arith.mulf %mul3A_1643, %mul3A_1639 : vector<16xf32>
        %sub3A_1645 = arith.constant 1.500000e+00 : f32
        %sub3A_1646 = vector.broadcast %sub3A_1645 : f32 to vector<16xf32>
        %sub3A_1647 = arith.subf %sub3A_1646, %mul3A_1644 : vector<16xf32>
        %mul3A_1648 = arith.mulf %mul3A_1639, %sub3A_1647 : vector<16xf32>
        %mul3A_1649 = arith.constant 5.000000e-01 : f32
        %mul3A_1650 = vector.broadcast %mul3A_1649 : f32 to vector<16xf32>
        %mul3A_1651 = arith.mulf %mul3A_1650, %mul3A_1625 : vector<16xf32>
        %mul3A_1652 = arith.mulf %mul3A_1651, %mul3A_1648 : vector<16xf32>
        %mul3A_1653 = arith.mulf %mul3A_1652, %mul3A_1648 : vector<16xf32>
        %sub3A_1654 = arith.constant 1.500000e+00 : f32
        %sub3A_1655 = vector.broadcast %sub3A_1654 : f32 to vector<16xf32>
        %sub3A_1656 = arith.subf %sub3A_1655, %mul3A_1653 : vector<16xf32>
        %mul3A_1657 = arith.mulf %mul3A_1648, %sub3A_1656 : vector<16xf32>
        %mul3A_1658 = arith.mulf %select_n3A_1612, %mul3A_1657 : vector<16xf32>
        %max3A_1659 = vector.broadcast %scan3A_45 : f32 to vector<16xf32>
        %max3A_1660 = arith.maximumf %select_n3A_1603, %max3A_1659 : vector<16xf32>
        %mul3A_1661 = arith.mulf %max3A_1622, %max3A_1660 : vector<16xf32>
        %bitcast3A_1662 = vector.bitcast %mul3A_1661 : vector<16xf32> to vector<16xi32>
        %shift_right_arithmetic3A_1663 = arith.constant 1 : i32
        %shift_right_arithmetic3A_1664 = vector.broadcast %shift_right_arithmetic3A_1663 : i32 to vector<16xi32>
        %shift_right_arithmetic3A_1665 = arith.shrsi %bitcast3A_1662, %shift_right_arithmetic3A_1664 : vector<16xi32>
        %sub3A_1666 = arith.constant 1597463007 : i32
        %sub3A_1667 = vector.broadcast %sub3A_1666 : i32 to vector<16xi32>
        %sub3A_1668 = arith.subi %sub3A_1667, %shift_right_arithmetic3A_1665 : vector<16xi32>
        %bitcast3A_1669 = vector.bitcast %sub3A_1668 : vector<16xi32> to vector<16xf32>
        %mul3A_1670 = arith.constant 5.000000e-01 : f32
        %mul3A_1671 = vector.broadcast %mul3A_1670 : f32 to vector<16xf32>
        %mul3A_1672 = arith.mulf %mul3A_1671, %mul3A_1661 : vector<16xf32>
        %mul3A_1673 = arith.mulf %mul3A_1672, %bitcast3A_1669 : vector<16xf32>
        %mul3A_1674 = arith.mulf %mul3A_1673, %bitcast3A_1669 : vector<16xf32>
        %sub3A_1675 = arith.constant 1.500000e+00 : f32
        %sub3A_1676 = vector.broadcast %sub3A_1675 : f32 to vector<16xf32>
        %sub3A_1677 = arith.subf %sub3A_1676, %mul3A_1674 : vector<16xf32>
        %mul3A_1678 = arith.mulf %bitcast3A_1669, %sub3A_1677 : vector<16xf32>
        %mul3A_1679 = arith.constant 5.000000e-01 : f32
        %mul3A_1680 = vector.broadcast %mul3A_1679 : f32 to vector<16xf32>
        %mul3A_1681 = arith.mulf %mul3A_1680, %mul3A_1661 : vector<16xf32>
        %mul3A_1682 = arith.mulf %mul3A_1681, %mul3A_1678 : vector<16xf32>
        %mul3A_1683 = arith.mulf %mul3A_1682, %mul3A_1678 : vector<16xf32>
        %sub3A_1684 = arith.constant 1.500000e+00 : f32
        %sub3A_1685 = vector.broadcast %sub3A_1684 : f32 to vector<16xf32>
        %sub3A_1686 = arith.subf %sub3A_1685, %mul3A_1683 : vector<16xf32>
        %mul3A_1687 = arith.mulf %mul3A_1678, %sub3A_1686 : vector<16xf32>
        %mul3A_1688 = arith.constant 5.000000e-01 : f32
        %mul3A_1689 = vector.broadcast %mul3A_1688 : f32 to vector<16xf32>
        %mul3A_1690 = arith.mulf %mul3A_1689, %mul3A_1661 : vector<16xf32>
        %mul3A_1691 = arith.mulf %mul3A_1690, %mul3A_1687 : vector<16xf32>
        %mul3A_1692 = arith.mulf %mul3A_1691, %mul3A_1687 : vector<16xf32>
        %sub3A_1693 = arith.constant 1.500000e+00 : f32
        %sub3A_1694 = vector.broadcast %sub3A_1693 : f32 to vector<16xf32>
        %sub3A_1695 = arith.subf %sub3A_1694, %mul3A_1692 : vector<16xf32>
        %mul3A_1696 = arith.mulf %mul3A_1687, %sub3A_1695 : vector<16xf32>
        %mul3A_1697 = arith.mulf %select_n3A_1621, %mul3A_1696 : vector<16xf32>
        %sub3A_1698 = arith.subf %mul3A_1697, %mul3A_1658 : vector<16xf32>
        %add3A_1699 = arith.constant 1.000000e+00 : f32
        %add3A_1700 = vector.broadcast %add3A_1699 : f32 to vector<16xf32>
        %add3A_1701 = arith.addf %sub3A_1698, %add3A_1700 : vector<16xf32>
        %max3A_1702 = arith.constant 0.000000e+00 : f32
        %max3A_1703 = vector.broadcast %max3A_1702 : f32 to vector<16xf32>
        %max3A_1704 = arith.maximumf %add3A_1701, %max3A_1703 : vector<16xf32>
        %mul3A_1705 = arith.constant 128 : i32
        %mul3A_1706 = arith.muli %scan3A_53, %mul3A_1705 : i32
        %mul3A_1707 = arith.constant 16 : i32
        %mul3A_1708 = arith.muli %scan3A_101, %mul3A_1707 : i32
        %add3A_1709 = arith.addi %mul3A_1706, %mul3A_1708 : i32
        %swap3A = arith.index_cast %add3A_1709 : i32 to index
        %swap3A_1710 = tpu.vector_load %arg12[%swap3A] {strides = array<i32>} : memref<512xf32, #tpu.memory_space<vmem>>, vector<16xf32>,
        tpu.vector_store %arg12[%swap3A], %max3A_1704 {strides = array<i32>} : memref<512xf32, #tpu.memory_space<vmem>>, vector<16xf32>,
      }
      %scan3A_100 = arith.constant 8 : i32
    }
    %scan3A_50 = arith.constant 4 : i32
    %mul3A_51 = arith.constant 512 : i32
    %mul3A_52 = arith.muli %add3A, %mul3A_51 : i32
    "tpu.region"() ({
      %run_scoped3A = tpu.sem_alloc : memref<!tpu.dma_semaphore, #tpu.memory_space<semaphore_mem>>
      %dma_start3A_53 = tpu.memref_slice %arg5[%mul3A_52] : memref<16384xf32, #tpu.memory_space<hbm>> -> memref<512xf32, #tpu.memory_space<hbm>>
      %dma_start3A_54 = tpu.memref_slice %arg5[%mul3A_52] : memref<16384xf32, #tpu.memory_space<hbm>> -> memref<512xf32, #tpu.memory_space<hbm>>
      tpu.enqueue_dma source(%arg12 : memref<512xf32, #tpu.memory_space<vmem>>) target(%dma_start3A_54 : memref<512xf32, #tpu.memory_space<hbm>>) target_semaphore(%run_scoped3A : memref<!tpu.dma_semaphore, #tpu.memory_space<semaphore_mem>>)
      %dma_wait3A = tpu.memref_slice %arg5[%mul3A_52] : memref<16384xf32, #tpu.memory_space<hbm>> -> memref<512xf32, #tpu.memory_space<hbm>>
      %dma_wait3A_55 = tpu.memref_slice %arg5[%mul3A_52] : memref<16384xf32, #tpu.memory_space<hbm>> -> memref<512xf32, #tpu.memory_space<hbm>>
      tpu.wait_dma2 semaphore(%run_scoped3A : memref<!tpu.dma_semaphore, #tpu.memory_space<semaphore_mem>>) src(%arg12 : memref<512xf32, #tpu.memory_space<vmem>>) dst(%dma_wait3A_55 : memref<512xf32, #tpu.memory_space<hbm>>)
      tpu.yield
    }) : () -> ()
    return
  }
}

module attributes {stable_mosaic.version = 14 : i64} {
  func.func @_repack_body(%arg0: i32, %arg1: memref<32x32768xf32, #tpu.memory_space<vmem>>, %arg2: memref<32x32768xf32, #tpu.memory_space<vmem>>, %arg3: memref<8192x128xf32, #tpu.memory_space<vmem>>, %arg4: memref<8192x128xf32, #tpu.memory_space<vmem>>) attributes {dimension_semantics = [#tpu.dimension_semantics<arbitrary>], iteration_bounds = array<i64: 31>, scalar_prefetch = 0 : i64, scratch_operands = 0 : i64, tpu.core_type = #tpu.core_type<tc>, window_params = [{transform_indices = @transform_0, window_bounds = array<i64: 32, 32768>}, {transform_indices = @transform_1, window_bounds = array<i64: 32, 32768>}, {transform_indices = @transform_2, window_bounds = array<i64: 8192, 128>}, {transform_indices = @transform_3, window_bounds = array<i64: 8192, 128>}]} {
    %get3A = arith.constant 0 : index
    %get3A_0 = arith.constant 0 : index
    %get3A_1 = vector.load %arg1[%get3A, %get3A_0] : memref<32x32768xf32, #tpu.memory_space<vmem>>, vector<32x128xf32>
    %get3A_2 = arith.constant 0 : index
    %get3A_3 = arith.constant 128 : index
    %get3A_4 = vector.load %arg1[%get3A_2, %get3A_3] : memref<32x32768xf32, #tpu.memory_space<vmem>>, vector<32x128xf32>
    %get3A_5 = arith.constant 0 : index
    %get3A_6 = arith.constant 256 : index
    %get3A_7 = vector.load %arg1[%get3A_5, %get3A_6] : memref<32x32768xf32, #tpu.memory_space<vmem>>, vector<32x128xf32>
    %get3A_8 = arith.constant 0 : index
    %get3A_9 = arith.constant 384 : index
    %get3A_10 = vector.load %arg1[%get3A_8, %get3A_9] : memref<32x32768xf32, #tpu.memory_space<vmem>>, vector<32x128xf32>
    %concatenate3A = tpu.concatenate %get3A_1, %get3A_4, %get3A_7, %get3A_10 in 0 : vector<32x128xf32>, vector<32x128xf32>, vector<32x128xf32>, vector<32x128xf32> -> vector<128x128xf32>
    %transpose3A = tpu.transpose %concatenate3A, [1, 0] : vector<128x128xf32> -> vector<128x128xf32>
    %swap3A = arith.constant 0 : index
    %swap3A_11 = arith.constant 0 : index
    %swap3A_12 = vector.load %arg3[%swap3A, %swap3A_11] : memref<8192x128xf32, #tpu.memory_space<vmem>>, vector<128x128xf32>
    tpu.vector_store %arg3[%swap3A, %swap3A_11], %transpose3A {strides = array<i32>} : memref<8192x128xf32, #tpu.memory_space<vmem>>, vector<128x128xf32>,
    %get3A_13 = arith.constant 0 : index
    %get3A_14 = arith.constant 512 : index
    %get3A_15 = vector.load %arg1[%get3A_13, %get3A_14] : memref<32x32768xf32, #tpu.memory_space<vmem>>, vector<32x128xf32>
    %get3A_16 = arith.constant 0 : index
    %get3A_17 = arith.constant 640 : index
    %get3A_18 = vector.load %arg1[%get3A_16, %get3A_17] : memref<32x32768xf32, #tpu.memory_space<vmem>>, vector<32x128xf32>
    %get3A_19 = arith.constant 0 : index
    %get3A_20 = arith.constant 768 : index
    %get3A_21 = vector.load %arg1[%get3A_19, %get3A_20] : memref<32x32768xf32, #tpu.memory_space<vmem>>, vector<32x128xf32>
    %get3A_22 = arith.constant 0 : index
    %get3A_23 = arith.constant 896 : index
    %get3A_24 = vector.load %arg1[%get3A_22, %get3A_23] : memref<32x32768xf32, #tpu.memory_space<vmem>>, vector<32x128xf32>
    %concatenate3A_25 = tpu.concatenate %get3A_15, %get3A_18, %get3A_21, %get3A_24 in 0 : vector<32x128xf32>, vector<32x128xf32>, vector<32x128xf32>, vector<32x128xf32> -> vector<128x128xf32>
    %transpose3A_26 = tpu.transpose %concatenate3A_25, [1, 0] : vector<128x128xf32> -> vector<128x128xf32>
    %swap3A_27 = arith.constant 128 : index
    %swap3A_28 = arith.constant 0 : index
    %swap3A_29 = vector.load %arg3[%swap3A_27, %swap3A_28] : memref<8192x128xf32, #tpu.memory_space<vmem>>, vector<128x128xf32>
    tpu.vector_store %arg3[%swap3A_27, %swap3A_28], %transpose3A_26 {strides = array<i32>} : memref<8192x128xf32, #tpu.memory_space<vmem>>, vector<128x128xf32>,
    %get3A_30 = arith.constant 0 : index
    %get3A_31 = arith.constant 1024 : index
    %get3A_32 = vector.load %arg1[%get3A_30, %get3A_31] : memref<32x32768xf32, #tpu.memory_space<vmem>>, vector<32x128xf32>
    %get3A_33 = arith.constant 0 : index
    %get3A_34 = arith.constant 1152 : index
    %get3A_35 = vector.load %arg1[%get3A_33, %get3A_34] : memref<32x32768xf32, #tpu.memory_space<vmem>>, vector<32x128xf32>
    %get3A_36 = arith.constant 0 : index
    %get3A_37 = arith.constant 1280 : index
    %get3A_38 = vector.load %arg1[%get3A_36, %get3A_37] : memref<32x32768xf32, #tpu.memory_space<vmem>>, vector<32x128xf32>
    %get3A_39 = arith.constant 0 : index
    %get3A_40 = arith.constant 1408 : index
    %get3A_41 = vector.load %arg1[%get3A_39, %get3A_40] : memref<32x32768xf32, #tpu.memory_space<vmem>>, vector<32x128xf32>
    %concatenate3A_42 = tpu.concatenate %get3A_32, %get3A_35, %get3A_38, %get3A_41 in 0 : vector<32x128xf32>, vector<32x128xf32>, vector<32x128xf32>, vector<32x128xf32> -> vector<128x128xf32>
    %transpose3A_43 = tpu.transpose %concatenate3A_42, [1, 0] : vector<128x128xf32> -> vector<128x128xf32>
    %swap3A_44 = arith.constant 256 : index
    %swap3A_45 = arith.constant 0 : index
    %swap3A_46 = vector.load %arg3[%swap3A_44, %swap3A_45] : memref<8192x128xf32, #tpu.memory_space<vmem>>, vector<128x128xf32>
    tpu.vector_store %arg3[%swap3A_44, %swap3A_45], %transpose3A_43 {strides = array<i32>} : memref<8192x128xf32, #tpu.memory_space<vmem>>, vector<128x128xf32>,
    %get3A_47 = arith.constant 0 : index
    %get3A_48 = arith.constant 1536 : index
    %get3A_49 = vector.load %arg1[%get3A_47, %get3A_48] : memref<32x32768xf32, #tpu.memory_space<vmem>>, vector<32x128xf32>
    %get3A_50 = arith.constant 0 : index
    %get3A_51 = arith.constant 1664 : index
    %get3A_52 = vector.load %arg1[%get3A_50, %get3A_51] : memref<32x32768xf32, #tpu.memory_space<vmem>>, vector<32x128xf32>
    %get3A_53 = arith.constant 0 : index
    %get3A_54 = arith.constant 1792 : index
    %get3A_55 = vector.load %arg1[%get3A_53, %get3A_54] : memref<32x32768xf32, #tpu.memory_space<vmem>>, vector<32x128xf32>
    %get3A_56 = arith.constant 0 : index
    %get3A_57 = arith.constant 1920 : index
    %get3A_58 = vector.load %arg1[%get3A_56, %get3A_57] : memref<32x32768xf32, #tpu.memory_space<vmem>>, vector<32x128xf32>
    %concatenate3A_59 = tpu.concatenate %get3A_49, %get3A_52, %get3A_55, %get3A_58 in 0 : vector<32x128xf32>, vector<32x128xf32>, vector<32x128xf32>, vector<32x128xf32> -> vector<128x128xf32>
    %transpose3A_60 = tpu.transpose %concatenate3A_59, [1, 0] : vector<128x128xf32> -> vector<128x128xf32>
    %swap3A_61 = arith.constant 384 : index
    %swap3A_62 = arith.constant 0 : index
    %swap3A_63 = vector.load %arg3[%swap3A_61, %swap3A_62] : memref<8192x128xf32, #tpu.memory_space<vmem>>, vector<128x128xf32>
    tpu.vector_store %arg3[%swap3A_61, %swap3A_62], %transpose3A_60 {strides = array<i32>} : memref<8192x128xf32, #tpu.memory_space<vmem>>, vector<128x128xf32>,
    %get3A_64 = arith.constant 0 : index
    %get3A_65 = arith.constant 2048 : index
    %get3A_66 = vector.load %arg1[%get3A_64, %get3A_65] : memref<32x32768xf32, #tpu.memory_space<vmem>>, vector<32x128xf32>
    %get3A_67 = arith.constant 0 : index
    %get3A_68 = arith.constant 2176 : index
    %get3A_69 = vector.load %arg1[%get3A_67, %get3A_68] : memref<32x32768xf32, #tpu.memory_space<vmem>>, vector<32x128xf32>
    %get3A_70 = arith.constant 0 : index
    %get3A_71 = arith.constant 2304 : index
    %get3A_72 = vector.load %arg1[%get3A_70, %get3A_71] : memref<32x32768xf32, #tpu.memory_space<vmem>>, vector<32x128xf32>
    %get3A_73 = arith.constant 0 : index
    %get3A_74 = arith.constant 2432 : index
    %get3A_75 = vector.load %arg1[%get3A_73, %get3A_74] : memref<32x32768xf32, #tpu.memory_space<vmem>>, vector<32x128xf32>
    %concatenate3A_76 = tpu.concatenate %get3A_66, %get3A_69, %get3A_72, %get3A_75 in 0 : vector<32x128xf32>, vector<32x128xf32>, vector<32x128xf32>, vector<32x128xf32> -> vector<128x128xf32>
    %transpose3A_77 = tpu.transpose %concatenate3A_76, [1, 0] : vector<128x128xf32> -> vector<128x128xf32>
    %swap3A_78 = arith.constant 512 : index
    %swap3A_79 = arith.constant 0 : index
    %swap3A_80 = vector.load %arg3[%swap3A_78, %swap3A_79] : memref<8192x128xf32, #tpu.memory_space<vmem>>, vector<128x128xf32>
    tpu.vector_store %arg3[%swap3A_78, %swap3A_79], %transpose3A_77 {strides = array<i32>} : memref<8192x128xf32, #tpu.memory_space<vmem>>, vector<128x128xf32>,
    %get3A_81 = arith.constant 0 : index
    %get3A_82 = arith.constant 2560 : index
    %get3A_83 = vector.load %arg1[%get3A_81, %get3A_82] : memref<32x32768xf32, #tpu.memory_space<vmem>>, vector<32x128xf32>
    %get3A_84 = arith.constant 0 : index
    %get3A_85 = arith.constant 2688 : index
    %get3A_86 = vector.load %arg1[%get3A_84, %get3A_85] : memref<32x32768xf32, #tpu.memory_space<vmem>>, vector<32x128xf32>
    %get3A_87 = arith.constant 0 : index
    %get3A_88 = arith.constant 2816 : index
    %get3A_89 = vector.load %arg1[%get3A_87, %get3A_88] : memref<32x32768xf32, #tpu.memory_space<vmem>>, vector<32x128xf32>
    %get3A_90 = arith.constant 0 : index
    %get3A_91 = arith.constant 2944 : index
    %get3A_92 = vector.load %arg1[%get3A_90, %get3A_91] : memref<32x32768xf32, #tpu.memory_space<vmem>>, vector<32x128xf32>
    %concatenate3A_93 = tpu.concatenate %get3A_83, %get3A_86, %get3A_89, %get3A_92 in 0 : vector<32x128xf32>, vector<32x128xf32>, vector<32x128xf32>, vector<32x128xf32> -> vector<128x128xf32>
    %transpose3A_94 = tpu.transpose %concatenate3A_93, [1, 0] : vector<128x128xf32> -> vector<128x128xf32>
    %swap3A_95 = arith.constant 640 : index
    %swap3A_96 = arith.constant 0 : index
    %swap3A_97 = vector.load %arg3[%swap3A_95, %swap3A_96] : memref<8192x128xf32, #tpu.memory_space<vmem>>, vector<128x128xf32>
    tpu.vector_store %arg3[%swap3A_95, %swap3A_96], %transpose3A_94 {strides = array<i32>} : memref<8192x128xf32, #tpu.memory_space<vmem>>, vector<128x128xf32>,
    %get3A_98 = arith.constant 0 : index
    %get3A_99 = arith.constant 3072 : index
    %get3A_100 = vector.load %arg1[%get3A_98, %get3A_99] : memref<32x32768xf32, #tpu.memory_space<vmem>>, vector<32x128xf32>
    %get3A_101 = arith.constant 0 : index
    %get3A_102 = arith.constant 3200 : index
    %get3A_103 = vector.load %arg1[%get3A_101, %get3A_102] : memref<32x32768xf32, #tpu.memory_space<vmem>>, vector<32x128xf32>
    %get3A_104 = arith.constant 0 : index
    %get3A_105 = arith.constant 3328 : index
    %get3A_106 = vector.load %arg1[%get3A_104, %get3A_105] : memref<32x32768xf32, #tpu.memory_space<vmem>>, vector<32x128xf32>
    %get3A_107 = arith.constant 0 : index
    %get3A_108 = arith.constant 3456 : index
    %get3A_109 = vector.load %arg1[%get3A_107, %get3A_108] : memref<32x32768xf32, #tpu.memory_space<vmem>>, vector<32x128xf32>
    %concatenate3A_110 = tpu.concatenate %get3A_100, %get3A_103, %get3A_106, %get3A_109 in 0 : vector<32x128xf32>, vector<32x128xf32>, vector<32x128xf32>, vector<32x128xf32> -> vector<128x128xf32>
    %transpose3A_111 = tpu.transpose %concatenate3A_110, [1, 0] : vector<128x128xf32> -> vector<128x128xf32>
    %swap3A_112 = arith.constant 768 : index
    %swap3A_113 = arith.constant 0 : index
    %swap3A_114 = vector.load %arg3[%swap3A_112, %swap3A_113] : memref<8192x128xf32, #tpu.memory_space<vmem>>, vector<128x128xf32>
    tpu.vector_store %arg3[%swap3A_112, %swap3A_113], %transpose3A_111 {strides = array<i32>} : memref<8192x128xf32, #tpu.memory_space<vmem>>, vector<128x128xf32>,
    %get3A_115 = arith.constant 0 : index
    %get3A_116 = arith.constant 3584 : index
    %get3A_117 = vector.load %arg1[%get3A_115, %get3A_116] : memref<32x32768xf32, #tpu.memory_space<vmem>>, vector<32x128xf32>
    %get3A_118 = arith.constant 0 : index
    %get3A_119 = arith.constant 3712 : index
    %get3A_120 = vector.load %arg1[%get3A_118, %get3A_119] : memref<32x32768xf32, #tpu.memory_space<vmem>>, vector<32x128xf32>
    %get3A_121 = arith.constant 0 : index
    %get3A_122 = arith.constant 3840 : index
    %get3A_123 = vector.load %arg1[%get3A_121, %get3A_122] : memref<32x32768xf32, #tpu.memory_space<vmem>>, vector<32x128xf32>
    %get3A_124 = arith.constant 0 : index
    %get3A_125 = arith.constant 3968 : index
    %get3A_126 = vector.load %arg1[%get3A_124, %get3A_125] : memref<32x32768xf32, #tpu.memory_space<vmem>>, vector<32x128xf32>
    %concatenate3A_127 = tpu.concatenate %get3A_117, %get3A_120, %get3A_123, %get3A_126 in 0 : vector<32x128xf32>, vector<32x128xf32>, vector<32x128xf32>, vector<32x128xf32> -> vector<128x128xf32>
    %transpose3A_128 = tpu.transpose %concatenate3A_127, [1, 0] : vector<128x128xf32> -> vector<128x128xf32>
    %swap3A_129 = arith.constant 896 : index
    %swap3A_130 = arith.constant 0 : index
    %swap3A_131 = vector.load %arg3[%swap3A_129, %swap3A_130] : memref<8192x128xf32, #tpu.memory_space<vmem>>, vector<128x128xf32>
    tpu.vector_store %arg3[%swap3A_129, %swap3A_130], %transpose3A_128 {strides = array<i32>} : memref<8192x128xf32, #tpu.memory_space<vmem>>, vector<128x128xf32>,
    %get3A_132 = arith.constant 0 : index
    %get3A_133 = arith.constant 4096 : index
    %get3A_134 = vector.load %arg1[%get3A_132, %get3A_133] : memref<32x32768xf32, #tpu.memory_space<vmem>>, vector<32x128xf32>
    %get3A_135 = arith.constant 0 : index
    %get3A_136 = arith.constant 4224 : index
    %get3A_137 = vector.load %arg1[%get3A_135, %get3A_136] : memref<32x32768xf32, #tpu.memory_space<vmem>>, vector<32x128xf32>
    %get3A_138 = arith.constant 0 : index
    %get3A_139 = arith.constant 4352 : index
    %get3A_140 = vector.load %arg1[%get3A_138, %get3A_139] : memref<32x32768xf32, #tpu.memory_space<vmem>>, vector<32x128xf32>
    %get3A_141 = arith.constant 0 : index
    %get3A_142 = arith.constant 4480 : index
    %get3A_143 = vector.load %arg1[%get3A_141, %get3A_142] : memref<32x32768xf32, #tpu.memory_space<vmem>>, vector<32x128xf32>
    %concatenate3A_144 = tpu.concatenate %get3A_134, %get3A_137, %get3A_140, %get3A_143 in 0 : vector<32x128xf32>, vector<32x128xf32>, vector<32x128xf32>, vector<32x128xf32> -> vector<128x128xf32>
    %transpose3A_145 = tpu.transpose %concatenate3A_144, [1, 0] : vector<128x128xf32> -> vector<128x128xf32>
    %swap3A_146 = arith.constant 1024 : index
    %swap3A_147 = arith.constant 0 : index
    %swap3A_148 = vector.load %arg3[%swap3A_146, %swap3A_147] : memref<8192x128xf32, #tpu.memory_space<vmem>>, vector<128x128xf32>
    tpu.vector_store %arg3[%swap3A_146, %swap3A_147], %transpose3A_145 {strides = array<i32>} : memref<8192x128xf32, #tpu.memory_space<vmem>>, vector<128x128xf32>,
    %get3A_149 = arith.constant 0 : index
    %get3A_150 = arith.constant 4608 : index
    %get3A_151 = vector.load %arg1[%get3A_149, %get3A_150] : memref<32x32768xf32, #tpu.memory_space<vmem>>, vector<32x128xf32>
    %get3A_152 = arith.constant 0 : index
    %get3A_153 = arith.constant 4736 : index
    %get3A_154 = vector.load %arg1[%get3A_152, %get3A_153] : memref<32x32768xf32, #tpu.memory_space<vmem>>, vector<32x128xf32>
    %get3A_155 = arith.constant 0 : index
    %get3A_156 = arith.constant 4864 : index
    %get3A_157 = vector.load %arg1[%get3A_155, %get3A_156] : memref<32x32768xf32, #tpu.memory_space<vmem>>, vector<32x128xf32>
    %get3A_158 = arith.constant 0 : index
    %get3A_159 = arith.constant 4992 : index
    %get3A_160 = vector.load %arg1[%get3A_158, %get3A_159] : memref<32x32768xf32, #tpu.memory_space<vmem>>, vector<32x128xf32>
    %concatenate3A_161 = tpu.concatenate %get3A_151, %get3A_154, %get3A_157, %get3A_160 in 0 : vector<32x128xf32>, vector<32x128xf32>, vector<32x128xf32>, vector<32x128xf32> -> vector<128x128xf32>
    %transpose3A_162 = tpu.transpose %concatenate3A_161, [1, 0] : vector<128x128xf32> -> vector<128x128xf32>
    %swap3A_163 = arith.constant 1152 : index
    %swap3A_164 = arith.constant 0 : index
    %swap3A_165 = vector.load %arg3[%swap3A_163, %swap3A_164] : memref<8192x128xf32, #tpu.memory_space<vmem>>, vector<128x128xf32>
    tpu.vector_store %arg3[%swap3A_163, %swap3A_164], %transpose3A_162 {strides = array<i32>} : memref<8192x128xf32, #tpu.memory_space<vmem>>, vector<128x128xf32>,
    %get3A_166 = arith.constant 0 : index
    %get3A_167 = arith.constant 5120 : index
    %get3A_168 = vector.load %arg1[%get3A_166, %get3A_167] : memref<32x32768xf32, #tpu.memory_space<vmem>>, vector<32x128xf32>
    %get3A_169 = arith.constant 0 : index
    %get3A_170 = arith.constant 5248 : index
    %get3A_171 = vector.load %arg1[%get3A_169, %get3A_170] : memref<32x32768xf32, #tpu.memory_space<vmem>>, vector<32x128xf32>
    %get3A_172 = arith.constant 0 : index
    %get3A_173 = arith.constant 5376 : index
    %get3A_174 = vector.load %arg1[%get3A_172, %get3A_173] : memref<32x32768xf32, #tpu.memory_space<vmem>>, vector<32x128xf32>
    %get3A_175 = arith.constant 0 : index
    %get3A_176 = arith.constant 5504 : index
    %get3A_177 = vector.load %arg1[%get3A_175, %get3A_176] : memref<32x32768xf32, #tpu.memory_space<vmem>>, vector<32x128xf32>
    %concatenate3A_178 = tpu.concatenate %get3A_168, %get3A_171, %get3A_174, %get3A_177 in 0 : vector<32x128xf32>, vector<32x128xf32>, vector<32x128xf32>, vector<32x128xf32> -> vector<128x128xf32>
    %transpose3A_179 = tpu.transpose %concatenate3A_178, [1, 0] : vector<128x128xf32> -> vector<128x128xf32>
    %swap3A_180 = arith.constant 1280 : index
    %swap3A_181 = arith.constant 0 : index
    %swap3A_182 = vector.load %arg3[%swap3A_180, %swap3A_181] : memref<8192x128xf32, #tpu.memory_space<vmem>>, vector<128x128xf32>
    tpu.vector_store %arg3[%swap3A_180, %swap3A_181], %transpose3A_179 {strides = array<i32>} : memref<8192x128xf32, #tpu.memory_space<vmem>>, vector<128x128xf32>,
    %get3A_183 = arith.constant 0 : index
    %get3A_184 = arith.constant 5632 : index
    %get3A_185 = vector.load %arg1[%get3A_183, %get3A_184] : memref<32x32768xf32, #tpu.memory_space<vmem>>, vector<32x128xf32>
    %get3A_186 = arith.constant 0 : index
    %get3A_187 = arith.constant 5760 : index
    %get3A_188 = vector.load %arg1[%get3A_186, %get3A_187] : memref<32x32768xf32, #tpu.memory_space<vmem>>, vector<32x128xf32>
    %get3A_189 = arith.constant 0 : index
    %get3A_190 = arith.constant 5888 : index
    %get3A_191 = vector.load %arg1[%get3A_189, %get3A_190] : memref<32x32768xf32, #tpu.memory_space<vmem>>, vector<32x128xf32>
    %get3A_192 = arith.constant 0 : index
    %get3A_193 = arith.constant 6016 : index
    %get3A_194 = vector.load %arg1[%get3A_192, %get3A_193] : memref<32x32768xf32, #tpu.memory_space<vmem>>, vector<32x128xf32>
    %concatenate3A_195 = tpu.concatenate %get3A_185, %get3A_188, %get3A_191, %get3A_194 in 0 : vector<32x128xf32>, vector<32x128xf32>, vector<32x128xf32>, vector<32x128xf32> -> vector<128x128xf32>
    %transpose3A_196 = tpu.transpose %concatenate3A_195, [1, 0] : vector<128x128xf32> -> vector<128x128xf32>
    %swap3A_197 = arith.constant 1408 : index
    %swap3A_198 = arith.constant 0 : index
    %swap3A_199 = vector.load %arg3[%swap3A_197, %swap3A_198] : memref<8192x128xf32, #tpu.memory_space<vmem>>, vector<128x128xf32>
    tpu.vector_store %arg3[%swap3A_197, %swap3A_198], %transpose3A_196 {strides = array<i32>} : memref<8192x128xf32, #tpu.memory_space<vmem>>, vector<128x128xf32>,
    %get3A_200 = arith.constant 0 : index
    %get3A_201 = arith.constant 6144 : index
    %get3A_202 = vector.load %arg1[%get3A_200, %get3A_201] : memref<32x32768xf32, #tpu.memory_space<vmem>>, vector<32x128xf32>
    %get3A_203 = arith.constant 0 : index
    %get3A_204 = arith.constant 6272 : index
    %get3A_205 = vector.load %arg1[%get3A_203, %get3A_204] : memref<32x32768xf32, #tpu.memory_space<vmem>>, vector<32x128xf32>
    %get3A_206 = arith.constant 0 : index
    %get3A_207 = arith.constant 6400 : index
    %get3A_208 = vector.load %arg1[%get3A_206, %get3A_207] : memref<32x32768xf32, #tpu.memory_space<vmem>>, vector<32x128xf32>
    %get3A_209 = arith.constant 0 : index
    %get3A_210 = arith.constant 6528 : index
    %get3A_211 = vector.load %arg1[%get3A_209, %get3A_210] : memref<32x32768xf32, #tpu.memory_space<vmem>>, vector<32x128xf32>
    %concatenate3A_212 = tpu.concatenate %get3A_202, %get3A_205, %get3A_208, %get3A_211 in 0 : vector<32x128xf32>, vector<32x128xf32>, vector<32x128xf32>, vector<32x128xf32> -> vector<128x128xf32>
    %transpose3A_213 = tpu.transpose %concatenate3A_212, [1, 0] : vector<128x128xf32> -> vector<128x128xf32>
    %swap3A_214 = arith.constant 1536 : index
    %swap3A_215 = arith.constant 0 : index
    %swap3A_216 = vector.load %arg3[%swap3A_214, %swap3A_215] : memref<8192x128xf32, #tpu.memory_space<vmem>>, vector<128x128xf32>
    tpu.vector_store %arg3[%swap3A_214, %swap3A_215], %transpose3A_213 {strides = array<i32>} : memref<8192x128xf32, #tpu.memory_space<vmem>>, vector<128x128xf32>,
    %get3A_217 = arith.constant 0 : index
    %get3A_218 = arith.constant 6656 : index
    %get3A_219 = vector.load %arg1[%get3A_217, %get3A_218] : memref<32x32768xf32, #tpu.memory_space<vmem>>, vector<32x128xf32>
    %get3A_220 = arith.constant 0 : index
    %get3A_221 = arith.constant 6784 : index
    %get3A_222 = vector.load %arg1[%get3A_220, %get3A_221] : memref<32x32768xf32, #tpu.memory_space<vmem>>, vector<32x128xf32>
    %get3A_223 = arith.constant 0 : index
    %get3A_224 = arith.constant 6912 : index
    %get3A_225 = vector.load %arg1[%get3A_223, %get3A_224] : memref<32x32768xf32, #tpu.memory_space<vmem>>, vector<32x128xf32>
    %get3A_226 = arith.constant 0 : index
    %get3A_227 = arith.constant 7040 : index
    %get3A_228 = vector.load %arg1[%get3A_226, %get3A_227] : memref<32x32768xf32, #tpu.memory_space<vmem>>, vector<32x128xf32>
    %concatenate3A_229 = tpu.concatenate %get3A_219, %get3A_222, %get3A_225, %get3A_228 in 0 : vector<32x128xf32>, vector<32x128xf32>, vector<32x128xf32>, vector<32x128xf32> -> vector<128x128xf32>
    %transpose3A_230 = tpu.transpose %concatenate3A_229, [1, 0] : vector<128x128xf32> -> vector<128x128xf32>
    %swap3A_231 = arith.constant 1664 : index
    %swap3A_232 = arith.constant 0 : index
    %swap3A_233 = vector.load %arg3[%swap3A_231, %swap3A_232] : memref<8192x128xf32, #tpu.memory_space<vmem>>, vector<128x128xf32>
    tpu.vector_store %arg3[%swap3A_231, %swap3A_232], %transpose3A_230 {strides = array<i32>} : memref<8192x128xf32, #tpu.memory_space<vmem>>, vector<128x128xf32>,
    %get3A_234 = arith.constant 0 : index
    %get3A_235 = arith.constant 7168 : index
    %get3A_236 = vector.load %arg1[%get3A_234, %get3A_235] : memref<32x32768xf32, #tpu.memory_space<vmem>>, vector<32x128xf32>
    %get3A_237 = arith.constant 0 : index
    %get3A_238 = arith.constant 7296 : index
    %get3A_239 = vector.load %arg1[%get3A_237, %get3A_238] : memref<32x32768xf32, #tpu.memory_space<vmem>>, vector<32x128xf32>
    %get3A_240 = arith.constant 0 : index
    %get3A_241 = arith.constant 7424 : index
    %get3A_242 = vector.load %arg1[%get3A_240, %get3A_241] : memref<32x32768xf32, #tpu.memory_space<vmem>>, vector<32x128xf32>
    %get3A_243 = arith.constant 0 : index
    %get3A_244 = arith.constant 7552 : index
    %get3A_245 = vector.load %arg1[%get3A_243, %get3A_244] : memref<32x32768xf32, #tpu.memory_space<vmem>>, vector<32x128xf32>
    %concatenate3A_246 = tpu.concatenate %get3A_236, %get3A_239, %get3A_242, %get3A_245 in 0 : vector<32x128xf32>, vector<32x128xf32>, vector<32x128xf32>, vector<32x128xf32> -> vector<128x128xf32>
    %transpose3A_247 = tpu.transpose %concatenate3A_246, [1, 0] : vector<128x128xf32> -> vector<128x128xf32>
    %swap3A_248 = arith.constant 1792 : index
    %swap3A_249 = arith.constant 0 : index
    %swap3A_250 = vector.load %arg3[%swap3A_248, %swap3A_249] : memref<8192x128xf32, #tpu.memory_space<vmem>>, vector<128x128xf32>
    tpu.vector_store %arg3[%swap3A_248, %swap3A_249], %transpose3A_247 {strides = array<i32>} : memref<8192x128xf32, #tpu.memory_space<vmem>>, vector<128x128xf32>,
    %get3A_251 = arith.constant 0 : index
    %get3A_252 = arith.constant 7680 : index
    %get3A_253 = vector.load %arg1[%get3A_251, %get3A_252] : memref<32x32768xf32, #tpu.memory_space<vmem>>, vector<32x128xf32>
    %get3A_254 = arith.constant 0 : index
    %get3A_255 = arith.constant 7808 : index
    %get3A_256 = vector.load %arg1[%get3A_254, %get3A_255] : memref<32x32768xf32, #tpu.memory_space<vmem>>, vector<32x128xf32>
    %get3A_257 = arith.constant 0 : index
    %get3A_258 = arith.constant 7936 : index
    %get3A_259 = vector.load %arg1[%get3A_257, %get3A_258] : memref<32x32768xf32, #tpu.memory_space<vmem>>, vector<32x128xf32>
    %get3A_260 = arith.constant 0 : index
    %get3A_261 = arith.constant 8064 : index
    %get3A_262 = vector.load %arg1[%get3A_260, %get3A_261] : memref<32x32768xf32, #tpu.memory_space<vmem>>, vector<32x128xf32>
    %concatenate3A_263 = tpu.concatenate %get3A_253, %get3A_256, %get3A_259, %get3A_262 in 0 : vector<32x128xf32>, vector<32x128xf32>, vector<32x128xf32>, vector<32x128xf32> -> vector<128x128xf32>
    %transpose3A_264 = tpu.transpose %concatenate3A_263, [1, 0] : vector<128x128xf32> -> vector<128x128xf32>
    %swap3A_265 = arith.constant 1920 : index
    %swap3A_266 = arith.constant 0 : index
    %swap3A_267 = vector.load %arg3[%swap3A_265, %swap3A_266] : memref<8192x128xf32, #tpu.memory_space<vmem>>, vector<128x128xf32>
    tpu.vector_store %arg3[%swap3A_265, %swap3A_266], %transpose3A_264 {strides = array<i32>} : memref<8192x128xf32, #tpu.memory_space<vmem>>, vector<128x128xf32>,
    %get3A_268 = arith.constant 0 : index
    %get3A_269 = arith.constant 8192 : index
    %get3A_270 = vector.load %arg1[%get3A_268, %get3A_269] : memref<32x32768xf32, #tpu.memory_space<vmem>>, vector<32x128xf32>
    %get3A_271 = arith.constant 0 : index
    %get3A_272 = arith.constant 8320 : index
    %get3A_273 = vector.load %arg1[%get3A_271, %get3A_272] : memref<32x32768xf32, #tpu.memory_space<vmem>>, vector<32x128xf32>
    %get3A_274 = arith.constant 0 : index
    %get3A_275 = arith.constant 8448 : index
    %get3A_276 = vector.load %arg1[%get3A_274, %get3A_275] : memref<32x32768xf32, #tpu.memory_space<vmem>>, vector<32x128xf32>
    %get3A_277 = arith.constant 0 : index
    %get3A_278 = arith.constant 8576 : index
    %get3A_279 = vector.load %arg1[%get3A_277, %get3A_278] : memref<32x32768xf32, #tpu.memory_space<vmem>>, vector<32x128xf32>
    %concatenate3A_280 = tpu.concatenate %get3A_270, %get3A_273, %get3A_276, %get3A_279 in 0 : vector<32x128xf32>, vector<32x128xf32>, vector<32x128xf32>, vector<32x128xf32> -> vector<128x128xf32>
    %transpose3A_281 = tpu.transpose %concatenate3A_280, [1, 0] : vector<128x128xf32> -> vector<128x128xf32>
    %swap3A_282 = arith.constant 2048 : index
    %swap3A_283 = arith.constant 0 : index
    %swap3A_284 = vector.load %arg3[%swap3A_282, %swap3A_283] : memref<8192x128xf32, #tpu.memory_space<vmem>>, vector<128x128xf32>
    tpu.vector_store %arg3[%swap3A_282, %swap3A_283], %transpose3A_281 {strides = array<i32>} : memref<8192x128xf32, #tpu.memory_space<vmem>>, vector<128x128xf32>,
    %get3A_285 = arith.constant 0 : index
    %get3A_286 = arith.constant 8704 : index
    %get3A_287 = vector.load %arg1[%get3A_285, %get3A_286] : memref<32x32768xf32, #tpu.memory_space<vmem>>, vector<32x128xf32>
    %get3A_288 = arith.constant 0 : index
    %get3A_289 = arith.constant 8832 : index
    %get3A_290 = vector.load %arg1[%get3A_288, %get3A_289] : memref<32x32768xf32, #tpu.memory_space<vmem>>, vector<32x128xf32>
    %get3A_291 = arith.constant 0 : index
    %get3A_292 = arith.constant 8960 : index
    %get3A_293 = vector.load %arg1[%get3A_291, %get3A_292] : memref<32x32768xf32, #tpu.memory_space<vmem>>, vector<32x128xf32>
    %get3A_294 = arith.constant 0 : index
    %get3A_295 = arith.constant 9088 : index
    %get3A_296 = vector.load %arg1[%get3A_294, %get3A_295] : memref<32x32768xf32, #tpu.memory_space<vmem>>, vector<32x128xf32>
    %concatenate3A_297 = tpu.concatenate %get3A_287, %get3A_290, %get3A_293, %get3A_296 in 0 : vector<32x128xf32>, vector<32x128xf32>, vector<32x128xf32>, vector<32x128xf32> -> vector<128x128xf32>
    %transpose3A_298 = tpu.transpose %concatenate3A_297, [1, 0] : vector<128x128xf32> -> vector<128x128xf32>
    %swap3A_299 = arith.constant 2176 : index
    %swap3A_300 = arith.constant 0 : index
    %swap3A_301 = vector.load %arg3[%swap3A_299, %swap3A_300] : memref<8192x128xf32, #tpu.memory_space<vmem>>, vector<128x128xf32>
    tpu.vector_store %arg3[%swap3A_299, %swap3A_300], %transpose3A_298 {strides = array<i32>} : memref<8192x128xf32, #tpu.memory_space<vmem>>, vector<128x128xf32>,
    %get3A_302 = arith.constant 0 : index
    %get3A_303 = arith.constant 9216 : index
    %get3A_304 = vector.load %arg1[%get3A_302, %get3A_303] : memref<32x32768xf32, #tpu.memory_space<vmem>>, vector<32x128xf32>
    %get3A_305 = arith.constant 0 : index
    %get3A_306 = arith.constant 9344 : index
    %get3A_307 = vector.load %arg1[%get3A_305, %get3A_306] : memref<32x32768xf32, #tpu.memory_space<vmem>>, vector<32x128xf32>
    %get3A_308 = arith.constant 0 : index
    %get3A_309 = arith.constant 9472 : index
    %get3A_310 = vector.load %arg1[%get3A_308, %get3A_309] : memref<32x32768xf32, #tpu.memory_space<vmem>>, vector<32x128xf32>
    %get3A_311 = arith.constant 0 : index
    %get3A_312 = arith.constant 9600 : index
    %get3A_313 = vector.load %arg1[%get3A_311, %get3A_312] : memref<32x32768xf32, #tpu.memory_space<vmem>>, vector<32x128xf32>
    %concatenate3A_314 = tpu.concatenate %get3A_304, %get3A_307, %get3A_310, %get3A_313 in 0 : vector<32x128xf32>, vector<32x128xf32>, vector<32x128xf32>, vector<32x128xf32> -> vector<128x128xf32>
    %transpose3A_315 = tpu.transpose %concatenate3A_314, [1, 0] : vector<128x128xf32> -> vector<128x128xf32>
    %swap3A_316 = arith.constant 2304 : index
    %swap3A_317 = arith.constant 0 : index
    %swap3A_318 = vector.load %arg3[%swap3A_316, %swap3A_317] : memref<8192x128xf32, #tpu.memory_space<vmem>>, vector<128x128xf32>
    tpu.vector_store %arg3[%swap3A_316, %swap3A_317], %transpose3A_315 {strides = array<i32>} : memref<8192x128xf32, #tpu.memory_space<vmem>>, vector<128x128xf32>,
    %get3A_319 = arith.constant 0 : index
    %get3A_320 = arith.constant 9728 : index
    %get3A_321 = vector.load %arg1[%get3A_319, %get3A_320] : memref<32x32768xf32, #tpu.memory_space<vmem>>, vector<32x128xf32>
    %get3A_322 = arith.constant 0 : index
    %get3A_323 = arith.constant 9856 : index
    %get3A_324 = vector.load %arg1[%get3A_322, %get3A_323] : memref<32x32768xf32, #tpu.memory_space<vmem>>, vector<32x128xf32>
    %get3A_325 = arith.constant 0 : index
    %get3A_326 = arith.constant 9984 : index
    %get3A_327 = vector.load %arg1[%get3A_325, %get3A_326] : memref<32x32768xf32, #tpu.memory_space<vmem>>, vector<32x128xf32>
    %get3A_328 = arith.constant 0 : index
    %get3A_329 = arith.constant 10112 : index
    %get3A_330 = vector.load %arg1[%get3A_328, %get3A_329] : memref<32x32768xf32, #tpu.memory_space<vmem>>, vector<32x128xf32>
    %concatenate3A_331 = tpu.concatenate %get3A_321, %get3A_324, %get3A_327, %get3A_330 in 0 : vector<32x128xf32>, vector<32x128xf32>, vector<32x128xf32>, vector<32x128xf32> -> vector<128x128xf32>
    %transpose3A_332 = tpu.transpose %concatenate3A_331, [1, 0] : vector<128x128xf32> -> vector<128x128xf32>
    %swap3A_333 = arith.constant 2432 : index
    %swap3A_334 = arith.constant 0 : index
    %swap3A_335 = vector.load %arg3[%swap3A_333, %swap3A_334] : memref<8192x128xf32, #tpu.memory_space<vmem>>, vector<128x128xf32>
    tpu.vector_store %arg3[%swap3A_333, %swap3A_334], %transpose3A_332 {strides = array<i32>} : memref<8192x128xf32, #tpu.memory_space<vmem>>, vector<128x128xf32>,
    %get3A_336 = arith.constant 0 : index
    %get3A_337 = arith.constant 10240 : index
    %get3A_338 = vector.load %arg1[%get3A_336, %get3A_337] : memref<32x32768xf32, #tpu.memory_space<vmem>>, vector<32x128xf32>
    %get3A_339 = arith.constant 0 : index
    %get3A_340 = arith.constant 10368 : index
    %get3A_341 = vector.load %arg1[%get3A_339, %get3A_340] : memref<32x32768xf32, #tpu.memory_space<vmem>>, vector<32x128xf32>
    %get3A_342 = arith.constant 0 : index
    %get3A_343 = arith.constant 10496 : index
    %get3A_344 = vector.load %arg1[%get3A_342, %get3A_343] : memref<32x32768xf32, #tpu.memory_space<vmem>>, vector<32x128xf32>
    %get3A_345 = arith.constant 0 : index
    %get3A_346 = arith.constant 10624 : index
    %get3A_347 = vector.load %arg1[%get3A_345, %get3A_346] : memref<32x32768xf32, #tpu.memory_space<vmem>>, vector<32x128xf32>
    %concatenate3A_348 = tpu.concatenate %get3A_338, %get3A_341, %get3A_344, %get3A_347 in 0 : vector<32x128xf32>, vector<32x128xf32>, vector<32x128xf32>, vector<32x128xf32> -> vector<128x128xf32>
    %transpose3A_349 = tpu.transpose %concatenate3A_348, [1, 0] : vector<128x128xf32> -> vector<128x128xf32>
    %swap3A_350 = arith.constant 2560 : index
    %swap3A_351 = arith.constant 0 : index
    %swap3A_352 = vector.load %arg3[%swap3A_350, %swap3A_351] : memref<8192x128xf32, #tpu.memory_space<vmem>>, vector<128x128xf32>
    tpu.vector_store %arg3[%swap3A_350, %swap3A_351], %transpose3A_349 {strides = array<i32>} : memref<8192x128xf32, #tpu.memory_space<vmem>>, vector<128x128xf32>,
    %get3A_353 = arith.constant 0 : index
    %get3A_354 = arith.constant 10752 : index
    %get3A_355 = vector.load %arg1[%get3A_353, %get3A_354] : memref<32x32768xf32, #tpu.memory_space<vmem>>, vector<32x128xf32>
    %get3A_356 = arith.constant 0 : index
    %get3A_357 = arith.constant 10880 : index
    %get3A_358 = vector.load %arg1[%get3A_356, %get3A_357] : memref<32x32768xf32, #tpu.memory_space<vmem>>, vector<32x128xf32>
    %get3A_359 = arith.constant 0 : index
    %get3A_360 = arith.constant 11008 : index
    %get3A_361 = vector.load %arg1[%get3A_359, %get3A_360] : memref<32x32768xf32, #tpu.memory_space<vmem>>, vector<32x128xf32>
    %get3A_362 = arith.constant 0 : index
    %get3A_363 = arith.constant 11136 : index
    %get3A_364 = vector.load %arg1[%get3A_362, %get3A_363] : memref<32x32768xf32, #tpu.memory_space<vmem>>, vector<32x128xf32>
    %concatenate3A_365 = tpu.concatenate %get3A_355, %get3A_358, %get3A_361, %get3A_364 in 0 : vector<32x128xf32>, vector<32x128xf32>, vector<32x128xf32>, vector<32x128xf32> -> vector<128x128xf32>
    %transpose3A_366 = tpu.transpose %concatenate3A_365, [1, 0] : vector<128x128xf32> -> vector<128x128xf32>
    %swap3A_367 = arith.constant 2688 : index
    %swap3A_368 = arith.constant 0 : index
    %swap3A_369 = vector.load %arg3[%swap3A_367, %swap3A_368] : memref<8192x128xf32, #tpu.memory_space<vmem>>, vector<128x128xf32>
    tpu.vector_store %arg3[%swap3A_367, %swap3A_368], %transpose3A_366 {strides = array<i32>} : memref<8192x128xf32, #tpu.memory_space<vmem>>, vector<128x128xf32>,
    %get3A_370 = arith.constant 0 : index
    %get3A_371 = arith.constant 11264 : index
    %get3A_372 = vector.load %arg1[%get3A_370, %get3A_371] : memref<32x32768xf32, #tpu.memory_space<vmem>>, vector<32x128xf32>
    %get3A_373 = arith.constant 0 : index
    %get3A_374 = arith.constant 11392 : index
    %get3A_375 = vector.load %arg1[%get3A_373, %get3A_374] : memref<32x32768xf32, #tpu.memory_space<vmem>>, vector<32x128xf32>
    %get3A_376 = arith.constant 0 : index
    %get3A_377 = arith.constant 11520 : index
    %get3A_378 = vector.load %arg1[%get3A_376, %get3A_377] : memref<32x32768xf32, #tpu.memory_space<vmem>>, vector<32x128xf32>
    %get3A_379 = arith.constant 0 : index
    %get3A_380 = arith.constant 11648 : index
    %get3A_381 = vector.load %arg1[%get3A_379, %get3A_380] : memref<32x32768xf32, #tpu.memory_space<vmem>>, vector<32x128xf32>
    %concatenate3A_382 = tpu.concatenate %get3A_372, %get3A_375, %get3A_378, %get3A_381 in 0 : vector<32x128xf32>, vector<32x128xf32>, vector<32x128xf32>, vector<32x128xf32> -> vector<128x128xf32>
    %transpose3A_383 = tpu.transpose %concatenate3A_382, [1, 0] : vector<128x128xf32> -> vector<128x128xf32>
    %swap3A_384 = arith.constant 2816 : index
    %swap3A_385 = arith.constant 0 : index
    %swap3A_386 = vector.load %arg3[%swap3A_384, %swap3A_385] : memref<8192x128xf32, #tpu.memory_space<vmem>>, vector<128x128xf32>
    tpu.vector_store %arg3[%swap3A_384, %swap3A_385], %transpose3A_383 {strides = array<i32>} : memref<8192x128xf32, #tpu.memory_space<vmem>>, vector<128x128xf32>,
    %get3A_387 = arith.constant 0 : index
    %get3A_388 = arith.constant 11776 : index
    %get3A_389 = vector.load %arg1[%get3A_387, %get3A_388] : memref<32x32768xf32, #tpu.memory_space<vmem>>, vector<32x128xf32>
    %get3A_390 = arith.constant 0 : index
    %get3A_391 = arith.constant 11904 : index
    %get3A_392 = vector.load %arg1[%get3A_390, %get3A_391] : memref<32x32768xf32, #tpu.memory_space<vmem>>, vector<32x128xf32>
    %get3A_393 = arith.constant 0 : index
    %get3A_394 = arith.constant 12032 : index
    %get3A_395 = vector.load %arg1[%get3A_393, %get3A_394] : memref<32x32768xf32, #tpu.memory_space<vmem>>, vector<32x128xf32>
    %get3A_396 = arith.constant 0 : index
    %get3A_397 = arith.constant 12160 : index
    %get3A_398 = vector.load %arg1[%get3A_396, %get3A_397] : memref<32x32768xf32, #tpu.memory_space<vmem>>, vector<32x128xf32>
    %concatenate3A_399 = tpu.concatenate %get3A_389, %get3A_392, %get3A_395, %get3A_398 in 0 : vector<32x128xf32>, vector<32x128xf32>, vector<32x128xf32>, vector<32x128xf32> -> vector<128x128xf32>
    %transpose3A_400 = tpu.transpose %concatenate3A_399, [1, 0] : vector<128x128xf32> -> vector<128x128xf32>
    %swap3A_401 = arith.constant 2944 : index
    %swap3A_402 = arith.constant 0 : index
    %swap3A_403 = vector.load %arg3[%swap3A_401, %swap3A_402] : memref<8192x128xf32, #tpu.memory_space<vmem>>, vector<128x128xf32>
    tpu.vector_store %arg3[%swap3A_401, %swap3A_402], %transpose3A_400 {strides = array<i32>} : memref<8192x128xf32, #tpu.memory_space<vmem>>, vector<128x128xf32>,
    %get3A_404 = arith.constant 0 : index
    %get3A_405 = arith.constant 12288 : index
    %get3A_406 = vector.load %arg1[%get3A_404, %get3A_405] : memref<32x32768xf32, #tpu.memory_space<vmem>>, vector<32x128xf32>
    %get3A_407 = arith.constant 0 : index
    %get3A_408 = arith.constant 12416 : index
    %get3A_409 = vector.load %arg1[%get3A_407, %get3A_408] : memref<32x32768xf32, #tpu.memory_space<vmem>>, vector<32x128xf32>
    %get3A_410 = arith.constant 0 : index
    %get3A_411 = arith.constant 12544 : index
    %get3A_412 = vector.load %arg1[%get3A_410, %get3A_411] : memref<32x32768xf32, #tpu.memory_space<vmem>>, vector<32x128xf32>
    %get3A_413 = arith.constant 0 : index
    %get3A_414 = arith.constant 12672 : index
    %get3A_415 = vector.load %arg1[%get3A_413, %get3A_414] : memref<32x32768xf32, #tpu.memory_space<vmem>>, vector<32x128xf32>
    %concatenate3A_416 = tpu.concatenate %get3A_406, %get3A_409, %get3A_412, %get3A_415 in 0 : vector<32x128xf32>, vector<32x128xf32>, vector<32x128xf32>, vector<32x128xf32> -> vector<128x128xf32>
    %transpose3A_417 = tpu.transpose %concatenate3A_416, [1, 0] : vector<128x128xf32> -> vector<128x128xf32>
    %swap3A_418 = arith.constant 3072 : index
    %swap3A_419 = arith.constant 0 : index
    %swap3A_420 = vector.load %arg3[%swap3A_418, %swap3A_419] : memref<8192x128xf32, #tpu.memory_space<vmem>>, vector<128x128xf32>
    tpu.vector_store %arg3[%swap3A_418, %swap3A_419], %transpose3A_417 {strides = array<i32>} : memref<8192x128xf32, #tpu.memory_space<vmem>>, vector<128x128xf32>,
    %get3A_421 = arith.constant 0 : index
    %get3A_422 = arith.constant 12800 : index
    %get3A_423 = vector.load %arg1[%get3A_421, %get3A_422] : memref<32x32768xf32, #tpu.memory_space<vmem>>, vector<32x128xf32>
    %get3A_424 = arith.constant 0 : index
    %get3A_425 = arith.constant 12928 : index
    %get3A_426 = vector.load %arg1[%get3A_424, %get3A_425] : memref<32x32768xf32, #tpu.memory_space<vmem>>, vector<32x128xf32>
    %get3A_427 = arith.constant 0 : index
    %get3A_428 = arith.constant 13056 : index
    %get3A_429 = vector.load %arg1[%get3A_427, %get3A_428] : memref<32x32768xf32, #tpu.memory_space<vmem>>, vector<32x128xf32>
    %get3A_430 = arith.constant 0 : index
    %get3A_431 = arith.constant 13184 : index
    %get3A_432 = vector.load %arg1[%get3A_430, %get3A_431] : memref<32x32768xf32, #tpu.memory_space<vmem>>, vector<32x128xf32>
    %concatenate3A_433 = tpu.concatenate %get3A_423, %get3A_426, %get3A_429, %get3A_432 in 0 : vector<32x128xf32>, vector<32x128xf32>, vector<32x128xf32>, vector<32x128xf32> -> vector<128x128xf32>
    %transpose3A_434 = tpu.transpose %concatenate3A_433, [1, 0] : vector<128x128xf32> -> vector<128x128xf32>
    %swap3A_435 = arith.constant 3200 : index
    %swap3A_436 = arith.constant 0 : index
    %swap3A_437 = vector.load %arg3[%swap3A_435, %swap3A_436] : memref<8192x128xf32, #tpu.memory_space<vmem>>, vector<128x128xf32>
    tpu.vector_store %arg3[%swap3A_435, %swap3A_436], %transpose3A_434 {strides = array<i32>} : memref<8192x128xf32, #tpu.memory_space<vmem>>, vector<128x128xf32>,
    %get3A_438 = arith.constant 0 : index
    %get3A_439 = arith.constant 13312 : index
    %get3A_440 = vector.load %arg1[%get3A_438, %get3A_439] : memref<32x32768xf32, #tpu.memory_space<vmem>>, vector<32x128xf32>
    %get3A_441 = arith.constant 0 : index
    %get3A_442 = arith.constant 13440 : index
    %get3A_443 = vector.load %arg1[%get3A_441, %get3A_442] : memref<32x32768xf32, #tpu.memory_space<vmem>>, vector<32x128xf32>
    %get3A_444 = arith.constant 0 : index
    %get3A_445 = arith.constant 13568 : index
    %get3A_446 = vector.load %arg1[%get3A_444, %get3A_445] : memref<32x32768xf32, #tpu.memory_space<vmem>>, vector<32x128xf32>
    %get3A_447 = arith.constant 0 : index
    %get3A_448 = arith.constant 13696 : index
    %get3A_449 = vector.load %arg1[%get3A_447, %get3A_448] : memref<32x32768xf32, #tpu.memory_space<vmem>>, vector<32x128xf32>
    %concatenate3A_450 = tpu.concatenate %get3A_440, %get3A_443, %get3A_446, %get3A_449 in 0 : vector<32x128xf32>, vector<32x128xf32>, vector<32x128xf32>, vector<32x128xf32> -> vector<128x128xf32>
    %transpose3A_451 = tpu.transpose %concatenate3A_450, [1, 0] : vector<128x128xf32> -> vector<128x128xf32>
    %swap3A_452 = arith.constant 3328 : index
    %swap3A_453 = arith.constant 0 : index
    %swap3A_454 = vector.load %arg3[%swap3A_452, %swap3A_453] : memref<8192x128xf32, #tpu.memory_space<vmem>>, vector<128x128xf32>
    tpu.vector_store %arg3[%swap3A_452, %swap3A_453], %transpose3A_451 {strides = array<i32>} : memref<8192x128xf32, #tpu.memory_space<vmem>>, vector<128x128xf32>,
    %get3A_455 = arith.constant 0 : index
    %get3A_456 = arith.constant 13824 : index
    %get3A_457 = vector.load %arg1[%get3A_455, %get3A_456] : memref<32x32768xf32, #tpu.memory_space<vmem>>, vector<32x128xf32>
    %get3A_458 = arith.constant 0 : index
    %get3A_459 = arith.constant 13952 : index
    %get3A_460 = vector.load %arg1[%get3A_458, %get3A_459] : memref<32x32768xf32, #tpu.memory_space<vmem>>, vector<32x128xf32>
    %get3A_461 = arith.constant 0 : index
    %get3A_462 = arith.constant 14080 : index
    %get3A_463 = vector.load %arg1[%get3A_461, %get3A_462] : memref<32x32768xf32, #tpu.memory_space<vmem>>, vector<32x128xf32>
    %get3A_464 = arith.constant 0 : index
    %get3A_465 = arith.constant 14208 : index
    %get3A_466 = vector.load %arg1[%get3A_464, %get3A_465] : memref<32x32768xf32, #tpu.memory_space<vmem>>, vector<32x128xf32>
    %concatenate3A_467 = tpu.concatenate %get3A_457, %get3A_460, %get3A_463, %get3A_466 in 0 : vector<32x128xf32>, vector<32x128xf32>, vector<32x128xf32>, vector<32x128xf32> -> vector<128x128xf32>
    %transpose3A_468 = tpu.transpose %concatenate3A_467, [1, 0] : vector<128x128xf32> -> vector<128x128xf32>
    %swap3A_469 = arith.constant 3456 : index
    %swap3A_470 = arith.constant 0 : index
    %swap3A_471 = vector.load %arg3[%swap3A_469, %swap3A_470] : memref<8192x128xf32, #tpu.memory_space<vmem>>, vector<128x128xf32>
    tpu.vector_store %arg3[%swap3A_469, %swap3A_470], %transpose3A_468 {strides = array<i32>} : memref<8192x128xf32, #tpu.memory_space<vmem>>, vector<128x128xf32>,
    %get3A_472 = arith.constant 0 : index
    %get3A_473 = arith.constant 14336 : index
    %get3A_474 = vector.load %arg1[%get3A_472, %get3A_473] : memref<32x32768xf32, #tpu.memory_space<vmem>>, vector<32x128xf32>
    %get3A_475 = arith.constant 0 : index
    %get3A_476 = arith.constant 14464 : index
    %get3A_477 = vector.load %arg1[%get3A_475, %get3A_476] : memref<32x32768xf32, #tpu.memory_space<vmem>>, vector<32x128xf32>
    %get3A_478 = arith.constant 0 : index
    %get3A_479 = arith.constant 14592 : index
    %get3A_480 = vector.load %arg1[%get3A_478, %get3A_479] : memref<32x32768xf32, #tpu.memory_space<vmem>>, vector<32x128xf32>
    %get3A_481 = arith.constant 0 : index
    %get3A_482 = arith.constant 14720 : index
    %get3A_483 = vector.load %arg1[%get3A_481, %get3A_482] : memref<32x32768xf32, #tpu.memory_space<vmem>>, vector<32x128xf32>
    %concatenate3A_484 = tpu.concatenate %get3A_474, %get3A_477, %get3A_480, %get3A_483 in 0 : vector<32x128xf32>, vector<32x128xf32>, vector<32x128xf32>, vector<32x128xf32> -> vector<128x128xf32>
    %transpose3A_485 = tpu.transpose %concatenate3A_484, [1, 0] : vector<128x128xf32> -> vector<128x128xf32>
    %swap3A_486 = arith.constant 3584 : index
    %swap3A_487 = arith.constant 0 : index
    %swap3A_488 = vector.load %arg3[%swap3A_486, %swap3A_487] : memref<8192x128xf32, #tpu.memory_space<vmem>>, vector<128x128xf32>
    tpu.vector_store %arg3[%swap3A_486, %swap3A_487], %transpose3A_485 {strides = array<i32>} : memref<8192x128xf32, #tpu.memory_space<vmem>>, vector<128x128xf32>,
    %get3A_489 = arith.constant 0 : index
    %get3A_490 = arith.constant 14848 : index
    %get3A_491 = vector.load %arg1[%get3A_489, %get3A_490] : memref<32x32768xf32, #tpu.memory_space<vmem>>, vector<32x128xf32>
    %get3A_492 = arith.constant 0 : index
    %get3A_493 = arith.constant 14976 : index
    %get3A_494 = vector.load %arg1[%get3A_492, %get3A_493] : memref<32x32768xf32, #tpu.memory_space<vmem>>, vector<32x128xf32>
    %get3A_495 = arith.constant 0 : index
    %get3A_496 = arith.constant 15104 : index
    %get3A_497 = vector.load %arg1[%get3A_495, %get3A_496] : memref<32x32768xf32, #tpu.memory_space<vmem>>, vector<32x128xf32>
    %get3A_498 = arith.constant 0 : index
    %get3A_499 = arith.constant 15232 : index
    %get3A_500 = vector.load %arg1[%get3A_498, %get3A_499] : memref<32x32768xf32, #tpu.memory_space<vmem>>, vector<32x128xf32>
    %concatenate3A_501 = tpu.concatenate %get3A_491, %get3A_494, %get3A_497, %get3A_500 in 0 : vector<32x128xf32>, vector<32x128xf32>, vector<32x128xf32>, vector<32x128xf32> -> vector<128x128xf32>
    %transpose3A_502 = tpu.transpose %concatenate3A_501, [1, 0] : vector<128x128xf32> -> vector<128x128xf32>
    %swap3A_503 = arith.constant 3712 : index
    %swap3A_504 = arith.constant 0 : index
    %swap3A_505 = vector.load %arg3[%swap3A_503, %swap3A_504] : memref<8192x128xf32, #tpu.memory_space<vmem>>, vector<128x128xf32>
    tpu.vector_store %arg3[%swap3A_503, %swap3A_504], %transpose3A_502 {strides = array<i32>} : memref<8192x128xf32, #tpu.memory_space<vmem>>, vector<128x128xf32>,
    %get3A_506 = arith.constant 0 : index
    %get3A_507 = arith.constant 15360 : index
    %get3A_508 = vector.load %arg1[%get3A_506, %get3A_507] : memref<32x32768xf32, #tpu.memory_space<vmem>>, vector<32x128xf32>
    %get3A_509 = arith.constant 0 : index
    %get3A_510 = arith.constant 15488 : index
    %get3A_511 = vector.load %arg1[%get3A_509, %get3A_510] : memref<32x32768xf32, #tpu.memory_space<vmem>>, vector<32x128xf32>
    %get3A_512 = arith.constant 0 : index
    %get3A_513 = arith.constant 15616 : index
    %get3A_514 = vector.load %arg1[%get3A_512, %get3A_513] : memref<32x32768xf32, #tpu.memory_space<vmem>>, vector<32x128xf32>
    %get3A_515 = arith.constant 0 : index
    %get3A_516 = arith.constant 15744 : index
    %get3A_517 = vector.load %arg1[%get3A_515, %get3A_516] : memref<32x32768xf32, #tpu.memory_space<vmem>>, vector<32x128xf32>
    %concatenate3A_518 = tpu.concatenate %get3A_508, %get3A_511, %get3A_514, %get3A_517 in 0 : vector<32x128xf32>, vector<32x128xf32>, vector<32x128xf32>, vector<32x128xf32> -> vector<128x128xf32>
    %transpose3A_519 = tpu.transpose %concatenate3A_518, [1, 0] : vector<128x128xf32> -> vector<128x128xf32>
    %swap3A_520 = arith.constant 3840 : index
    %swap3A_521 = arith.constant 0 : index
    %swap3A_522 = vector.load %arg3[%swap3A_520, %swap3A_521] : memref<8192x128xf32, #tpu.memory_space<vmem>>, vector<128x128xf32>
    tpu.vector_store %arg3[%swap3A_520, %swap3A_521], %transpose3A_519 {strides = array<i32>} : memref<8192x128xf32, #tpu.memory_space<vmem>>, vector<128x128xf32>,
    %get3A_523 = arith.constant 0 : index
    %get3A_524 = arith.constant 15872 : index
    %get3A_525 = vector.load %arg1[%get3A_523, %get3A_524] : memref<32x32768xf32, #tpu.memory_space<vmem>>, vector<32x128xf32>
    %get3A_526 = arith.constant 0 : index
    %get3A_527 = arith.constant 16000 : index
    %get3A_528 = vector.load %arg1[%get3A_526, %get3A_527] : memref<32x32768xf32, #tpu.memory_space<vmem>>, vector<32x128xf32>
    %get3A_529 = arith.constant 0 : index
    %get3A_530 = arith.constant 16128 : index
    %get3A_531 = vector.load %arg1[%get3A_529, %get3A_530] : memref<32x32768xf32, #tpu.memory_space<vmem>>, vector<32x128xf32>
    %get3A_532 = arith.constant 0 : index
    %get3A_533 = arith.constant 16256 : index
    %get3A_534 = vector.load %arg1[%get3A_532, %get3A_533] : memref<32x32768xf32, #tpu.memory_space<vmem>>, vector<32x128xf32>
    %concatenate3A_535 = tpu.concatenate %get3A_525, %get3A_528, %get3A_531, %get3A_534 in 0 : vector<32x128xf32>, vector<32x128xf32>, vector<32x128xf32>, vector<32x128xf32> -> vector<128x128xf32>
    %transpose3A_536 = tpu.transpose %concatenate3A_535, [1, 0] : vector<128x128xf32> -> vector<128x128xf32>
    %swap3A_537 = arith.constant 3968 : index
    %swap3A_538 = arith.constant 0 : index
    %swap3A_539 = vector.load %arg3[%swap3A_537, %swap3A_538] : memref<8192x128xf32, #tpu.memory_space<vmem>>, vector<128x128xf32>
    tpu.vector_store %arg3[%swap3A_537, %swap3A_538], %transpose3A_536 {strides = array<i32>} : memref<8192x128xf32, #tpu.memory_space<vmem>>, vector<128x128xf32>,
    %get3A_540 = arith.constant 0 : index
    %get3A_541 = arith.constant 16384 : index
    %get3A_542 = vector.load %arg1[%get3A_540, %get3A_541] : memref<32x32768xf32, #tpu.memory_space<vmem>>, vector<32x128xf32>
    %get3A_543 = arith.constant 0 : index
    %get3A_544 = arith.constant 16512 : index
    %get3A_545 = vector.load %arg1[%get3A_543, %get3A_544] : memref<32x32768xf32, #tpu.memory_space<vmem>>, vector<32x128xf32>
    %get3A_546 = arith.constant 0 : index
    %get3A_547 = arith.constant 16640 : index
    %get3A_548 = vector.load %arg1[%get3A_546, %get3A_547] : memref<32x32768xf32, #tpu.memory_space<vmem>>, vector<32x128xf32>
    %get3A_549 = arith.constant 0 : index
    %get3A_550 = arith.constant 16768 : index
    %get3A_551 = vector.load %arg1[%get3A_549, %get3A_550] : memref<32x32768xf32, #tpu.memory_space<vmem>>, vector<32x128xf32>
    %concatenate3A_552 = tpu.concatenate %get3A_542, %get3A_545, %get3A_548, %get3A_551 in 0 : vector<32x128xf32>, vector<32x128xf32>, vector<32x128xf32>, vector<32x128xf32> -> vector<128x128xf32>
    %transpose3A_553 = tpu.transpose %concatenate3A_552, [1, 0] : vector<128x128xf32> -> vector<128x128xf32>
    %swap3A_554 = arith.constant 4096 : index
    %swap3A_555 = arith.constant 0 : index
    %swap3A_556 = vector.load %arg3[%swap3A_554, %swap3A_555] : memref<8192x128xf32, #tpu.memory_space<vmem>>, vector<128x128xf32>
    tpu.vector_store %arg3[%swap3A_554, %swap3A_555], %transpose3A_553 {strides = array<i32>} : memref<8192x128xf32, #tpu.memory_space<vmem>>, vector<128x128xf32>,
    %get3A_557 = arith.constant 0 : index
    %get3A_558 = arith.constant 16896 : index
    %get3A_559 = vector.load %arg1[%get3A_557, %get3A_558] : memref<32x32768xf32, #tpu.memory_space<vmem>>, vector<32x128xf32>
    %get3A_560 = arith.constant 0 : index
    %get3A_561 = arith.constant 17024 : index
    %get3A_562 = vector.load %arg1[%get3A_560, %get3A_561] : memref<32x32768xf32, #tpu.memory_space<vmem>>, vector<32x128xf32>
    %get3A_563 = arith.constant 0 : index
    %get3A_564 = arith.constant 17152 : index
    %get3A_565 = vector.load %arg1[%get3A_563, %get3A_564] : memref<32x32768xf32, #tpu.memory_space<vmem>>, vector<32x128xf32>
    %get3A_566 = arith.constant 0 : index
    %get3A_567 = arith.constant 17280 : index
    %get3A_568 = vector.load %arg1[%get3A_566, %get3A_567] : memref<32x32768xf32, #tpu.memory_space<vmem>>, vector<32x128xf32>
    %concatenate3A_569 = tpu.concatenate %get3A_559, %get3A_562, %get3A_565, %get3A_568 in 0 : vector<32x128xf32>, vector<32x128xf32>, vector<32x128xf32>, vector<32x128xf32> -> vector<128x128xf32>
    %transpose3A_570 = tpu.transpose %concatenate3A_569, [1, 0] : vector<128x128xf32> -> vector<128x128xf32>
    %swap3A_571 = arith.constant 4224 : index
    %swap3A_572 = arith.constant 0 : index
    %swap3A_573 = vector.load %arg3[%swap3A_571, %swap3A_572] : memref<8192x128xf32, #tpu.memory_space<vmem>>, vector<128x128xf32>
    tpu.vector_store %arg3[%swap3A_571, %swap3A_572], %transpose3A_570 {strides = array<i32>} : memref<8192x128xf32, #tpu.memory_space<vmem>>, vector<128x128xf32>,
    %get3A_574 = arith.constant 0 : index
    %get3A_575 = arith.constant 17408 : index
    %get3A_576 = vector.load %arg1[%get3A_574, %get3A_575] : memref<32x32768xf32, #tpu.memory_space<vmem>>, vector<32x128xf32>
    %get3A_577 = arith.constant 0 : index
    %get3A_578 = arith.constant 17536 : index
    %get3A_579 = vector.load %arg1[%get3A_577, %get3A_578] : memref<32x32768xf32, #tpu.memory_space<vmem>>, vector<32x128xf32>
    %get3A_580 = arith.constant 0 : index
    %get3A_581 = arith.constant 17664 : index
    %get3A_582 = vector.load %arg1[%get3A_580, %get3A_581] : memref<32x32768xf32, #tpu.memory_space<vmem>>, vector<32x128xf32>
    %get3A_583 = arith.constant 0 : index
    %get3A_584 = arith.constant 17792 : index
    %get3A_585 = vector.load %arg1[%get3A_583, %get3A_584] : memref<32x32768xf32, #tpu.memory_space<vmem>>, vector<32x128xf32>
    %concatenate3A_586 = tpu.concatenate %get3A_576, %get3A_579, %get3A_582, %get3A_585 in 0 : vector<32x128xf32>, vector<32x128xf32>, vector<32x128xf32>, vector<32x128xf32> -> vector<128x128xf32>
    %transpose3A_587 = tpu.transpose %concatenate3A_586, [1, 0] : vector<128x128xf32> -> vector<128x128xf32>
    %swap3A_588 = arith.constant 4352 : index
    %swap3A_589 = arith.constant 0 : index
    %swap3A_590 = vector.load %arg3[%swap3A_588, %swap3A_589] : memref<8192x128xf32, #tpu.memory_space<vmem>>, vector<128x128xf32>
    tpu.vector_store %arg3[%swap3A_588, %swap3A_589], %transpose3A_587 {strides = array<i32>} : memref<8192x128xf32, #tpu.memory_space<vmem>>, vector<128x128xf32>,
    %get3A_591 = arith.constant 0 : index
    %get3A_592 = arith.constant 17920 : index
    %get3A_593 = vector.load %arg1[%get3A_591, %get3A_592] : memref<32x32768xf32, #tpu.memory_space<vmem>>, vector<32x128xf32>
    %get3A_594 = arith.constant 0 : index
    %get3A_595 = arith.constant 18048 : index
    %get3A_596 = vector.load %arg1[%get3A_594, %get3A_595] : memref<32x32768xf32, #tpu.memory_space<vmem>>, vector<32x128xf32>
    %get3A_597 = arith.constant 0 : index
    %get3A_598 = arith.constant 18176 : index
    %get3A_599 = vector.load %arg1[%get3A_597, %get3A_598] : memref<32x32768xf32, #tpu.memory_space<vmem>>, vector<32x128xf32>
    %get3A_600 = arith.constant 0 : index
    %get3A_601 = arith.constant 18304 : index
    %get3A_602 = vector.load %arg1[%get3A_600, %get3A_601] : memref<32x32768xf32, #tpu.memory_space<vmem>>, vector<32x128xf32>
    %concatenate3A_603 = tpu.concatenate %get3A_593, %get3A_596, %get3A_599, %get3A_602 in 0 : vector<32x128xf32>, vector<32x128xf32>, vector<32x128xf32>, vector<32x128xf32> -> vector<128x128xf32>
    %transpose3A_604 = tpu.transpose %concatenate3A_603, [1, 0] : vector<128x128xf32> -> vector<128x128xf32>
    %swap3A_605 = arith.constant 4480 : index
    %swap3A_606 = arith.constant 0 : index
    %swap3A_607 = vector.load %arg3[%swap3A_605, %swap3A_606] : memref<8192x128xf32, #tpu.memory_space<vmem>>, vector<128x128xf32>
    tpu.vector_store %arg3[%swap3A_605, %swap3A_606], %transpose3A_604 {strides = array<i32>} : memref<8192x128xf32, #tpu.memory_space<vmem>>, vector<128x128xf32>,
    %get3A_608 = arith.constant 0 : index
    %get3A_609 = arith.constant 18432 : index
    %get3A_610 = vector.load %arg1[%get3A_608, %get3A_609] : memref<32x32768xf32, #tpu.memory_space<vmem>>, vector<32x128xf32>
    %get3A_611 = arith.constant 0 : index
    %get3A_612 = arith.constant 18560 : index
    %get3A_613 = vector.load %arg1[%get3A_611, %get3A_612] : memref<32x32768xf32, #tpu.memory_space<vmem>>, vector<32x128xf32>
    %get3A_614 = arith.constant 0 : index
    %get3A_615 = arith.constant 18688 : index
    %get3A_616 = vector.load %arg1[%get3A_614, %get3A_615] : memref<32x32768xf32, #tpu.memory_space<vmem>>, vector<32x128xf32>
    %get3A_617 = arith.constant 0 : index
    %get3A_618 = arith.constant 18816 : index
    %get3A_619 = vector.load %arg1[%get3A_617, %get3A_618] : memref<32x32768xf32, #tpu.memory_space<vmem>>, vector<32x128xf32>
    %concatenate3A_620 = tpu.concatenate %get3A_610, %get3A_613, %get3A_616, %get3A_619 in 0 : vector<32x128xf32>, vector<32x128xf32>, vector<32x128xf32>, vector<32x128xf32> -> vector<128x128xf32>
    %transpose3A_621 = tpu.transpose %concatenate3A_620, [1, 0] : vector<128x128xf32> -> vector<128x128xf32>
    %swap3A_622 = arith.constant 4608 : index
    %swap3A_623 = arith.constant 0 : index
    %swap3A_624 = vector.load %arg3[%swap3A_622, %swap3A_623] : memref<8192x128xf32, #tpu.memory_space<vmem>>, vector<128x128xf32>
    tpu.vector_store %arg3[%swap3A_622, %swap3A_623], %transpose3A_621 {strides = array<i32>} : memref<8192x128xf32, #tpu.memory_space<vmem>>, vector<128x128xf32>,
    %get3A_625 = arith.constant 0 : index
    %get3A_626 = arith.constant 18944 : index
    %get3A_627 = vector.load %arg1[%get3A_625, %get3A_626] : memref<32x32768xf32, #tpu.memory_space<vmem>>, vector<32x128xf32>
    %get3A_628 = arith.constant 0 : index
    %get3A_629 = arith.constant 19072 : index
    %get3A_630 = vector.load %arg1[%get3A_628, %get3A_629] : memref<32x32768xf32, #tpu.memory_space<vmem>>, vector<32x128xf32>
    %get3A_631 = arith.constant 0 : index
    %get3A_632 = arith.constant 19200 : index
    %get3A_633 = vector.load %arg1[%get3A_631, %get3A_632] : memref<32x32768xf32, #tpu.memory_space<vmem>>, vector<32x128xf32>
    %get3A_634 = arith.constant 0 : index
    %get3A_635 = arith.constant 19328 : index
    %get3A_636 = vector.load %arg1[%get3A_634, %get3A_635] : memref<32x32768xf32, #tpu.memory_space<vmem>>, vector<32x128xf32>
    %concatenate3A_637 = tpu.concatenate %get3A_627, %get3A_630, %get3A_633, %get3A_636 in 0 : vector<32x128xf32>, vector<32x128xf32>, vector<32x128xf32>, vector<32x128xf32> -> vector<128x128xf32>
    %transpose3A_638 = tpu.transpose %concatenate3A_637, [1, 0] : vector<128x128xf32> -> vector<128x128xf32>
    %swap3A_639 = arith.constant 4736 : index
    %swap3A_640 = arith.constant 0 : index
    %swap3A_641 = vector.load %arg3[%swap3A_639, %swap3A_640] : memref<8192x128xf32, #tpu.memory_space<vmem>>, vector<128x128xf32>
    tpu.vector_store %arg3[%swap3A_639, %swap3A_640], %transpose3A_638 {strides = array<i32>} : memref<8192x128xf32, #tpu.memory_space<vmem>>, vector<128x128xf32>,
    %get3A_642 = arith.constant 0 : index
    %get3A_643 = arith.constant 19456 : index
    %get3A_644 = vector.load %arg1[%get3A_642, %get3A_643] : memref<32x32768xf32, #tpu.memory_space<vmem>>, vector<32x128xf32>
    %get3A_645 = arith.constant 0 : index
    %get3A_646 = arith.constant 19584 : index
    %get3A_647 = vector.load %arg1[%get3A_645, %get3A_646] : memref<32x32768xf32, #tpu.memory_space<vmem>>, vector<32x128xf32>
    %get3A_648 = arith.constant 0 : index
    %get3A_649 = arith.constant 19712 : index
    %get3A_650 = vector.load %arg1[%get3A_648, %get3A_649] : memref<32x32768xf32, #tpu.memory_space<vmem>>, vector<32x128xf32>
    %get3A_651 = arith.constant 0 : index
    %get3A_652 = arith.constant 19840 : index
    %get3A_653 = vector.load %arg1[%get3A_651, %get3A_652] : memref<32x32768xf32, #tpu.memory_space<vmem>>, vector<32x128xf32>
    %concatenate3A_654 = tpu.concatenate %get3A_644, %get3A_647, %get3A_650, %get3A_653 in 0 : vector<32x128xf32>, vector<32x128xf32>, vector<32x128xf32>, vector<32x128xf32> -> vector<128x128xf32>
    %transpose3A_655 = tpu.transpose %concatenate3A_654, [1, 0] : vector<128x128xf32> -> vector<128x128xf32>
    %swap3A_656 = arith.constant 4864 : index
    %swap3A_657 = arith.constant 0 : index
    %swap3A_658 = vector.load %arg3[%swap3A_656, %swap3A_657] : memref<8192x128xf32, #tpu.memory_space<vmem>>, vector<128x128xf32>
    tpu.vector_store %arg3[%swap3A_656, %swap3A_657], %transpose3A_655 {strides = array<i32>} : memref<8192x128xf32, #tpu.memory_space<vmem>>, vector<128x128xf32>,
    %get3A_659 = arith.constant 0 : index
    %get3A_660 = arith.constant 19968 : index
    %get3A_661 = vector.load %arg1[%get3A_659, %get3A_660] : memref<32x32768xf32, #tpu.memory_space<vmem>>, vector<32x128xf32>
    %get3A_662 = arith.constant 0 : index
    %get3A_663 = arith.constant 20096 : index
    %get3A_664 = vector.load %arg1[%get3A_662, %get3A_663] : memref<32x32768xf32, #tpu.memory_space<vmem>>, vector<32x128xf32>
    %get3A_665 = arith.constant 0 : index
    %get3A_666 = arith.constant 20224 : index
    %get3A_667 = vector.load %arg1[%get3A_665, %get3A_666] : memref<32x32768xf32, #tpu.memory_space<vmem>>, vector<32x128xf32>
    %get3A_668 = arith.constant 0 : index
    %get3A_669 = arith.constant 20352 : index
    %get3A_670 = vector.load %arg1[%get3A_668, %get3A_669] : memref<32x32768xf32, #tpu.memory_space<vmem>>, vector<32x128xf32>
    %concatenate3A_671 = tpu.concatenate %get3A_661, %get3A_664, %get3A_667, %get3A_670 in 0 : vector<32x128xf32>, vector<32x128xf32>, vector<32x128xf32>, vector<32x128xf32> -> vector<128x128xf32>
    %transpose3A_672 = tpu.transpose %concatenate3A_671, [1, 0] : vector<128x128xf32> -> vector<128x128xf32>
    %swap3A_673 = arith.constant 4992 : index
    %swap3A_674 = arith.constant 0 : index
    %swap3A_675 = vector.load %arg3[%swap3A_673, %swap3A_674] : memref<8192x128xf32, #tpu.memory_space<vmem>>, vector<128x128xf32>
    tpu.vector_store %arg3[%swap3A_673, %swap3A_674], %transpose3A_672 {strides = array<i32>} : memref<8192x128xf32, #tpu.memory_space<vmem>>, vector<128x128xf32>,
    %get3A_676 = arith.constant 0 : index
    %get3A_677 = arith.constant 20480 : index
    %get3A_678 = vector.load %arg1[%get3A_676, %get3A_677] : memref<32x32768xf32, #tpu.memory_space<vmem>>, vector<32x128xf32>
    %get3A_679 = arith.constant 0 : index
    %get3A_680 = arith.constant 20608 : index
    %get3A_681 = vector.load %arg1[%get3A_679, %get3A_680] : memref<32x32768xf32, #tpu.memory_space<vmem>>, vector<32x128xf32>
    %get3A_682 = arith.constant 0 : index
    %get3A_683 = arith.constant 20736 : index
    %get3A_684 = vector.load %arg1[%get3A_682, %get3A_683] : memref<32x32768xf32, #tpu.memory_space<vmem>>, vector<32x128xf32>
    %get3A_685 = arith.constant 0 : index
    %get3A_686 = arith.constant 20864 : index
    %get3A_687 = vector.load %arg1[%get3A_685, %get3A_686] : memref<32x32768xf32, #tpu.memory_space<vmem>>, vector<32x128xf32>
    %concatenate3A_688 = tpu.concatenate %get3A_678, %get3A_681, %get3A_684, %get3A_687 in 0 : vector<32x128xf32>, vector<32x128xf32>, vector<32x128xf32>, vector<32x128xf32> -> vector<128x128xf32>
    %transpose3A_689 = tpu.transpose %concatenate3A_688, [1, 0] : vector<128x128xf32> -> vector<128x128xf32>
    %swap3A_690 = arith.constant 5120 : index
    %swap3A_691 = arith.constant 0 : index
    %swap3A_692 = vector.load %arg3[%swap3A_690, %swap3A_691] : memref<8192x128xf32, #tpu.memory_space<vmem>>, vector<128x128xf32>
    tpu.vector_store %arg3[%swap3A_690, %swap3A_691], %transpose3A_689 {strides = array<i32>} : memref<8192x128xf32, #tpu.memory_space<vmem>>, vector<128x128xf32>,
    %get3A_693 = arith.constant 0 : index
    %get3A_694 = arith.constant 20992 : index
    %get3A_695 = vector.load %arg1[%get3A_693, %get3A_694] : memref<32x32768xf32, #tpu.memory_space<vmem>>, vector<32x128xf32>
    %get3A_696 = arith.constant 0 : index
    %get3A_697 = arith.constant 21120 : index
    %get3A_698 = vector.load %arg1[%get3A_696, %get3A_697] : memref<32x32768xf32, #tpu.memory_space<vmem>>, vector<32x128xf32>
    %get3A_699 = arith.constant 0 : index
    %get3A_700 = arith.constant 21248 : index
    %get3A_701 = vector.load %arg1[%get3A_699, %get3A_700] : memref<32x32768xf32, #tpu.memory_space<vmem>>, vector<32x128xf32>
    %get3A_702 = arith.constant 0 : index
    %get3A_703 = arith.constant 21376 : index
    %get3A_704 = vector.load %arg1[%get3A_702, %get3A_703] : memref<32x32768xf32, #tpu.memory_space<vmem>>, vector<32x128xf32>
    %concatenate3A_705 = tpu.concatenate %get3A_695, %get3A_698, %get3A_701, %get3A_704 in 0 : vector<32x128xf32>, vector<32x128xf32>, vector<32x128xf32>, vector<32x128xf32> -> vector<128x128xf32>
    %transpose3A_706 = tpu.transpose %concatenate3A_705, [1, 0] : vector<128x128xf32> -> vector<128x128xf32>
    %swap3A_707 = arith.constant 5248 : index
    %swap3A_708 = arith.constant 0 : index
    %swap3A_709 = vector.load %arg3[%swap3A_707, %swap3A_708] : memref<8192x128xf32, #tpu.memory_space<vmem>>, vector<128x128xf32>
    tpu.vector_store %arg3[%swap3A_707, %swap3A_708], %transpose3A_706 {strides = array<i32>} : memref<8192x128xf32, #tpu.memory_space<vmem>>, vector<128x128xf32>,
    %get3A_710 = arith.constant 0 : index
    %get3A_711 = arith.constant 21504 : index
    %get3A_712 = vector.load %arg1[%get3A_710, %get3A_711] : memref<32x32768xf32, #tpu.memory_space<vmem>>, vector<32x128xf32>
    %get3A_713 = arith.constant 0 : index
    %get3A_714 = arith.constant 21632 : index
    %get3A_715 = vector.load %arg1[%get3A_713, %get3A_714] : memref<32x32768xf32, #tpu.memory_space<vmem>>, vector<32x128xf32>
    %get3A_716 = arith.constant 0 : index
    %get3A_717 = arith.constant 21760 : index
    %get3A_718 = vector.load %arg1[%get3A_716, %get3A_717] : memref<32x32768xf32, #tpu.memory_space<vmem>>, vector<32x128xf32>
    %get3A_719 = arith.constant 0 : index
    %get3A_720 = arith.constant 21888 : index
    %get3A_721 = vector.load %arg1[%get3A_719, %get3A_720] : memref<32x32768xf32, #tpu.memory_space<vmem>>, vector<32x128xf32>
    %concatenate3A_722 = tpu.concatenate %get3A_712, %get3A_715, %get3A_718, %get3A_721 in 0 : vector<32x128xf32>, vector<32x128xf32>, vector<32x128xf32>, vector<32x128xf32> -> vector<128x128xf32>
    %transpose3A_723 = tpu.transpose %concatenate3A_722, [1, 0] : vector<128x128xf32> -> vector<128x128xf32>
    %swap3A_724 = arith.constant 5376 : index
    %swap3A_725 = arith.constant 0 : index
    %swap3A_726 = vector.load %arg3[%swap3A_724, %swap3A_725] : memref<8192x128xf32, #tpu.memory_space<vmem>>, vector<128x128xf32>
    tpu.vector_store %arg3[%swap3A_724, %swap3A_725], %transpose3A_723 {strides = array<i32>} : memref<8192x128xf32, #tpu.memory_space<vmem>>, vector<128x128xf32>,
    %get3A_727 = arith.constant 0 : index
    %get3A_728 = arith.constant 22016 : index
    %get3A_729 = vector.load %arg1[%get3A_727, %get3A_728] : memref<32x32768xf32, #tpu.memory_space<vmem>>, vector<32x128xf32>
    %get3A_730 = arith.constant 0 : index
    %get3A_731 = arith.constant 22144 : index
    %get3A_732 = vector.load %arg1[%get3A_730, %get3A_731] : memref<32x32768xf32, #tpu.memory_space<vmem>>, vector<32x128xf32>
    %get3A_733 = arith.constant 0 : index
    %get3A_734 = arith.constant 22272 : index
    %get3A_735 = vector.load %arg1[%get3A_733, %get3A_734] : memref<32x32768xf32, #tpu.memory_space<vmem>>, vector<32x128xf32>
    %get3A_736 = arith.constant 0 : index
    %get3A_737 = arith.constant 22400 : index
    %get3A_738 = vector.load %arg1[%get3A_736, %get3A_737] : memref<32x32768xf32, #tpu.memory_space<vmem>>, vector<32x128xf32>
    %concatenate3A_739 = tpu.concatenate %get3A_729, %get3A_732, %get3A_735, %get3A_738 in 0 : vector<32x128xf32>, vector<32x128xf32>, vector<32x128xf32>, vector<32x128xf32> -> vector<128x128xf32>
    %transpose3A_740 = tpu.transpose %concatenate3A_739, [1, 0] : vector<128x128xf32> -> vector<128x128xf32>
    %swap3A_741 = arith.constant 5504 : index
    %swap3A_742 = arith.constant 0 : index
    %swap3A_743 = vector.load %arg3[%swap3A_741, %swap3A_742] : memref<8192x128xf32, #tpu.memory_space<vmem>>, vector<128x128xf32>
    tpu.vector_store %arg3[%swap3A_741, %swap3A_742], %transpose3A_740 {strides = array<i32>} : memref<8192x128xf32, #tpu.memory_space<vmem>>, vector<128x128xf32>,
    %get3A_744 = arith.constant 0 : index
    %get3A_745 = arith.constant 22528 : index
    %get3A_746 = vector.load %arg1[%get3A_744, %get3A_745] : memref<32x32768xf32, #tpu.memory_space<vmem>>, vector<32x128xf32>
    %get3A_747 = arith.constant 0 : index
    %get3A_748 = arith.constant 22656 : index
    %get3A_749 = vector.load %arg1[%get3A_747, %get3A_748] : memref<32x32768xf32, #tpu.memory_space<vmem>>, vector<32x128xf32>
    %get3A_750 = arith.constant 0 : index
    %get3A_751 = arith.constant 22784 : index
    %get3A_752 = vector.load %arg1[%get3A_750, %get3A_751] : memref<32x32768xf32, #tpu.memory_space<vmem>>, vector<32x128xf32>
    %get3A_753 = arith.constant 0 : index
    %get3A_754 = arith.constant 22912 : index
    %get3A_755 = vector.load %arg1[%get3A_753, %get3A_754] : memref<32x32768xf32, #tpu.memory_space<vmem>>, vector<32x128xf32>
    %concatenate3A_756 = tpu.concatenate %get3A_746, %get3A_749, %get3A_752, %get3A_755 in 0 : vector<32x128xf32>, vector<32x128xf32>, vector<32x128xf32>, vector<32x128xf32> -> vector<128x128xf32>
    %transpose3A_757 = tpu.transpose %concatenate3A_756, [1, 0] : vector<128x128xf32> -> vector<128x128xf32>
    %swap3A_758 = arith.constant 5632 : index
    %swap3A_759 = arith.constant 0 : index
    %swap3A_760 = vector.load %arg3[%swap3A_758, %swap3A_759] : memref<8192x128xf32, #tpu.memory_space<vmem>>, vector<128x128xf32>
    tpu.vector_store %arg3[%swap3A_758, %swap3A_759], %transpose3A_757 {strides = array<i32>} : memref<8192x128xf32, #tpu.memory_space<vmem>>, vector<128x128xf32>,
    %get3A_761 = arith.constant 0 : index
    %get3A_762 = arith.constant 23040 : index
    %get3A_763 = vector.load %arg1[%get3A_761, %get3A_762] : memref<32x32768xf32, #tpu.memory_space<vmem>>, vector<32x128xf32>
    %get3A_764 = arith.constant 0 : index
    %get3A_765 = arith.constant 23168 : index
    %get3A_766 = vector.load %arg1[%get3A_764, %get3A_765] : memref<32x32768xf32, #tpu.memory_space<vmem>>, vector<32x128xf32>
    %get3A_767 = arith.constant 0 : index
    %get3A_768 = arith.constant 23296 : index
    %get3A_769 = vector.load %arg1[%get3A_767, %get3A_768] : memref<32x32768xf32, #tpu.memory_space<vmem>>, vector<32x128xf32>
    %get3A_770 = arith.constant 0 : index
    %get3A_771 = arith.constant 23424 : index
    %get3A_772 = vector.load %arg1[%get3A_770, %get3A_771] : memref<32x32768xf32, #tpu.memory_space<vmem>>, vector<32x128xf32>
    %concatenate3A_773 = tpu.concatenate %get3A_763, %get3A_766, %get3A_769, %get3A_772 in 0 : vector<32x128xf32>, vector<32x128xf32>, vector<32x128xf32>, vector<32x128xf32> -> vector<128x128xf32>
    %transpose3A_774 = tpu.transpose %concatenate3A_773, [1, 0] : vector<128x128xf32> -> vector<128x128xf32>
    %swap3A_775 = arith.constant 5760 : index
    %swap3A_776 = arith.constant 0 : index
    %swap3A_777 = vector.load %arg3[%swap3A_775, %swap3A_776] : memref<8192x128xf32, #tpu.memory_space<vmem>>, vector<128x128xf32>
    tpu.vector_store %arg3[%swap3A_775, %swap3A_776], %transpose3A_774 {strides = array<i32>} : memref<8192x128xf32, #tpu.memory_space<vmem>>, vector<128x128xf32>,
    %get3A_778 = arith.constant 0 : index
    %get3A_779 = arith.constant 23552 : index
    %get3A_780 = vector.load %arg1[%get3A_778, %get3A_779] : memref<32x32768xf32, #tpu.memory_space<vmem>>, vector<32x128xf32>
    %get3A_781 = arith.constant 0 : index
    %get3A_782 = arith.constant 23680 : index
    %get3A_783 = vector.load %arg1[%get3A_781, %get3A_782] : memref<32x32768xf32, #tpu.memory_space<vmem>>, vector<32x128xf32>
    %get3A_784 = arith.constant 0 : index
    %get3A_785 = arith.constant 23808 : index
    %get3A_786 = vector.load %arg1[%get3A_784, %get3A_785] : memref<32x32768xf32, #tpu.memory_space<vmem>>, vector<32x128xf32>
    %get3A_787 = arith.constant 0 : index
    %get3A_788 = arith.constant 23936 : index
    %get3A_789 = vector.load %arg1[%get3A_787, %get3A_788] : memref<32x32768xf32, #tpu.memory_space<vmem>>, vector<32x128xf32>
    %concatenate3A_790 = tpu.concatenate %get3A_780, %get3A_783, %get3A_786, %get3A_789 in 0 : vector<32x128xf32>, vector<32x128xf32>, vector<32x128xf32>, vector<32x128xf32> -> vector<128x128xf32>
    %transpose3A_791 = tpu.transpose %concatenate3A_790, [1, 0] : vector<128x128xf32> -> vector<128x128xf32>
    %swap3A_792 = arith.constant 5888 : index
    %swap3A_793 = arith.constant 0 : index
    %swap3A_794 = vector.load %arg3[%swap3A_792, %swap3A_793] : memref<8192x128xf32, #tpu.memory_space<vmem>>, vector<128x128xf32>
    tpu.vector_store %arg3[%swap3A_792, %swap3A_793], %transpose3A_791 {strides = array<i32>} : memref<8192x128xf32, #tpu.memory_space<vmem>>, vector<128x128xf32>,
    %get3A_795 = arith.constant 0 : index
    %get3A_796 = arith.constant 24064 : index
    %get3A_797 = vector.load %arg1[%get3A_795, %get3A_796] : memref<32x32768xf32, #tpu.memory_space<vmem>>, vector<32x128xf32>
    %get3A_798 = arith.constant 0 : index
    %get3A_799 = arith.constant 24192 : index
    %get3A_800 = vector.load %arg1[%get3A_798, %get3A_799] : memref<32x32768xf32, #tpu.memory_space<vmem>>, vector<32x128xf32>
    %get3A_801 = arith.constant 0 : index
    %get3A_802 = arith.constant 24320 : index
    %get3A_803 = vector.load %arg1[%get3A_801, %get3A_802] : memref<32x32768xf32, #tpu.memory_space<vmem>>, vector<32x128xf32>
    %get3A_804 = arith.constant 0 : index
    %get3A_805 = arith.constant 24448 : index
    %get3A_806 = vector.load %arg1[%get3A_804, %get3A_805] : memref<32x32768xf32, #tpu.memory_space<vmem>>, vector<32x128xf32>
    %concatenate3A_807 = tpu.concatenate %get3A_797, %get3A_800, %get3A_803, %get3A_806 in 0 : vector<32x128xf32>, vector<32x128xf32>, vector<32x128xf32>, vector<32x128xf32> -> vector<128x128xf32>
    %transpose3A_808 = tpu.transpose %concatenate3A_807, [1, 0] : vector<128x128xf32> -> vector<128x128xf32>
    %swap3A_809 = arith.constant 6016 : index
    %swap3A_810 = arith.constant 0 : index
    %swap3A_811 = vector.load %arg3[%swap3A_809, %swap3A_810] : memref<8192x128xf32, #tpu.memory_space<vmem>>, vector<128x128xf32>
    tpu.vector_store %arg3[%swap3A_809, %swap3A_810], %transpose3A_808 {strides = array<i32>} : memref<8192x128xf32, #tpu.memory_space<vmem>>, vector<128x128xf32>,
    %get3A_812 = arith.constant 0 : index
    %get3A_813 = arith.constant 24576 : index
    %get3A_814 = vector.load %arg1[%get3A_812, %get3A_813] : memref<32x32768xf32, #tpu.memory_space<vmem>>, vector<32x128xf32>
    %get3A_815 = arith.constant 0 : index
    %get3A_816 = arith.constant 24704 : index
    %get3A_817 = vector.load %arg1[%get3A_815, %get3A_816] : memref<32x32768xf32, #tpu.memory_space<vmem>>, vector<32x128xf32>
    %get3A_818 = arith.constant 0 : index
    %get3A_819 = arith.constant 24832 : index
    %get3A_820 = vector.load %arg1[%get3A_818, %get3A_819] : memref<32x32768xf32, #tpu.memory_space<vmem>>, vector<32x128xf32>
    %get3A_821 = arith.constant 0 : index
    %get3A_822 = arith.constant 24960 : index
    %get3A_823 = vector.load %arg1[%get3A_821, %get3A_822] : memref<32x32768xf32, #tpu.memory_space<vmem>>, vector<32x128xf32>
    %concatenate3A_824 = tpu.concatenate %get3A_814, %get3A_817, %get3A_820, %get3A_823 in 0 : vector<32x128xf32>, vector<32x128xf32>, vector<32x128xf32>, vector<32x128xf32> -> vector<128x128xf32>
    %transpose3A_825 = tpu.transpose %concatenate3A_824, [1, 0] : vector<128x128xf32> -> vector<128x128xf32>
    %swap3A_826 = arith.constant 6144 : index
    %swap3A_827 = arith.constant 0 : index
    %swap3A_828 = vector.load %arg3[%swap3A_826, %swap3A_827] : memref<8192x128xf32, #tpu.memory_space<vmem>>, vector<128x128xf32>
    tpu.vector_store %arg3[%swap3A_826, %swap3A_827], %transpose3A_825 {strides = array<i32>} : memref<8192x128xf32, #tpu.memory_space<vmem>>, vector<128x128xf32>,
    %get3A_829 = arith.constant 0 : index
    %get3A_830 = arith.constant 25088 : index
    %get3A_831 = vector.load %arg1[%get3A_829, %get3A_830] : memref<32x32768xf32, #tpu.memory_space<vmem>>, vector<32x128xf32>
    %get3A_832 = arith.constant 0 : index
    %get3A_833 = arith.constant 25216 : index
    %get3A_834 = vector.load %arg1[%get3A_832, %get3A_833] : memref<32x32768xf32, #tpu.memory_space<vmem>>, vector<32x128xf32>
    %get3A_835 = arith.constant 0 : index
    %get3A_836 = arith.constant 25344 : index
    %get3A_837 = vector.load %arg1[%get3A_835, %get3A_836] : memref<32x32768xf32, #tpu.memory_space<vmem>>, vector<32x128xf32>
    %get3A_838 = arith.constant 0 : index
    %get3A_839 = arith.constant 25472 : index
    %get3A_840 = vector.load %arg1[%get3A_838, %get3A_839] : memref<32x32768xf32, #tpu.memory_space<vmem>>, vector<32x128xf32>
    %concatenate3A_841 = tpu.concatenate %get3A_831, %get3A_834, %get3A_837, %get3A_840 in 0 : vector<32x128xf32>, vector<32x128xf32>, vector<32x128xf32>, vector<32x128xf32> -> vector<128x128xf32>
    %transpose3A_842 = tpu.transpose %concatenate3A_841, [1, 0] : vector<128x128xf32> -> vector<128x128xf32>
    %swap3A_843 = arith.constant 6272 : index
    %swap3A_844 = arith.constant 0 : index
    %swap3A_845 = vector.load %arg3[%swap3A_843, %swap3A_844] : memref<8192x128xf32, #tpu.memory_space<vmem>>, vector<128x128xf32>
    tpu.vector_store %arg3[%swap3A_843, %swap3A_844], %transpose3A_842 {strides = array<i32>} : memref<8192x128xf32, #tpu.memory_space<vmem>>, vector<128x128xf32>,
    %get3A_846 = arith.constant 0 : index
    %get3A_847 = arith.constant 25600 : index
    %get3A_848 = vector.load %arg1[%get3A_846, %get3A_847] : memref<32x32768xf32, #tpu.memory_space<vmem>>, vector<32x128xf32>
    %get3A_849 = arith.constant 0 : index
    %get3A_850 = arith.constant 25728 : index
    %get3A_851 = vector.load %arg1[%get3A_849, %get3A_850] : memref<32x32768xf32, #tpu.memory_space<vmem>>, vector<32x128xf32>
    %get3A_852 = arith.constant 0 : index
    %get3A_853 = arith.constant 25856 : index
    %get3A_854 = vector.load %arg1[%get3A_852, %get3A_853] : memref<32x32768xf32, #tpu.memory_space<vmem>>, vector<32x128xf32>
    %get3A_855 = arith.constant 0 : index
    %get3A_856 = arith.constant 25984 : index
    %get3A_857 = vector.load %arg1[%get3A_855, %get3A_856] : memref<32x32768xf32, #tpu.memory_space<vmem>>, vector<32x128xf32>
    %concatenate3A_858 = tpu.concatenate %get3A_848, %get3A_851, %get3A_854, %get3A_857 in 0 : vector<32x128xf32>, vector<32x128xf32>, vector<32x128xf32>, vector<32x128xf32> -> vector<128x128xf32>
    %transpose3A_859 = tpu.transpose %concatenate3A_858, [1, 0] : vector<128x128xf32> -> vector<128x128xf32>
    %swap3A_860 = arith.constant 6400 : index
    %swap3A_861 = arith.constant 0 : index
    %swap3A_862 = vector.load %arg3[%swap3A_860, %swap3A_861] : memref<8192x128xf32, #tpu.memory_space<vmem>>, vector<128x128xf32>
    tpu.vector_store %arg3[%swap3A_860, %swap3A_861], %transpose3A_859 {strides = array<i32>} : memref<8192x128xf32, #tpu.memory_space<vmem>>, vector<128x128xf32>,
    %get3A_863 = arith.constant 0 : index
    %get3A_864 = arith.constant 26112 : index
    %get3A_865 = vector.load %arg1[%get3A_863, %get3A_864] : memref<32x32768xf32, #tpu.memory_space<vmem>>, vector<32x128xf32>
    %get3A_866 = arith.constant 0 : index
    %get3A_867 = arith.constant 26240 : index
    %get3A_868 = vector.load %arg1[%get3A_866, %get3A_867] : memref<32x32768xf32, #tpu.memory_space<vmem>>, vector<32x128xf32>
    %get3A_869 = arith.constant 0 : index
    %get3A_870 = arith.constant 26368 : index
    %get3A_871 = vector.load %arg1[%get3A_869, %get3A_870] : memref<32x32768xf32, #tpu.memory_space<vmem>>, vector<32x128xf32>
    %get3A_872 = arith.constant 0 : index
    %get3A_873 = arith.constant 26496 : index
    %get3A_874 = vector.load %arg1[%get3A_872, %get3A_873] : memref<32x32768xf32, #tpu.memory_space<vmem>>, vector<32x128xf32>
    %concatenate3A_875 = tpu.concatenate %get3A_865, %get3A_868, %get3A_871, %get3A_874 in 0 : vector<32x128xf32>, vector<32x128xf32>, vector<32x128xf32>, vector<32x128xf32> -> vector<128x128xf32>
    %transpose3A_876 = tpu.transpose %concatenate3A_875, [1, 0] : vector<128x128xf32> -> vector<128x128xf32>
    %swap3A_877 = arith.constant 6528 : index
    %swap3A_878 = arith.constant 0 : index
    %swap3A_879 = vector.load %arg3[%swap3A_877, %swap3A_878] : memref<8192x128xf32, #tpu.memory_space<vmem>>, vector<128x128xf32>
    tpu.vector_store %arg3[%swap3A_877, %swap3A_878], %transpose3A_876 {strides = array<i32>} : memref<8192x128xf32, #tpu.memory_space<vmem>>, vector<128x128xf32>,
    %get3A_880 = arith.constant 0 : index
    %get3A_881 = arith.constant 26624 : index
    %get3A_882 = vector.load %arg1[%get3A_880, %get3A_881] : memref<32x32768xf32, #tpu.memory_space<vmem>>, vector<32x128xf32>
    %get3A_883 = arith.constant 0 : index
    %get3A_884 = arith.constant 26752 : index
    %get3A_885 = vector.load %arg1[%get3A_883, %get3A_884] : memref<32x32768xf32, #tpu.memory_space<vmem>>, vector<32x128xf32>
    %get3A_886 = arith.constant 0 : index
    %get3A_887 = arith.constant 26880 : index
    %get3A_888 = vector.load %arg1[%get3A_886, %get3A_887] : memref<32x32768xf32, #tpu.memory_space<vmem>>, vector<32x128xf32>
    %get3A_889 = arith.constant 0 : index
    %get3A_890 = arith.constant 27008 : index
    %get3A_891 = vector.load %arg1[%get3A_889, %get3A_890] : memref<32x32768xf32, #tpu.memory_space<vmem>>, vector<32x128xf32>
    %concatenate3A_892 = tpu.concatenate %get3A_882, %get3A_885, %get3A_888, %get3A_891 in 0 : vector<32x128xf32>, vector<32x128xf32>, vector<32x128xf32>, vector<32x128xf32> -> vector<128x128xf32>
    %transpose3A_893 = tpu.transpose %concatenate3A_892, [1, 0] : vector<128x128xf32> -> vector<128x128xf32>
    %swap3A_894 = arith.constant 6656 : index
    %swap3A_895 = arith.constant 0 : index
    %swap3A_896 = vector.load %arg3[%swap3A_894, %swap3A_895] : memref<8192x128xf32, #tpu.memory_space<vmem>>, vector<128x128xf32>
    tpu.vector_store %arg3[%swap3A_894, %swap3A_895], %transpose3A_893 {strides = array<i32>} : memref<8192x128xf32, #tpu.memory_space<vmem>>, vector<128x128xf32>,
    %get3A_897 = arith.constant 0 : index
    %get3A_898 = arith.constant 27136 : index
    %get3A_899 = vector.load %arg1[%get3A_897, %get3A_898] : memref<32x32768xf32, #tpu.memory_space<vmem>>, vector<32x128xf32>
    %get3A_900 = arith.constant 0 : index
    %get3A_901 = arith.constant 27264 : index
    %get3A_902 = vector.load %arg1[%get3A_900, %get3A_901] : memref<32x32768xf32, #tpu.memory_space<vmem>>, vector<32x128xf32>
    %get3A_903 = arith.constant 0 : index
    %get3A_904 = arith.constant 27392 : index
    %get3A_905 = vector.load %arg1[%get3A_903, %get3A_904] : memref<32x32768xf32, #tpu.memory_space<vmem>>, vector<32x128xf32>
    %get3A_906 = arith.constant 0 : index
    %get3A_907 = arith.constant 27520 : index
    %get3A_908 = vector.load %arg1[%get3A_906, %get3A_907] : memref<32x32768xf32, #tpu.memory_space<vmem>>, vector<32x128xf32>
    %concatenate3A_909 = tpu.concatenate %get3A_899, %get3A_902, %get3A_905, %get3A_908 in 0 : vector<32x128xf32>, vector<32x128xf32>, vector<32x128xf32>, vector<32x128xf32> -> vector<128x128xf32>
    %transpose3A_910 = tpu.transpose %concatenate3A_909, [1, 0] : vector<128x128xf32> -> vector<128x128xf32>
    %swap3A_911 = arith.constant 6784 : index
    %swap3A_912 = arith.constant 0 : index
    %swap3A_913 = vector.load %arg3[%swap3A_911, %swap3A_912] : memref<8192x128xf32, #tpu.memory_space<vmem>>, vector<128x128xf32>
    tpu.vector_store %arg3[%swap3A_911, %swap3A_912], %transpose3A_910 {strides = array<i32>} : memref<8192x128xf32, #tpu.memory_space<vmem>>, vector<128x128xf32>,
    %get3A_914 = arith.constant 0 : index
    %get3A_915 = arith.constant 27648 : index
    %get3A_916 = vector.load %arg1[%get3A_914, %get3A_915] : memref<32x32768xf32, #tpu.memory_space<vmem>>, vector<32x128xf32>
    %get3A_917 = arith.constant 0 : index
    %get3A_918 = arith.constant 27776 : index
    %get3A_919 = vector.load %arg1[%get3A_917, %get3A_918] : memref<32x32768xf32, #tpu.memory_space<vmem>>, vector<32x128xf32>
    %get3A_920 = arith.constant 0 : index
    %get3A_921 = arith.constant 27904 : index
    %get3A_922 = vector.load %arg1[%get3A_920, %get3A_921] : memref<32x32768xf32, #tpu.memory_space<vmem>>, vector<32x128xf32>
    %get3A_923 = arith.constant 0 : index
    %get3A_924 = arith.constant 28032 : index
    %get3A_925 = vector.load %arg1[%get3A_923, %get3A_924] : memref<32x32768xf32, #tpu.memory_space<vmem>>, vector<32x128xf32>
    %concatenate3A_926 = tpu.concatenate %get3A_916, %get3A_919, %get3A_922, %get3A_925 in 0 : vector<32x128xf32>, vector<32x128xf32>, vector<32x128xf32>, vector<32x128xf32> -> vector<128x128xf32>
    %transpose3A_927 = tpu.transpose %concatenate3A_926, [1, 0] : vector<128x128xf32> -> vector<128x128xf32>
    %swap3A_928 = arith.constant 6912 : index
    %swap3A_929 = arith.constant 0 : index
    %swap3A_930 = vector.load %arg3[%swap3A_928, %swap3A_929] : memref<8192x128xf32, #tpu.memory_space<vmem>>, vector<128x128xf32>
    tpu.vector_store %arg3[%swap3A_928, %swap3A_929], %transpose3A_927 {strides = array<i32>} : memref<8192x128xf32, #tpu.memory_space<vmem>>, vector<128x128xf32>,
    %get3A_931 = arith.constant 0 : index
    %get3A_932 = arith.constant 28160 : index
    %get3A_933 = vector.load %arg1[%get3A_931, %get3A_932] : memref<32x32768xf32, #tpu.memory_space<vmem>>, vector<32x128xf32>
    %get3A_934 = arith.constant 0 : index
    %get3A_935 = arith.constant 28288 : index
    %get3A_936 = vector.load %arg1[%get3A_934, %get3A_935] : memref<32x32768xf32, #tpu.memory_space<vmem>>, vector<32x128xf32>
    %get3A_937 = arith.constant 0 : index
    %get3A_938 = arith.constant 28416 : index
    %get3A_939 = vector.load %arg1[%get3A_937, %get3A_938] : memref<32x32768xf32, #tpu.memory_space<vmem>>, vector<32x128xf32>
    %get3A_940 = arith.constant 0 : index
    %get3A_941 = arith.constant 28544 : index
    %get3A_942 = vector.load %arg1[%get3A_940, %get3A_941] : memref<32x32768xf32, #tpu.memory_space<vmem>>, vector<32x128xf32>
    %concatenate3A_943 = tpu.concatenate %get3A_933, %get3A_936, %get3A_939, %get3A_942 in 0 : vector<32x128xf32>, vector<32x128xf32>, vector<32x128xf32>, vector<32x128xf32> -> vector<128x128xf32>
    %transpose3A_944 = tpu.transpose %concatenate3A_943, [1, 0] : vector<128x128xf32> -> vector<128x128xf32>
    %swap3A_945 = arith.constant 7040 : index
    %swap3A_946 = arith.constant 0 : index
    %swap3A_947 = vector.load %arg3[%swap3A_945, %swap3A_946] : memref<8192x128xf32, #tpu.memory_space<vmem>>, vector<128x128xf32>
    tpu.vector_store %arg3[%swap3A_945, %swap3A_946], %transpose3A_944 {strides = array<i32>} : memref<8192x128xf32, #tpu.memory_space<vmem>>, vector<128x128xf32>,
    %get3A_948 = arith.constant 0 : index
    %get3A_949 = arith.constant 28672 : index
    %get3A_950 = vector.load %arg1[%get3A_948, %get3A_949] : memref<32x32768xf32, #tpu.memory_space<vmem>>, vector<32x128xf32>
    %get3A_951 = arith.constant 0 : index
    %get3A_952 = arith.constant 28800 : index
    %get3A_953 = vector.load %arg1[%get3A_951, %get3A_952] : memref<32x32768xf32, #tpu.memory_space<vmem>>, vector<32x128xf32>
    %get3A_954 = arith.constant 0 : index
    %get3A_955 = arith.constant 28928 : index
    %get3A_956 = vector.load %arg1[%get3A_954, %get3A_955] : memref<32x32768xf32, #tpu.memory_space<vmem>>, vector<32x128xf32>
    %get3A_957 = arith.constant 0 : index
    %get3A_958 = arith.constant 29056 : index
    %get3A_959 = vector.load %arg1[%get3A_957, %get3A_958] : memref<32x32768xf32, #tpu.memory_space<vmem>>, vector<32x128xf32>
    %concatenate3A_960 = tpu.concatenate %get3A_950, %get3A_953, %get3A_956, %get3A_959 in 0 : vector<32x128xf32>, vector<32x128xf32>, vector<32x128xf32>, vector<32x128xf32> -> vector<128x128xf32>
    %transpose3A_961 = tpu.transpose %concatenate3A_960, [1, 0] : vector<128x128xf32> -> vector<128x128xf32>
    %swap3A_962 = arith.constant 7168 : index
    %swap3A_963 = arith.constant 0 : index
    %swap3A_964 = vector.load %arg3[%swap3A_962, %swap3A_963] : memref<8192x128xf32, #tpu.memory_space<vmem>>, vector<128x128xf32>
    tpu.vector_store %arg3[%swap3A_962, %swap3A_963], %transpose3A_961 {strides = array<i32>} : memref<8192x128xf32, #tpu.memory_space<vmem>>, vector<128x128xf32>,
    %get3A_965 = arith.constant 0 : index
    %get3A_966 = arith.constant 29184 : index
    %get3A_967 = vector.load %arg1[%get3A_965, %get3A_966] : memref<32x32768xf32, #tpu.memory_space<vmem>>, vector<32x128xf32>
    %get3A_968 = arith.constant 0 : index
    %get3A_969 = arith.constant 29312 : index
    %get3A_970 = vector.load %arg1[%get3A_968, %get3A_969] : memref<32x32768xf32, #tpu.memory_space<vmem>>, vector<32x128xf32>
    %get3A_971 = arith.constant 0 : index
    %get3A_972 = arith.constant 29440 : index
    %get3A_973 = vector.load %arg1[%get3A_971, %get3A_972] : memref<32x32768xf32, #tpu.memory_space<vmem>>, vector<32x128xf32>
    %get3A_974 = arith.constant 0 : index
    %get3A_975 = arith.constant 29568 : index
    %get3A_976 = vector.load %arg1[%get3A_974, %get3A_975] : memref<32x32768xf32, #tpu.memory_space<vmem>>, vector<32x128xf32>
    %concatenate3A_977 = tpu.concatenate %get3A_967, %get3A_970, %get3A_973, %get3A_976 in 0 : vector<32x128xf32>, vector<32x128xf32>, vector<32x128xf32>, vector<32x128xf32> -> vector<128x128xf32>
    %transpose3A_978 = tpu.transpose %concatenate3A_977, [1, 0] : vector<128x128xf32> -> vector<128x128xf32>
    %swap3A_979 = arith.constant 7296 : index
    %swap3A_980 = arith.constant 0 : index
    %swap3A_981 = vector.load %arg3[%swap3A_979, %swap3A_980] : memref<8192x128xf32, #tpu.memory_space<vmem>>, vector<128x128xf32>
    tpu.vector_store %arg3[%swap3A_979, %swap3A_980], %transpose3A_978 {strides = array<i32>} : memref<8192x128xf32, #tpu.memory_space<vmem>>, vector<128x128xf32>,
    %get3A_982 = arith.constant 0 : index
    %get3A_983 = arith.constant 29696 : index
    %get3A_984 = vector.load %arg1[%get3A_982, %get3A_983] : memref<32x32768xf32, #tpu.memory_space<vmem>>, vector<32x128xf32>
    %get3A_985 = arith.constant 0 : index
    %get3A_986 = arith.constant 29824 : index
    %get3A_987 = vector.load %arg1[%get3A_985, %get3A_986] : memref<32x32768xf32, #tpu.memory_space<vmem>>, vector<32x128xf32>
    %get3A_988 = arith.constant 0 : index
    %get3A_989 = arith.constant 29952 : index
    %get3A_990 = vector.load %arg1[%get3A_988, %get3A_989] : memref<32x32768xf32, #tpu.memory_space<vmem>>, vector<32x128xf32>
    %get3A_991 = arith.constant 0 : index
    %get3A_992 = arith.constant 30080 : index
    %get3A_993 = vector.load %arg1[%get3A_991, %get3A_992] : memref<32x32768xf32, #tpu.memory_space<vmem>>, vector<32x128xf32>
    %concatenate3A_994 = tpu.concatenate %get3A_984, %get3A_987, %get3A_990, %get3A_993 in 0 : vector<32x128xf32>, vector<32x128xf32>, vector<32x128xf32>, vector<32x128xf32> -> vector<128x128xf32>
    %transpose3A_995 = tpu.transpose %concatenate3A_994, [1, 0] : vector<128x128xf32> -> vector<128x128xf32>
    %swap3A_996 = arith.constant 7424 : index
    %swap3A_997 = arith.constant 0 : index
    %swap3A_998 = vector.load %arg3[%swap3A_996, %swap3A_997] : memref<8192x128xf32, #tpu.memory_space<vmem>>, vector<128x128xf32>
    tpu.vector_store %arg3[%swap3A_996, %swap3A_997], %transpose3A_995 {strides = array<i32>} : memref<8192x128xf32, #tpu.memory_space<vmem>>, vector<128x128xf32>,
    %get3A_999 = arith.constant 0 : index
    %get3A_1000 = arith.constant 30208 : index
    %get3A_1001 = vector.load %arg1[%get3A_999, %get3A_1000] : memref<32x32768xf32, #tpu.memory_space<vmem>>, vector<32x128xf32>
    %get3A_1002 = arith.constant 0 : index
    %get3A_1003 = arith.constant 30336 : index
    %get3A_1004 = vector.load %arg1[%get3A_1002, %get3A_1003] : memref<32x32768xf32, #tpu.memory_space<vmem>>, vector<32x128xf32>
    %get3A_1005 = arith.constant 0 : index
    %get3A_1006 = arith.constant 30464 : index
    %get3A_1007 = vector.load %arg1[%get3A_1005, %get3A_1006] : memref<32x32768xf32, #tpu.memory_space<vmem>>, vector<32x128xf32>
    %get3A_1008 = arith.constant 0 : index
    %get3A_1009 = arith.constant 30592 : index
    %get3A_1010 = vector.load %arg1[%get3A_1008, %get3A_1009] : memref<32x32768xf32, #tpu.memory_space<vmem>>, vector<32x128xf32>
    %concatenate3A_1011 = tpu.concatenate %get3A_1001, %get3A_1004, %get3A_1007, %get3A_1010 in 0 : vector<32x128xf32>, vector<32x128xf32>, vector<32x128xf32>, vector<32x128xf32> -> vector<128x128xf32>
    %transpose3A_1012 = tpu.transpose %concatenate3A_1011, [1, 0] : vector<128x128xf32> -> vector<128x128xf32>
    %swap3A_1013 = arith.constant 7552 : index
    %swap3A_1014 = arith.constant 0 : index
    %swap3A_1015 = vector.load %arg3[%swap3A_1013, %swap3A_1014] : memref<8192x128xf32, #tpu.memory_space<vmem>>, vector<128x128xf32>
    tpu.vector_store %arg3[%swap3A_1013, %swap3A_1014], %transpose3A_1012 {strides = array<i32>} : memref<8192x128xf32, #tpu.memory_space<vmem>>, vector<128x128xf32>,
    %get3A_1016 = arith.constant 0 : index
    %get3A_1017 = arith.constant 30720 : index
    %get3A_1018 = vector.load %arg1[%get3A_1016, %get3A_1017] : memref<32x32768xf32, #tpu.memory_space<vmem>>, vector<32x128xf32>
    %get3A_1019 = arith.constant 0 : index
    %get3A_1020 = arith.constant 30848 : index
    %get3A_1021 = vector.load %arg1[%get3A_1019, %get3A_1020] : memref<32x32768xf32, #tpu.memory_space<vmem>>, vector<32x128xf32>
    %get3A_1022 = arith.constant 0 : index
    %get3A_1023 = arith.constant 30976 : index
    %get3A_1024 = vector.load %arg1[%get3A_1022, %get3A_1023] : memref<32x32768xf32, #tpu.memory_space<vmem>>, vector<32x128xf32>
    %get3A_1025 = arith.constant 0 : index
    %get3A_1026 = arith.constant 31104 : index
    %get3A_1027 = vector.load %arg1[%get3A_1025, %get3A_1026] : memref<32x32768xf32, #tpu.memory_space<vmem>>, vector<32x128xf32>
    %concatenate3A_1028 = tpu.concatenate %get3A_1018, %get3A_1021, %get3A_1024, %get3A_1027 in 0 : vector<32x128xf32>, vector<32x128xf32>, vector<32x128xf32>, vector<32x128xf32> -> vector<128x128xf32>
    %transpose3A_1029 = tpu.transpose %concatenate3A_1028, [1, 0] : vector<128x128xf32> -> vector<128x128xf32>
    %swap3A_1030 = arith.constant 7680 : index
    %swap3A_1031 = arith.constant 0 : index
    %swap3A_1032 = vector.load %arg3[%swap3A_1030, %swap3A_1031] : memref<8192x128xf32, #tpu.memory_space<vmem>>, vector<128x128xf32>
    tpu.vector_store %arg3[%swap3A_1030, %swap3A_1031], %transpose3A_1029 {strides = array<i32>} : memref<8192x128xf32, #tpu.memory_space<vmem>>, vector<128x128xf32>,
    %get3A_1033 = arith.constant 0 : index
    %get3A_1034 = arith.constant 31232 : index
    %get3A_1035 = vector.load %arg1[%get3A_1033, %get3A_1034] : memref<32x32768xf32, #tpu.memory_space<vmem>>, vector<32x128xf32>
    %get3A_1036 = arith.constant 0 : index
    %get3A_1037 = arith.constant 31360 : index
    %get3A_1038 = vector.load %arg1[%get3A_1036, %get3A_1037] : memref<32x32768xf32, #tpu.memory_space<vmem>>, vector<32x128xf32>
    %get3A_1039 = arith.constant 0 : index
    %get3A_1040 = arith.constant 31488 : index
    %get3A_1041 = vector.load %arg1[%get3A_1039, %get3A_1040] : memref<32x32768xf32, #tpu.memory_space<vmem>>, vector<32x128xf32>
    %get3A_1042 = arith.constant 0 : index
    %get3A_1043 = arith.constant 31616 : index
    %get3A_1044 = vector.load %arg1[%get3A_1042, %get3A_1043] : memref<32x32768xf32, #tpu.memory_space<vmem>>, vector<32x128xf32>
    %concatenate3A_1045 = tpu.concatenate %get3A_1035, %get3A_1038, %get3A_1041, %get3A_1044 in 0 : vector<32x128xf32>, vector<32x128xf32>, vector<32x128xf32>, vector<32x128xf32> -> vector<128x128xf32>
    %transpose3A_1046 = tpu.transpose %concatenate3A_1045, [1, 0] : vector<128x128xf32> -> vector<128x128xf32>
    %swap3A_1047 = arith.constant 7808 : index
    %swap3A_1048 = arith.constant 0 : index
    %swap3A_1049 = vector.load %arg3[%swap3A_1047, %swap3A_1048] : memref<8192x128xf32, #tpu.memory_space<vmem>>, vector<128x128xf32>
    tpu.vector_store %arg3[%swap3A_1047, %swap3A_1048], %transpose3A_1046 {strides = array<i32>} : memref<8192x128xf32, #tpu.memory_space<vmem>>, vector<128x128xf32>,
    %get3A_1050 = arith.constant 0 : index
    %get3A_1051 = arith.constant 31744 : index
    %get3A_1052 = vector.load %arg1[%get3A_1050, %get3A_1051] : memref<32x32768xf32, #tpu.memory_space<vmem>>, vector<32x128xf32>
    %get3A_1053 = arith.constant 0 : index
    %get3A_1054 = arith.constant 31872 : index
    %get3A_1055 = vector.load %arg1[%get3A_1053, %get3A_1054] : memref<32x32768xf32, #tpu.memory_space<vmem>>, vector<32x128xf32>
    %get3A_1056 = arith.constant 0 : index
    %get3A_1057 = arith.constant 32000 : index
    %get3A_1058 = vector.load %arg1[%get3A_1056, %get3A_1057] : memref<32x32768xf32, #tpu.memory_space<vmem>>, vector<32x128xf32>
    %get3A_1059 = arith.constant 0 : index
    %get3A_1060 = arith.constant 32128 : index
    %get3A_1061 = vector.load %arg1[%get3A_1059, %get3A_1060] : memref<32x32768xf32, #tpu.memory_space<vmem>>, vector<32x128xf32>
    %concatenate3A_1062 = tpu.concatenate %get3A_1052, %get3A_1055, %get3A_1058, %get3A_1061 in 0 : vector<32x128xf32>, vector<32x128xf32>, vector<32x128xf32>, vector<32x128xf32> -> vector<128x128xf32>
    %transpose3A_1063 = tpu.transpose %concatenate3A_1062, [1, 0] : vector<128x128xf32> -> vector<128x128xf32>
    %swap3A_1064 = arith.constant 7936 : index
    %swap3A_1065 = arith.constant 0 : index
    %swap3A_1066 = vector.load %arg3[%swap3A_1064, %swap3A_1065] : memref<8192x128xf32, #tpu.memory_space<vmem>>, vector<128x128xf32>
    tpu.vector_store %arg3[%swap3A_1064, %swap3A_1065], %transpose3A_1063 {strides = array<i32>} : memref<8192x128xf32, #tpu.memory_space<vmem>>, vector<128x128xf32>,
    %get3A_1067 = arith.constant 0 : index
    %get3A_1068 = arith.constant 32256 : index
    %get3A_1069 = vector.load %arg1[%get3A_1067, %get3A_1068] : memref<32x32768xf32, #tpu.memory_space<vmem>>, vector<32x128xf32>
    %get3A_1070 = arith.constant 0 : index
    %get3A_1071 = arith.constant 32384 : index
    %get3A_1072 = vector.load %arg1[%get3A_1070, %get3A_1071] : memref<32x32768xf32, #tpu.memory_space<vmem>>, vector<32x128xf32>
    %get3A_1073 = arith.constant 0 : index
    %get3A_1074 = arith.constant 32512 : index
    %get3A_1075 = vector.load %arg1[%get3A_1073, %get3A_1074] : memref<32x32768xf32, #tpu.memory_space<vmem>>, vector<32x128xf32>
    %get3A_1076 = arith.constant 0 : index
    %get3A_1077 = arith.constant 32640 : index
    %get3A_1078 = vector.load %arg1[%get3A_1076, %get3A_1077] : memref<32x32768xf32, #tpu.memory_space<vmem>>, vector<32x128xf32>
    %concatenate3A_1079 = tpu.concatenate %get3A_1069, %get3A_1072, %get3A_1075, %get3A_1078 in 0 : vector<32x128xf32>, vector<32x128xf32>, vector<32x128xf32>, vector<32x128xf32> -> vector<128x128xf32>
    %transpose3A_1080 = tpu.transpose %concatenate3A_1079, [1, 0] : vector<128x128xf32> -> vector<128x128xf32>
    %swap3A_1081 = arith.constant 8064 : index
    %swap3A_1082 = arith.constant 0 : index
    %swap3A_1083 = vector.load %arg3[%swap3A_1081, %swap3A_1082] : memref<8192x128xf32, #tpu.memory_space<vmem>>, vector<128x128xf32>
    tpu.vector_store %arg3[%swap3A_1081, %swap3A_1082], %transpose3A_1080 {strides = array<i32>} : memref<8192x128xf32, #tpu.memory_space<vmem>>, vector<128x128xf32>,
    %get3A_1084 = arith.constant 0 : index
    %get3A_1085 = arith.constant 0 : index
    %get3A_1086 = vector.load %arg2[%get3A_1084, %get3A_1085] : memref<32x32768xf32, #tpu.memory_space<vmem>>, vector<32x128xf32>
    %get3A_1087 = arith.constant 0 : index
    %get3A_1088 = arith.constant 128 : index
    %get3A_1089 = vector.load %arg2[%get3A_1087, %get3A_1088] : memref<32x32768xf32, #tpu.memory_space<vmem>>, vector<32x128xf32>
    %get3A_1090 = arith.constant 0 : index
    %get3A_1091 = arith.constant 256 : index
    %get3A_1092 = vector.load %arg2[%get3A_1090, %get3A_1091] : memref<32x32768xf32, #tpu.memory_space<vmem>>, vector<32x128xf32>
    %get3A_1093 = arith.constant 0 : index
    %get3A_1094 = arith.constant 384 : index
    %get3A_1095 = vector.load %arg2[%get3A_1093, %get3A_1094] : memref<32x32768xf32, #tpu.memory_space<vmem>>, vector<32x128xf32>
    %concatenate3A_1096 = tpu.concatenate %get3A_1086, %get3A_1089, %get3A_1092, %get3A_1095 in 0 : vector<32x128xf32>, vector<32x128xf32>, vector<32x128xf32>, vector<32x128xf32> -> vector<128x128xf32>
    %transpose3A_1097 = tpu.transpose %concatenate3A_1096, [1, 0] : vector<128x128xf32> -> vector<128x128xf32>
    %swap3A_1098 = arith.constant 0 : index
    %swap3A_1099 = arith.constant 0 : index
    %swap3A_1100 = vector.load %arg4[%swap3A_1098, %swap3A_1099] : memref<8192x128xf32, #tpu.memory_space<vmem>>, vector<128x128xf32>
    tpu.vector_store %arg4[%swap3A_1098, %swap3A_1099], %transpose3A_1097 {strides = array<i32>} : memref<8192x128xf32, #tpu.memory_space<vmem>>, vector<128x128xf32>,
    %get3A_1101 = arith.constant 0 : index
    %get3A_1102 = arith.constant 512 : index
    %get3A_1103 = vector.load %arg2[%get3A_1101, %get3A_1102] : memref<32x32768xf32, #tpu.memory_space<vmem>>, vector<32x128xf32>
    %get3A_1104 = arith.constant 0 : index
    %get3A_1105 = arith.constant 640 : index
    %get3A_1106 = vector.load %arg2[%get3A_1104, %get3A_1105] : memref<32x32768xf32, #tpu.memory_space<vmem>>, vector<32x128xf32>
    %get3A_1107 = arith.constant 0 : index
    %get3A_1108 = arith.constant 768 : index
    %get3A_1109 = vector.load %arg2[%get3A_1107, %get3A_1108] : memref<32x32768xf32, #tpu.memory_space<vmem>>, vector<32x128xf32>
    %get3A_1110 = arith.constant 0 : index
    %get3A_1111 = arith.constant 896 : index
    %get3A_1112 = vector.load %arg2[%get3A_1110, %get3A_1111] : memref<32x32768xf32, #tpu.memory_space<vmem>>, vector<32x128xf32>
    %concatenate3A_1113 = tpu.concatenate %get3A_1103, %get3A_1106, %get3A_1109, %get3A_1112 in 0 : vector<32x128xf32>, vector<32x128xf32>, vector<32x128xf32>, vector<32x128xf32> -> vector<128x128xf32>
    %transpose3A_1114 = tpu.transpose %concatenate3A_1113, [1, 0] : vector<128x128xf32> -> vector<128x128xf32>
    %swap3A_1115 = arith.constant 128 : index
    %swap3A_1116 = arith.constant 0 : index
    %swap3A_1117 = vector.load %arg4[%swap3A_1115, %swap3A_1116] : memref<8192x128xf32, #tpu.memory_space<vmem>>, vector<128x128xf32>
    tpu.vector_store %arg4[%swap3A_1115, %swap3A_1116], %transpose3A_1114 {strides = array<i32>} : memref<8192x128xf32, #tpu.memory_space<vmem>>, vector<128x128xf32>,
    %get3A_1118 = arith.constant 0 : index
    %get3A_1119 = arith.constant 1024 : index
    %get3A_1120 = vector.load %arg2[%get3A_1118, %get3A_1119] : memref<32x32768xf32, #tpu.memory_space<vmem>>, vector<32x128xf32>
    %get3A_1121 = arith.constant 0 : index
    %get3A_1122 = arith.constant 1152 : index
    %get3A_1123 = vector.load %arg2[%get3A_1121, %get3A_1122] : memref<32x32768xf32, #tpu.memory_space<vmem>>, vector<32x128xf32>
    %get3A_1124 = arith.constant 0 : index
    %get3A_1125 = arith.constant 1280 : index
    %get3A_1126 = vector.load %arg2[%get3A_1124, %get3A_1125] : memref<32x32768xf32, #tpu.memory_space<vmem>>, vector<32x128xf32>
    %get3A_1127 = arith.constant 0 : index
    %get3A_1128 = arith.constant 1408 : index
    %get3A_1129 = vector.load %arg2[%get3A_1127, %get3A_1128] : memref<32x32768xf32, #tpu.memory_space<vmem>>, vector<32x128xf32>
    %concatenate3A_1130 = tpu.concatenate %get3A_1120, %get3A_1123, %get3A_1126, %get3A_1129 in 0 : vector<32x128xf32>, vector<32x128xf32>, vector<32x128xf32>, vector<32x128xf32> -> vector<128x128xf32>
    %transpose3A_1131 = tpu.transpose %concatenate3A_1130, [1, 0] : vector<128x128xf32> -> vector<128x128xf32>
    %swap3A_1132 = arith.constant 256 : index
    %swap3A_1133 = arith.constant 0 : index
    %swap3A_1134 = vector.load %arg4[%swap3A_1132, %swap3A_1133] : memref<8192x128xf32, #tpu.memory_space<vmem>>, vector<128x128xf32>
    tpu.vector_store %arg4[%swap3A_1132, %swap3A_1133], %transpose3A_1131 {strides = array<i32>} : memref<8192x128xf32, #tpu.memory_space<vmem>>, vector<128x128xf32>,
    %get3A_1135 = arith.constant 0 : index
    %get3A_1136 = arith.constant 1536 : index
    %get3A_1137 = vector.load %arg2[%get3A_1135, %get3A_1136] : memref<32x32768xf32, #tpu.memory_space<vmem>>, vector<32x128xf32>
    %get3A_1138 = arith.constant 0 : index
    %get3A_1139 = arith.constant 1664 : index
    %get3A_1140 = vector.load %arg2[%get3A_1138, %get3A_1139] : memref<32x32768xf32, #tpu.memory_space<vmem>>, vector<32x128xf32>
    %get3A_1141 = arith.constant 0 : index
    %get3A_1142 = arith.constant 1792 : index
    %get3A_1143 = vector.load %arg2[%get3A_1141, %get3A_1142] : memref<32x32768xf32, #tpu.memory_space<vmem>>, vector<32x128xf32>
    %get3A_1144 = arith.constant 0 : index
    %get3A_1145 = arith.constant 1920 : index
    %get3A_1146 = vector.load %arg2[%get3A_1144, %get3A_1145] : memref<32x32768xf32, #tpu.memory_space<vmem>>, vector<32x128xf32>
    %concatenate3A_1147 = tpu.concatenate %get3A_1137, %get3A_1140, %get3A_1143, %get3A_1146 in 0 : vector<32x128xf32>, vector<32x128xf32>, vector<32x128xf32>, vector<32x128xf32> -> vector<128x128xf32>
    %transpose3A_1148 = tpu.transpose %concatenate3A_1147, [1, 0] : vector<128x128xf32> -> vector<128x128xf32>
    %swap3A_1149 = arith.constant 384 : index
    %swap3A_1150 = arith.constant 0 : index
    %swap3A_1151 = vector.load %arg4[%swap3A_1149, %swap3A_1150] : memref<8192x128xf32, #tpu.memory_space<vmem>>, vector<128x128xf32>
    tpu.vector_store %arg4[%swap3A_1149, %swap3A_1150], %transpose3A_1148 {strides = array<i32>} : memref<8192x128xf32, #tpu.memory_space<vmem>>, vector<128x128xf32>,
    %get3A_1152 = arith.constant 0 : index
    %get3A_1153 = arith.constant 2048 : index
    %get3A_1154 = vector.load %arg2[%get3A_1152, %get3A_1153] : memref<32x32768xf32, #tpu.memory_space<vmem>>, vector<32x128xf32>
    %get3A_1155 = arith.constant 0 : index
    %get3A_1156 = arith.constant 2176 : index
    %get3A_1157 = vector.load %arg2[%get3A_1155, %get3A_1156] : memref<32x32768xf32, #tpu.memory_space<vmem>>, vector<32x128xf32>
    %get3A_1158 = arith.constant 0 : index
    %get3A_1159 = arith.constant 2304 : index
    %get3A_1160 = vector.load %arg2[%get3A_1158, %get3A_1159] : memref<32x32768xf32, #tpu.memory_space<vmem>>, vector<32x128xf32>
    %get3A_1161 = arith.constant 0 : index
    %get3A_1162 = arith.constant 2432 : index
    %get3A_1163 = vector.load %arg2[%get3A_1161, %get3A_1162] : memref<32x32768xf32, #tpu.memory_space<vmem>>, vector<32x128xf32>
    %concatenate3A_1164 = tpu.concatenate %get3A_1154, %get3A_1157, %get3A_1160, %get3A_1163 in 0 : vector<32x128xf32>, vector<32x128xf32>, vector<32x128xf32>, vector<32x128xf32> -> vector<128x128xf32>
    %transpose3A_1165 = tpu.transpose %concatenate3A_1164, [1, 0] : vector<128x128xf32> -> vector<128x128xf32>
    %swap3A_1166 = arith.constant 512 : index
    %swap3A_1167 = arith.constant 0 : index
    %swap3A_1168 = vector.load %arg4[%swap3A_1166, %swap3A_1167] : memref<8192x128xf32, #tpu.memory_space<vmem>>, vector<128x128xf32>
    tpu.vector_store %arg4[%swap3A_1166, %swap3A_1167], %transpose3A_1165 {strides = array<i32>} : memref<8192x128xf32, #tpu.memory_space<vmem>>, vector<128x128xf32>,
    %get3A_1169 = arith.constant 0 : index
    %get3A_1170 = arith.constant 2560 : index
    %get3A_1171 = vector.load %arg2[%get3A_1169, %get3A_1170] : memref<32x32768xf32, #tpu.memory_space<vmem>>, vector<32x128xf32>
    %get3A_1172 = arith.constant 0 : index
    %get3A_1173 = arith.constant 2688 : index
    %get3A_1174 = vector.load %arg2[%get3A_1172, %get3A_1173] : memref<32x32768xf32, #tpu.memory_space<vmem>>, vector<32x128xf32>
    %get3A_1175 = arith.constant 0 : index
    %get3A_1176 = arith.constant 2816 : index
    %get3A_1177 = vector.load %arg2[%get3A_1175, %get3A_1176] : memref<32x32768xf32, #tpu.memory_space<vmem>>, vector<32x128xf32>
    %get3A_1178 = arith.constant 0 : index
    %get3A_1179 = arith.constant 2944 : index
    %get3A_1180 = vector.load %arg2[%get3A_1178, %get3A_1179] : memref<32x32768xf32, #tpu.memory_space<vmem>>, vector<32x128xf32>
    %concatenate3A_1181 = tpu.concatenate %get3A_1171, %get3A_1174, %get3A_1177, %get3A_1180 in 0 : vector<32x128xf32>, vector<32x128xf32>, vector<32x128xf32>, vector<32x128xf32> -> vector<128x128xf32>
    %transpose3A_1182 = tpu.transpose %concatenate3A_1181, [1, 0] : vector<128x128xf32> -> vector<128x128xf32>
    %swap3A_1183 = arith.constant 640 : index
    %swap3A_1184 = arith.constant 0 : index
    %swap3A_1185 = vector.load %arg4[%swap3A_1183, %swap3A_1184] : memref<8192x128xf32, #tpu.memory_space<vmem>>, vector<128x128xf32>
    tpu.vector_store %arg4[%swap3A_1183, %swap3A_1184], %transpose3A_1182 {strides = array<i32>} : memref<8192x128xf32, #tpu.memory_space<vmem>>, vector<128x128xf32>,
    %get3A_1186 = arith.constant 0 : index
    %get3A_1187 = arith.constant 3072 : index
    %get3A_1188 = vector.load %arg2[%get3A_1186, %get3A_1187] : memref<32x32768xf32, #tpu.memory_space<vmem>>, vector<32x128xf32>
    %get3A_1189 = arith.constant 0 : index
    %get3A_1190 = arith.constant 3200 : index
    %get3A_1191 = vector.load %arg2[%get3A_1189, %get3A_1190] : memref<32x32768xf32, #tpu.memory_space<vmem>>, vector<32x128xf32>
    %get3A_1192 = arith.constant 0 : index
    %get3A_1193 = arith.constant 3328 : index
    %get3A_1194 = vector.load %arg2[%get3A_1192, %get3A_1193] : memref<32x32768xf32, #tpu.memory_space<vmem>>, vector<32x128xf32>
    %get3A_1195 = arith.constant 0 : index
    %get3A_1196 = arith.constant 3456 : index
    %get3A_1197 = vector.load %arg2[%get3A_1195, %get3A_1196] : memref<32x32768xf32, #tpu.memory_space<vmem>>, vector<32x128xf32>
    %concatenate3A_1198 = tpu.concatenate %get3A_1188, %get3A_1191, %get3A_1194, %get3A_1197 in 0 : vector<32x128xf32>, vector<32x128xf32>, vector<32x128xf32>, vector<32x128xf32> -> vector<128x128xf32>
    %transpose3A_1199 = tpu.transpose %concatenate3A_1198, [1, 0] : vector<128x128xf32> -> vector<128x128xf32>
    %swap3A_1200 = arith.constant 768 : index
    %swap3A_1201 = arith.constant 0 : index
    %swap3A_1202 = vector.load %arg4[%swap3A_1200, %swap3A_1201] : memref<8192x128xf32, #tpu.memory_space<vmem>>, vector<128x128xf32>
    tpu.vector_store %arg4[%swap3A_1200, %swap3A_1201], %transpose3A_1199 {strides = array<i32>} : memref<8192x128xf32, #tpu.memory_space<vmem>>, vector<128x128xf32>,
    %get3A_1203 = arith.constant 0 : index
    %get3A_1204 = arith.constant 3584 : index
    %get3A_1205 = vector.load %arg2[%get3A_1203, %get3A_1204] : memref<32x32768xf32, #tpu.memory_space<vmem>>, vector<32x128xf32>
    %get3A_1206 = arith.constant 0 : index
    %get3A_1207 = arith.constant 3712 : index
    %get3A_1208 = vector.load %arg2[%get3A_1206, %get3A_1207] : memref<32x32768xf32, #tpu.memory_space<vmem>>, vector<32x128xf32>
    %get3A_1209 = arith.constant 0 : index
    %get3A_1210 = arith.constant 3840 : index
    %get3A_1211 = vector.load %arg2[%get3A_1209, %get3A_1210] : memref<32x32768xf32, #tpu.memory_space<vmem>>, vector<32x128xf32>
    %get3A_1212 = arith.constant 0 : index
    %get3A_1213 = arith.constant 3968 : index
    %get3A_1214 = vector.load %arg2[%get3A_1212, %get3A_1213] : memref<32x32768xf32, #tpu.memory_space<vmem>>, vector<32x128xf32>
    %concatenate3A_1215 = tpu.concatenate %get3A_1205, %get3A_1208, %get3A_1211, %get3A_1214 in 0 : vector<32x128xf32>, vector<32x128xf32>, vector<32x128xf32>, vector<32x128xf32> -> vector<128x128xf32>
    %transpose3A_1216 = tpu.transpose %concatenate3A_1215, [1, 0] : vector<128x128xf32> -> vector<128x128xf32>
    %swap3A_1217 = arith.constant 896 : index
    %swap3A_1218 = arith.constant 0 : index
    %swap3A_1219 = vector.load %arg4[%swap3A_1217, %swap3A_1218] : memref<8192x128xf32, #tpu.memory_space<vmem>>, vector<128x128xf32>
    tpu.vector_store %arg4[%swap3A_1217, %swap3A_1218], %transpose3A_1216 {strides = array<i32>} : memref<8192x128xf32, #tpu.memory_space<vmem>>, vector<128x128xf32>,
    %get3A_1220 = arith.constant 0 : index
    %get3A_1221 = arith.constant 4096 : index
    %get3A_1222 = vector.load %arg2[%get3A_1220, %get3A_1221] : memref<32x32768xf32, #tpu.memory_space<vmem>>, vector<32x128xf32>
    %get3A_1223 = arith.constant 0 : index
    %get3A_1224 = arith.constant 4224 : index
    %get3A_1225 = vector.load %arg2[%get3A_1223, %get3A_1224] : memref<32x32768xf32, #tpu.memory_space<vmem>>, vector<32x128xf32>
    %get3A_1226 = arith.constant 0 : index
    %get3A_1227 = arith.constant 4352 : index
    %get3A_1228 = vector.load %arg2[%get3A_1226, %get3A_1227] : memref<32x32768xf32, #tpu.memory_space<vmem>>, vector<32x128xf32>
    %get3A_1229 = arith.constant 0 : index
    %get3A_1230 = arith.constant 4480 : index
    %get3A_1231 = vector.load %arg2[%get3A_1229, %get3A_1230] : memref<32x32768xf32, #tpu.memory_space<vmem>>, vector<32x128xf32>
    %concatenate3A_1232 = tpu.concatenate %get3A_1222, %get3A_1225, %get3A_1228, %get3A_1231 in 0 : vector<32x128xf32>, vector<32x128xf32>, vector<32x128xf32>, vector<32x128xf32> -> vector<128x128xf32>
    %transpose3A_1233 = tpu.transpose %concatenate3A_1232, [1, 0] : vector<128x128xf32> -> vector<128x128xf32>
    %swap3A_1234 = arith.constant 1024 : index
    %swap3A_1235 = arith.constant 0 : index
    %swap3A_1236 = vector.load %arg4[%swap3A_1234, %swap3A_1235] : memref<8192x128xf32, #tpu.memory_space<vmem>>, vector<128x128xf32>
    tpu.vector_store %arg4[%swap3A_1234, %swap3A_1235], %transpose3A_1233 {strides = array<i32>} : memref<8192x128xf32, #tpu.memory_space<vmem>>, vector<128x128xf32>,
    %get3A_1237 = arith.constant 0 : index
    %get3A_1238 = arith.constant 4608 : index
    %get3A_1239 = vector.load %arg2[%get3A_1237, %get3A_1238] : memref<32x32768xf32, #tpu.memory_space<vmem>>, vector<32x128xf32>
    %get3A_1240 = arith.constant 0 : index
    %get3A_1241 = arith.constant 4736 : index
    %get3A_1242 = vector.load %arg2[%get3A_1240, %get3A_1241] : memref<32x32768xf32, #tpu.memory_space<vmem>>, vector<32x128xf32>
    %get3A_1243 = arith.constant 0 : index
    %get3A_1244 = arith.constant 4864 : index
    %get3A_1245 = vector.load %arg2[%get3A_1243, %get3A_1244] : memref<32x32768xf32, #tpu.memory_space<vmem>>, vector<32x128xf32>
    %get3A_1246 = arith.constant 0 : index
    %get3A_1247 = arith.constant 4992 : index
    %get3A_1248 = vector.load %arg2[%get3A_1246, %get3A_1247] : memref<32x32768xf32, #tpu.memory_space<vmem>>, vector<32x128xf32>
    %concatenate3A_1249 = tpu.concatenate %get3A_1239, %get3A_1242, %get3A_1245, %get3A_1248 in 0 : vector<32x128xf32>, vector<32x128xf32>, vector<32x128xf32>, vector<32x128xf32> -> vector<128x128xf32>
    %transpose3A_1250 = tpu.transpose %concatenate3A_1249, [1, 0] : vector<128x128xf32> -> vector<128x128xf32>
    %swap3A_1251 = arith.constant 1152 : index
    %swap3A_1252 = arith.constant 0 : index
    %swap3A_1253 = vector.load %arg4[%swap3A_1251, %swap3A_1252] : memref<8192x128xf32, #tpu.memory_space<vmem>>, vector<128x128xf32>
    tpu.vector_store %arg4[%swap3A_1251, %swap3A_1252], %transpose3A_1250 {strides = array<i32>} : memref<8192x128xf32, #tpu.memory_space<vmem>>, vector<128x128xf32>,
    %get3A_1254 = arith.constant 0 : index
    %get3A_1255 = arith.constant 5120 : index
    %get3A_1256 = vector.load %arg2[%get3A_1254, %get3A_1255] : memref<32x32768xf32, #tpu.memory_space<vmem>>, vector<32x128xf32>
    %get3A_1257 = arith.constant 0 : index
    %get3A_1258 = arith.constant 5248 : index
    %get3A_1259 = vector.load %arg2[%get3A_1257, %get3A_1258] : memref<32x32768xf32, #tpu.memory_space<vmem>>, vector<32x128xf32>
    %get3A_1260 = arith.constant 0 : index
    %get3A_1261 = arith.constant 5376 : index
    %get3A_1262 = vector.load %arg2[%get3A_1260, %get3A_1261] : memref<32x32768xf32, #tpu.memory_space<vmem>>, vector<32x128xf32>
    %get3A_1263 = arith.constant 0 : index
    %get3A_1264 = arith.constant 5504 : index
    %get3A_1265 = vector.load %arg2[%get3A_1263, %get3A_1264] : memref<32x32768xf32, #tpu.memory_space<vmem>>, vector<32x128xf32>
    %concatenate3A_1266 = tpu.concatenate %get3A_1256, %get3A_1259, %get3A_1262, %get3A_1265 in 0 : vector<32x128xf32>, vector<32x128xf32>, vector<32x128xf32>, vector<32x128xf32> -> vector<128x128xf32>
    %transpose3A_1267 = tpu.transpose %concatenate3A_1266, [1, 0] : vector<128x128xf32> -> vector<128x128xf32>
    %swap3A_1268 = arith.constant 1280 : index
    %swap3A_1269 = arith.constant 0 : index
    %swap3A_1270 = vector.load %arg4[%swap3A_1268, %swap3A_1269] : memref<8192x128xf32, #tpu.memory_space<vmem>>, vector<128x128xf32>
    tpu.vector_store %arg4[%swap3A_1268, %swap3A_1269], %transpose3A_1267 {strides = array<i32>} : memref<8192x128xf32, #tpu.memory_space<vmem>>, vector<128x128xf32>,
    %get3A_1271 = arith.constant 0 : index
    %get3A_1272 = arith.constant 5632 : index
    %get3A_1273 = vector.load %arg2[%get3A_1271, %get3A_1272] : memref<32x32768xf32, #tpu.memory_space<vmem>>, vector<32x128xf32>
    %get3A_1274 = arith.constant 0 : index
    %get3A_1275 = arith.constant 5760 : index
    %get3A_1276 = vector.load %arg2[%get3A_1274, %get3A_1275] : memref<32x32768xf32, #tpu.memory_space<vmem>>, vector<32x128xf32>
    %get3A_1277 = arith.constant 0 : index
    %get3A_1278 = arith.constant 5888 : index
    %get3A_1279 = vector.load %arg2[%get3A_1277, %get3A_1278] : memref<32x32768xf32, #tpu.memory_space<vmem>>, vector<32x128xf32>
    %get3A_1280 = arith.constant 0 : index
    %get3A_1281 = arith.constant 6016 : index
    %get3A_1282 = vector.load %arg2[%get3A_1280, %get3A_1281] : memref<32x32768xf32, #tpu.memory_space<vmem>>, vector<32x128xf32>
    %concatenate3A_1283 = tpu.concatenate %get3A_1273, %get3A_1276, %get3A_1279, %get3A_1282 in 0 : vector<32x128xf32>, vector<32x128xf32>, vector<32x128xf32>, vector<32x128xf32> -> vector<128x128xf32>
    %transpose3A_1284 = tpu.transpose %concatenate3A_1283, [1, 0] : vector<128x128xf32> -> vector<128x128xf32>
    %swap3A_1285 = arith.constant 1408 : index
    %swap3A_1286 = arith.constant 0 : index
    %swap3A_1287 = vector.load %arg4[%swap3A_1285, %swap3A_1286] : memref<8192x128xf32, #tpu.memory_space<vmem>>, vector<128x128xf32>
    tpu.vector_store %arg4[%swap3A_1285, %swap3A_1286], %transpose3A_1284 {strides = array<i32>} : memref<8192x128xf32, #tpu.memory_space<vmem>>, vector<128x128xf32>,
    %get3A_1288 = arith.constant 0 : index
    %get3A_1289 = arith.constant 6144 : index
    %get3A_1290 = vector.load %arg2[%get3A_1288, %get3A_1289] : memref<32x32768xf32, #tpu.memory_space<vmem>>, vector<32x128xf32>
    %get3A_1291 = arith.constant 0 : index
    %get3A_1292 = arith.constant 6272 : index
    %get3A_1293 = vector.load %arg2[%get3A_1291, %get3A_1292] : memref<32x32768xf32, #tpu.memory_space<vmem>>, vector<32x128xf32>
    %get3A_1294 = arith.constant 0 : index
    %get3A_1295 = arith.constant 6400 : index
    %get3A_1296 = vector.load %arg2[%get3A_1294, %get3A_1295] : memref<32x32768xf32, #tpu.memory_space<vmem>>, vector<32x128xf32>
    %get3A_1297 = arith.constant 0 : index
    %get3A_1298 = arith.constant 6528 : index
    %get3A_1299 = vector.load %arg2[%get3A_1297, %get3A_1298] : memref<32x32768xf32, #tpu.memory_space<vmem>>, vector<32x128xf32>
    %concatenate3A_1300 = tpu.concatenate %get3A_1290, %get3A_1293, %get3A_1296, %get3A_1299 in 0 : vector<32x128xf32>, vector<32x128xf32>, vector<32x128xf32>, vector<32x128xf32> -> vector<128x128xf32>
    %transpose3A_1301 = tpu.transpose %concatenate3A_1300, [1, 0] : vector<128x128xf32> -> vector<128x128xf32>
    %swap3A_1302 = arith.constant 1536 : index
    %swap3A_1303 = arith.constant 0 : index
    %swap3A_1304 = vector.load %arg4[%swap3A_1302, %swap3A_1303] : memref<8192x128xf32, #tpu.memory_space<vmem>>, vector<128x128xf32>
    tpu.vector_store %arg4[%swap3A_1302, %swap3A_1303], %transpose3A_1301 {strides = array<i32>} : memref<8192x128xf32, #tpu.memory_space<vmem>>, vector<128x128xf32>,
    %get3A_1305 = arith.constant 0 : index
    %get3A_1306 = arith.constant 6656 : index
    %get3A_1307 = vector.load %arg2[%get3A_1305, %get3A_1306] : memref<32x32768xf32, #tpu.memory_space<vmem>>, vector<32x128xf32>
    %get3A_1308 = arith.constant 0 : index
    %get3A_1309 = arith.constant 6784 : index
    %get3A_1310 = vector.load %arg2[%get3A_1308, %get3A_1309] : memref<32x32768xf32, #tpu.memory_space<vmem>>, vector<32x128xf32>
    %get3A_1311 = arith.constant 0 : index
    %get3A_1312 = arith.constant 6912 : index
    %get3A_1313 = vector.load %arg2[%get3A_1311, %get3A_1312] : memref<32x32768xf32, #tpu.memory_space<vmem>>, vector<32x128xf32>
    %get3A_1314 = arith.constant 0 : index
    %get3A_1315 = arith.constant 7040 : index
    %get3A_1316 = vector.load %arg2[%get3A_1314, %get3A_1315] : memref<32x32768xf32, #tpu.memory_space<vmem>>, vector<32x128xf32>
    %concatenate3A_1317 = tpu.concatenate %get3A_1307, %get3A_1310, %get3A_1313, %get3A_1316 in 0 : vector<32x128xf32>, vector<32x128xf32>, vector<32x128xf32>, vector<32x128xf32> -> vector<128x128xf32>
    %transpose3A_1318 = tpu.transpose %concatenate3A_1317, [1, 0] : vector<128x128xf32> -> vector<128x128xf32>
    %swap3A_1319 = arith.constant 1664 : index
    %swap3A_1320 = arith.constant 0 : index
    %swap3A_1321 = vector.load %arg4[%swap3A_1319, %swap3A_1320] : memref<8192x128xf32, #tpu.memory_space<vmem>>, vector<128x128xf32>
    tpu.vector_store %arg4[%swap3A_1319, %swap3A_1320], %transpose3A_1318 {strides = array<i32>} : memref<8192x128xf32, #tpu.memory_space<vmem>>, vector<128x128xf32>,
    %get3A_1322 = arith.constant 0 : index
    %get3A_1323 = arith.constant 7168 : index
    %get3A_1324 = vector.load %arg2[%get3A_1322, %get3A_1323] : memref<32x32768xf32, #tpu.memory_space<vmem>>, vector<32x128xf32>
    %get3A_1325 = arith.constant 0 : index
    %get3A_1326 = arith.constant 7296 : index
    %get3A_1327 = vector.load %arg2[%get3A_1325, %get3A_1326] : memref<32x32768xf32, #tpu.memory_space<vmem>>, vector<32x128xf32>
    %get3A_1328 = arith.constant 0 : index
    %get3A_1329 = arith.constant 7424 : index
    %get3A_1330 = vector.load %arg2[%get3A_1328, %get3A_1329] : memref<32x32768xf32, #tpu.memory_space<vmem>>, vector<32x128xf32>
    %get3A_1331 = arith.constant 0 : index
    %get3A_1332 = arith.constant 7552 : index
    %get3A_1333 = vector.load %arg2[%get3A_1331, %get3A_1332] : memref<32x32768xf32, #tpu.memory_space<vmem>>, vector<32x128xf32>
    %concatenate3A_1334 = tpu.concatenate %get3A_1324, %get3A_1327, %get3A_1330, %get3A_1333 in 0 : vector<32x128xf32>, vector<32x128xf32>, vector<32x128xf32>, vector<32x128xf32> -> vector<128x128xf32>
    %transpose3A_1335 = tpu.transpose %concatenate3A_1334, [1, 0] : vector<128x128xf32> -> vector<128x128xf32>
    %swap3A_1336 = arith.constant 1792 : index
    %swap3A_1337 = arith.constant 0 : index
    %swap3A_1338 = vector.load %arg4[%swap3A_1336, %swap3A_1337] : memref<8192x128xf32, #tpu.memory_space<vmem>>, vector<128x128xf32>
    tpu.vector_store %arg4[%swap3A_1336, %swap3A_1337], %transpose3A_1335 {strides = array<i32>} : memref<8192x128xf32, #tpu.memory_space<vmem>>, vector<128x128xf32>,
    %get3A_1339 = arith.constant 0 : index
    %get3A_1340 = arith.constant 7680 : index
    %get3A_1341 = vector.load %arg2[%get3A_1339, %get3A_1340] : memref<32x32768xf32, #tpu.memory_space<vmem>>, vector<32x128xf32>
    %get3A_1342 = arith.constant 0 : index
    %get3A_1343 = arith.constant 7808 : index
    %get3A_1344 = vector.load %arg2[%get3A_1342, %get3A_1343] : memref<32x32768xf32, #tpu.memory_space<vmem>>, vector<32x128xf32>
    %get3A_1345 = arith.constant 0 : index
    %get3A_1346 = arith.constant 7936 : index
    %get3A_1347 = vector.load %arg2[%get3A_1345, %get3A_1346] : memref<32x32768xf32, #tpu.memory_space<vmem>>, vector<32x128xf32>
    %get3A_1348 = arith.constant 0 : index
    %get3A_1349 = arith.constant 8064 : index
    %get3A_1350 = vector.load %arg2[%get3A_1348, %get3A_1349] : memref<32x32768xf32, #tpu.memory_space<vmem>>, vector<32x128xf32>
    %concatenate3A_1351 = tpu.concatenate %get3A_1341, %get3A_1344, %get3A_1347, %get3A_1350 in 0 : vector<32x128xf32>, vector<32x128xf32>, vector<32x128xf32>, vector<32x128xf32> -> vector<128x128xf32>
    %transpose3A_1352 = tpu.transpose %concatenate3A_1351, [1, 0] : vector<128x128xf32> -> vector<128x128xf32>
    %swap3A_1353 = arith.constant 1920 : index
    %swap3A_1354 = arith.constant 0 : index
    %swap3A_1355 = vector.load %arg4[%swap3A_1353, %swap3A_1354] : memref<8192x128xf32, #tpu.memory_space<vmem>>, vector<128x128xf32>
    tpu.vector_store %arg4[%swap3A_1353, %swap3A_1354], %transpose3A_1352 {strides = array<i32>} : memref<8192x128xf32, #tpu.memory_space<vmem>>, vector<128x128xf32>,
    %get3A_1356 = arith.constant 0 : index
    %get3A_1357 = arith.constant 8192 : index
    %get3A_1358 = vector.load %arg2[%get3A_1356, %get3A_1357] : memref<32x32768xf32, #tpu.memory_space<vmem>>, vector<32x128xf32>
    %get3A_1359 = arith.constant 0 : index
    %get3A_1360 = arith.constant 8320 : index
    %get3A_1361 = vector.load %arg2[%get3A_1359, %get3A_1360] : memref<32x32768xf32, #tpu.memory_space<vmem>>, vector<32x128xf32>
    %get3A_1362 = arith.constant 0 : index
    %get3A_1363 = arith.constant 8448 : index
    %get3A_1364 = vector.load %arg2[%get3A_1362, %get3A_1363] : memref<32x32768xf32, #tpu.memory_space<vmem>>, vector<32x128xf32>
    %get3A_1365 = arith.constant 0 : index
    %get3A_1366 = arith.constant 8576 : index
    %get3A_1367 = vector.load %arg2[%get3A_1365, %get3A_1366] : memref<32x32768xf32, #tpu.memory_space<vmem>>, vector<32x128xf32>
    %concatenate3A_1368 = tpu.concatenate %get3A_1358, %get3A_1361, %get3A_1364, %get3A_1367 in 0 : vector<32x128xf32>, vector<32x128xf32>, vector<32x128xf32>, vector<32x128xf32> -> vector<128x128xf32>
    %transpose3A_1369 = tpu.transpose %concatenate3A_1368, [1, 0] : vector<128x128xf32> -> vector<128x128xf32>
    %swap3A_1370 = arith.constant 2048 : index
    %swap3A_1371 = arith.constant 0 : index
    %swap3A_1372 = vector.load %arg4[%swap3A_1370, %swap3A_1371] : memref<8192x128xf32, #tpu.memory_space<vmem>>, vector<128x128xf32>
    tpu.vector_store %arg4[%swap3A_1370, %swap3A_1371], %transpose3A_1369 {strides = array<i32>} : memref<8192x128xf32, #tpu.memory_space<vmem>>, vector<128x128xf32>,
    %get3A_1373 = arith.constant 0 : index
    %get3A_1374 = arith.constant 8704 : index
    %get3A_1375 = vector.load %arg2[%get3A_1373, %get3A_1374] : memref<32x32768xf32, #tpu.memory_space<vmem>>, vector<32x128xf32>
    %get3A_1376 = arith.constant 0 : index
    %get3A_1377 = arith.constant 8832 : index
    %get3A_1378 = vector.load %arg2[%get3A_1376, %get3A_1377] : memref<32x32768xf32, #tpu.memory_space<vmem>>, vector<32x128xf32>
    %get3A_1379 = arith.constant 0 : index
    %get3A_1380 = arith.constant 8960 : index
    %get3A_1381 = vector.load %arg2[%get3A_1379, %get3A_1380] : memref<32x32768xf32, #tpu.memory_space<vmem>>, vector<32x128xf32>
    %get3A_1382 = arith.constant 0 : index
    %get3A_1383 = arith.constant 9088 : index
    %get3A_1384 = vector.load %arg2[%get3A_1382, %get3A_1383] : memref<32x32768xf32, #tpu.memory_space<vmem>>, vector<32x128xf32>
    %concatenate3A_1385 = tpu.concatenate %get3A_1375, %get3A_1378, %get3A_1381, %get3A_1384 in 0 : vector<32x128xf32>, vector<32x128xf32>, vector<32x128xf32>, vector<32x128xf32> -> vector<128x128xf32>
    %transpose3A_1386 = tpu.transpose %concatenate3A_1385, [1, 0] : vector<128x128xf32> -> vector<128x128xf32>
    %swap3A_1387 = arith.constant 2176 : index
    %swap3A_1388 = arith.constant 0 : index
    %swap3A_1389 = vector.load %arg4[%swap3A_1387, %swap3A_1388] : memref<8192x128xf32, #tpu.memory_space<vmem>>, vector<128x128xf32>
    tpu.vector_store %arg4[%swap3A_1387, %swap3A_1388], %transpose3A_1386 {strides = array<i32>} : memref<8192x128xf32, #tpu.memory_space<vmem>>, vector<128x128xf32>,
    %get3A_1390 = arith.constant 0 : index
    %get3A_1391 = arith.constant 9216 : index
    %get3A_1392 = vector.load %arg2[%get3A_1390, %get3A_1391] : memref<32x32768xf32, #tpu.memory_space<vmem>>, vector<32x128xf32>
    %get3A_1393 = arith.constant 0 : index
    %get3A_1394 = arith.constant 9344 : index
    %get3A_1395 = vector.load %arg2[%get3A_1393, %get3A_1394] : memref<32x32768xf32, #tpu.memory_space<vmem>>, vector<32x128xf32>
    %get3A_1396 = arith.constant 0 : index
    %get3A_1397 = arith.constant 9472 : index
    %get3A_1398 = vector.load %arg2[%get3A_1396, %get3A_1397] : memref<32x32768xf32, #tpu.memory_space<vmem>>, vector<32x128xf32>
    %get3A_1399 = arith.constant 0 : index
    %get3A_1400 = arith.constant 9600 : index
    %get3A_1401 = vector.load %arg2[%get3A_1399, %get3A_1400] : memref<32x32768xf32, #tpu.memory_space<vmem>>, vector<32x128xf32>
    %concatenate3A_1402 = tpu.concatenate %get3A_1392, %get3A_1395, %get3A_1398, %get3A_1401 in 0 : vector<32x128xf32>, vector<32x128xf32>, vector<32x128xf32>, vector<32x128xf32> -> vector<128x128xf32>
    %transpose3A_1403 = tpu.transpose %concatenate3A_1402, [1, 0] : vector<128x128xf32> -> vector<128x128xf32>
    %swap3A_1404 = arith.constant 2304 : index
    %swap3A_1405 = arith.constant 0 : index
    %swap3A_1406 = vector.load %arg4[%swap3A_1404, %swap3A_1405] : memref<8192x128xf32, #tpu.memory_space<vmem>>, vector<128x128xf32>
    tpu.vector_store %arg4[%swap3A_1404, %swap3A_1405], %transpose3A_1403 {strides = array<i32>} : memref<8192x128xf32, #tpu.memory_space<vmem>>, vector<128x128xf32>,
    %get3A_1407 = arith.constant 0 : index
    %get3A_1408 = arith.constant 9728 : index
    %get3A_1409 = vector.load %arg2[%get3A_1407, %get3A_1408] : memref<32x32768xf32, #tpu.memory_space<vmem>>, vector<32x128xf32>
    %get3A_1410 = arith.constant 0 : index
    %get3A_1411 = arith.constant 9856 : index
    %get3A_1412 = vector.load %arg2[%get3A_1410, %get3A_1411] : memref<32x32768xf32, #tpu.memory_space<vmem>>, vector<32x128xf32>
    %get3A_1413 = arith.constant 0 : index
    %get3A_1414 = arith.constant 9984 : index
    %get3A_1415 = vector.load %arg2[%get3A_1413, %get3A_1414] : memref<32x32768xf32, #tpu.memory_space<vmem>>, vector<32x128xf32>
    %get3A_1416 = arith.constant 0 : index
    %get3A_1417 = arith.constant 10112 : index
    %get3A_1418 = vector.load %arg2[%get3A_1416, %get3A_1417] : memref<32x32768xf32, #tpu.memory_space<vmem>>, vector<32x128xf32>
    %concatenate3A_1419 = tpu.concatenate %get3A_1409, %get3A_1412, %get3A_1415, %get3A_1418 in 0 : vector<32x128xf32>, vector<32x128xf32>, vector<32x128xf32>, vector<32x128xf32> -> vector<128x128xf32>
    %transpose3A_1420 = tpu.transpose %concatenate3A_1419, [1, 0] : vector<128x128xf32> -> vector<128x128xf32>
    %swap3A_1421 = arith.constant 2432 : index
    %swap3A_1422 = arith.constant 0 : index
    %swap3A_1423 = vector.load %arg4[%swap3A_1421, %swap3A_1422] : memref<8192x128xf32, #tpu.memory_space<vmem>>, vector<128x128xf32>
    tpu.vector_store %arg4[%swap3A_1421, %swap3A_1422], %transpose3A_1420 {strides = array<i32>} : memref<8192x128xf32, #tpu.memory_space<vmem>>, vector<128x128xf32>,
    %get3A_1424 = arith.constant 0 : index
    %get3A_1425 = arith.constant 10240 : index
    %get3A_1426 = vector.load %arg2[%get3A_1424, %get3A_1425] : memref<32x32768xf32, #tpu.memory_space<vmem>>, vector<32x128xf32>
    %get3A_1427 = arith.constant 0 : index
    %get3A_1428 = arith.constant 10368 : index
    %get3A_1429 = vector.load %arg2[%get3A_1427, %get3A_1428] : memref<32x32768xf32, #tpu.memory_space<vmem>>, vector<32x128xf32>
    %get3A_1430 = arith.constant 0 : index
    %get3A_1431 = arith.constant 10496 : index
    %get3A_1432 = vector.load %arg2[%get3A_1430, %get3A_1431] : memref<32x32768xf32, #tpu.memory_space<vmem>>, vector<32x128xf32>
    %get3A_1433 = arith.constant 0 : index
    %get3A_1434 = arith.constant 10624 : index
    %get3A_1435 = vector.load %arg2[%get3A_1433, %get3A_1434] : memref<32x32768xf32, #tpu.memory_space<vmem>>, vector<32x128xf32>
    %concatenate3A_1436 = tpu.concatenate %get3A_1426, %get3A_1429, %get3A_1432, %get3A_1435 in 0 : vector<32x128xf32>, vector<32x128xf32>, vector<32x128xf32>, vector<32x128xf32> -> vector<128x128xf32>
    %transpose3A_1437 = tpu.transpose %concatenate3A_1436, [1, 0] : vector<128x128xf32> -> vector<128x128xf32>
    %swap3A_1438 = arith.constant 2560 : index
    %swap3A_1439 = arith.constant 0 : index
    %swap3A_1440 = vector.load %arg4[%swap3A_1438, %swap3A_1439] : memref<8192x128xf32, #tpu.memory_space<vmem>>, vector<128x128xf32>
    tpu.vector_store %arg4[%swap3A_1438, %swap3A_1439], %transpose3A_1437 {strides = array<i32>} : memref<8192x128xf32, #tpu.memory_space<vmem>>, vector<128x128xf32>,
    %get3A_1441 = arith.constant 0 : index
    %get3A_1442 = arith.constant 10752 : index
    %get3A_1443 = vector.load %arg2[%get3A_1441, %get3A_1442] : memref<32x32768xf32, #tpu.memory_space<vmem>>, vector<32x128xf32>
    %get3A_1444 = arith.constant 0 : index
    %get3A_1445 = arith.constant 10880 : index
    %get3A_1446 = vector.load %arg2[%get3A_1444, %get3A_1445] : memref<32x32768xf32, #tpu.memory_space<vmem>>, vector<32x128xf32>
    %get3A_1447 = arith.constant 0 : index
    %get3A_1448 = arith.constant 11008 : index
    %get3A_1449 = vector.load %arg2[%get3A_1447, %get3A_1448] : memref<32x32768xf32, #tpu.memory_space<vmem>>, vector<32x128xf32>
    %get3A_1450 = arith.constant 0 : index
    %get3A_1451 = arith.constant 11136 : index
    %get3A_1452 = vector.load %arg2[%get3A_1450, %get3A_1451] : memref<32x32768xf32, #tpu.memory_space<vmem>>, vector<32x128xf32>
    %concatenate3A_1453 = tpu.concatenate %get3A_1443, %get3A_1446, %get3A_1449, %get3A_1452 in 0 : vector<32x128xf32>, vector<32x128xf32>, vector<32x128xf32>, vector<32x128xf32> -> vector<128x128xf32>
    %transpose3A_1454 = tpu.transpose %concatenate3A_1453, [1, 0] : vector<128x128xf32> -> vector<128x128xf32>
    %swap3A_1455 = arith.constant 2688 : index
    %swap3A_1456 = arith.constant 0 : index
    %swap3A_1457 = vector.load %arg4[%swap3A_1455, %swap3A_1456] : memref<8192x128xf32, #tpu.memory_space<vmem>>, vector<128x128xf32>
    tpu.vector_store %arg4[%swap3A_1455, %swap3A_1456], %transpose3A_1454 {strides = array<i32>} : memref<8192x128xf32, #tpu.memory_space<vmem>>, vector<128x128xf32>,
    %get3A_1458 = arith.constant 0 : index
    %get3A_1459 = arith.constant 11264 : index
    %get3A_1460 = vector.load %arg2[%get3A_1458, %get3A_1459] : memref<32x32768xf32, #tpu.memory_space<vmem>>, vector<32x128xf32>
    %get3A_1461 = arith.constant 0 : index
    %get3A_1462 = arith.constant 11392 : index
    %get3A_1463 = vector.load %arg2[%get3A_1461, %get3A_1462] : memref<32x32768xf32, #tpu.memory_space<vmem>>, vector<32x128xf32>
    %get3A_1464 = arith.constant 0 : index
    %get3A_1465 = arith.constant 11520 : index
    %get3A_1466 = vector.load %arg2[%get3A_1464, %get3A_1465] : memref<32x32768xf32, #tpu.memory_space<vmem>>, vector<32x128xf32>
    %get3A_1467 = arith.constant 0 : index
    %get3A_1468 = arith.constant 11648 : index
    %get3A_1469 = vector.load %arg2[%get3A_1467, %get3A_1468] : memref<32x32768xf32, #tpu.memory_space<vmem>>, vector<32x128xf32>
    %concatenate3A_1470 = tpu.concatenate %get3A_1460, %get3A_1463, %get3A_1466, %get3A_1469 in 0 : vector<32x128xf32>, vector<32x128xf32>, vector<32x128xf32>, vector<32x128xf32> -> vector<128x128xf32>
    %transpose3A_1471 = tpu.transpose %concatenate3A_1470, [1, 0] : vector<128x128xf32> -> vector<128x128xf32>
    %swap3A_1472 = arith.constant 2816 : index
    %swap3A_1473 = arith.constant 0 : index
    %swap3A_1474 = vector.load %arg4[%swap3A_1472, %swap3A_1473] : memref<8192x128xf32, #tpu.memory_space<vmem>>, vector<128x128xf32>
    tpu.vector_store %arg4[%swap3A_1472, %swap3A_1473], %transpose3A_1471 {strides = array<i32>} : memref<8192x128xf32, #tpu.memory_space<vmem>>, vector<128x128xf32>,
    %get3A_1475 = arith.constant 0 : index
    %get3A_1476 = arith.constant 11776 : index
    %get3A_1477 = vector.load %arg2[%get3A_1475, %get3A_1476] : memref<32x32768xf32, #tpu.memory_space<vmem>>, vector<32x128xf32>
    %get3A_1478 = arith.constant 0 : index
    %get3A_1479 = arith.constant 11904 : index
    %get3A_1480 = vector.load %arg2[%get3A_1478, %get3A_1479] : memref<32x32768xf32, #tpu.memory_space<vmem>>, vector<32x128xf32>
    %get3A_1481 = arith.constant 0 : index
    %get3A_1482 = arith.constant 12032 : index
    %get3A_1483 = vector.load %arg2[%get3A_1481, %get3A_1482] : memref<32x32768xf32, #tpu.memory_space<vmem>>, vector<32x128xf32>
    %get3A_1484 = arith.constant 0 : index
    %get3A_1485 = arith.constant 12160 : index
    %get3A_1486 = vector.load %arg2[%get3A_1484, %get3A_1485] : memref<32x32768xf32, #tpu.memory_space<vmem>>, vector<32x128xf32>
    %concatenate3A_1487 = tpu.concatenate %get3A_1477, %get3A_1480, %get3A_1483, %get3A_1486 in 0 : vector<32x128xf32>, vector<32x128xf32>, vector<32x128xf32>, vector<32x128xf32> -> vector<128x128xf32>
    %transpose3A_1488 = tpu.transpose %concatenate3A_1487, [1, 0] : vector<128x128xf32> -> vector<128x128xf32>
    %swap3A_1489 = arith.constant 2944 : index
    %swap3A_1490 = arith.constant 0 : index
    %swap3A_1491 = vector.load %arg4[%swap3A_1489, %swap3A_1490] : memref<8192x128xf32, #tpu.memory_space<vmem>>, vector<128x128xf32>
    tpu.vector_store %arg4[%swap3A_1489, %swap3A_1490], %transpose3A_1488 {strides = array<i32>} : memref<8192x128xf32, #tpu.memory_space<vmem>>, vector<128x128xf32>,
    %get3A_1492 = arith.constant 0 : index
    %get3A_1493 = arith.constant 12288 : index
    %get3A_1494 = vector.load %arg2[%get3A_1492, %get3A_1493] : memref<32x32768xf32, #tpu.memory_space<vmem>>, vector<32x128xf32>
    %get3A_1495 = arith.constant 0 : index
    %get3A_1496 = arith.constant 12416 : index
    %get3A_1497 = vector.load %arg2[%get3A_1495, %get3A_1496] : memref<32x32768xf32, #tpu.memory_space<vmem>>, vector<32x128xf32>
    %get3A_1498 = arith.constant 0 : index
    %get3A_1499 = arith.constant 12544 : index
    %get3A_1500 = vector.load %arg2[%get3A_1498, %get3A_1499] : memref<32x32768xf32, #tpu.memory_space<vmem>>, vector<32x128xf32>
    %get3A_1501 = arith.constant 0 : index
    %get3A_1502 = arith.constant 12672 : index
    %get3A_1503 = vector.load %arg2[%get3A_1501, %get3A_1502] : memref<32x32768xf32, #tpu.memory_space<vmem>>, vector<32x128xf32>
    %concatenate3A_1504 = tpu.concatenate %get3A_1494, %get3A_1497, %get3A_1500, %get3A_1503 in 0 : vector<32x128xf32>, vector<32x128xf32>, vector<32x128xf32>, vector<32x128xf32> -> vector<128x128xf32>
    %transpose3A_1505 = tpu.transpose %concatenate3A_1504, [1, 0] : vector<128x128xf32> -> vector<128x128xf32>
    %swap3A_1506 = arith.constant 3072 : index
    %swap3A_1507 = arith.constant 0 : index
    %swap3A_1508 = vector.load %arg4[%swap3A_1506, %swap3A_1507] : memref<8192x128xf32, #tpu.memory_space<vmem>>, vector<128x128xf32>
    tpu.vector_store %arg4[%swap3A_1506, %swap3A_1507], %transpose3A_1505 {strides = array<i32>} : memref<8192x128xf32, #tpu.memory_space<vmem>>, vector<128x128xf32>,
    %get3A_1509 = arith.constant 0 : index
    %get3A_1510 = arith.constant 12800 : index
    %get3A_1511 = vector.load %arg2[%get3A_1509, %get3A_1510] : memref<32x32768xf32, #tpu.memory_space<vmem>>, vector<32x128xf32>
    %get3A_1512 = arith.constant 0 : index
    %get3A_1513 = arith.constant 12928 : index
    %get3A_1514 = vector.load %arg2[%get3A_1512, %get3A_1513] : memref<32x32768xf32, #tpu.memory_space<vmem>>, vector<32x128xf32>
    %get3A_1515 = arith.constant 0 : index
    %get3A_1516 = arith.constant 13056 : index
    %get3A_1517 = vector.load %arg2[%get3A_1515, %get3A_1516] : memref<32x32768xf32, #tpu.memory_space<vmem>>, vector<32x128xf32>
    %get3A_1518 = arith.constant 0 : index
    %get3A_1519 = arith.constant 13184 : index
    %get3A_1520 = vector.load %arg2[%get3A_1518, %get3A_1519] : memref<32x32768xf32, #tpu.memory_space<vmem>>, vector<32x128xf32>
    %concatenate3A_1521 = tpu.concatenate %get3A_1511, %get3A_1514, %get3A_1517, %get3A_1520 in 0 : vector<32x128xf32>, vector<32x128xf32>, vector<32x128xf32>, vector<32x128xf32> -> vector<128x128xf32>
    %transpose3A_1522 = tpu.transpose %concatenate3A_1521, [1, 0] : vector<128x128xf32> -> vector<128x128xf32>
    %swap3A_1523 = arith.constant 3200 : index
    %swap3A_1524 = arith.constant 0 : index
    %swap3A_1525 = vector.load %arg4[%swap3A_1523, %swap3A_1524] : memref<8192x128xf32, #tpu.memory_space<vmem>>, vector<128x128xf32>
    tpu.vector_store %arg4[%swap3A_1523, %swap3A_1524], %transpose3A_1522 {strides = array<i32>} : memref<8192x128xf32, #tpu.memory_space<vmem>>, vector<128x128xf32>,
    %get3A_1526 = arith.constant 0 : index
    %get3A_1527 = arith.constant 13312 : index
    %get3A_1528 = vector.load %arg2[%get3A_1526, %get3A_1527] : memref<32x32768xf32, #tpu.memory_space<vmem>>, vector<32x128xf32>
    %get3A_1529 = arith.constant 0 : index
    %get3A_1530 = arith.constant 13440 : index
    %get3A_1531 = vector.load %arg2[%get3A_1529, %get3A_1530] : memref<32x32768xf32, #tpu.memory_space<vmem>>, vector<32x128xf32>
    %get3A_1532 = arith.constant 0 : index
    %get3A_1533 = arith.constant 13568 : index
    %get3A_1534 = vector.load %arg2[%get3A_1532, %get3A_1533] : memref<32x32768xf32, #tpu.memory_space<vmem>>, vector<32x128xf32>
    %get3A_1535 = arith.constant 0 : index
    %get3A_1536 = arith.constant 13696 : index
    %get3A_1537 = vector.load %arg2[%get3A_1535, %get3A_1536] : memref<32x32768xf32, #tpu.memory_space<vmem>>, vector<32x128xf32>
    %concatenate3A_1538 = tpu.concatenate %get3A_1528, %get3A_1531, %get3A_1534, %get3A_1537 in 0 : vector<32x128xf32>, vector<32x128xf32>, vector<32x128xf32>, vector<32x128xf32> -> vector<128x128xf32>
    %transpose3A_1539 = tpu.transpose %concatenate3A_1538, [1, 0] : vector<128x128xf32> -> vector<128x128xf32>
    %swap3A_1540 = arith.constant 3328 : index
    %swap3A_1541 = arith.constant 0 : index
    %swap3A_1542 = vector.load %arg4[%swap3A_1540, %swap3A_1541] : memref<8192x128xf32, #tpu.memory_space<vmem>>, vector<128x128xf32>
    tpu.vector_store %arg4[%swap3A_1540, %swap3A_1541], %transpose3A_1539 {strides = array<i32>} : memref<8192x128xf32, #tpu.memory_space<vmem>>, vector<128x128xf32>,
    %get3A_1543 = arith.constant 0 : index
    %get3A_1544 = arith.constant 13824 : index
    %get3A_1545 = vector.load %arg2[%get3A_1543, %get3A_1544] : memref<32x32768xf32, #tpu.memory_space<vmem>>, vector<32x128xf32>
    %get3A_1546 = arith.constant 0 : index
    %get3A_1547 = arith.constant 13952 : index
    %get3A_1548 = vector.load %arg2[%get3A_1546, %get3A_1547] : memref<32x32768xf32, #tpu.memory_space<vmem>>, vector<32x128xf32>
    %get3A_1549 = arith.constant 0 : index
    %get3A_1550 = arith.constant 14080 : index
    %get3A_1551 = vector.load %arg2[%get3A_1549, %get3A_1550] : memref<32x32768xf32, #tpu.memory_space<vmem>>, vector<32x128xf32>
    %get3A_1552 = arith.constant 0 : index
    %get3A_1553 = arith.constant 14208 : index
    %get3A_1554 = vector.load %arg2[%get3A_1552, %get3A_1553] : memref<32x32768xf32, #tpu.memory_space<vmem>>, vector<32x128xf32>
    %concatenate3A_1555 = tpu.concatenate %get3A_1545, %get3A_1548, %get3A_1551, %get3A_1554 in 0 : vector<32x128xf32>, vector<32x128xf32>, vector<32x128xf32>, vector<32x128xf32> -> vector<128x128xf32>
    %transpose3A_1556 = tpu.transpose %concatenate3A_1555, [1, 0] : vector<128x128xf32> -> vector<128x128xf32>
    %swap3A_1557 = arith.constant 3456 : index
    %swap3A_1558 = arith.constant 0 : index
    %swap3A_1559 = vector.load %arg4[%swap3A_1557, %swap3A_1558] : memref<8192x128xf32, #tpu.memory_space<vmem>>, vector<128x128xf32>
    tpu.vector_store %arg4[%swap3A_1557, %swap3A_1558], %transpose3A_1556 {strides = array<i32>} : memref<8192x128xf32, #tpu.memory_space<vmem>>, vector<128x128xf32>,
    %get3A_1560 = arith.constant 0 : index
    %get3A_1561 = arith.constant 14336 : index
    %get3A_1562 = vector.load %arg2[%get3A_1560, %get3A_1561] : memref<32x32768xf32, #tpu.memory_space<vmem>>, vector<32x128xf32>
    %get3A_1563 = arith.constant 0 : index
    %get3A_1564 = arith.constant 14464 : index
    %get3A_1565 = vector.load %arg2[%get3A_1563, %get3A_1564] : memref<32x32768xf32, #tpu.memory_space<vmem>>, vector<32x128xf32>
    %get3A_1566 = arith.constant 0 : index
    %get3A_1567 = arith.constant 14592 : index
    %get3A_1568 = vector.load %arg2[%get3A_1566, %get3A_1567] : memref<32x32768xf32, #tpu.memory_space<vmem>>, vector<32x128xf32>
    %get3A_1569 = arith.constant 0 : index
    %get3A_1570 = arith.constant 14720 : index
    %get3A_1571 = vector.load %arg2[%get3A_1569, %get3A_1570] : memref<32x32768xf32, #tpu.memory_space<vmem>>, vector<32x128xf32>
    %concatenate3A_1572 = tpu.concatenate %get3A_1562, %get3A_1565, %get3A_1568, %get3A_1571 in 0 : vector<32x128xf32>, vector<32x128xf32>, vector<32x128xf32>, vector<32x128xf32> -> vector<128x128xf32>
    %transpose3A_1573 = tpu.transpose %concatenate3A_1572, [1, 0] : vector<128x128xf32> -> vector<128x128xf32>
    %swap3A_1574 = arith.constant 3584 : index
    %swap3A_1575 = arith.constant 0 : index
    %swap3A_1576 = vector.load %arg4[%swap3A_1574, %swap3A_1575] : memref<8192x128xf32, #tpu.memory_space<vmem>>, vector<128x128xf32>
    tpu.vector_store %arg4[%swap3A_1574, %swap3A_1575], %transpose3A_1573 {strides = array<i32>} : memref<8192x128xf32, #tpu.memory_space<vmem>>, vector<128x128xf32>,
    %get3A_1577 = arith.constant 0 : index
    %get3A_1578 = arith.constant 14848 : index
    %get3A_1579 = vector.load %arg2[%get3A_1577, %get3A_1578] : memref<32x32768xf32, #tpu.memory_space<vmem>>, vector<32x128xf32>
    %get3A_1580 = arith.constant 0 : index
    %get3A_1581 = arith.constant 14976 : index
    %get3A_1582 = vector.load %arg2[%get3A_1580, %get3A_1581] : memref<32x32768xf32, #tpu.memory_space<vmem>>, vector<32x128xf32>
    %get3A_1583 = arith.constant 0 : index
    %get3A_1584 = arith.constant 15104 : index
    %get3A_1585 = vector.load %arg2[%get3A_1583, %get3A_1584] : memref<32x32768xf32, #tpu.memory_space<vmem>>, vector<32x128xf32>
    %get3A_1586 = arith.constant 0 : index
    %get3A_1587 = arith.constant 15232 : index
    %get3A_1588 = vector.load %arg2[%get3A_1586, %get3A_1587] : memref<32x32768xf32, #tpu.memory_space<vmem>>, vector<32x128xf32>
    %concatenate3A_1589 = tpu.concatenate %get3A_1579, %get3A_1582, %get3A_1585, %get3A_1588 in 0 : vector<32x128xf32>, vector<32x128xf32>, vector<32x128xf32>, vector<32x128xf32> -> vector<128x128xf32>
    %transpose3A_1590 = tpu.transpose %concatenate3A_1589, [1, 0] : vector<128x128xf32> -> vector<128x128xf32>
    %swap3A_1591 = arith.constant 3712 : index
    %swap3A_1592 = arith.constant 0 : index
    %swap3A_1593 = vector.load %arg4[%swap3A_1591, %swap3A_1592] : memref<8192x128xf32, #tpu.memory_space<vmem>>, vector<128x128xf32>
    tpu.vector_store %arg4[%swap3A_1591, %swap3A_1592], %transpose3A_1590 {strides = array<i32>} : memref<8192x128xf32, #tpu.memory_space<vmem>>, vector<128x128xf32>,
    %get3A_1594 = arith.constant 0 : index
    %get3A_1595 = arith.constant 15360 : index
    %get3A_1596 = vector.load %arg2[%get3A_1594, %get3A_1595] : memref<32x32768xf32, #tpu.memory_space<vmem>>, vector<32x128xf32>
    %get3A_1597 = arith.constant 0 : index
    %get3A_1598 = arith.constant 15488 : index
    %get3A_1599 = vector.load %arg2[%get3A_1597, %get3A_1598] : memref<32x32768xf32, #tpu.memory_space<vmem>>, vector<32x128xf32>
    %get3A_1600 = arith.constant 0 : index
    %get3A_1601 = arith.constant 15616 : index
    %get3A_1602 = vector.load %arg2[%get3A_1600, %get3A_1601] : memref<32x32768xf32, #tpu.memory_space<vmem>>, vector<32x128xf32>
    %get3A_1603 = arith.constant 0 : index
    %get3A_1604 = arith.constant 15744 : index
    %get3A_1605 = vector.load %arg2[%get3A_1603, %get3A_1604] : memref<32x32768xf32, #tpu.memory_space<vmem>>, vector<32x128xf32>
    %concatenate3A_1606 = tpu.concatenate %get3A_1596, %get3A_1599, %get3A_1602, %get3A_1605 in 0 : vector<32x128xf32>, vector<32x128xf32>, vector<32x128xf32>, vector<32x128xf32> -> vector<128x128xf32>
    %transpose3A_1607 = tpu.transpose %concatenate3A_1606, [1, 0] : vector<128x128xf32> -> vector<128x128xf32>
    %swap3A_1608 = arith.constant 3840 : index
    %swap3A_1609 = arith.constant 0 : index
    %swap3A_1610 = vector.load %arg4[%swap3A_1608, %swap3A_1609] : memref<8192x128xf32, #tpu.memory_space<vmem>>, vector<128x128xf32>
    tpu.vector_store %arg4[%swap3A_1608, %swap3A_1609], %transpose3A_1607 {strides = array<i32>} : memref<8192x128xf32, #tpu.memory_space<vmem>>, vector<128x128xf32>,
    %get3A_1611 = arith.constant 0 : index
    %get3A_1612 = arith.constant 15872 : index
    %get3A_1613 = vector.load %arg2[%get3A_1611, %get3A_1612] : memref<32x32768xf32, #tpu.memory_space<vmem>>, vector<32x128xf32>
    %get3A_1614 = arith.constant 0 : index
    %get3A_1615 = arith.constant 16000 : index
    %get3A_1616 = vector.load %arg2[%get3A_1614, %get3A_1615] : memref<32x32768xf32, #tpu.memory_space<vmem>>, vector<32x128xf32>
    %get3A_1617 = arith.constant 0 : index
    %get3A_1618 = arith.constant 16128 : index
    %get3A_1619 = vector.load %arg2[%get3A_1617, %get3A_1618] : memref<32x32768xf32, #tpu.memory_space<vmem>>, vector<32x128xf32>
    %get3A_1620 = arith.constant 0 : index
    %get3A_1621 = arith.constant 16256 : index
    %get3A_1622 = vector.load %arg2[%get3A_1620, %get3A_1621] : memref<32x32768xf32, #tpu.memory_space<vmem>>, vector<32x128xf32>
    %concatenate3A_1623 = tpu.concatenate %get3A_1613, %get3A_1616, %get3A_1619, %get3A_1622 in 0 : vector<32x128xf32>, vector<32x128xf32>, vector<32x128xf32>, vector<32x128xf32> -> vector<128x128xf32>
    %transpose3A_1624 = tpu.transpose %concatenate3A_1623, [1, 0] : vector<128x128xf32> -> vector<128x128xf32>
    %swap3A_1625 = arith.constant 3968 : index
    %swap3A_1626 = arith.constant 0 : index
    %swap3A_1627 = vector.load %arg4[%swap3A_1625, %swap3A_1626] : memref<8192x128xf32, #tpu.memory_space<vmem>>, vector<128x128xf32>
    tpu.vector_store %arg4[%swap3A_1625, %swap3A_1626], %transpose3A_1624 {strides = array<i32>} : memref<8192x128xf32, #tpu.memory_space<vmem>>, vector<128x128xf32>,
    %get3A_1628 = arith.constant 0 : index
    %get3A_1629 = arith.constant 16384 : index
    %get3A_1630 = vector.load %arg2[%get3A_1628, %get3A_1629] : memref<32x32768xf32, #tpu.memory_space<vmem>>, vector<32x128xf32>
    %get3A_1631 = arith.constant 0 : index
    %get3A_1632 = arith.constant 16512 : index
    %get3A_1633 = vector.load %arg2[%get3A_1631, %get3A_1632] : memref<32x32768xf32, #tpu.memory_space<vmem>>, vector<32x128xf32>
    %get3A_1634 = arith.constant 0 : index
    %get3A_1635 = arith.constant 16640 : index
    %get3A_1636 = vector.load %arg2[%get3A_1634, %get3A_1635] : memref<32x32768xf32, #tpu.memory_space<vmem>>, vector<32x128xf32>
    %get3A_1637 = arith.constant 0 : index
    %get3A_1638 = arith.constant 16768 : index
    %get3A_1639 = vector.load %arg2[%get3A_1637, %get3A_1638] : memref<32x32768xf32, #tpu.memory_space<vmem>>, vector<32x128xf32>
    %concatenate3A_1640 = tpu.concatenate %get3A_1630, %get3A_1633, %get3A_1636, %get3A_1639 in 0 : vector<32x128xf32>, vector<32x128xf32>, vector<32x128xf32>, vector<32x128xf32> -> vector<128x128xf32>
    %transpose3A_1641 = tpu.transpose %concatenate3A_1640, [1, 0] : vector<128x128xf32> -> vector<128x128xf32>
    %swap3A_1642 = arith.constant 4096 : index
    %swap3A_1643 = arith.constant 0 : index
    %swap3A_1644 = vector.load %arg4[%swap3A_1642, %swap3A_1643] : memref<8192x128xf32, #tpu.memory_space<vmem>>, vector<128x128xf32>
    tpu.vector_store %arg4[%swap3A_1642, %swap3A_1643], %transpose3A_1641 {strides = array<i32>} : memref<8192x128xf32, #tpu.memory_space<vmem>>, vector<128x128xf32>,
    %get3A_1645 = arith.constant 0 : index
    %get3A_1646 = arith.constant 16896 : index
    %get3A_1647 = vector.load %arg2[%get3A_1645, %get3A_1646] : memref<32x32768xf32, #tpu.memory_space<vmem>>, vector<32x128xf32>
    %get3A_1648 = arith.constant 0 : index
    %get3A_1649 = arith.constant 17024 : index
    %get3A_1650 = vector.load %arg2[%get3A_1648, %get3A_1649] : memref<32x32768xf32, #tpu.memory_space<vmem>>, vector<32x128xf32>
    %get3A_1651 = arith.constant 0 : index
    %get3A_1652 = arith.constant 17152 : index
    %get3A_1653 = vector.load %arg2[%get3A_1651, %get3A_1652] : memref<32x32768xf32, #tpu.memory_space<vmem>>, vector<32x128xf32>
    %get3A_1654 = arith.constant 0 : index
    %get3A_1655 = arith.constant 17280 : index
    %get3A_1656 = vector.load %arg2[%get3A_1654, %get3A_1655] : memref<32x32768xf32, #tpu.memory_space<vmem>>, vector<32x128xf32>
    %concatenate3A_1657 = tpu.concatenate %get3A_1647, %get3A_1650, %get3A_1653, %get3A_1656 in 0 : vector<32x128xf32>, vector<32x128xf32>, vector<32x128xf32>, vector<32x128xf32> -> vector<128x128xf32>
    %transpose3A_1658 = tpu.transpose %concatenate3A_1657, [1, 0] : vector<128x128xf32> -> vector<128x128xf32>
    %swap3A_1659 = arith.constant 4224 : index
    %swap3A_1660 = arith.constant 0 : index
    %swap3A_1661 = vector.load %arg4[%swap3A_1659, %swap3A_1660] : memref<8192x128xf32, #tpu.memory_space<vmem>>, vector<128x128xf32>
    tpu.vector_store %arg4[%swap3A_1659, %swap3A_1660], %transpose3A_1658 {strides = array<i32>} : memref<8192x128xf32, #tpu.memory_space<vmem>>, vector<128x128xf32>,
    %get3A_1662 = arith.constant 0 : index
    %get3A_1663 = arith.constant 17408 : index
    %get3A_1664 = vector.load %arg2[%get3A_1662, %get3A_1663] : memref<32x32768xf32, #tpu.memory_space<vmem>>, vector<32x128xf32>
    %get3A_1665 = arith.constant 0 : index
    %get3A_1666 = arith.constant 17536 : index
    %get3A_1667 = vector.load %arg2[%get3A_1665, %get3A_1666] : memref<32x32768xf32, #tpu.memory_space<vmem>>, vector<32x128xf32>
    %get3A_1668 = arith.constant 0 : index
    %get3A_1669 = arith.constant 17664 : index
    %get3A_1670 = vector.load %arg2[%get3A_1668, %get3A_1669] : memref<32x32768xf32, #tpu.memory_space<vmem>>, vector<32x128xf32>
    %get3A_1671 = arith.constant 0 : index
    %get3A_1672 = arith.constant 17792 : index
    %get3A_1673 = vector.load %arg2[%get3A_1671, %get3A_1672] : memref<32x32768xf32, #tpu.memory_space<vmem>>, vector<32x128xf32>
    %concatenate3A_1674 = tpu.concatenate %get3A_1664, %get3A_1667, %get3A_1670, %get3A_1673 in 0 : vector<32x128xf32>, vector<32x128xf32>, vector<32x128xf32>, vector<32x128xf32> -> vector<128x128xf32>
    %transpose3A_1675 = tpu.transpose %concatenate3A_1674, [1, 0] : vector<128x128xf32> -> vector<128x128xf32>
    %swap3A_1676 = arith.constant 4352 : index
    %swap3A_1677 = arith.constant 0 : index
    %swap3A_1678 = vector.load %arg4[%swap3A_1676, %swap3A_1677] : memref<8192x128xf32, #tpu.memory_space<vmem>>, vector<128x128xf32>
    tpu.vector_store %arg4[%swap3A_1676, %swap3A_1677], %transpose3A_1675 {strides = array<i32>} : memref<8192x128xf32, #tpu.memory_space<vmem>>, vector<128x128xf32>,
    %get3A_1679 = arith.constant 0 : index
    %get3A_1680 = arith.constant 17920 : index
    %get3A_1681 = vector.load %arg2[%get3A_1679, %get3A_1680] : memref<32x32768xf32, #tpu.memory_space<vmem>>, vector<32x128xf32>
    %get3A_1682 = arith.constant 0 : index
    %get3A_1683 = arith.constant 18048 : index
    %get3A_1684 = vector.load %arg2[%get3A_1682, %get3A_1683] : memref<32x32768xf32, #tpu.memory_space<vmem>>, vector<32x128xf32>
    %get3A_1685 = arith.constant 0 : index
    %get3A_1686 = arith.constant 18176 : index
    %get3A_1687 = vector.load %arg2[%get3A_1685, %get3A_1686] : memref<32x32768xf32, #tpu.memory_space<vmem>>, vector<32x128xf32>
    %get3A_1688 = arith.constant 0 : index
    %get3A_1689 = arith.constant 18304 : index
    %get3A_1690 = vector.load %arg2[%get3A_1688, %get3A_1689] : memref<32x32768xf32, #tpu.memory_space<vmem>>, vector<32x128xf32>
    %concatenate3A_1691 = tpu.concatenate %get3A_1681, %get3A_1684, %get3A_1687, %get3A_1690 in 0 : vector<32x128xf32>, vector<32x128xf32>, vector<32x128xf32>, vector<32x128xf32> -> vector<128x128xf32>
    %transpose3A_1692 = tpu.transpose %concatenate3A_1691, [1, 0] : vector<128x128xf32> -> vector<128x128xf32>
    %swap3A_1693 = arith.constant 4480 : index
    %swap3A_1694 = arith.constant 0 : index
    %swap3A_1695 = vector.load %arg4[%swap3A_1693, %swap3A_1694] : memref<8192x128xf32, #tpu.memory_space<vmem>>, vector<128x128xf32>
    tpu.vector_store %arg4[%swap3A_1693, %swap3A_1694], %transpose3A_1692 {strides = array<i32>} : memref<8192x128xf32, #tpu.memory_space<vmem>>, vector<128x128xf32>,
    %get3A_1696 = arith.constant 0 : index
    %get3A_1697 = arith.constant 18432 : index
    %get3A_1698 = vector.load %arg2[%get3A_1696, %get3A_1697] : memref<32x32768xf32, #tpu.memory_space<vmem>>, vector<32x128xf32>
    %get3A_1699 = arith.constant 0 : index
    %get3A_1700 = arith.constant 18560 : index
    %get3A_1701 = vector.load %arg2[%get3A_1699, %get3A_1700] : memref<32x32768xf32, #tpu.memory_space<vmem>>, vector<32x128xf32>
    %get3A_1702 = arith.constant 0 : index
    %get3A_1703 = arith.constant 18688 : index
    %get3A_1704 = vector.load %arg2[%get3A_1702, %get3A_1703] : memref<32x32768xf32, #tpu.memory_space<vmem>>, vector<32x128xf32>
    %get3A_1705 = arith.constant 0 : index
    %get3A_1706 = arith.constant 18816 : index
    %get3A_1707 = vector.load %arg2[%get3A_1705, %get3A_1706] : memref<32x32768xf32, #tpu.memory_space<vmem>>, vector<32x128xf32>
    %concatenate3A_1708 = tpu.concatenate %get3A_1698, %get3A_1701, %get3A_1704, %get3A_1707 in 0 : vector<32x128xf32>, vector<32x128xf32>, vector<32x128xf32>, vector<32x128xf32> -> vector<128x128xf32>
    %transpose3A_1709 = tpu.transpose %concatenate3A_1708, [1, 0] : vector<128x128xf32> -> vector<128x128xf32>
    %swap3A_1710 = arith.constant 4608 : index
    %swap3A_1711 = arith.constant 0 : index
    %swap3A_1712 = vector.load %arg4[%swap3A_1710, %swap3A_1711] : memref<8192x128xf32, #tpu.memory_space<vmem>>, vector<128x128xf32>
    tpu.vector_store %arg4[%swap3A_1710, %swap3A_1711], %transpose3A_1709 {strides = array<i32>} : memref<8192x128xf32, #tpu.memory_space<vmem>>, vector<128x128xf32>,
    %get3A_1713 = arith.constant 0 : index
    %get3A_1714 = arith.constant 18944 : index
    %get3A_1715 = vector.load %arg2[%get3A_1713, %get3A_1714] : memref<32x32768xf32, #tpu.memory_space<vmem>>, vector<32x128xf32>
    %get3A_1716 = arith.constant 0 : index
    %get3A_1717 = arith.constant 19072 : index
    %get3A_1718 = vector.load %arg2[%get3A_1716, %get3A_1717] : memref<32x32768xf32, #tpu.memory_space<vmem>>, vector<32x128xf32>
    %get3A_1719 = arith.constant 0 : index
    %get3A_1720 = arith.constant 19200 : index
    %get3A_1721 = vector.load %arg2[%get3A_1719, %get3A_1720] : memref<32x32768xf32, #tpu.memory_space<vmem>>, vector<32x128xf32>
    %get3A_1722 = arith.constant 0 : index
    %get3A_1723 = arith.constant 19328 : index
    %get3A_1724 = vector.load %arg2[%get3A_1722, %get3A_1723] : memref<32x32768xf32, #tpu.memory_space<vmem>>, vector<32x128xf32>
    %concatenate3A_1725 = tpu.concatenate %get3A_1715, %get3A_1718, %get3A_1721, %get3A_1724 in 0 : vector<32x128xf32>, vector<32x128xf32>, vector<32x128xf32>, vector<32x128xf32> -> vector<128x128xf32>
    %transpose3A_1726 = tpu.transpose %concatenate3A_1725, [1, 0] : vector<128x128xf32> -> vector<128x128xf32>
    %swap3A_1727 = arith.constant 4736 : index
    %swap3A_1728 = arith.constant 0 : index
    %swap3A_1729 = vector.load %arg4[%swap3A_1727, %swap3A_1728] : memref<8192x128xf32, #tpu.memory_space<vmem>>, vector<128x128xf32>
    tpu.vector_store %arg4[%swap3A_1727, %swap3A_1728], %transpose3A_1726 {strides = array<i32>} : memref<8192x128xf32, #tpu.memory_space<vmem>>, vector<128x128xf32>,
    %get3A_1730 = arith.constant 0 : index
    %get3A_1731 = arith.constant 19456 : index
    %get3A_1732 = vector.load %arg2[%get3A_1730, %get3A_1731] : memref<32x32768xf32, #tpu.memory_space<vmem>>, vector<32x128xf32>
    %get3A_1733 = arith.constant 0 : index
    %get3A_1734 = arith.constant 19584 : index
    %get3A_1735 = vector.load %arg2[%get3A_1733, %get3A_1734] : memref<32x32768xf32, #tpu.memory_space<vmem>>, vector<32x128xf32>
    %get3A_1736 = arith.constant 0 : index
    %get3A_1737 = arith.constant 19712 : index
    %get3A_1738 = vector.load %arg2[%get3A_1736, %get3A_1737] : memref<32x32768xf32, #tpu.memory_space<vmem>>, vector<32x128xf32>
    %get3A_1739 = arith.constant 0 : index
    %get3A_1740 = arith.constant 19840 : index
    %get3A_1741 = vector.load %arg2[%get3A_1739, %get3A_1740] : memref<32x32768xf32, #tpu.memory_space<vmem>>, vector<32x128xf32>
    %concatenate3A_1742 = tpu.concatenate %get3A_1732, %get3A_1735, %get3A_1738, %get3A_1741 in 0 : vector<32x128xf32>, vector<32x128xf32>, vector<32x128xf32>, vector<32x128xf32> -> vector<128x128xf32>
    %transpose3A_1743 = tpu.transpose %concatenate3A_1742, [1, 0] : vector<128x128xf32> -> vector<128x128xf32>
    %swap3A_1744 = arith.constant 4864 : index
    %swap3A_1745 = arith.constant 0 : index
    %swap3A_1746 = vector.load %arg4[%swap3A_1744, %swap3A_1745] : memref<8192x128xf32, #tpu.memory_space<vmem>>, vector<128x128xf32>
    tpu.vector_store %arg4[%swap3A_1744, %swap3A_1745], %transpose3A_1743 {strides = array<i32>} : memref<8192x128xf32, #tpu.memory_space<vmem>>, vector<128x128xf32>,
    %get3A_1747 = arith.constant 0 : index
    %get3A_1748 = arith.constant 19968 : index
    %get3A_1749 = vector.load %arg2[%get3A_1747, %get3A_1748] : memref<32x32768xf32, #tpu.memory_space<vmem>>, vector<32x128xf32>
    %get3A_1750 = arith.constant 0 : index
    %get3A_1751 = arith.constant 20096 : index
    %get3A_1752 = vector.load %arg2[%get3A_1750, %get3A_1751] : memref<32x32768xf32, #tpu.memory_space<vmem>>, vector<32x128xf32>
    %get3A_1753 = arith.constant 0 : index
    %get3A_1754 = arith.constant 20224 : index
    %get3A_1755 = vector.load %arg2[%get3A_1753, %get3A_1754] : memref<32x32768xf32, #tpu.memory_space<vmem>>, vector<32x128xf32>
    %get3A_1756 = arith.constant 0 : index
    %get3A_1757 = arith.constant 20352 : index
    %get3A_1758 = vector.load %arg2[%get3A_1756, %get3A_1757] : memref<32x32768xf32, #tpu.memory_space<vmem>>, vector<32x128xf32>
    %concatenate3A_1759 = tpu.concatenate %get3A_1749, %get3A_1752, %get3A_1755, %get3A_1758 in 0 : vector<32x128xf32>, vector<32x128xf32>, vector<32x128xf32>, vector<32x128xf32> -> vector<128x128xf32>
    %transpose3A_1760 = tpu.transpose %concatenate3A_1759, [1, 0] : vector<128x128xf32> -> vector<128x128xf32>
    %swap3A_1761 = arith.constant 4992 : index
    %swap3A_1762 = arith.constant 0 : index
    %swap3A_1763 = vector.load %arg4[%swap3A_1761, %swap3A_1762] : memref<8192x128xf32, #tpu.memory_space<vmem>>, vector<128x128xf32>
    tpu.vector_store %arg4[%swap3A_1761, %swap3A_1762], %transpose3A_1760 {strides = array<i32>} : memref<8192x128xf32, #tpu.memory_space<vmem>>, vector<128x128xf32>,
    %get3A_1764 = arith.constant 0 : index
    %get3A_1765 = arith.constant 20480 : index
    %get3A_1766 = vector.load %arg2[%get3A_1764, %get3A_1765] : memref<32x32768xf32, #tpu.memory_space<vmem>>, vector<32x128xf32>
    %get3A_1767 = arith.constant 0 : index
    %get3A_1768 = arith.constant 20608 : index
    %get3A_1769 = vector.load %arg2[%get3A_1767, %get3A_1768] : memref<32x32768xf32, #tpu.memory_space<vmem>>, vector<32x128xf32>
    %get3A_1770 = arith.constant 0 : index
    %get3A_1771 = arith.constant 20736 : index
    %get3A_1772 = vector.load %arg2[%get3A_1770, %get3A_1771] : memref<32x32768xf32, #tpu.memory_space<vmem>>, vector<32x128xf32>
    %get3A_1773 = arith.constant 0 : index
    %get3A_1774 = arith.constant 20864 : index
    %get3A_1775 = vector.load %arg2[%get3A_1773, %get3A_1774] : memref<32x32768xf32, #tpu.memory_space<vmem>>, vector<32x128xf32>
    %concatenate3A_1776 = tpu.concatenate %get3A_1766, %get3A_1769, %get3A_1772, %get3A_1775 in 0 : vector<32x128xf32>, vector<32x128xf32>, vector<32x128xf32>, vector<32x128xf32> -> vector<128x128xf32>
    %transpose3A_1777 = tpu.transpose %concatenate3A_1776, [1, 0] : vector<128x128xf32> -> vector<128x128xf32>
    %swap3A_1778 = arith.constant 5120 : index
    %swap3A_1779 = arith.constant 0 : index
    %swap3A_1780 = vector.load %arg4[%swap3A_1778, %swap3A_1779] : memref<8192x128xf32, #tpu.memory_space<vmem>>, vector<128x128xf32>
    tpu.vector_store %arg4[%swap3A_1778, %swap3A_1779], %transpose3A_1777 {strides = array<i32>} : memref<8192x128xf32, #tpu.memory_space<vmem>>, vector<128x128xf32>,
    %get3A_1781 = arith.constant 0 : index
    %get3A_1782 = arith.constant 20992 : index
    %get3A_1783 = vector.load %arg2[%get3A_1781, %get3A_1782] : memref<32x32768xf32, #tpu.memory_space<vmem>>, vector<32x128xf32>
    %get3A_1784 = arith.constant 0 : index
    %get3A_1785 = arith.constant 21120 : index
    %get3A_1786 = vector.load %arg2[%get3A_1784, %get3A_1785] : memref<32x32768xf32, #tpu.memory_space<vmem>>, vector<32x128xf32>
    %get3A_1787 = arith.constant 0 : index
    %get3A_1788 = arith.constant 21248 : index
    %get3A_1789 = vector.load %arg2[%get3A_1787, %get3A_1788] : memref<32x32768xf32, #tpu.memory_space<vmem>>, vector<32x128xf32>
    %get3A_1790 = arith.constant 0 : index
    %get3A_1791 = arith.constant 21376 : index
    %get3A_1792 = vector.load %arg2[%get3A_1790, %get3A_1791] : memref<32x32768xf32, #tpu.memory_space<vmem>>, vector<32x128xf32>
    %concatenate3A_1793 = tpu.concatenate %get3A_1783, %get3A_1786, %get3A_1789, %get3A_1792 in 0 : vector<32x128xf32>, vector<32x128xf32>, vector<32x128xf32>, vector<32x128xf32> -> vector<128x128xf32>
    %transpose3A_1794 = tpu.transpose %concatenate3A_1793, [1, 0] : vector<128x128xf32> -> vector<128x128xf32>
    %swap3A_1795 = arith.constant 5248 : index
    %swap3A_1796 = arith.constant 0 : index
    %swap3A_1797 = vector.load %arg4[%swap3A_1795, %swap3A_1796] : memref<8192x128xf32, #tpu.memory_space<vmem>>, vector<128x128xf32>
    tpu.vector_store %arg4[%swap3A_1795, %swap3A_1796], %transpose3A_1794 {strides = array<i32>} : memref<8192x128xf32, #tpu.memory_space<vmem>>, vector<128x128xf32>,
    %get3A_1798 = arith.constant 0 : index
    %get3A_1799 = arith.constant 21504 : index
    %get3A_1800 = vector.load %arg2[%get3A_1798, %get3A_1799] : memref<32x32768xf32, #tpu.memory_space<vmem>>, vector<32x128xf32>
    %get3A_1801 = arith.constant 0 : index
    %get3A_1802 = arith.constant 21632 : index
    %get3A_1803 = vector.load %arg2[%get3A_1801, %get3A_1802] : memref<32x32768xf32, #tpu.memory_space<vmem>>, vector<32x128xf32>
    %get3A_1804 = arith.constant 0 : index
    %get3A_1805 = arith.constant 21760 : index
    %get3A_1806 = vector.load %arg2[%get3A_1804, %get3A_1805] : memref<32x32768xf32, #tpu.memory_space<vmem>>, vector<32x128xf32>
    %get3A_1807 = arith.constant 0 : index
    %get3A_1808 = arith.constant 21888 : index
    %get3A_1809 = vector.load %arg2[%get3A_1807, %get3A_1808] : memref<32x32768xf32, #tpu.memory_space<vmem>>, vector<32x128xf32>
    %concatenate3A_1810 = tpu.concatenate %get3A_1800, %get3A_1803, %get3A_1806, %get3A_1809 in 0 : vector<32x128xf32>, vector<32x128xf32>, vector<32x128xf32>, vector<32x128xf32> -> vector<128x128xf32>
    %transpose3A_1811 = tpu.transpose %concatenate3A_1810, [1, 0] : vector<128x128xf32> -> vector<128x128xf32>
    %swap3A_1812 = arith.constant 5376 : index
    %swap3A_1813 = arith.constant 0 : index
    %swap3A_1814 = vector.load %arg4[%swap3A_1812, %swap3A_1813] : memref<8192x128xf32, #tpu.memory_space<vmem>>, vector<128x128xf32>
    tpu.vector_store %arg4[%swap3A_1812, %swap3A_1813], %transpose3A_1811 {strides = array<i32>} : memref<8192x128xf32, #tpu.memory_space<vmem>>, vector<128x128xf32>,
    %get3A_1815 = arith.constant 0 : index
    %get3A_1816 = arith.constant 22016 : index
    %get3A_1817 = vector.load %arg2[%get3A_1815, %get3A_1816] : memref<32x32768xf32, #tpu.memory_space<vmem>>, vector<32x128xf32>
    %get3A_1818 = arith.constant 0 : index
    %get3A_1819 = arith.constant 22144 : index
    %get3A_1820 = vector.load %arg2[%get3A_1818, %get3A_1819] : memref<32x32768xf32, #tpu.memory_space<vmem>>, vector<32x128xf32>
    %get3A_1821 = arith.constant 0 : index
    %get3A_1822 = arith.constant 22272 : index
    %get3A_1823 = vector.load %arg2[%get3A_1821, %get3A_1822] : memref<32x32768xf32, #tpu.memory_space<vmem>>, vector<32x128xf32>
    %get3A_1824 = arith.constant 0 : index
    %get3A_1825 = arith.constant 22400 : index
    %get3A_1826 = vector.load %arg2[%get3A_1824, %get3A_1825] : memref<32x32768xf32, #tpu.memory_space<vmem>>, vector<32x128xf32>
    %concatenate3A_1827 = tpu.concatenate %get3A_1817, %get3A_1820, %get3A_1823, %get3A_1826 in 0 : vector<32x128xf32>, vector<32x128xf32>, vector<32x128xf32>, vector<32x128xf32> -> vector<128x128xf32>
    %transpose3A_1828 = tpu.transpose %concatenate3A_1827, [1, 0] : vector<128x128xf32> -> vector<128x128xf32>
    %swap3A_1829 = arith.constant 5504 : index
    %swap3A_1830 = arith.constant 0 : index
    %swap3A_1831 = vector.load %arg4[%swap3A_1829, %swap3A_1830] : memref<8192x128xf32, #tpu.memory_space<vmem>>, vector<128x128xf32>
    tpu.vector_store %arg4[%swap3A_1829, %swap3A_1830], %transpose3A_1828 {strides = array<i32>} : memref<8192x128xf32, #tpu.memory_space<vmem>>, vector<128x128xf32>,
    %get3A_1832 = arith.constant 0 : index
    %get3A_1833 = arith.constant 22528 : index
    %get3A_1834 = vector.load %arg2[%get3A_1832, %get3A_1833] : memref<32x32768xf32, #tpu.memory_space<vmem>>, vector<32x128xf32>
    %get3A_1835 = arith.constant 0 : index
    %get3A_1836 = arith.constant 22656 : index
    %get3A_1837 = vector.load %arg2[%get3A_1835, %get3A_1836] : memref<32x32768xf32, #tpu.memory_space<vmem>>, vector<32x128xf32>
    %get3A_1838 = arith.constant 0 : index
    %get3A_1839 = arith.constant 22784 : index
    %get3A_1840 = vector.load %arg2[%get3A_1838, %get3A_1839] : memref<32x32768xf32, #tpu.memory_space<vmem>>, vector<32x128xf32>
    %get3A_1841 = arith.constant 0 : index
    %get3A_1842 = arith.constant 22912 : index
    %get3A_1843 = vector.load %arg2[%get3A_1841, %get3A_1842] : memref<32x32768xf32, #tpu.memory_space<vmem>>, vector<32x128xf32>
    %concatenate3A_1844 = tpu.concatenate %get3A_1834, %get3A_1837, %get3A_1840, %get3A_1843 in 0 : vector<32x128xf32>, vector<32x128xf32>, vector<32x128xf32>, vector<32x128xf32> -> vector<128x128xf32>
    %transpose3A_1845 = tpu.transpose %concatenate3A_1844, [1, 0] : vector<128x128xf32> -> vector<128x128xf32>
    %swap3A_1846 = arith.constant 5632 : index
    %swap3A_1847 = arith.constant 0 : index
    %swap3A_1848 = vector.load %arg4[%swap3A_1846, %swap3A_1847] : memref<8192x128xf32, #tpu.memory_space<vmem>>, vector<128x128xf32>
    tpu.vector_store %arg4[%swap3A_1846, %swap3A_1847], %transpose3A_1845 {strides = array<i32>} : memref<8192x128xf32, #tpu.memory_space<vmem>>, vector<128x128xf32>,
    %get3A_1849 = arith.constant 0 : index
    %get3A_1850 = arith.constant 23040 : index
    %get3A_1851 = vector.load %arg2[%get3A_1849, %get3A_1850] : memref<32x32768xf32, #tpu.memory_space<vmem>>, vector<32x128xf32>
    %get3A_1852 = arith.constant 0 : index
    %get3A_1853 = arith.constant 23168 : index
    %get3A_1854 = vector.load %arg2[%get3A_1852, %get3A_1853] : memref<32x32768xf32, #tpu.memory_space<vmem>>, vector<32x128xf32>
    %get3A_1855 = arith.constant 0 : index
    %get3A_1856 = arith.constant 23296 : index
    %get3A_1857 = vector.load %arg2[%get3A_1855, %get3A_1856] : memref<32x32768xf32, #tpu.memory_space<vmem>>, vector<32x128xf32>
    %get3A_1858 = arith.constant 0 : index
    %get3A_1859 = arith.constant 23424 : index
    %get3A_1860 = vector.load %arg2[%get3A_1858, %get3A_1859] : memref<32x32768xf32, #tpu.memory_space<vmem>>, vector<32x128xf32>
    %concatenate3A_1861 = tpu.concatenate %get3A_1851, %get3A_1854, %get3A_1857, %get3A_1860 in 0 : vector<32x128xf32>, vector<32x128xf32>, vector<32x128xf32>, vector<32x128xf32> -> vector<128x128xf32>
    %transpose3A_1862 = tpu.transpose %concatenate3A_1861, [1, 0] : vector<128x128xf32> -> vector<128x128xf32>
    %swap3A_1863 = arith.constant 5760 : index
    %swap3A_1864 = arith.constant 0 : index
    %swap3A_1865 = vector.load %arg4[%swap3A_1863, %swap3A_1864] : memref<8192x128xf32, #tpu.memory_space<vmem>>, vector<128x128xf32>
    tpu.vector_store %arg4[%swap3A_1863, %swap3A_1864], %transpose3A_1862 {strides = array<i32>} : memref<8192x128xf32, #tpu.memory_space<vmem>>, vector<128x128xf32>,
    %get3A_1866 = arith.constant 0 : index
    %get3A_1867 = arith.constant 23552 : index
    %get3A_1868 = vector.load %arg2[%get3A_1866, %get3A_1867] : memref<32x32768xf32, #tpu.memory_space<vmem>>, vector<32x128xf32>
    %get3A_1869 = arith.constant 0 : index
    %get3A_1870 = arith.constant 23680 : index
    %get3A_1871 = vector.load %arg2[%get3A_1869, %get3A_1870] : memref<32x32768xf32, #tpu.memory_space<vmem>>, vector<32x128xf32>
    %get3A_1872 = arith.constant 0 : index
    %get3A_1873 = arith.constant 23808 : index
    %get3A_1874 = vector.load %arg2[%get3A_1872, %get3A_1873] : memref<32x32768xf32, #tpu.memory_space<vmem>>, vector<32x128xf32>
    %get3A_1875 = arith.constant 0 : index
    %get3A_1876 = arith.constant 23936 : index
    %get3A_1877 = vector.load %arg2[%get3A_1875, %get3A_1876] : memref<32x32768xf32, #tpu.memory_space<vmem>>, vector<32x128xf32>
    %concatenate3A_1878 = tpu.concatenate %get3A_1868, %get3A_1871, %get3A_1874, %get3A_1877 in 0 : vector<32x128xf32>, vector<32x128xf32>, vector<32x128xf32>, vector<32x128xf32> -> vector<128x128xf32>
    %transpose3A_1879 = tpu.transpose %concatenate3A_1878, [1, 0] : vector<128x128xf32> -> vector<128x128xf32>
    %swap3A_1880 = arith.constant 5888 : index
    %swap3A_1881 = arith.constant 0 : index
    %swap3A_1882 = vector.load %arg4[%swap3A_1880, %swap3A_1881] : memref<8192x128xf32, #tpu.memory_space<vmem>>, vector<128x128xf32>
    tpu.vector_store %arg4[%swap3A_1880, %swap3A_1881], %transpose3A_1879 {strides = array<i32>} : memref<8192x128xf32, #tpu.memory_space<vmem>>, vector<128x128xf32>,
    %get3A_1883 = arith.constant 0 : index
    %get3A_1884 = arith.constant 24064 : index
    %get3A_1885 = vector.load %arg2[%get3A_1883, %get3A_1884] : memref<32x32768xf32, #tpu.memory_space<vmem>>, vector<32x128xf32>
    %get3A_1886 = arith.constant 0 : index
    %get3A_1887 = arith.constant 24192 : index
    %get3A_1888 = vector.load %arg2[%get3A_1886, %get3A_1887] : memref<32x32768xf32, #tpu.memory_space<vmem>>, vector<32x128xf32>
    %get3A_1889 = arith.constant 0 : index
    %get3A_1890 = arith.constant 24320 : index
    %get3A_1891 = vector.load %arg2[%get3A_1889, %get3A_1890] : memref<32x32768xf32, #tpu.memory_space<vmem>>, vector<32x128xf32>
    %get3A_1892 = arith.constant 0 : index
    %get3A_1893 = arith.constant 24448 : index
    %get3A_1894 = vector.load %arg2[%get3A_1892, %get3A_1893] : memref<32x32768xf32, #tpu.memory_space<vmem>>, vector<32x128xf32>
    %concatenate3A_1895 = tpu.concatenate %get3A_1885, %get3A_1888, %get3A_1891, %get3A_1894 in 0 : vector<32x128xf32>, vector<32x128xf32>, vector<32x128xf32>, vector<32x128xf32> -> vector<128x128xf32>
    %transpose3A_1896 = tpu.transpose %concatenate3A_1895, [1, 0] : vector<128x128xf32> -> vector<128x128xf32>
    %swap3A_1897 = arith.constant 6016 : index
    %swap3A_1898 = arith.constant 0 : index
    %swap3A_1899 = vector.load %arg4[%swap3A_1897, %swap3A_1898] : memref<8192x128xf32, #tpu.memory_space<vmem>>, vector<128x128xf32>
    tpu.vector_store %arg4[%swap3A_1897, %swap3A_1898], %transpose3A_1896 {strides = array<i32>} : memref<8192x128xf32, #tpu.memory_space<vmem>>, vector<128x128xf32>,
    %get3A_1900 = arith.constant 0 : index
    %get3A_1901 = arith.constant 24576 : index
    %get3A_1902 = vector.load %arg2[%get3A_1900, %get3A_1901] : memref<32x32768xf32, #tpu.memory_space<vmem>>, vector<32x128xf32>
    %get3A_1903 = arith.constant 0 : index
    %get3A_1904 = arith.constant 24704 : index
    %get3A_1905 = vector.load %arg2[%get3A_1903, %get3A_1904] : memref<32x32768xf32, #tpu.memory_space<vmem>>, vector<32x128xf32>
    %get3A_1906 = arith.constant 0 : index
    %get3A_1907 = arith.constant 24832 : index
    %get3A_1908 = vector.load %arg2[%get3A_1906, %get3A_1907] : memref<32x32768xf32, #tpu.memory_space<vmem>>, vector<32x128xf32>
    %get3A_1909 = arith.constant 0 : index
    %get3A_1910 = arith.constant 24960 : index
    %get3A_1911 = vector.load %arg2[%get3A_1909, %get3A_1910] : memref<32x32768xf32, #tpu.memory_space<vmem>>, vector<32x128xf32>
    %concatenate3A_1912 = tpu.concatenate %get3A_1902, %get3A_1905, %get3A_1908, %get3A_1911 in 0 : vector<32x128xf32>, vector<32x128xf32>, vector<32x128xf32>, vector<32x128xf32> -> vector<128x128xf32>
    %transpose3A_1913 = tpu.transpose %concatenate3A_1912, [1, 0] : vector<128x128xf32> -> vector<128x128xf32>
    %swap3A_1914 = arith.constant 6144 : index
    %swap3A_1915 = arith.constant 0 : index
    %swap3A_1916 = vector.load %arg4[%swap3A_1914, %swap3A_1915] : memref<8192x128xf32, #tpu.memory_space<vmem>>, vector<128x128xf32>
    tpu.vector_store %arg4[%swap3A_1914, %swap3A_1915], %transpose3A_1913 {strides = array<i32>} : memref<8192x128xf32, #tpu.memory_space<vmem>>, vector<128x128xf32>,
    %get3A_1917 = arith.constant 0 : index
    %get3A_1918 = arith.constant 25088 : index
    %get3A_1919 = vector.load %arg2[%get3A_1917, %get3A_1918] : memref<32x32768xf32, #tpu.memory_space<vmem>>, vector<32x128xf32>
    %get3A_1920 = arith.constant 0 : index
    %get3A_1921 = arith.constant 25216 : index
    %get3A_1922 = vector.load %arg2[%get3A_1920, %get3A_1921] : memref<32x32768xf32, #tpu.memory_space<vmem>>, vector<32x128xf32>
    %get3A_1923 = arith.constant 0 : index
    %get3A_1924 = arith.constant 25344 : index
    %get3A_1925 = vector.load %arg2[%get3A_1923, %get3A_1924] : memref<32x32768xf32, #tpu.memory_space<vmem>>, vector<32x128xf32>
    %get3A_1926 = arith.constant 0 : index
    %get3A_1927 = arith.constant 25472 : index
    %get3A_1928 = vector.load %arg2[%get3A_1926, %get3A_1927] : memref<32x32768xf32, #tpu.memory_space<vmem>>, vector<32x128xf32>
    %concatenate3A_1929 = tpu.concatenate %get3A_1919, %get3A_1922, %get3A_1925, %get3A_1928 in 0 : vector<32x128xf32>, vector<32x128xf32>, vector<32x128xf32>, vector<32x128xf32> -> vector<128x128xf32>
    %transpose3A_1930 = tpu.transpose %concatenate3A_1929, [1, 0] : vector<128x128xf32> -> vector<128x128xf32>
    %swap3A_1931 = arith.constant 6272 : index
    %swap3A_1932 = arith.constant 0 : index
    %swap3A_1933 = vector.load %arg4[%swap3A_1931, %swap3A_1932] : memref<8192x128xf32, #tpu.memory_space<vmem>>, vector<128x128xf32>
    tpu.vector_store %arg4[%swap3A_1931, %swap3A_1932], %transpose3A_1930 {strides = array<i32>} : memref<8192x128xf32, #tpu.memory_space<vmem>>, vector<128x128xf32>,
    %get3A_1934 = arith.constant 0 : index
    %get3A_1935 = arith.constant 25600 : index
    %get3A_1936 = vector.load %arg2[%get3A_1934, %get3A_1935] : memref<32x32768xf32, #tpu.memory_space<vmem>>, vector<32x128xf32>
    %get3A_1937 = arith.constant 0 : index
    %get3A_1938 = arith.constant 25728 : index
    %get3A_1939 = vector.load %arg2[%get3A_1937, %get3A_1938] : memref<32x32768xf32, #tpu.memory_space<vmem>>, vector<32x128xf32>
    %get3A_1940 = arith.constant 0 : index
    %get3A_1941 = arith.constant 25856 : index
    %get3A_1942 = vector.load %arg2[%get3A_1940, %get3A_1941] : memref<32x32768xf32, #tpu.memory_space<vmem>>, vector<32x128xf32>
    %get3A_1943 = arith.constant 0 : index
    %get3A_1944 = arith.constant 25984 : index
    %get3A_1945 = vector.load %arg2[%get3A_1943, %get3A_1944] : memref<32x32768xf32, #tpu.memory_space<vmem>>, vector<32x128xf32>
    %concatenate3A_1946 = tpu.concatenate %get3A_1936, %get3A_1939, %get3A_1942, %get3A_1945 in 0 : vector<32x128xf32>, vector<32x128xf32>, vector<32x128xf32>, vector<32x128xf32> -> vector<128x128xf32>
    %transpose3A_1947 = tpu.transpose %concatenate3A_1946, [1, 0] : vector<128x128xf32> -> vector<128x128xf32>
    %swap3A_1948 = arith.constant 6400 : index
    %swap3A_1949 = arith.constant 0 : index
    %swap3A_1950 = vector.load %arg4[%swap3A_1948, %swap3A_1949] : memref<8192x128xf32, #tpu.memory_space<vmem>>, vector<128x128xf32>
    tpu.vector_store %arg4[%swap3A_1948, %swap3A_1949], %transpose3A_1947 {strides = array<i32>} : memref<8192x128xf32, #tpu.memory_space<vmem>>, vector<128x128xf32>,
    %get3A_1951 = arith.constant 0 : index
    %get3A_1952 = arith.constant 26112 : index
    %get3A_1953 = vector.load %arg2[%get3A_1951, %get3A_1952] : memref<32x32768xf32, #tpu.memory_space<vmem>>, vector<32x128xf32>
    %get3A_1954 = arith.constant 0 : index
    %get3A_1955 = arith.constant 26240 : index
    %get3A_1956 = vector.load %arg2[%get3A_1954, %get3A_1955] : memref<32x32768xf32, #tpu.memory_space<vmem>>, vector<32x128xf32>
    %get3A_1957 = arith.constant 0 : index
    %get3A_1958 = arith.constant 26368 : index
    %get3A_1959 = vector.load %arg2[%get3A_1957, %get3A_1958] : memref<32x32768xf32, #tpu.memory_space<vmem>>, vector<32x128xf32>
    %get3A_1960 = arith.constant 0 : index
    %get3A_1961 = arith.constant 26496 : index
    %get3A_1962 = vector.load %arg2[%get3A_1960, %get3A_1961] : memref<32x32768xf32, #tpu.memory_space<vmem>>, vector<32x128xf32>
    %concatenate3A_1963 = tpu.concatenate %get3A_1953, %get3A_1956, %get3A_1959, %get3A_1962 in 0 : vector<32x128xf32>, vector<32x128xf32>, vector<32x128xf32>, vector<32x128xf32> -> vector<128x128xf32>
    %transpose3A_1964 = tpu.transpose %concatenate3A_1963, [1, 0] : vector<128x128xf32> -> vector<128x128xf32>
    %swap3A_1965 = arith.constant 6528 : index
    %swap3A_1966 = arith.constant 0 : index
    %swap3A_1967 = vector.load %arg4[%swap3A_1965, %swap3A_1966] : memref<8192x128xf32, #tpu.memory_space<vmem>>, vector<128x128xf32>
    tpu.vector_store %arg4[%swap3A_1965, %swap3A_1966], %transpose3A_1964 {strides = array<i32>} : memref<8192x128xf32, #tpu.memory_space<vmem>>, vector<128x128xf32>,
    %get3A_1968 = arith.constant 0 : index
    %get3A_1969 = arith.constant 26624 : index
    %get3A_1970 = vector.load %arg2[%get3A_1968, %get3A_1969] : memref<32x32768xf32, #tpu.memory_space<vmem>>, vector<32x128xf32>
    %get3A_1971 = arith.constant 0 : index
    %get3A_1972 = arith.constant 26752 : index
    %get3A_1973 = vector.load %arg2[%get3A_1971, %get3A_1972] : memref<32x32768xf32, #tpu.memory_space<vmem>>, vector<32x128xf32>
    %get3A_1974 = arith.constant 0 : index
    %get3A_1975 = arith.constant 26880 : index
    %get3A_1976 = vector.load %arg2[%get3A_1974, %get3A_1975] : memref<32x32768xf32, #tpu.memory_space<vmem>>, vector<32x128xf32>
    %get3A_1977 = arith.constant 0 : index
    %get3A_1978 = arith.constant 27008 : index
    %get3A_1979 = vector.load %arg2[%get3A_1977, %get3A_1978] : memref<32x32768xf32, #tpu.memory_space<vmem>>, vector<32x128xf32>
    %concatenate3A_1980 = tpu.concatenate %get3A_1970, %get3A_1973, %get3A_1976, %get3A_1979 in 0 : vector<32x128xf32>, vector<32x128xf32>, vector<32x128xf32>, vector<32x128xf32> -> vector<128x128xf32>
    %transpose3A_1981 = tpu.transpose %concatenate3A_1980, [1, 0] : vector<128x128xf32> -> vector<128x128xf32>
    %swap3A_1982 = arith.constant 6656 : index
    %swap3A_1983 = arith.constant 0 : index
    %swap3A_1984 = vector.load %arg4[%swap3A_1982, %swap3A_1983] : memref<8192x128xf32, #tpu.memory_space<vmem>>, vector<128x128xf32>
    tpu.vector_store %arg4[%swap3A_1982, %swap3A_1983], %transpose3A_1981 {strides = array<i32>} : memref<8192x128xf32, #tpu.memory_space<vmem>>, vector<128x128xf32>,
    %get3A_1985 = arith.constant 0 : index
    %get3A_1986 = arith.constant 27136 : index
    %get3A_1987 = vector.load %arg2[%get3A_1985, %get3A_1986] : memref<32x32768xf32, #tpu.memory_space<vmem>>, vector<32x128xf32>
    %get3A_1988 = arith.constant 0 : index
    %get3A_1989 = arith.constant 27264 : index
    %get3A_1990 = vector.load %arg2[%get3A_1988, %get3A_1989] : memref<32x32768xf32, #tpu.memory_space<vmem>>, vector<32x128xf32>
    %get3A_1991 = arith.constant 0 : index
    %get3A_1992 = arith.constant 27392 : index
    %get3A_1993 = vector.load %arg2[%get3A_1991, %get3A_1992] : memref<32x32768xf32, #tpu.memory_space<vmem>>, vector<32x128xf32>
    %get3A_1994 = arith.constant 0 : index
    %get3A_1995 = arith.constant 27520 : index
    %get3A_1996 = vector.load %arg2[%get3A_1994, %get3A_1995] : memref<32x32768xf32, #tpu.memory_space<vmem>>, vector<32x128xf32>
    %concatenate3A_1997 = tpu.concatenate %get3A_1987, %get3A_1990, %get3A_1993, %get3A_1996 in 0 : vector<32x128xf32>, vector<32x128xf32>, vector<32x128xf32>, vector<32x128xf32> -> vector<128x128xf32>
    %transpose3A_1998 = tpu.transpose %concatenate3A_1997, [1, 0] : vector<128x128xf32> -> vector<128x128xf32>
    %swap3A_1999 = arith.constant 6784 : index
    %swap3A_2000 = arith.constant 0 : index
    %swap3A_2001 = vector.load %arg4[%swap3A_1999, %swap3A_2000] : memref<8192x128xf32, #tpu.memory_space<vmem>>, vector<128x128xf32>
    tpu.vector_store %arg4[%swap3A_1999, %swap3A_2000], %transpose3A_1998 {strides = array<i32>} : memref<8192x128xf32, #tpu.memory_space<vmem>>, vector<128x128xf32>,
    %get3A_2002 = arith.constant 0 : index
    %get3A_2003 = arith.constant 27648 : index
    %get3A_2004 = vector.load %arg2[%get3A_2002, %get3A_2003] : memref<32x32768xf32, #tpu.memory_space<vmem>>, vector<32x128xf32>
    %get3A_2005 = arith.constant 0 : index
    %get3A_2006 = arith.constant 27776 : index
    %get3A_2007 = vector.load %arg2[%get3A_2005, %get3A_2006] : memref<32x32768xf32, #tpu.memory_space<vmem>>, vector<32x128xf32>
    %get3A_2008 = arith.constant 0 : index
    %get3A_2009 = arith.constant 27904 : index
    %get3A_2010 = vector.load %arg2[%get3A_2008, %get3A_2009] : memref<32x32768xf32, #tpu.memory_space<vmem>>, vector<32x128xf32>
    %get3A_2011 = arith.constant 0 : index
    %get3A_2012 = arith.constant 28032 : index
    %get3A_2013 = vector.load %arg2[%get3A_2011, %get3A_2012] : memref<32x32768xf32, #tpu.memory_space<vmem>>, vector<32x128xf32>
    %concatenate3A_2014 = tpu.concatenate %get3A_2004, %get3A_2007, %get3A_2010, %get3A_2013 in 0 : vector<32x128xf32>, vector<32x128xf32>, vector<32x128xf32>, vector<32x128xf32> -> vector<128x128xf32>
    %transpose3A_2015 = tpu.transpose %concatenate3A_2014, [1, 0] : vector<128x128xf32> -> vector<128x128xf32>
    %swap3A_2016 = arith.constant 6912 : index
    %swap3A_2017 = arith.constant 0 : index
    %swap3A_2018 = vector.load %arg4[%swap3A_2016, %swap3A_2017] : memref<8192x128xf32, #tpu.memory_space<vmem>>, vector<128x128xf32>
    tpu.vector_store %arg4[%swap3A_2016, %swap3A_2017], %transpose3A_2015 {strides = array<i32>} : memref<8192x128xf32, #tpu.memory_space<vmem>>, vector<128x128xf32>,
    %get3A_2019 = arith.constant 0 : index
    %get3A_2020 = arith.constant 28160 : index
    %get3A_2021 = vector.load %arg2[%get3A_2019, %get3A_2020] : memref<32x32768xf32, #tpu.memory_space<vmem>>, vector<32x128xf32>
    %get3A_2022 = arith.constant 0 : index
    %get3A_2023 = arith.constant 28288 : index
    %get3A_2024 = vector.load %arg2[%get3A_2022, %get3A_2023] : memref<32x32768xf32, #tpu.memory_space<vmem>>, vector<32x128xf32>
    %get3A_2025 = arith.constant 0 : index
    %get3A_2026 = arith.constant 28416 : index
    %get3A_2027 = vector.load %arg2[%get3A_2025, %get3A_2026] : memref<32x32768xf32, #tpu.memory_space<vmem>>, vector<32x128xf32>
    %get3A_2028 = arith.constant 0 : index
    %get3A_2029 = arith.constant 28544 : index
    %get3A_2030 = vector.load %arg2[%get3A_2028, %get3A_2029] : memref<32x32768xf32, #tpu.memory_space<vmem>>, vector<32x128xf32>
    %concatenate3A_2031 = tpu.concatenate %get3A_2021, %get3A_2024, %get3A_2027, %get3A_2030 in 0 : vector<32x128xf32>, vector<32x128xf32>, vector<32x128xf32>, vector<32x128xf32> -> vector<128x128xf32>
    %transpose3A_2032 = tpu.transpose %concatenate3A_2031, [1, 0] : vector<128x128xf32> -> vector<128x128xf32>
    %swap3A_2033 = arith.constant 7040 : index
    %swap3A_2034 = arith.constant 0 : index
    %swap3A_2035 = vector.load %arg4[%swap3A_2033, %swap3A_2034] : memref<8192x128xf32, #tpu.memory_space<vmem>>, vector<128x128xf32>
    tpu.vector_store %arg4[%swap3A_2033, %swap3A_2034], %transpose3A_2032 {strides = array<i32>} : memref<8192x128xf32, #tpu.memory_space<vmem>>, vector<128x128xf32>,
    %get3A_2036 = arith.constant 0 : index
    %get3A_2037 = arith.constant 28672 : index
    %get3A_2038 = vector.load %arg2[%get3A_2036, %get3A_2037] : memref<32x32768xf32, #tpu.memory_space<vmem>>, vector<32x128xf32>
    %get3A_2039 = arith.constant 0 : index
    %get3A_2040 = arith.constant 28800 : index
    %get3A_2041 = vector.load %arg2[%get3A_2039, %get3A_2040] : memref<32x32768xf32, #tpu.memory_space<vmem>>, vector<32x128xf32>
    %get3A_2042 = arith.constant 0 : index
    %get3A_2043 = arith.constant 28928 : index
    %get3A_2044 = vector.load %arg2[%get3A_2042, %get3A_2043] : memref<32x32768xf32, #tpu.memory_space<vmem>>, vector<32x128xf32>
    %get3A_2045 = arith.constant 0 : index
    %get3A_2046 = arith.constant 29056 : index
    %get3A_2047 = vector.load %arg2[%get3A_2045, %get3A_2046] : memref<32x32768xf32, #tpu.memory_space<vmem>>, vector<32x128xf32>
    %concatenate3A_2048 = tpu.concatenate %get3A_2038, %get3A_2041, %get3A_2044, %get3A_2047 in 0 : vector<32x128xf32>, vector<32x128xf32>, vector<32x128xf32>, vector<32x128xf32> -> vector<128x128xf32>
    %transpose3A_2049 = tpu.transpose %concatenate3A_2048, [1, 0] : vector<128x128xf32> -> vector<128x128xf32>
    %swap3A_2050 = arith.constant 7168 : index
    %swap3A_2051 = arith.constant 0 : index
    %swap3A_2052 = vector.load %arg4[%swap3A_2050, %swap3A_2051] : memref<8192x128xf32, #tpu.memory_space<vmem>>, vector<128x128xf32>
    tpu.vector_store %arg4[%swap3A_2050, %swap3A_2051], %transpose3A_2049 {strides = array<i32>} : memref<8192x128xf32, #tpu.memory_space<vmem>>, vector<128x128xf32>,
    %get3A_2053 = arith.constant 0 : index
    %get3A_2054 = arith.constant 29184 : index
    %get3A_2055 = vector.load %arg2[%get3A_2053, %get3A_2054] : memref<32x32768xf32, #tpu.memory_space<vmem>>, vector<32x128xf32>
    %get3A_2056 = arith.constant 0 : index
    %get3A_2057 = arith.constant 29312 : index
    %get3A_2058 = vector.load %arg2[%get3A_2056, %get3A_2057] : memref<32x32768xf32, #tpu.memory_space<vmem>>, vector<32x128xf32>
    %get3A_2059 = arith.constant 0 : index
    %get3A_2060 = arith.constant 29440 : index
    %get3A_2061 = vector.load %arg2[%get3A_2059, %get3A_2060] : memref<32x32768xf32, #tpu.memory_space<vmem>>, vector<32x128xf32>
    %get3A_2062 = arith.constant 0 : index
    %get3A_2063 = arith.constant 29568 : index
    %get3A_2064 = vector.load %arg2[%get3A_2062, %get3A_2063] : memref<32x32768xf32, #tpu.memory_space<vmem>>, vector<32x128xf32>
    %concatenate3A_2065 = tpu.concatenate %get3A_2055, %get3A_2058, %get3A_2061, %get3A_2064 in 0 : vector<32x128xf32>, vector<32x128xf32>, vector<32x128xf32>, vector<32x128xf32> -> vector<128x128xf32>
    %transpose3A_2066 = tpu.transpose %concatenate3A_2065, [1, 0] : vector<128x128xf32> -> vector<128x128xf32>
    %swap3A_2067 = arith.constant 7296 : index
    %swap3A_2068 = arith.constant 0 : index
    %swap3A_2069 = vector.load %arg4[%swap3A_2067, %swap3A_2068] : memref<8192x128xf32, #tpu.memory_space<vmem>>, vector<128x128xf32>
    tpu.vector_store %arg4[%swap3A_2067, %swap3A_2068], %transpose3A_2066 {strides = array<i32>} : memref<8192x128xf32, #tpu.memory_space<vmem>>, vector<128x128xf32>,
    %get3A_2070 = arith.constant 0 : index
    %get3A_2071 = arith.constant 29696 : index
    %get3A_2072 = vector.load %arg2[%get3A_2070, %get3A_2071] : memref<32x32768xf32, #tpu.memory_space<vmem>>, vector<32x128xf32>
    %get3A_2073 = arith.constant 0 : index
    %get3A_2074 = arith.constant 29824 : index
    %get3A_2075 = vector.load %arg2[%get3A_2073, %get3A_2074] : memref<32x32768xf32, #tpu.memory_space<vmem>>, vector<32x128xf32>
    %get3A_2076 = arith.constant 0 : index
    %get3A_2077 = arith.constant 29952 : index
    %get3A_2078 = vector.load %arg2[%get3A_2076, %get3A_2077] : memref<32x32768xf32, #tpu.memory_space<vmem>>, vector<32x128xf32>
    %get3A_2079 = arith.constant 0 : index
    %get3A_2080 = arith.constant 30080 : index
    %get3A_2081 = vector.load %arg2[%get3A_2079, %get3A_2080] : memref<32x32768xf32, #tpu.memory_space<vmem>>, vector<32x128xf32>
    %concatenate3A_2082 = tpu.concatenate %get3A_2072, %get3A_2075, %get3A_2078, %get3A_2081 in 0 : vector<32x128xf32>, vector<32x128xf32>, vector<32x128xf32>, vector<32x128xf32> -> vector<128x128xf32>
    %transpose3A_2083 = tpu.transpose %concatenate3A_2082, [1, 0] : vector<128x128xf32> -> vector<128x128xf32>
    %swap3A_2084 = arith.constant 7424 : index
    %swap3A_2085 = arith.constant 0 : index
    %swap3A_2086 = vector.load %arg4[%swap3A_2084, %swap3A_2085] : memref<8192x128xf32, #tpu.memory_space<vmem>>, vector<128x128xf32>
    tpu.vector_store %arg4[%swap3A_2084, %swap3A_2085], %transpose3A_2083 {strides = array<i32>} : memref<8192x128xf32, #tpu.memory_space<vmem>>, vector<128x128xf32>,
    %get3A_2087 = arith.constant 0 : index
    %get3A_2088 = arith.constant 30208 : index
    %get3A_2089 = vector.load %arg2[%get3A_2087, %get3A_2088] : memref<32x32768xf32, #tpu.memory_space<vmem>>, vector<32x128xf32>
    %get3A_2090 = arith.constant 0 : index
    %get3A_2091 = arith.constant 30336 : index
    %get3A_2092 = vector.load %arg2[%get3A_2090, %get3A_2091] : memref<32x32768xf32, #tpu.memory_space<vmem>>, vector<32x128xf32>
    %get3A_2093 = arith.constant 0 : index
    %get3A_2094 = arith.constant 30464 : index
    %get3A_2095 = vector.load %arg2[%get3A_2093, %get3A_2094] : memref<32x32768xf32, #tpu.memory_space<vmem>>, vector<32x128xf32>
    %get3A_2096 = arith.constant 0 : index
    %get3A_2097 = arith.constant 30592 : index
    %get3A_2098 = vector.load %arg2[%get3A_2096, %get3A_2097] : memref<32x32768xf32, #tpu.memory_space<vmem>>, vector<32x128xf32>
    %concatenate3A_2099 = tpu.concatenate %get3A_2089, %get3A_2092, %get3A_2095, %get3A_2098 in 0 : vector<32x128xf32>, vector<32x128xf32>, vector<32x128xf32>, vector<32x128xf32> -> vector<128x128xf32>
    %transpose3A_2100 = tpu.transpose %concatenate3A_2099, [1, 0] : vector<128x128xf32> -> vector<128x128xf32>
    %swap3A_2101 = arith.constant 7552 : index
    %swap3A_2102 = arith.constant 0 : index
    %swap3A_2103 = vector.load %arg4[%swap3A_2101, %swap3A_2102] : memref<8192x128xf32, #tpu.memory_space<vmem>>, vector<128x128xf32>
    tpu.vector_store %arg4[%swap3A_2101, %swap3A_2102], %transpose3A_2100 {strides = array<i32>} : memref<8192x128xf32, #tpu.memory_space<vmem>>, vector<128x128xf32>,
    %get3A_2104 = arith.constant 0 : index
    %get3A_2105 = arith.constant 30720 : index
    %get3A_2106 = vector.load %arg2[%get3A_2104, %get3A_2105] : memref<32x32768xf32, #tpu.memory_space<vmem>>, vector<32x128xf32>
    %get3A_2107 = arith.constant 0 : index
    %get3A_2108 = arith.constant 30848 : index
    %get3A_2109 = vector.load %arg2[%get3A_2107, %get3A_2108] : memref<32x32768xf32, #tpu.memory_space<vmem>>, vector<32x128xf32>
    %get3A_2110 = arith.constant 0 : index
    %get3A_2111 = arith.constant 30976 : index
    %get3A_2112 = vector.load %arg2[%get3A_2110, %get3A_2111] : memref<32x32768xf32, #tpu.memory_space<vmem>>, vector<32x128xf32>
    %get3A_2113 = arith.constant 0 : index
    %get3A_2114 = arith.constant 31104 : index
    %get3A_2115 = vector.load %arg2[%get3A_2113, %get3A_2114] : memref<32x32768xf32, #tpu.memory_space<vmem>>, vector<32x128xf32>
    %concatenate3A_2116 = tpu.concatenate %get3A_2106, %get3A_2109, %get3A_2112, %get3A_2115 in 0 : vector<32x128xf32>, vector<32x128xf32>, vector<32x128xf32>, vector<32x128xf32> -> vector<128x128xf32>
    %transpose3A_2117 = tpu.transpose %concatenate3A_2116, [1, 0] : vector<128x128xf32> -> vector<128x128xf32>
    %swap3A_2118 = arith.constant 7680 : index
    %swap3A_2119 = arith.constant 0 : index
    %swap3A_2120 = vector.load %arg4[%swap3A_2118, %swap3A_2119] : memref<8192x128xf32, #tpu.memory_space<vmem>>, vector<128x128xf32>
    tpu.vector_store %arg4[%swap3A_2118, %swap3A_2119], %transpose3A_2117 {strides = array<i32>} : memref<8192x128xf32, #tpu.memory_space<vmem>>, vector<128x128xf32>,
    %get3A_2121 = arith.constant 0 : index
    %get3A_2122 = arith.constant 31232 : index
    %get3A_2123 = vector.load %arg2[%get3A_2121, %get3A_2122] : memref<32x32768xf32, #tpu.memory_space<vmem>>, vector<32x128xf32>
    %get3A_2124 = arith.constant 0 : index
    %get3A_2125 = arith.constant 31360 : index
    %get3A_2126 = vector.load %arg2[%get3A_2124, %get3A_2125] : memref<32x32768xf32, #tpu.memory_space<vmem>>, vector<32x128xf32>
    %get3A_2127 = arith.constant 0 : index
    %get3A_2128 = arith.constant 31488 : index
    %get3A_2129 = vector.load %arg2[%get3A_2127, %get3A_2128] : memref<32x32768xf32, #tpu.memory_space<vmem>>, vector<32x128xf32>
    %get3A_2130 = arith.constant 0 : index
    %get3A_2131 = arith.constant 31616 : index
    %get3A_2132 = vector.load %arg2[%get3A_2130, %get3A_2131] : memref<32x32768xf32, #tpu.memory_space<vmem>>, vector<32x128xf32>
    %concatenate3A_2133 = tpu.concatenate %get3A_2123, %get3A_2126, %get3A_2129, %get3A_2132 in 0 : vector<32x128xf32>, vector<32x128xf32>, vector<32x128xf32>, vector<32x128xf32> -> vector<128x128xf32>
    %transpose3A_2134 = tpu.transpose %concatenate3A_2133, [1, 0] : vector<128x128xf32> -> vector<128x128xf32>
    %swap3A_2135 = arith.constant 7808 : index
    %swap3A_2136 = arith.constant 0 : index
    %swap3A_2137 = vector.load %arg4[%swap3A_2135, %swap3A_2136] : memref<8192x128xf32, #tpu.memory_space<vmem>>, vector<128x128xf32>
    tpu.vector_store %arg4[%swap3A_2135, %swap3A_2136], %transpose3A_2134 {strides = array<i32>} : memref<8192x128xf32, #tpu.memory_space<vmem>>, vector<128x128xf32>,
    %get3A_2138 = arith.constant 0 : index
    %get3A_2139 = arith.constant 31744 : index
    %get3A_2140 = vector.load %arg2[%get3A_2138, %get3A_2139] : memref<32x32768xf32, #tpu.memory_space<vmem>>, vector<32x128xf32>
    %get3A_2141 = arith.constant 0 : index
    %get3A_2142 = arith.constant 31872 : index
    %get3A_2143 = vector.load %arg2[%get3A_2141, %get3A_2142] : memref<32x32768xf32, #tpu.memory_space<vmem>>, vector<32x128xf32>
    %get3A_2144 = arith.constant 0 : index
    %get3A_2145 = arith.constant 32000 : index
    %get3A_2146 = vector.load %arg2[%get3A_2144, %get3A_2145] : memref<32x32768xf32, #tpu.memory_space<vmem>>, vector<32x128xf32>
    %get3A_2147 = arith.constant 0 : index
    %get3A_2148 = arith.constant 32128 : index
    %get3A_2149 = vector.load %arg2[%get3A_2147, %get3A_2148] : memref<32x32768xf32, #tpu.memory_space<vmem>>, vector<32x128xf32>
    %concatenate3A_2150 = tpu.concatenate %get3A_2140, %get3A_2143, %get3A_2146, %get3A_2149 in 0 : vector<32x128xf32>, vector<32x128xf32>, vector<32x128xf32>, vector<32x128xf32> -> vector<128x128xf32>
    %transpose3A_2151 = tpu.transpose %concatenate3A_2150, [1, 0] : vector<128x128xf32> -> vector<128x128xf32>
    %swap3A_2152 = arith.constant 7936 : index
    %swap3A_2153 = arith.constant 0 : index
    %swap3A_2154 = vector.load %arg4[%swap3A_2152, %swap3A_2153] : memref<8192x128xf32, #tpu.memory_space<vmem>>, vector<128x128xf32>
    tpu.vector_store %arg4[%swap3A_2152, %swap3A_2153], %transpose3A_2151 {strides = array<i32>} : memref<8192x128xf32, #tpu.memory_space<vmem>>, vector<128x128xf32>,
    %get3A_2155 = arith.constant 0 : index
    %get3A_2156 = arith.constant 32256 : index
    %get3A_2157 = vector.load %arg2[%get3A_2155, %get3A_2156] : memref<32x32768xf32, #tpu.memory_space<vmem>>, vector<32x128xf32>
    %get3A_2158 = arith.constant 0 : index
    %get3A_2159 = arith.constant 32384 : index
    %get3A_2160 = vector.load %arg2[%get3A_2158, %get3A_2159] : memref<32x32768xf32, #tpu.memory_space<vmem>>, vector<32x128xf32>
    %get3A_2161 = arith.constant 0 : index
    %get3A_2162 = arith.constant 32512 : index
    %get3A_2163 = vector.load %arg2[%get3A_2161, %get3A_2162] : memref<32x32768xf32, #tpu.memory_space<vmem>>, vector<32x128xf32>
    %get3A_2164 = arith.constant 0 : index
    %get3A_2165 = arith.constant 32640 : index
    %get3A_2166 = vector.load %arg2[%get3A_2164, %get3A_2165] : memref<32x32768xf32, #tpu.memory_space<vmem>>, vector<32x128xf32>
    %concatenate3A_2167 = tpu.concatenate %get3A_2157, %get3A_2160, %get3A_2163, %get3A_2166 in 0 : vector<32x128xf32>, vector<32x128xf32>, vector<32x128xf32>, vector<32x128xf32> -> vector<128x128xf32>
    %transpose3A_2168 = tpu.transpose %concatenate3A_2167, [1, 0] : vector<128x128xf32> -> vector<128x128xf32>
    %swap3A_2169 = arith.constant 8064 : index
    %swap3A_2170 = arith.constant 0 : index
    %swap3A_2171 = vector.load %arg4[%swap3A_2169, %swap3A_2170] : memref<8192x128xf32, #tpu.memory_space<vmem>>, vector<128x128xf32>
    tpu.vector_store %arg4[%swap3A_2169, %swap3A_2170], %transpose3A_2168 {strides = array<i32>} : memref<8192x128xf32, #tpu.memory_space<vmem>>, vector<128x128xf32>,
    return
  }
  func.func @transform_0(%arg0: i32) -> (i32, i32) {
    %c0_i32 = arith.constant 0 : i32
    %c0_i32_0 = arith.constant 0 : i32
    return %c0_i32, %arg0 : i32, i32
  }
  func.func @transform_1(%arg0: i32) -> (i32, i32) {
    %c0_i32 = arith.constant 0 : i32
    %c0_i32_0 = arith.constant 0 : i32
    return %c0_i32, %arg0 : i32, i32
  }
  func.func @transform_2(%arg0: i32) -> (i32, i32) {
    %c0_i32 = arith.constant 0 : i32
    %c0_i32_0 = arith.constant 0 : i32
    return %arg0, %c0_i32 : i32, i32
  }
  func.func @transform_3(%arg0: i32) -> (i32, i32) {
    %c0_i32 = arith.constant 0 : i32
    %c0_i32_0 = arith.constant 0 : i32
    return %arg0, %c0_i32 : i32, i32
  }
}

</mosaic_0001>

<sc_bundles>
// kernel: kernel.4.cloned.1.call-start
scs
__scs_entry_jumppad:
0x0: {  	(pc) =	sbr.rel $0x88, $3  }
0x1: {  	(tag) =	ssettag $0x0;
	lr =	simm.s32 $0x1  }
0x2: {  	[smem:$0x3F9C] =	sst lr;
	_ =	strace $0xD0000000  }
0x3: {  	_ = 	snop  }
0x4: {  	_ = 	snop  }
0x5: {  	_ = 	snop  }
0x6: {  	_ = 	snop  }
0x7: {  	_ = 	snop  }
__scs_overlays_trampoline_lowered:
0x8: {  	[smem:$0x3FAB] =	sst s0  }
0x9: {  	[smem:$0x3FAC] =	sst s1  }
0xa: {  	[smem:$0x3FAD] =	sst s2  }
0xb: {  	[smem:$0x3FAE] =	sst s3  }
0xc: {  	[smem:$0x3FAF] =	sst s4  }
0xd: {  	[smem:$0x3FB0] =	sst s5  }
0xe: {  	[smem:$0x3FB1] =	sst s6  }
0xf: {  	[smem:$0x3FB2] =	sst s7  }
0x10: {  	[smem:$0x3FB3] =	sst s8  }
0x11: {  	[smem:$0x3FB4] =	sst s9;
	s0 =	simm.s32 @!p0 $0x0  }
0x12: {  	s1 =	sld [smem:$0x3F9A];
	s0 =	simm.s32 @p0 $0x1  }
0x13: {  	[smem:$0x3FB5] =	sst s0;
	s0 =	simm.s32 @!p1 $0x0  }
0x14: {  	s2 =	sld [smem:$0x3F99];
	s0 =	simm.s32 @p1 $0x1  }
0x15: {  	[smem:$0x3FB6] =	sst s0;
	s0 =	simm.s32 @!p2 $0x0  }
0x16: {  	s3 =	sld [smem:$0x3FDB];
	s0 =	simm.s32 @p2 $0x1  }
0x17: {  	s4 =	simm.s32 $0x1BF5;
	[smem:$0x3FB8] =	sst s0  }
0x18: {  	s0 =	sld [smem:$0x3F9B];
	_ =	swait.ge [sflag:s4], $0x0  }
0x19: {  	s7 =	sld [smem:$0x3F9C]  }
0x1a: {  	s8 =	sadd.s32 $0xFFFFE003, lr  }
0x1b: {  	s9 =	sadd.s32 $0xFFFFFEF7, lr;
	s5 =	simm.s32 $0xFFFFFFFF;
	p2 =	slt.u32 s8, $0xFFFFF086  }
0x1c: {  	p1 =	slt.u32 s9, $0xF7A;
	s5 =	simm.s32 @!p2 $0x0  }
0x1d: {  	s5 =	simm.s32 @p1 $0x1;
	p0 =	seq.s32 s7, s2  }
0x1e: {  	s7 =	smul.u32 @!p0 $0xF7A, s2;
	p2 =	seq.s32 @!p0 s5, $0x0  }
0x1f: {  	s9 =	smul.u32 $0xF7A, s1;
	s8 =	simm.s32 @!p0 $0x1BF5;
	p2 =	por !p2, p0  }
0x20: {  	[sflag:s8] =	ssyncset.s32 @!p0 $0xFFFFF086;
	s6 =	sadd.s32 @!p0 s3, s7;
	s7 =	simm.s32 @!p0 $0x108  }
0x21: {  	s3 =	sadd.s32 s3, s9;
	s6 =	sadd.s32 @!p0 $0x88, s6;
	s7 =	simm.s32 @p2 $0x1082  }
0x22: {  	[simem:s7], [sflag:s8] =	dma.local @!p0 [hbm:s6], $0xF7A  }
0x23: {  	s9 =	sor.u32 $0xD0000000, s2;
	s6 =	simm.s32 $0x108;
	_ =	swait.ge @!p0 [sflag:s8], $0x0  }
0x24: {  	s3 =	sadd.s32 $0x88, s3;
	s6 =	simm.s32 @!p1 $0x1082;
	[sflag:s4] =	ssyncset.s32 $0xFFFFF086  }
0x25: {  	[simem:s6], [sflag:s4] =	dma.local [hbm:s3], $0xF7A  }
0x26: {  	[smem:$0x3F9C] =	sst s1;
	(tag) =	ssettag s2;
	_ =	strace s9  }
0x27: {  	s1 =	sld [smem:$0x3FAC]  }
0x28: {  	s2 =	sld [smem:$0x3FAD]  }
0x29: {  	s4 =	sld [smem:$0x3FAF]  }
0x2a: {  	p0 =	seq.s32 s5, $0x0;
	s5 =	sld [smem:$0x3FB0]  }
0x2b: {  	s6 =	sld [smem:$0x3FB1]  }
0x2c: {  	s7 =	sld [smem:$0x3FB2]  }
0x2d: {  	s3 =	simm.s32 $0x108;
	s8 =	sld [smem:$0x3FB3]  }
0x2e: {  	s3 =	simm.s32 @!p0 $0x1082;
	s9 =	sld [smem:$0x3FB4]  }
0x2f: {  	lr =	sadd.s32 s0, s3;
	s0 =	sld [smem:$0x3FAB]  }
0x30: {  	s3 =	sld [smem:$0x3FAE]  }
0x31: {  	[smem:$0x3FB7] =	sst s10  }
0x32: {  	s10 =	sld [smem:$0x3FB5];
	_ =	sdelay $0x3  }
0x33: {  	p0 =	seq.s32 s10, $0x1;
	s10 =	sld [smem:$0x3FB7];
	_ =	sdelay $0x3  }
0x34: {  	[smem:$0x3FB7] =	sst s10  }
0x35: {  	s10 =	sld [smem:$0x3FB6];
	_ =	sdelay $0x3  }
0x36: {  	p1 =	seq.s32 s10, $0x1;
	s10 =	sld [smem:$0x3FB7];
	_ =	sdelay $0x3  }
0x37: {  	[smem:$0x3FB7] =	sst s10  }
0x38: {  	s10 =	sld [smem:$0x3FB8]  }
0x39: {  	_ = 	snop;
	(pc) =	sbr.ind lr, $3  }
0x3a: {  	_ = 	snop  }
0x3b: {  	_ = 	snop  }
0x3c: {  	p2 =	seq.s32 s10, $0x1;
	s10 =	sld [smem:$0x3FB7]  }
0x3d: {  	_ =	shalt  }
0x3e: {  	_ =	shalt  }
0x3f: {  	_ =	shalt  }
0x40: {  	_ =	shalt  }
0x41: {  	_ =	shalt  }
0x42: {  	_ =	shalt  }
0x43: {  	_ =	shalt  }
0x44: {  	_ =	shalt  }
0x45: {  	_ =	shalt  }
0x46: {  	_ =	shalt  }
0x47: {  	_ =	shalt  }
0x48: {  	_ =	shalt  }
0x49: {  	_ =	shalt  }
0x4a: {  	_ =	shalt  }
0x4b: {  	_ =	shalt  }
0x4c: {  	_ =	shalt  }
0x4d: {  	_ =	shalt  }
0x4e: {  	_ =	shalt  }
0x4f: {  	_ =	shalt  }
0x50: {  	_ =	shalt  }
0x51: {  	_ =	shalt  }
0x52: {  	_ =	shalt  }
0x53: {  	_ =	shalt  }
0x54: {  	_ =	shalt  }
0x55: {  	_ =	shalt  }
0x56: {  	_ =	shalt  }
0x57: {  	_ =	shalt  }
0x58: {  	_ =	shalt  }
0x59: {  	_ =	shalt  }
0x5a: {  	_ =	shalt  }
0x5b: {  	_ =	shalt  }
0x5c: {  	_ =	shalt  }
0x5d: {  	_ =	shalt  }
0x5e: {  	_ =	shalt  }
0x5f: {  	_ =	shalt  }
0x60: {  	_ =	shalt  }
0x61: {  	_ =	shalt  }
0x62: {  	_ =	shalt  }
0x63: {  	_ =	shalt  }
0x64: {  	_ =	shalt  }
0x65: {  	_ =	shalt  }
0x66: {  	_ =	shalt  }
0x67: {  	_ =	shalt  }
0x68: {  	_ =	shalt  }
0x69: {  	_ =	shalt  }
0x6a: {  	_ =	shalt  }
0x6b: {  	_ =	shalt  }
0x6c: {  	_ =	shalt  }
0x6d: {  	_ =	shalt  }
0x6e: {  	_ =	shalt  }
0x6f: {  	_ =	shalt  }
0x70: {  	_ =	shalt  }
0x71: {  	_ =	shalt  }
0x72: {  	_ =	shalt  }
0x73: {  	_ =	shalt  }
0x74: {  	_ =	shalt  }
0x75: {  	_ =	shalt  }
0x76: {  	_ =	shalt  }
0x77: {  	_ =	shalt  }
0x78: {  	_ =	shalt  }
0x79: {  	_ =	shalt  }
0x7a: {  	_ =	shalt  }
0x7b: {  	_ =	shalt  }
0x7c: {  	_ =	shalt  }
0x7d: {  	_ =	shalt  }
0x7e: {  	_ =	shalt  }
0x7f: {  	_ =	shalt  }
0x80: {  	_ =	shalt  }
0x81: {  	_ =	shalt  }
0x82: {  	_ =	shalt  }
0x83: {  	_ =	shalt  }
0x84: {  	_ =	shalt  }
0x85: {  	_ =	shalt  }
0x86: {  	_ =	shalt  }
0x87: {  	_ =	shalt  }
.Lfunc_end0:
.L_simem_size_0:
called_computation_lowered:
.L_overlay_start_0:
0x88: {  	s2 =	sld [smem:$0x3FD9]  }
0x89: {  	s3 =	sld [smem:$0x3FFE];
	_ =	sdelay $0x1  }
0x8a: {  	s1 =	srdreg.scid  }
0x8b: {  	s0 =	sand.u32 $0x1, s1  }
0x8c: {  	s17 =	sshll.u32 s0, $0xA;
	s2 =	sadd.s32 s3, s2  }
0x8d: {  	s2 =	sadd.s32 s2, s17  }
0x8e: {  	[smem:$0x3FC3] =	sst s2  }
0x8f: {  	_ = 	snop  }
0x90: {  	s2 =	sld [smem:$0x3FD0];
	(tm) =	ssettm $0x1  }
0x91: {  	s18 =	sld [smem:$0x3FFB];
	_ =	sdelay $0x3  }
0x92: {  	_ =	strace s18  }
0x93: {  	s3 =	sld [smem:$0x3FFC];
	_ =	sdelay $0x3  }
0x94: {  	_ =	strace s3  }
0x95: {  	s3 =	sld [smem:$0x3FFD];
	_ =	sdelay $0x3  }
0x96: {  	_ =	strace s3  }
0x97: {  	_ =	strace $0x8FFFFFFF  }
0x98: {  	s19 =	sld [smem:$0x3FDB];
	_ =	sdelay $0x1  }
0x99: {  	s4 =	simm.s32 $_scs_section_size  }
0x9a: {  	s5 =	simm.s32 $_size__tile_overlayer_lowered;
	s6 =	simm.s32 $_tile_overlayer_lowered  }
0x9b: {  	s22 =	simm.s32 $0x1BFF;
	s21 =	sshll.u32 s6, $0x1;
	s3 =	sadd.s32 s4, s19  }
0x9c: {  	s7 =	simm.s32 $0x0;
	s20 =	sshll.u32 s5, $0x1;
	s5 =	sadd.s32 s21, s3  }
0x9d: {  	[timem:s7], [sflag:s22] =	dma.local [hbm:s5], s20  }
0x9e: {  	_ =	swait.ge [sflag:s22], s20  }
0x9f: {  	s4 =	ssub.s32 $0x0, s20;
	[sflag:s22] =	ssyncset.done $0x0  }
0xa0: {  	[sflag:s22] =	ssyncadd.s32 s4;
	_ =	sdelay $0x1  }
0xa1: {  	s23 =	simm.s32 $0x1B8B  }
0xa2: {  	_ =	swait.ge [sflag:s23], $0x1  }
0xa3: {  	[sflag:s23] =	ssyncset.done $0x0  }
0xa4: {  	s25 =	simm.s32 $0x1B8E;
	s24 =	sld [smem:$0x3FFE];
	[sflag:s23] =	ssyncadd.s32 $0xFFFFFFFF  }
0xa5: {  	s26 =	simm.s32 $execute0_lowered;
	[smem:$0x3FD2] =	sst s25  }
0xa6: {  	s5 =	sshll.u32 s26, $0x1;
	_ =	strace $0x80000046;
	[dreg:$0x1] =	wrdreg $0xFFFFFFFF  }
0xa7: {  	s28 =	simm.s32 $_size_execute0_lowered;
	s3 =	sadd.s32 s3, s5;
	[dreg:$0x0] =	wrdreg $0x0  }
0xa8: {  	s5 =	sshll.u32 s28, $0x1;
	[dreg:$0x2] =	wrdreg s3  }
0xa9: {  	[dreg:$0x3] =	wrdreg s5  }
0xaa: {  	[dreg:$0x4] =	wrdreg $0xC0  }
0xab: {  	_ =	task [dreg:s7], $0x5FFFF  }
0xac: {  	[dreg:$0x1] =	wrdreg $0xFFFFFFFF  }
0xad: {  	[dreg:$0x0] =	wrdreg $0x60  }
0xae: {  	[dreg:$0x2] =	wrdreg s24  }
0xaf: {  	[dreg:$0x3] =	wrdreg s2  }
0xb0: {  	[dreg:$0x4] =	wrdreg $0x9  }
0xb1: {  	_ =	task.clear_ibuf [dreg:s7], $0x5FFFF;
	_ =	strace $0x90000046  }
0xb2: {  	s29 =	simm.s32 $0x9;
	_ =	strace $0x80000048  }
0xb3: {  	_ =	swait.ge [sflag:s29], $0x1  }
0xb4: {  	[sflag:s29] =	ssyncadd.s32 $0xFFFFFFFF  }
0xb5: {  	_ =	strace $0x90000048  }
0xb6: {  	_ =	sfence  }
0xb7: {  	s30 =	sld [smem:$0x0];
	_ =	sdelay $0x2  }
0xb8: {  	s31 =	sshll.u32 s1, $0xD;
	s1 =	sshrl.u32 s1, $0x2  }
0xb9: {  	s3 =	sand.u32 $0x4000, s31;
	s1 =	sadd.s32 s1, s30  }
0xba: {  	s0 =	sor.u32 s3, s0;
	s1 =	sshll.u32 s1, $0x11  }
0xbb: {  	s0 =	sor.u32 s1, s0  }
0xbc: {  	s0 =	sadd.s32 $0x8F2B, s0  }
0xbd: {  	[sflag:s0] =	ssyncadd.remote.s32 $0x1  }
0xbe: {  	_ =	sfence.sel $0xFFFF  }
0xbf: {  	[dreg:$0x0] =	wrdreg $0xFFFFFFFF;
	(pc) =	sbr.abs _section_cstart, $3  }
0xc0: {  	[dreg:$0x1] =	wrdreg $0xFFFFFFFF  }
0xc1: {  	_ =	task.clear_ibuf [dreg:s7], $0x2FFFF;
	_ =	strace $0x9FFFFFFF  }
0xc2: {  	(tm) =	ssettm $0x7FFFFFFF  }
0xc3: {  	_ =	shalt  }
tec
execute0_lowered:
.L_overlay_start_1:
0x0: {  	(tag) =	ssettag $0x1  }
0x1: {  	s0 =	rddreg [dreg:$0x0]  }
0x2: {  	s1 =	rddreg [dreg:$0x1];
	s4 =	simm.s32 $0x0;
	s2 =	srdreg.scid  }
0x3: {  	s3 =	stileid.u32;
	[smem:$0x7FF] =	sst s4;
	s2 =	sand.u32 $0x1, s2  }
0x4: {  	s3 =	sshll.u32 s3, $0x1;
	s28 =	sadd.s32 $0x1800, s0;
	s5 =	sadd.s32 $0x3E1800, s0  }
0x5: {  	_ =	strace $0x80000047;
	s3 =	sor.u32 s2, s3;
	[dreg:$0x3] =	wrdreg s28  }
0x6: {  	vm0 =	vmmov $0x1;
	vm1 =	vmmov $0x3;
	vm2 =	vmmov $0x7;
	s2 =	ssub.s32 $0x2, s2;
	s29 =	smul.u32 $0xC0, s3;
	s3 =	sshll.u32 s3, $0x6  }
0x7: {  	vm3 =	vmmov $0xf;
	vm4 =	vmmov $0x1f;
	vm5 =	vmmov $0x3f;
	[dreg:$0x4] =	wrdreg s5;
	s30 =	sshrl.u32 s2, $0x1;
	s1 =	sadd.s32 s1, s3  }
0x8: {  	vm6 =	vmmov $0x7f;
	vm7 =	vmmov $0xff;
	vm8 =	vmmov $0x1ff;
	s2 =	ssub.s32 s2, s30;
	s0 =	sadd.s32 s0, s29;
	[dreg:$0x6] =	wrdreg s1  }
0x9: {  	vm9 =	vmmov $0x3ff;
	vm10 =	vmmov $0x7ff;
	vm11 =	vmmov $0xfff;
	s3 =	simm.s32 $0x0;
	s31 =	smax.u32 s2, $0x1;
	[dreg:$0x5] =	wrdreg s0  }
0xa: {  	vm12 =	vmmov $0x1fff;
	vm13 =	vmmov $0x3fff;
	vm14 =	vmmov $0x7fff;
	s2 =	simm.s32 $0x2;
	s0 =	simm.s32 $0x0;
	[dreg:$0x7] =	wrdreg s31  }
.LBB2_1:
0xb: {  	[dreg:$0x8] =	wrdreg s3  }
0xc: {  	s1 =	rddreg [dreg:$0x5]  }
0xd: {  	[tilespmem:s0], [sflag:$0x2] =	stream.linear.gather [hbm4b:s1+s0], $0x600, $0x38;
	[tilespmem:$0x18E00] =	vst v63  }
0xe: {  	_ =	swait.ge [sflag:s2], $0x600  }
0xf: {  	[sflag:s2] =	ssyncset.done $0x0  }
0x10: {  	[sflag:s2] =	ssyncadd.s32 $0xFFFFFA00  }
0x11: {  	v0 =	vld [tilespmem:$0x0]  }
0x12: {  	v1 =	vld [tilespmem:$0x200];
	_ =	sdelay $0x2  }
0x13: {  	v2 =	vld [tilespmem:$0x400]  }
0x14: {  	v3 =	vshra.s32 v0, $0x2  }
0x15: {  	v5 =	vld [tilespmem:$0x10];
	v4 =	vand.u32 $0x7F, v0;
	v0 =	vshrl.u32 v0, $0x2;
	v11 =	vshra.s32 v1, $0x2  }
0x16: {  	v13 =	vand.u32 $0x7F, v1;
	v1 =	vshrl.u32 v1, $0x2;
	v0 =	vand.u32 $0x60, v0  }
0x17: {  	v6 =	vld [tilespmem:$0x210];
	v3 =	vand.u32 $0xFFFFFF80, v3;
	v1 =	vand.u32 $0x60, v1;
	[tilespmem:$0x600] =	vst v0  }
0x18: {  	v15 =	vshra.s32 v2, $0x2;
	v12 =	vand.u32 $0xFFFFFF80, v11;
	v3 =	vor.u32 v4, v3;
	[tilespmem:$0x680] =	vst v1  }
0x19: {  	v18 =	vld [tilespmem:$0x410];
	v17 =	vand.u32 $0x7F, v2;
	v16 =	vand.u32 $0xFFFFFF80, v15;
	v14 =	vor.u32 v13, v12;
	[tilespmem:$0x900] =	vst v3  }
0x1a: {  	v19 =	vshrl.u32 v2, $0x2;
	v20 =	vshra.s32 v5, $0x2;
	v0 =	vor.u32 v17, v16;
	[tilespmem:$0x980] =	vst v14  }
0x1b: {  	v23 =	vld [tilespmem:$0x20];
	v22 =	vand.u32 $0x7F, v5;
	v21 =	vand.u32 $0xFFFFFF80, v20;
	v1 =	vand.u32 $0x60, v19;
	[tilespmem:$0xA00] =	vst v0  }
0x1c: {  	v24 =	vshrl.u32 v5, $0x2;
	v25 =	vshra.s32 v6, $0x2;
	[tilespmem:$0x700] =	vst v1;
	v0 =	vor.u32 v22, v21  }
0x1d: {  	v28 =	vld [tilespmem:$0x220];
	v27 =	vand.u32 $0x7F, v6;
	v26 =	vand.u32 $0xFFFFFF80, v25;
	v1 =	vand.u32 $0x60, v24;
	[tilespmem:$0x910] =	vst v0  }
0x1e: {  	v29 =	vshrl.u32 v6, $0x2;
	v30 =	vshra.s32 v18, $0x2;
	[tilespmem:$0x610] =	vst v1;
	v0 =	vor.u32 v27, v26  }
0x1f: {  	v33 =	vld [tilespmem:$0x420];
	v32 =	vand.u32 $0x7F, v18;
	v31 =	vand.u32 $0xFFFFFF80, v30;
	v1 =	vand.u32 $0x60, v29;
	[tilespmem:$0x990] =	vst v0  }
0x20: {  	v34 =	vshrl.u32 v18, $0x2;
	v35 =	vshra.s32 v23, $0x2;
	[tilespmem:$0x690] =	vst v1;
	v0 =	vor.u32 v32, v31  }
0x21: {  	v38 =	vld [tilespmem:$0x30];
	v37 =	vand.u32 $0x7F, v23;
	v36 =	vand.u32 $0xFFFFFF80, v35;
	v1 =	vand.u32 $0x60, v34;
	[tilespmem:$0xA10] =	vst v0  }
0x22: {  	v39 =	vshrl.u32 v23, $0x2;
	v40 =	vshra.s32 v28, $0x2;
	[tilespmem:$0x710] =	vst v1;
	v0 =	vor.u32 v37, v36  }
0x23: {  	v43 =	vld [tilespmem:$0x230];
	v42 =	vand.u32 $0x7F, v28;
	v41 =	vand.u32 $0xFFFFFF80, v40;
	v1 =	vand.u32 $0x60, v39;
	[tilespmem:$0x920] =	vst v0  }
0x24: {  	v44 =	vshrl.u32 v28, $0x2;
	v45 =	vshra.s32 v33, $0x2;
	[tilespmem:$0x620] =	vst v1;
	v0 =	vor.u32 v42, v41  }
0x25: {  	v48 =	vld [tilespmem:$0x430];
	v47 =	vand.u32 $0x7F, v33;
	v46 =	vand.u32 $0xFFFFFF80, v45;
	v1 =	vand.u32 $0x60, v44;
	[tilespmem:$0x9A0] =	vst v0  }
0x26: {  	v49 =	vshrl.u32 v33, $0x2;
	v50 =	vshra.s32 v38, $0x2;
	[tilespmem:$0x6A0] =	vst v1;
	v0 =	vor.u32 v47, v46  }
0x27: {  	v53 =	vld [tilespmem:$0x40];
	v52 =	vand.u32 $0x7F, v38;
	v51 =	vand.u32 $0xFFFFFF80, v50;
	v1 =	vand.u32 $0x60, v49;
	[tilespmem:$0xA20] =	vst v0  }
0x28: {  	v54 =	vshrl.u32 v38, $0x2;
	v55 =	vshra.s32 v43, $0x2;
	[tilespmem:$0x720] =	vst v1;
	v0 =	vor.u32 v52, v51  }
0x29: {  	v58 =	vld [tilespmem:$0x240];
	v57 =	vand.u32 $0x7F, v43;
	v56 =	vand.u32 $0xFFFFFF80, v55;
	v1 =	vand.u32 $0x60, v54;
	[tilespmem:$0x930] =	vst v0  }
0x2a: {  	v59 =	vshrl.u32 v43, $0x2;
	v60 =	vshra.s32 v48, $0x2;
	[tilespmem:$0x630] =	vst v1;
	v0 =	vor.u32 v57, v56  }
0x2b: {  	v63 =	vld [tilespmem:$0x440];
	v62 =	vand.u32 $0x7F, v48;
	v61 =	vand.u32 $0xFFFFFF80, v60;
	v1 =	vand.u32 $0x60, v59;
	[tilespmem:$0x9B0] =	vst v0  }
0x2c: {  	v5 =	vshrl.u32 v48, $0x2;
	v7 =	vshra.s32 v53, $0x2;
	[tilespmem:$0x6B0] =	vst v1;
	v0 =	vor.u32 v62, v61  }
0x2d: {  	v10 =	vld [tilespmem:$0x50];
	v9 =	vand.u32 $0x7F, v53;
	v8 =	vand.u32 $0xFFFFFF80, v7;
	v1 =	vand.u32 $0x60, v5;
	[tilespmem:$0xA30] =	vst v0  }
0x2e: {  	v11 =	vshrl.u32 v53, $0x2;
	v12 =	vshra.s32 v58, $0x2;
	[tilespmem:$0x730] =	vst v1;
	v0 =	vor.u32 v9, v8  }
0x2f: {  	v15 =	vld [tilespmem:$0x250];
	v13 =	vand.u32 $0xFFFFFF80, v12;
	v14 =	vand.u32 $0x7F, v58;
	v1 =	vand.u32 $0x60, v11;
	[tilespmem:$0x940] =	vst v0  }
0x30: {  	v16 =	vshrl.u32 v58, $0x2;
	v17 =	vshra.s32 v63, $0x2;
	[tilespmem:$0x640] =	vst v1;
	v0 =	vor.u32 v14, v13  }
0x31: {  	v20 =	vld [tilespmem:$0x450];
	v19 =	vand.u32 $0x7F, v63;
	v18 =	vand.u32 $0xFFFFFF80, v17;
	v1 =	vand.u32 $0x60, v16;
	[tilespmem:$0x9C0] =	vst v0  }
0x32: {  	v21 =	vshrl.u32 v63, $0x2;
	v22 =	vshra.s32 v10, $0x2;
	[tilespmem:$0x6C0] =	vst v1;
	v0 =	vor.u32 v19, v18  }
0x33: {  	v25 =	vld [tilespmem:$0x60];
	v24 =	vand.u32 $0x7F, v10;
	v23 =	vand.u32 $0xFFFFFF80, v22;
	v1 =	vand.u32 $0x60, v21;
	[tilespmem:$0xA40] =	vst v0  }
0x34: {  	v26 =	vshrl.u32 v10, $0x2;
	v27 =	vshra.s32 v15, $0x2;
	[tilespmem:$0x740] =	vst v1;
	v0 =	vor.u32 v24, v23  }
0x35: {  	v30 =	vld [tilespmem:$0x260];
	v29 =	vand.u32 $0x7F, v15;
	v28 =	vand.u32 $0xFFFFFF80, v27;
	v1 =	vand.u32 $0x60, v26;
	[tilespmem:$0x950] =	vst v0  }
0x36: {  	v31 =	vshrl.u32 v15, $0x2;
	v32 =	vshra.s32 v20, $0x2;
	[tilespmem:$0x650] =	vst v1;
	v0 =	vor.u32 v29, v28  }
0x37: {  	v35 =	vld [tilespmem:$0x460];
	v34 =	vand.u32 $0x7F, v20;
	v33 =	vand.u32 $0xFFFFFF80, v32;
	v1 =	vand.u32 $0x60, v31;
	[tilespmem:$0x9D0] =	vst v0  }
0x38: {  	v36 =	vshrl.u32 v20, $0x2;
	v37 =	vshra.s32 v25, $0x2;
	[tilespmem:$0x6D0] =	vst v1;
	v0 =	vor.u32 v34, v33  }
0x39: {  	v40 =	vld [tilespmem:$0x70];
	v39 =	vand.u32 $0x7F, v25;
	v38 =	vand.u32 $0xFFFFFF80, v37;
	v1 =	vand.u32 $0x60, v36;
	[tilespmem:$0xA50] =	vst v0  }
0x3a: {  	v41 =	vshrl.u32 v25, $0x2;
	v42 =	vshra.s32 v30, $0x2;
	[tilespmem:$0x750] =	vst v1;
	v0 =	vor.u32 v39, v38  }
0x3b: {  	v45 =	vld [tilespmem:$0x270];
	v44 =	vand.u32 $0x7F, v30;
	v43 =	vand.u32 $0xFFFFFF80, v42;
	v1 =	vand.u32 $0x60, v41;
	[tilespmem:$0x960] =	vst v0  }
0x3c: {  	v46 =	vshrl.u32 v30, $0x2;
	v47 =	vshra.s32 v35, $0x2;
	[tilespmem:$0x660] =	vst v1;
	v0 =	vor.u32 v44, v43  }
0x3d: {  	v50 =	vld [tilespmem:$0x470];
	v49 =	vand.u32 $0x7F, v35;
	v48 =	vand.u32 $0xFFFFFF80, v47;
	v1 =	vand.u32 $0x60, v46;
	[tilespmem:$0x9E0] =	vst v0  }
0x3e: {  	v51 =	vshrl.u32 v35, $0x2;
	v52 =	vshra.s32 v40, $0x2;
	[tilespmem:$0x6E0] =	vst v1;
	v0 =	vor.u32 v49, v48  }
0x3f: {  	v54 =	vand.u32 $0x7F, v40;
	v53 =	vand.u32 $0xFFFFFF80, v52;
	v1 =	vand.u32 $0x60, v51;
	[tilespmem:$0xA60] =	vst v0  }
0x40: {  	v55 =	vshrl.u32 v40, $0x2;
	v56 =	vshra.s32 v45, $0x2;
	[tilespmem:$0x760] =	vst v1;
	v0 =	vor.u32 v54, v53  }
0x41: {  	v58 =	vand.u32 $0x7F, v45;
	v57 =	vand.u32 $0xFFFFFF80, v56;
	v1 =	vand.u32 $0x60, v55;
	[tilespmem:$0x970] =	vst v0  }
0x42: {  	v60 =	vshra.s32 v50, $0x2;
	v59 =	vshrl.u32 v45, $0x2;
	[tilespmem:$0x670] =	vst v1;
	v0 =	vor.u32 v58, v57  }
0x43: {  	v61 =	vand.u32 $0xFFFFFF80, v60;
	v62 =	vand.u32 $0x7F, v50;
	v1 =	vand.u32 $0x60, v59;
	[tilespmem:$0x9F0] =	vst v0  }
0x44: {  	s23 =	simm.s32 $0x80;
	s24 =	simm.s32 $0x900;
	v63 =	vshrl.u32 v50, $0x2;
	[tilespmem:$0x6F0] =	vst v1;
	v0 =	vor.u32 v62, v61  }
0x45: {  	s25 =	simm.s32 $0xC00;
	s28 =	simm.s32 $0x980;
	s29 =	simm.s32 $0x8C00;
	v1 =	vand.u32 $0x60, v63;
	[tilespmem:$0xA70] =	vst v0  }
0x46: {  	s30 =	simm.s32 $0xA00;
	s31 =	simm.s32 $0x10C00;
	s22 =	rddreg [dreg:$0x3];
	[tilespmem:$0x770] =	vst v1  }
0x47: {  	[tilespmem:s25], [sflag:$0x1] =	stream.indirect.gather [hbm4b:s22+s23], $0x80, s24, s23, $0xb8;
	[tilespmem:$0x18E00] =	vst v63  }
0x48: {  	s6 =	simm.s32 $0x480;
	p0 =	por $0x1, $0x1;
	s26 =	rddreg [dreg:$0x4]  }
0x49: {  	[tilespmem:s29], [sflag:$0x1] =	stream.indirect.gather [hbm4b:s26+s23], $0x80, s28, s23, $0xb8;
	[tilespmem:$0x18E00] =	vst v63  }
0x4a: {  	p1 =	por $0x0, $0x0;
	s7 =	simm.s32 $0x18C00;
	s0 =	simm.s32 $0x0  }
0x4b: {  	[tilespmem:s31], [sflag:$0x1] =	stream.indirect.gather [hbm4b:s26+s23], $0x80, s30, s23, $0xb8;
	[tilespmem:$0x18E00] =	vst v63  }
.LBB2_3:
0x4c: {  	p2 =	seq.s32 s0, $0x3  }
.Ltmp0:
0x4d: {  	_ = 	snop;
	(pc) =	sbr.rel @p2 .LBB2_7-.Ltmp0, $2  }
0x4e: {  	_ =	sdelay $0x2  }
0x4f: {  	s8 =	sadd.s32 $0x1, s0  }
0x50: {  	v1 =	vmov s6;
	_ =	sdelay $0x1  }
0x51: {  	s0 =	simm.s32 $0x1  }
0x52: {  	s0 =	simm.s32 @!p0 $0x0  }
0x53: {  	s1 =	smul.u32 $0x600, s0;
	s0 =	simm.s32 $0x0  }
0x54: {  	v3 =	vld.idx.msk [tilespmem:v1+s0+$0xFFFFFC00 ss:$0x1], $0xffff  }
0x55: {  	s1 =	sshrl.u32 s1, $0x2  }
0x56: {  	s2 =	sadd.s32 $0x980, s1  }
0x57: {  	s1 =	sadd.s32 $0x680, s1;
	v2 =	vmov s2  }
0x58: {  	v0 =	vmov s1  }
0x59: {  	v4 =	vshra.s32 v3, $0x2  }
0x5a: {  	v5 =	vand.u32 $0x7F, v3;
	v4 =	vand.u32 $0xFFFFFF80, v4  }
0x5b: {  	v3 =	vshrl.u32 v3, $0x2;
	v4 =	vor.u32 v5, v4  }
0x5c: {  	v3 =	vand.u32 $0x60, v3;
	[tilespmem:v2+s0+$0xFFFFFF80 ss:$0x1] =	vst.idx.msk $0xffff, v4  }
0x5d: {  	[tilespmem:v0+s0+$0xFFFFFF80 ss:$0x1] =	vst.idx.msk $0xffff, v3  }
0x5e: {  	v3 =	vld.idx.msk [tilespmem:v1+s0+$0xFFFFFE00 ss:$0x1], $0xffff;
	_ =	sdelay $0x4  }
0x5f: {  	v4 =	vshra.s32 v3, $0x2  }
0x60: {  	v5 =	vand.u32 $0x7F, v3;
	v4 =	vand.u32 $0xFFFFFF80, v4  }
0x61: {  	v3 =	vshrl.u32 v3, $0x2;
	v4 =	vor.u32 v5, v4  }
0x62: {  	v3 =	vand.u32 $0x60, v3;
	[tilespmem:v2+s0+$0x0 ss:$0x1] =	vst.idx.msk $0xffff, v4  }
0x63: {  	[tilespmem:v0+s0+$0x0 ss:$0x1] =	vst.idx.msk $0xffff, v3  }
0x64: {  	v3 =	vld.idx.msk [tilespmem:v1+s0+$0x0 ss:$0x1], $0xffff;
	_ =	sdelay $0x4  }
0x65: {  	v4 =	vshra.s32 v3, $0x2  }
0x66: {  	v5 =	vand.u32 $0x7F, v3;
	v4 =	vand.u32 $0xFFFFFF80, v4  }
0x67: {  	v3 =	vshrl.u32 v3, $0x2;
	v4 =	vor.u32 v5, v4  }
0x68: {  	s3 =	simm.s32 $0x80;
	s1 =	sand.u32 $0x1, s8;
	s2 =	simm.s32 $0x40;
	v3 =	vand.u32 $0x60, v3;
	[tilespmem:v2+s0+$0x80 ss:$0x1] =	vst.idx.msk $0xffff, v4  }
.LBB2_5:
0x69: {  	p2 =	sne.s32 s3, $0x1C0  }
0x6a: {  	[tilespmem:v0+s0+$0x80 ss:$0x1] =	vst.idx.msk $0xffff, v3;
	s0 =	sshra.s32 s2, $0x2;
	s2 =	smov.u32 s3;
	s3 =	sadd.s32 $0x40, s3  }
0x6b: {  	v3 =	vld.idx.msk [tilespmem:v1+s0+$0xFFFFFC00 ss:$0x1], $0xffff;
	_ =	sdelay $0x5  }
0x6c: {  	v4 =	vshra.s32 v3, $0x2;
	v5 =	vshrl.u32 v3, $0x2  }
0x6d: {  	v3 =	vand.u32 $0x7F, v3;
	v4 =	vand.u32 $0xFFFFFF80, v4  }
0x6e: {  	v3 =	vor.u32 v3, v4  }
0x6f: {  	v4 =	vand.u32 $0x60, v5;
	[tilespmem:v2+s0+$0xFFFFFF80 ss:$0x1] =	vst.idx.msk $0xffff, v3  }
0x70: {  	[tilespmem:v0+s0+$0xFFFFFF80 ss:$0x1] =	vst.idx.msk $0xffff, v4  }
0x71: {  	v3 =	vld.idx.msk [tilespmem:v1+s0+$0xFFFFFE00 ss:$0x1], $0xffff;
	_ =	sdelay $0x5  }
0x72: {  	v4 =	vshra.s32 v3, $0x2;
	v5 =	vshrl.u32 v3, $0x2  }
0x73: {  	v3 =	vand.u32 $0x7F, v3;
	v4 =	vand.u32 $0xFFFFFF80, v4  }
0x74: {  	v3 =	vor.u32 v3, v4  }
0x75: {  	v4 =	vand.u32 $0x60, v5;
	[tilespmem:v2+s0+$0x0 ss:$0x1] =	vst.idx.msk $0xffff, v3  }
0x76: {  	[tilespmem:v0+s0+$0x0 ss:$0x1] =	vst.idx.msk $0xffff, v4  }
0x77: {  	v3 =	vld.idx.msk [tilespmem:v1+s0+$0x0 ss:$0x1], $0xffff;
	_ =	sdelay $0x4  }
.Ltmp1:
0x78: {  	(pc) =	sbr.rel @p2 .LBB2_5-.Ltmp1, $4  }
0x79: {  	v4 =	vshra.s32 v3, $0x2;
	v5 =	vshrl.u32 v3, $0x2  }
0x7a: {  	v3 =	vand.u32 $0x7F, v3;
	v4 =	vand.u32 $0xFFFFFF80, v4  }
0x7b: {  	v4 =	vor.u32 v3, v4  }
0x7c: {  	v3 =	vand.u32 $0x60, v5;
	[tilespmem:v2+s0+$0x80 ss:$0x1] =	vst.idx.msk $0xffff, v4  }
0x7d: {  	_ =	sdelay $0x3  }
0x7e: {  	s2 =	sshra.s32 s2, $0x2;
	[tilespmem:v0+s0+$0x80 ss:$0x1] =	vst.idx.msk $0xffff, v3  }
0x7f: {  	v3 =	vld.idx.msk [tilespmem:v1+s2+$0xFFFFFC00 ss:$0x1], $0xffff;
	_ =	sdelay $0x4  }
0x80: {  	v4 =	vshra.s32 v3, $0x2  }
0x81: {  	v5 =	vand.u32 $0x7F, v3;
	v4 =	vand.u32 $0xFFFFFF80, v4  }
0x82: {  	v3 =	vshrl.u32 v3, $0x2;
	v4 =	vor.u32 v5, v4  }
0x83: {  	v3 =	vand.u32 $0x60, v3;
	[tilespmem:v2+s2+$0xFFFFFF80 ss:$0x1] =	vst.idx.msk $0xffff, v4  }
0x84: {  	[tilespmem:v0+s2+$0xFFFFFF80 ss:$0x1] =	vst.idx.msk $0xffff, v3  }
0x85: {  	v3 =	vld.idx.msk [tilespmem:v1+s2+$0xFFFFFE00 ss:$0x1], $0xffff;
	_ =	sdelay $0x4  }
0x86: {  	v59 =	vshra.s32 v3, $0x2  }
0x87: {  	v60 =	vand.u32 $0x7F, v3;
	v4 =	vand.u32 $0xFFFFFF80, v59  }
0x88: {  	v3 =	vshrl.u32 v3, $0x2;
	v4 =	vor.u32 v60, v4  }
0x89: {  	v3 =	vand.u32 $0x60, v3;
	[tilespmem:v2+s2+$0x0 ss:$0x1] =	vst.idx.msk $0xffff, v4  }
0x8a: {  	[tilespmem:v0+s2+$0x0 ss:$0x1] =	vst.idx.msk $0xffff, v3  }
0x8b: {  	v61 =	vld.idx.msk [tilespmem:v1+s2+$0x0 ss:$0x1], $0xffff;
	_ =	sdelay $0x4  }
0x8c: {  	v62 =	vshra.s32 v61, $0x2  }
0x8d: {  	s25 =	smul.u32 $0x600, s1;
	v63 =	vand.u32 $0x7F, v61;
	v3 =	vand.u32 $0xFFFFFF80, v62  }
0x8e: {  	v1 =	vshrl.u32 v61, $0x2;
	v3 =	vor.u32 v63, v3  }
0x8f: {  	s26 =	sshll.u32 s1, $0xE;
	s4 =	rddreg [dreg:$0x3];
	s0 =	sshrl.u32 s25, $0x2;
	v1 =	vand.u32 $0x60, v1;
	[tilespmem:v2+s2+$0x80 ss:$0x1] =	vst.idx.msk $0xffff, v3  }
0x90: {  	s5 =	simm.s32 $0x80;
	s28 =	sor.u32 $0xC00, s26;
	s3 =	sadd.s32 $0x900, s0;
	[tilespmem:v0+s2+$0x80 ss:$0x1] =	vst.idx.msk $0xffff, v1  }
0x91: {  	[tilespmem:s28], [sflag:$0x1] =	stream.indirect.gather [hbm4b:s4+s5], $0x80, s3, s5, $0xb8;
	[tilespmem:$0x18E00] =	vst v63  }
0x92: {  	s31 =	rddreg [dreg:$0x4];
	s29 =	sor.u32 $0x8C00, s26;
	s30 =	sadd.s32 $0x980, s0  }
0x93: {  	[tilespmem:s29], [sflag:$0x1] =	stream.indirect.gather [hbm4b:s31+s5], $0x80, s30, s5, $0xb8;
	[tilespmem:$0x18E00] =	vst v63  }
0x94: {  	s1 =	sor.u32 $0x10C00, s26;
	s0 =	sor.u32 $0xA00, s0  }
0x95: {  	[tilespmem:s1], [sflag:$0x1] =	stream.indirect.gather [hbm4b:s31+s5], $0x80, s0, s5, $0xb8;
	[tilespmem:$0x18E00] =	vst v63  }
.LBB2_7:
0x96: {  	[dreg:$0xb] =	wrdreg s8  }
0x97: {  	[dreg:$0x9] =	wrdreg s6;
	s2 =	simm.s32 $0x1  }
0x98: {  	_ =	swait.ge [sflag:s2], $0x4000  }
0x99: {  	[sflag:s2] =	ssyncset.done $0x0  }
0x9a: {  	[sflag:s2] =	ssyncadd.s32 $0xFFFFC000  }
0x9b: {  	s0 =	simm.s32 $0x1;
	_ =	swait.ge [sflag:s2], $0x4000  }
0x9c: {  	s13 =	simm.s32 $0x0;
	s0 =	simm.s32 @!p1 $0x0;
	[sflag:s2] =	ssyncset.done $0x0  }
0x9d: {  	s1 =	sshll.u32 s0, $0xE;
	s0 =	smul.u32 $0x600, s0;
	[sflag:s2] =	ssyncadd.s32 $0xFFFFC000  }
0x9e: {  	s22 =	sor.u32 $0x10C00, s1;
	s23 =	sor.u32 $0x8C00, s1;
	_ =	swait.ge [sflag:s2], $0x4000  }
0x9f: {  	s24 =	sor.u32 $0xC00, s1;
	s0 =	sshrl.u32 s0, $0x2;
	[sflag:s2] =	ssyncset.done $0x0  }
0xa0: {  	v0 =	vmov s24;
	v1 =	vmov s23;
	v2 =	vmov s22;
	s0 =	sadd.s32 $0x700, s0;
	[dreg:$0xa] =	wrdreg s7;
	[sflag:s2] =	ssyncadd.s32 $0xFFFFC000  }
.LBB2_8:
0xa1: {  	v5 =	vld [tilespmem:s0+$0xFFFFFF00]  }
0xa2: {  	v4 =	vld [tilespmem:s0+$0xFFFFFF80]  }
0xa3: {  	v3 =	vld [tilespmem:s0+$0x0];
	_ =	sdelay $0x2  }
0xa4: {  	(v2sf) =	vpush v5, $0x0  }
0xa5: {  	(v2sf) =	vpush v4, $0x0  }
0xa6: {  	(v2sf) =	vpush v3, $0x0;
	_ =	sdelay $0x1  }
0xa7: {  	(v2sf) =	vpush v5, $0x1;
	_ =	sdelay $0x1  }
0xa8: {  	(v2sf) =	vpush v4, $0x1;
	_ =	sdelay $0x1  }
0xa9: {  	(v2sf) =	vpush v3, $0x1;
	_ =	sdelay $0x2  }
0xaa: {  	(v2sf) =	vpush v5, $0x2  }
0xab: {  	[dreg:$0xe] =	wrdreg s7  }
0xac: {  	[dreg:$0xd] =	wrdreg s13  }
0xad: {  	[dreg:$0xc] =	wrdreg s0;
	(v2sf) =	vpush v4, $0x2  }
0xae: {  	s31 =	rddreg [dreg:$0xd];
	s26 =	spop (v2sf)  }
0xaf: {  	s15 =	rddreg [dreg:$0xd];
	s2 =	spop (v2sf)  }
0xb0: {  	(v2sf) =	vpush v3, $0x2;
	s1 =	sand.u32 $0x7, s26;
	s0 =	sshll.u32 s26, $0x2;
	s4 =	spop (v2sf)  }
0xb1: {  	s0 =	sand.u32 $0xFFFFFFE0, s0;
	s1 =	sshll.u32 s1, $0x2;
	s8 =	sand.u32 $0x7, s2  }
0xb2: {  	s2 =	sshll.u32 s2, $0x2;
	s5 =	spop (v2sf);
	s3 =	sor.u32 s1, s0  }
0xb3: {  	(v2sf) =	vpush v5, $0x3;
	s2 =	sand.u32 $0xFFFFFFE0, s2;
	s29 =	sshll.u32 s8, $0x2;
	s30 =	sand.u32 $0x7, s4  }
0xb4: {  	s4 =	sshll.u32 s4, $0x2;
	s6 =	spop (v2sf);
	s3 =	sadd.s32 s3, s13  }
0xb5: {  	s2 =	sor.u32 s29, s2;
	s14 =	sand.u32 $0x7, s5;
	s5 =	sshll.u32 s5, $0x2  }
0xb6: {  	(v2sf) =	vpush v4, $0x3;
	s4 =	sand.u32 $0xFFFFFFE0, s4;
	s13 =	sshll.u32 s30, $0x2;
	s11 =	spop (v2sf)  }
0xb7: {  	s8 =	sshra.s32 s3, $0x2;
	s5 =	sand.u32 $0xFFFFFFE0, s5;
	s14 =	sshll.u32 s14, $0x2  }
0xb8: {  	s2 =	sadd.s32 s2, s31;
	s4 =	sor.u32 s13, s4;
	s17 =	sand.u32 $0x7, s6  }
0xb9: {  	(v2sf) =	vpush v3, $0x3;
	s6 =	sshll.u32 s6, $0x2;
	s9 =	spop (v2sf);
	s5 =	sor.u32 s14, s5  }
0xba: {  	s13 =	sshra.s32 s2, $0x2;
	s2 =	sadd.s32 s4, s15;
	s15 =	rddreg [dreg:$0xd]  }
0xbb: {  	(v2sf) =	vpush v5, $0x4;
	s6 =	sand.u32 $0xFFFFFFE0, s6;
	s14 =	sshll.u32 s17, $0x2;
	s19 =	sand.u32 $0x7, s11  }
0xbc: {  	(v2sf) =	vpush v4, $0x4;
	s11 =	sshll.u32 s11, $0x2;
	s12 =	spop (v2sf);
	s5 =	sshra.s32 s5, $0x2  }
0xbd: {  	(v2sf) =	vpush v3, $0x4;
	s29 =	sshra.s32 s15, $0x2;
	s17 =	sshra.s32 s2, $0x2;
	s18 =	sor.u32 s14, s6  }
0xbe: {  	(v2sf) =	vpush v5, $0x5;
	s11 =	sand.u32 $0xFFFFFFE0, s11;
	s14 =	sshll.u32 s19, $0x2;
	s21 =	sand.u32 $0x7, s9  }
0xbf: {  	(v2sf) =	vpush v4, $0x5;
	s9 =	sshll.u32 s9, $0x2;
	s28 =	spop (v2sf);
	s16 =	sadd.s32 s5, s24  }
0xc0: {  	s2 =	sshra.s32 s18, $0x2;
	s11 =	sor.u32 s14, s11;
	s18 =	sand.u32 $0xFFFFFFE0, s9  }
0xc1: {  	s14 =	sshll.u32 s21, $0x2;
	s25 =	sand.u32 $0x7, s12;
	s12 =	sshll.u32 s12, $0x2  }
0xc2: {  	s10 =	spop (v2sf);
	s4 =	sadd.s32 s29, s16;
	s20 =	sadd.s32 s2, s23  }
0xc3: {  	s11 =	sshra.s32 s11, $0x2;
	s14 =	sor.u32 s14, s18;
	s12 =	sand.u32 $0xFFFFFFE0, s12  }
0xc4: {  	s18 =	sshll.u32 s25, $0x2;
	s26 =	sand.u32 $0x7, s28;
	s7 =	sshll.u32 s28, $0x2  }
0xc5: {  	s1 =	spop (v2sf);
	s16 =	sadd.s32 s29, s20;
	s11 =	sadd.s32 s11, s22  }
0xc6: {  	s14 =	sshra.s32 s14, $0x2;
	s12 =	sor.u32 s18, s12;
	s19 =	sand.u32 $0xFFFFFFE0, s7  }
0xc7: {  	s18 =	sshll.u32 s26, $0x2;
	s31 =	sand.u32 $0x7, s10;
	s10 =	sshll.u32 s10, $0x2  }
0xc8: {  	(v2sf) =	vpush v3, $0x5;
	s0 =	spop (v2sf);
	s9 =	sadd.s32 s29, s11;
	s14 =	sadd.s32 s14, s24  }
0xc9: {  	(v2sf) =	vpush v5, $0x6;
	s12 =	sshra.s32 s12, $0x2;
	s18 =	sor.u32 s18, s19;
	s10 =	sand.u32 $0xFFFFFFE0, s10  }
0xca: {  	(v2sf) =	vpush v4, $0x6;
	s19 =	sshll.u32 s31, $0x2;
	s20 =	sand.u32 $0x7, s1;
	s3 =	spop (v2sf)  }
0xcb: {  	(v2sf) =	vpush v3, $0x6;
	s1 =	sshll.u32 s1, $0x2;
	s7 =	sadd.s32 s29, s14;
	s5 =	spop (v2sf)  }
0xcc: {  	s28 =	sadd.s32 s12, s23;
	s18 =	sshra.s32 s18, $0x2;
	s6 =	spop (v2sf);
	(v2sf) =	vpush v5, $0x7  }
0xcd: {  	s10 =	sor.u32 s19, s10;
	s25 =	sand.u32 $0xFFFFFFE0, s1;
	s2 =	spop (v2sf);
	(v2sf) =	vpush v4, $0x7  }
0xce: {  	s26 =	sand.u32 $0x7, s0;
	s21 =	sadd.s32 s29, s28;
	s15 =	spop (v2sf);
	(v2sf) =	vpush v3, $0x7  }
0xcf: {  	v6 =	vld.idx.msk [tilespmem:v0+s8+$0x0 ss:$0x1], $0xffff;
	s18 =	sadd.s32 s18, s22;
	s10 =	sshra.s32 s10, $0x2;
	s28 =	sshll.u32 s0, $0x2  }
0xd0: {  	v7 =	vld.idx.msk [tilespmem:v0+s8+$0x10 ss:$0x1], $0xffff;
	s31 =	sadd.s32 s29, s18;
	s19 =	sadd.s32 s10, s24;
	s10 =	sshll.u32 s20, $0x2  }
0xd1: {  	v8 =	vld.idx.msk [tilespmem:v1+s13+$0x0 ss:$0x1], $0xffff;
	s18 =	sshll.u32 s26, $0x2;
	s26 =	sand.u32 $0x7, s3;
	s3 =	sshll.u32 s3, $0x2  }
0xd2: {  	v10 =	vld.idx.msk [tilespmem:v2+s17+$0x0 ss:$0x1], $0xffff;
	s8 =	sadd.s32 s29, s19;
	s10 =	sor.u32 s10, s25;
	s19 =	sand.u32 $0xFFFFFFE0, s28  }
0xd3: {  	v11 =	vld.idx.msk [tilespmem:v2+s17+$0x10 ss:$0x1], $0xffff;
	s3 =	sand.u32 $0xFFFFFFE0, s3;
	s10 =	sshra.s32 s10, $0x2;
	s17 =	sor.u32 s18, s19  }
0xd4: {  	v12 =	vld [tilespmem:s4+$0x80];
	s20 =	sadd.s32 s10, s23;
	s25 =	sshra.s32 s17, $0x2;
	s17 =	sshll.u32 s26, $0x2  }
0xd5: {  	v13 =	vld [tilespmem:s4+$0x90];
	s28 =	sadd.s32 s25, s22;
	s4 =	sadd.s32 s29, s20;
	s3 =	sor.u32 s17, s3  }
0xd6: {  	v9 =	vld.idx.msk [tilespmem:v1+s13+$0x10 ss:$0x1], $0xffff;
	s17 =	sand.u32 $0x7, s5;
	s5 =	sshll.u32 s5, $0x2;
	s20 =	sand.u32 $0x7, s6  }
0xd7: {  	s6 =	sshll.u32 s6, $0x2;
	s18 =	sadd.s32 s29, s28;
	s30 =	spop (v2sf)  }
0xd8: {  	v16 =	vld [tilespmem:s16+$0x80];
	s3 =	sshra.s32 s3, $0x2;
	s5 =	sand.u32 $0xFFFFFFE0, s5;
	s11 =	spop (v2sf);
	(v2sf) =	vpush v5, $0x8  }
0xd9: {  	v14 =	vmul.f32 v6, v6;
	v19 =	vld [tilespmem:s16+$0x90];
	s16 =	sshll.u32 s17, $0x2;
	s6 =	sand.u32 $0xFFFFFFE0, s6;
	s12 =	spop (v2sf);
	(v2sf) =	vpush v4, $0x8  }
0xda: {  	v15 =	vmul.f32 v7, v7;
	v17 =	vmul.f32 v8, v8;
	s25 =	sand.u32 $0x7, s2;
	s2 =	sshll.u32 s2, $0x2;
	s14 =	spop (v2sf);
	(v2sf) =	vpush v3, $0x8  }
0xdb: {  	v18 =	vmul.f32 v9, v9;
	v8 =	vmul.f32 v8, v6;
	s3 =	sadd.s32 s3, s24;
	s19 =	sor.u32 s16, s5;
	s1 =	spop (v2sf);
	(v2sf) =	vpush v5, $0x9  }
0xdc: {  	v9 =	vmul.f32 v9, v7;
	v27 =	vld [tilespmem:s9+$0x80];
	v14 =	vadd.f32 v15, v14;
	s16 =	sshll.u32 s20, $0x2;
	s2 =	sand.u32 $0xFFFFFFE0, s2;
	s13 =	spop (v2sf);
	(v2sf) =	vpush v4, $0x9  }
0xdd: {  	v28 =	vld [tilespmem:s9+$0x90];
	v26 =	vmul.f32 v10, v10;
	v20 =	vmul.f32 v11, v11;
	s26 =	sshll.u32 s25, $0x2;
	s20 =	sand.u32 $0x7, s15;
	s0 =	spop (v2sf);
	(v2sf) =	vpush v3, $0x9  }
0xde: {  	v6 =	vmul.f32 v10, v6;
	v7 =	vmul.f32 v11, v7;
	v17 =	vadd.f32 v18, v17;
	s15 =	sshll.u32 s15, $0x2;
	s3 =	sadd.s32 s29, s3;
	s9 =	sshra.s32 s19, $0x2  }
0xdf: {  	v8 =	vadd.f32 v9, v8;
	v29 =	vadd.f32 v20, v26;
	(xrf2) =	vadd.scan.msk.f32 $0xffff, v14;
	s16 =	sor.u32 s16, s6;
	s28 =	sor.u32 s26, s2;
	s15 =	sand.u32 $0xFFFFFFE0, s15  }
0xe0: {  	v30 =	vmul.f32 v12, v12;
	v31 =	vmul.f32 v13, v13;
	v33 =	vadd.f32 v7, v6;
	(xrf2) =	vadd.scan.msk.f32 $0xffff, v17;
	s20 =	sshll.u32 s20, $0x2;
	s26 =	sand.u32 $0x7, s30;
	s30 =	sshll.u32 s30, $0x2  }
0xe1: {  	v34 =	vld [tilespmem:s7+$0x100];
	v32 =	vmul.f32 v16, v16;
	v21 =	vmul.f32 v19, v19;
	(xrf2) =	vadd.scan.msk.f32 $0xffff, v29;
	s9 =	sadd.s32 s9, s23;
	s16 =	sshra.s32 s16, $0x2;
	s19 =	sshra.s32 s28, $0x2;
	(v2sf) =	vpush v5, $0xA  }
0xe2: {  	v35 =	vld [tilespmem:s7+$0x110];
	v15 =	vadd.f32 v31, v30;
	v43 =	vmul.f32 v27, v27;
	v44 =	vmul.f32 v28, v28;
	(xrf2) =	vadd.scan.msk.f32 $0xffff, v8;
	s28 =	sor.u32 s20, s15;
	s30 =	sand.u32 $0xFFFFFFE0, s30;
	s9 =	sadd.s32 s29, s9  }
0xe3: {  	v50 =	vld [tilespmem:s21+$0x100];
	v45 =	vmul.f32 v16, v12;
	v46 =	vmul.f32 v19, v13;
	v9 =	vadd.f32 v21, v32;
	(xrf2) =	vadd.scan.msk.f32 $0xffff, v33;
	s16 =	sadd.s32 s16, s22;
	s19 =	sadd.s32 s19, s24;
	s25 =	sshra.s32 s28, $0x2  }
0xe4: {  	v52 =	vld [tilespmem:s21+$0x110];
	v11 =	vadd.f32 v44, v43;
	(xrf2) =	vadd.scan.msk.f32 $0xffff, v15;
	s28 =	sshll.u32 s26, $0x2;
	s20 =	sadd.s32 s29, s16;
	s19 =	sadd.s32 s29, s19  }
0xe5: {  	v56 =	vld [tilespmem:s31+$0x100];
	v8 =	vadd.f32 v46, v45;
	(xrf2) =	vadd.scan.msk.f32 $0xffff, v9;
	s16 =	sadd.s32 s25, s23;
	s30 =	sor.u32 s28, s30;
	s25 =	sand.u32 $0x7, s11  }
0xe6: {  	v58 =	vld [tilespmem:s31+$0x110];
	(xrf2) =	vadd.scan.msk.f32 $0xffff, v11;
	s11 =	sshll.u32 s11, $0x2;
	s26 =	sshll.u32 s12, $0x2;
	s12 =	sand.u32 $0x7, s12  }
0xe7: {  	v62 =	vld [tilespmem:s8+$0x180];
	v12 =	vmul.f32 v27, v12;
	v10 =	vmul.f32 v28, v13;
	(xrf2) =	vadd.scan.msk.f32 $0xffff, v8;
	s16 =	sadd.s32 s29, s16;
	s21 =	sshra.s32 s30, $0x2;
	s10 =	spop (v2sf)  }
0xe8: {  	v63 =	vld [tilespmem:s8+$0x190];
	v47 =	vmul.f32 v34, v34;
	s11 =	sand.u32 $0xFFFFFFE0, s11;
	s28 =	sshll.u32 s25, $0x2;
	(v2sf) =	vpush v4, $0xA;
	s5 =	spop (v2sf)  }
0xe9: {  	v48 =	vmul.f32 v35, v35;
	v10 =	vadd.f32 v10, v12;
	v25 =	vld [tilespmem:s4+$0x190];
	v51, _, _ =	vpop (xrf2);
	s30 =	sand.u32 $0x7, s14;
	s28 =	sor.u32 s28, s11;
	(v2sf) =	vpush v3, $0xA;
	s6 =	spop (v2sf)  }
0xea: {  	v60 =	vmul.f32 v50, v50;
	v61 =	vmul.f32 v52, v52;
	v36 =	vld [tilespmem:s4+$0x180];
	s31 =	sshll.u32 s14, $0x2;
	v53, _, _ =	vpop (xrf2);
	s28 =	sshra.s32 s28, $0x2;
	(v2sf) =	vpush v5, $0xB;
	s7 =	spop (v2sf)  }
0xeb: {  	v37 =	vld [tilespmem:s18+$0x180];
	v41 =	vmul.f32 v56, v56;
	v42 =	vmul.f32 v58, v58;
	s21 =	sadd.s32 s21, s22;
	v54, _, _ =	vpop (xrf2);
	s25 =	sadd.s32 s28, s24;
	(v2sf) =	vpush v4, $0xB;
	s2 =	spop (v2sf)  }
0xec: {  	v27 =	vld [tilespmem:s18+$0x190];
	v15 =	vmul.f32 v52, v35;
	v6 =	vmul.f32 v56, v34;
	v55, _, _ =	vpop (xrf2);
	s28 =	sand.u32 $0xFFFFFFE0, s26;
	s26 =	sshll.u32 s12, $0x2;
	s17 =	spop (v2sf);
	(v2sf) =	vpush v3, $0xB  }
0xed: {  	v45 =	vmul.f32 v62, v62;
	v46 =	vmul.f32 v63, v63;
	v43 =	vld [tilespmem:s9+$0x200];
	s31 =	sand.u32 $0xFFFFFFE0, s31;
	s30 =	sshll.u32 s30, $0x2;
	v57, _, _ =	vpop (xrf2);
	s26 =	sor.u32 s26, s28;
	(v2sf) =	vpush v5, $0xC  }
0xee: {  	(xrf2) =	vadd.scan.msk.f32 $0xffff, v10;
	v44 =	vld [tilespmem:s9+$0x210];
	v52 =	vmul.f32 v25, v63;
	v10 =	vbroadcast v51, $0xF;
	s28 =	sor.u32 s30, s31;
	s8 =	sadd.s32 s29, s25;
	v59, _, _ =	vpop (xrf2);
	s25 =	sshra.s32 s26, $0x2;
	(v2sf) =	vpush v4, $0xC  }
0xef: {  	v49 =	vadd.f32 v48, v47;
	v47 =	vld [tilespmem:s20+$0x200];
	v51 =	vmul.f32 v36, v62;
	s21 =	sadd.s32 s29, s21;
	v11 =	vbroadcast v54, $0xF;
	s28 =	sshra.s32 s28, $0x2;
	v22, _, _ =	vpop (xrf2);
	s18 =	sadd.s32 s25, s23  }
0xf0: {  	v54 =	vmul.f32 v37, v62;
	v62 =	vld [tilespmem:s21+$0x280];
	v12 =	vbroadcast v55, $0xF;
	s28 =	sadd.s32 s28, s22;
	v23, _, _ =	vpop (xrf2);
	s31 =	sshll.u32 s1, $0x2;
	s15 =	spop (v2sf);
	(v2sf) =	vpush v3, $0xC  }
0xf1: {  	v55 =	vmul.f32 v27, v63;
	v63 =	vld [tilespmem:s21+$0x290];
	s21 =	sadd.s32 s29, s18;
	v24, _, _ =	vpop (xrf2);
	s4 =	sand.u32 $0x7, s1;
	v23 =	vbroadcast v23, $0xF;
	s30 =	sand.u32 $0xFFFFFFE0, s31  }
0xf2: {  	v7 =	vmul.f32 v58, v35;
	v32 =	vld [tilespmem:s19+$0x280];
	v24 =	vbroadcast v24, $0xF;
	s4 =	sshll.u32 s4, $0x2;
	s26 =	sand.u32 $0x7, s13;
	s13 =	sshll.u32 s13, $0x2  }
0xf3: {  	v18 =	vadd.f32 v61, v60;
	v9 =	vmul.f32 v50, v34;
	(xrf2) =	vadd.scan.msk.f32 $0xffff, v49;
	s4 =	sor.u32 s4, s30;
	v11 =	vsel vm0, v11, v23;
	v23 =	vld [tilespmem:s3+$0x200];
	s13 =	sand.u32 $0xFFFFFFE0, s13;
	s26 =	sshll.u32 s26, $0x2  }
0xf4: {  	v6 =	vadd.f32 v7, v6;
	v29 =	vmul.f32 v25, v25;
	s25 =	sand.u32 $0x7, s0;
	s0 =	sshll.u32 s0, $0x2;
	v12 =	vsel vm0, v12, v24;
	v24 =	vld [tilespmem:s3+$0x210];
	s3 =	sor.u32 s26, s13  }
0xf5: {  	v9 =	vadd.f32 v15, v9;
	v49 =	vmul.f32 v36, v36;
	v30 =	vmul.f32 v37, v37;
	v33 =	vld [tilespmem:s19+$0x290];
	s0 =	sand.u32 $0xFFFFFFE0, s0;
	s13 =	sshll.u32 s25, $0x2;
	s25 =	sadd.s32 s29, s28  }
0xf6: {  	v50 =	vadd.f32 v46, v45;
	v31 =	vmul.f32 v27, v27;
	v58 =	vld [tilespmem:s16+$0x290];
	v8 =	vbroadcast v53, $0xF;
	(xrf2) =	vadd.scan.msk.f32 $0xffff, v18;
	s4 =	sshra.s32 s4, $0x2;
	s26 =	sand.u32 $0x7, s10;
	s10 =	sshll.u32 s10, $0x2  }
0xf7: {  	v48 =	vld [tilespmem:s20+$0x210];
	v7 =	vadd.f32 v29, v49;
	v14 =	vbroadcast v59, $0xF;
	v22 =	vbroadcast v22, $0xF;
	s20 =	sor.u32 s13, s0;
	s10 =	sand.u32 $0xFFFFFFE0, s10;
	s11 =	spop (v2sf)  }
0xf8: {  	v17 =	vadd.f32 v52, v51;
	v35 =	vmul.f32 v43, v43;
	v36 =	vmul.f32 v44, v44;
	s9 =	sshll.u32 s26, $0x2;
	s26 =	sand.u32 $0x7, s5;
	s14 =	spop (v2sf)  }
0xf9: {  	v28 =	vsel vm0, v10, v14;
	v10 =	vsel vm0, v8, v22;
	v8 =	vadd.f32 v42, v41;
	s5 =	sshll.u32 s5, $0x2;
	s9 =	sor.u32 s9, s10;
	s12 =	spop (v2sf)  }
0xfa: {  	v13 =	vbroadcast v57, $0xF;
	v57 =	vadd.f32 v31, v30;
	v45 =	vmul.f32 v32, v32;
	s5 =	sand.u32 $0xFFFFFFE0, s5;
	s10 =	sshll.u32 s26, $0x2;
	s1 =	spop (v2sf)  }
0xfb: {  	v46 =	vmul.f32 v33, v33;
	v59 =	vadd.f32 v55, v54;
	v49 =	vmul.f32 v58, v58;
	(xrf2) =	vadd.scan.msk.f32 $0xffff, v8;
	s13 =	sand.u32 $0x7, s6;
	s6 =	sshll.u32 s6, $0x2;
	s31 =	spop (v2sf)  }
0xfc: {  	v56 =	vld [tilespmem:s16+$0x280];
	v19 =	vmul.f32 v58, v33;
	v58 =	vmul.f32 v62, v32;
	v26, _, _ =	vpop (xrf2);
	(xrf2) =	vadd.scan.msk.f32 $0xffff, v9;
	s5 =	sor.u32 s10, s5;
	s6 =	sand.u32 $0xFFFFFFE0, s6;
	(v2sf) =	vpush v5, $0xD;
	s30 =	spop (v2sf)  }
0xfd: {  	v29 =	vld [tilespmem:s8+$0x300];
	v54 =	vmul.f32 v63, v63;
	v38 =	vbroadcast v26, $0xF;
	v39, _, _ =	vpop (xrf2);
	(xrf2) =	vadd.scan.msk.f32 $0xffff, v6;
	s16 =	sand.u32 $0x7, s7;
	s7 =	sshll.u32 s7, $0x2;
	s0 =	spop (v2sf);
	(v2sf) =	vpush v4, $0xD  }
0xfe: {  	v30 =	vld [tilespmem:s8+$0x310];
	v52 =	vadd.f32 v46, v45;
	v40 =	vbroadcast v39, $0xF;
	v39 =	vmul.f32 v48, v48;
	(xrf2) =	vadd.scan.msk.f32 $0xffff, v50;
	s10 =	sshll.u32 s13, $0x2;
	s7 =	sand.u32 $0xFFFFFFE0, s7;
	s13 =	sshll.u32 s16, $0x2  }
0xff: {  	v22 =	vld [tilespmem:s21+$0x300];
	v60 =	vmul.f32 v23, v23;
	(xrf2) =	vadd.scan.msk.f32 $0xffff, v7;
	v61 =	vmul.f32 v24, v24;
	s16 =	sor.u32 s10, s6;
	s6 =	sor.u32 s13, s7;
	s13 =	spop (v2sf);
	(v2sf) =	vpush v3, $0xD  }
0x100: {  	v14 =	vsel vm0, v13, v38;
	v53, _, _ =	vpop (xrf2);
	v38 =	vmul.f32 v47, v47;
	s3 =	sshra.s32 s3, $0x2;
	s4 =	sadd.s32 s4, s24;
	v26 =	vld [tilespmem:s25+$0x310];
	v13 =	vsel vm1, v28, v40;
	(xrf2) =	vadd.scan.msk.f32 $0xffff, v57  }
0x101: {  	v15 =	vbroadcast v53, $0xF;
	s3 =	sadd.s32 s3, s23;
	s28 =	sadd.s32 s29, s4;
	v53 =	vmul.f32 v62, v62;
	v50 =	vld [tilespmem:s25+$0x300];
	(xrf2) =	vadd.scan.msk.f32 $0xffff, v17;
	v37 =	vadd.f32 v61, v60  }
0x102: {  	s3 =	sadd.s32 s29, s3;
	v25 =	vld [tilespmem:s28+$0x390];
	v7 =	vadd.f32 v36, v35;
	v40 =	vmul.f32 v43, v23;
	v16 =	vmul.f32 v44, v24;
	s9 =	sshra.s32 s9, $0x2;
	(xrf2) =	vadd.scan.msk.f32 $0xffff, v59  }
0x103: {  	v41 =	vadd.f32 v39, v38;
	s26 =	sshra.s32 s20, $0x2;
	v42 =	vmul.f32 v47, v23;
	v23 =	vld [tilespmem:s21+$0x310];
	v43 =	vmul.f32 v48, v24;
	s5 =	sshra.s32 s5, $0x2;
	s4 =	sadd.s32 s9, s24;
	(xrf2) =	vadd.scan.msk.f32 $0xffff, v37  }
0x104: {  	v62 =	vmul.f32 v30, v30;
	v46 =	vmul.f32 v22, v29;
	v35 =	vld [tilespmem:s3+$0x390];
	s8 =	sadd.s32 s26, s22;
	v44 =	vadd.f32 v16, v40;
	s5 =	sadd.s32 s5, s23;
	s20 =	sadd.s32 s29, s4;
	(xrf2) =	vadd.scan.msk.f32 $0xffff, v7  }
0x105: {  	v48 =	vmul.f32 v56, v56;
	v47 =	vadd.f32 v43, v42;
	v59 =	vmul.f32 v63, v33;
	v63 =	vld [tilespmem:s3+$0x380];
	s5 =	sadd.s32 s29, s5;
	v51, _, _ =	vpop (xrf2);
	(xrf2) =	vadd.scan.msk.f32 $0xffff, v41;
	s21 =	sand.u32 $0x7, s2;
	s2 =	sshll.u32 s2, $0x2  }
0x106: {  	v34 =	vld [tilespmem:s28+$0x380];
	v56 =	vmul.f32 v56, v32;
	v57 =	vadd.f32 v54, v53;
	v61 =	vmul.f32 v29, v29;
	v16, _, _ =	vpop (xrf2);
	(xrf2) =	vadd.scan.msk.f32 $0xffff, v44;
	s7 =	sadd.s32 s29, s8;
	s16 =	sshra.s32 s16, $0x2;
	s2 =	sand.u32 $0xFFFFFFE0, s2  }
0x107: {  	v55 =	vadd.f32 v49, v48;
	v42 =	vmul.f32 v22, v22;
	v53 =	vmul.f32 v25, v25;
	v17, _, _ =	vpop (xrf2);
	(xrf2) =	vadd.scan.msk.f32 $0xffff, v47;
	s26 =	sand.u32 $0x7, s17;
	s28 =	sshll.u32 s17, $0x2;
	s8 =	sadd.s32 s16, s22  }
0x108: {  	v60 =	vadd.f32 v19, v56;
	v21 =	vld [tilespmem:s20+$0x410];
	v43 =	vmul.f32 v23, v23;
	v37 =	vmul.f32 v26, v26;
	v18, _, _ =	vpop (xrf2);
	(xrf2) =	vadd.scan.msk.f32 $0xffff, v52;
	s6 =	sshra.s32 s6, $0x2;
	s17 =	sand.u32 $0xFFFFFFE0, s28;
	s18 =	sand.u32 $0x7, s15  }
0x109: {  	v20 =	vadd.f32 v59, v58;
	v19 =	vld [tilespmem:s5+$0x400];
	v59 =	vmul.f32 v35, v25;
	v44 =	vmul.f32 v50, v50;
	v31, _, _ =	vpop (xrf2);
	(xrf2) =	vadd.scan.msk.f32 $0xffff, v55;
	s15 =	sshll.u32 s15, $0x2;
	s4 =	sadd.s32 s29, s8;
	s6 =	sadd.s32 s6, s24  }
0x10a: {  	v45 =	vadd.f32 v62, v61;
	v50 =	vmul.f32 v50, v29;
	v54 =	vmul.f32 v63, v63;
	v36, _, _ =	vpop (xrf2);
	v38 =	vld [tilespmem:s7+$0x380];
	s8 =	sshll.u32 s21, $0x2;
	(xrf2) =	vadd.scan.msk.f32 $0xffff, v57;
	s19 =	sand.u32 $0xFFFFFFE0, s15;
	s3 =	sadd.s32 s29, s6  }
0x10b: {  	v48 =	vadd.f32 v43, v42;
	v58 =	vmul.f32 v63, v34;
	v47 =	vmul.f32 v23, v30;
	v39 =	vld [tilespmem:s7+$0x390];
	v6, _, _ =	vpop (xrf2);
	s25 =	sor.u32 s8, s2;
	(xrf2) =	vadd.scan.msk.f32 $0xffff, v60;
	s8 =	sshll.u32 s26, $0x2;
	s10 =	spop (v2sf)  }
0x10c: {  	v22 =	vld [tilespmem:s5+$0x410];
	v23 =	vbroadcast v51, $0xF;
	v51 =	vmul.f32 v26, v30;
	v7, _, _ =	vpop (xrf2);
	s26 =	sshll.u32 s11, $0x2;
	s6 =	sshra.s32 s25, $0x2;
	(xrf2) =	vadd.scan.msk.f32 $0xffff, v20;
	s2 =	spop (v2sf);
	(v2sf) =	vpush v5, $0xE  }
0x10d: {  	v41 =	vmul.f32 v21, v21;
	v49 =	vadd.f32 v37, v44;
	v9 =	vadd.f32 v47, v46;
	s7 =	sor.u32 s8, s17;
	s8 =	sshll.u32 s18, $0x2;
	s25 =	sand.u32 $0x7, s11;
	v32, _, _ =	vpop (xrf2);
	(xrf2) =	vadd.scan.msk.f32 $0xffff, v45  }
0x10e: {  	v17 =	vbroadcast v17, $0xF;
	v52 =	vmul.f32 v34, v34;
	s9 =	sand.u32 $0xFFFFFFE0, s26;
	s28 =	sand.u32 $0x7, s14;
	v26, _, _ =	vpop (xrf2);
	(xrf2) =	vadd.scan.msk.f32 $0xffff, v48;
	s15 =	spop (v2sf);
	(v2sf) =	vpush v4, $0xE  }
0x10f: {  	v43 =	vmul.f32 v19, v19;
	v24 =	vadd.f32 v51, v50;
	v55 =	vmul.f32 v35, v35;
	s14 =	sshll.u32 s14, $0x2;
	s6 =	sadd.s32 s6, s23;
	s7 =	sshra.s32 s7, $0x2;
	v33, _, _ =	vpop (xrf2);
	(xrf2) =	vadd.scan.msk.f32 $0xffff, v49  }
0x110: {  	v29 =	vadd.f32 v53, v52;
	s8 =	sor.u32 s8, s19;
	s11 =	sand.u32 $0xFFFFFFE0, s14;
	s16 =	sand.u32 $0x7, s12;
	v56 =	vmul.f32 v38, v38;
	v40 =	vmul.f32 v39, v39;
	v8, _, _ =	vpop (xrf2);
	(xrf2) =	vadd.scan.msk.f32 $0xffff, v9  }
0x111: {  	v44 =	vmul.f32 v22, v22;
	v18 =	vbroadcast v18, $0xF;
	v57 =	vadd.f32 v55, v54;
	v20 =	vld [tilespmem:s20+$0x400];
	s12 =	sshll.u32 s12, $0x2;
	s20 =	sadd.s32 s7, s22;
	s7 =	sadd.s32 s29, s6;
	v9, _, _ =	vpop (xrf2);
	(xrf2) =	vadd.scan.msk.f32 $0xffff, v24  }
0x112: {  	s21 =	sshra.s32 s8, $0x2;
	s8 =	sshll.u32 s25, $0x2;
	v61 =	vmul.f32 v38, v34;
	v25 =	vmul.f32 v39, v25;
	s12 =	sand.u32 $0xFFFFFFE0, s12;
	v60 =	vadd.f32 v40, v56;
	v35, _, _ =	vpop (xrf2);
	(xrf2) =	vadd.scan.msk.f32 $0xffff, v29  }
0x113: {  	v63 =	vadd.f32 v59, v58;
	v22 =	vmul.f32 v22, v21;
	v46 =	vbroadcast v16, $0xF;
	s5 =	sadd.s32 s21, s24;
	s8 =	sor.u32 s8, s9;
	s9 =	sshll.u32 s28, $0x2;
	v62, _, _ =	vpop (xrf2);
	(xrf2) =	vadd.scan.msk.f32 $0xffff, v57  }
0x114: {  	v23 =	vsel vm1, v11, v23;
	v51 =	vbroadcast v36, $0xF;
	s6 =	sadd.s32 s29, s20;
	s5 =	sadd.s32 s29, s5;
	v25 =	vadd.f32 v25, v61;
	s9 =	sor.u32 s9, s11;
	(xrf2) =	vadd.scan.msk.f32 $0xffff, v60  }
0x115: {  	v53 =	vsel vm2, v13, v18;
	v12 =	vsel vm1, v12, v46;
	v6 =	vbroadcast v6, $0xF;
	s8 =	sshra.s32 s8, $0x2;
	s11 =	sshll.u32 s16, $0x2;
	v24 =	vld [tilespmem:s4+$0x400];
	s9 =	sshra.s32 s9, $0x2;
	v42, _, _ =	vpop (xrf2);
	(xrf2) =	vadd.scan.msk.f32 $0xffff, v63  }
0x116: {  	v7 =	vbroadcast v7, $0xF;
	v45 =	vsel vm1, v10, v15;
	v49 =	vbroadcast v31, $0xF;
	s17 =	sadd.s32 s8, s23;
	s11 =	sor.u32 s11, s12;
	s9 =	sadd.s32 s9, s22;
	v10, _, _ =	vpop (xrf2);
	(xrf2) =	vadd.scan.msk.f32 $0xffff, v25;
	v25 =	vld [tilespmem:s4+$0x410]  }
0x117: {  	v15 =	vsel vm1, v14, v17;
	v55 =	vbroadcast v32, $0xF;
	v32 =	vld [tilespmem:s3+$0x490];
	v26 =	vbroadcast v26, $0xF;
	s8 =	sadd.s32 s29, s17;
	s19 =	sand.u32 $0x7, s1;
	s20 =	sshll.u32 s1, $0x2  }
0x118: {  	v58 =	vbroadcast v33, $0xF;
	v33 =	vld [tilespmem:s7+$0x490];
	v40 =	vmul.f32 v20, v20;
	v54 =	vsel vm2, v45, v49;
	s18 =	sshra.s32 s11, $0x2;
	s12 =	sand.u32 $0xFFFFFFE0, s20;
	s11 =	sshll.u32 s19, $0x2  }
0x119: {  	v48 =	vadd.f32 v44, v43;
	v18 =	vsel vm3, v54, v26;
	v57 =	vsel vm2, v23, v51;
	v23 =	vld [tilespmem:s3+$0x480];
	s4 =	sadd.s32 s29, s9;
	s9 =	sadd.s32 s18, s24;
	s11 =	sor.u32 s11, s12  }
0x11a: {  	v54 =	vmul.f32 v19, v20;
	v47 =	vadd.f32 v41, v40;
	v61 =	vbroadcast v35, $0xF;
	v35 =	vld [tilespmem:s5+$0x510];
	s21 =	sand.u32 $0x7, s31;
	s25 =	sshll.u32 s31, $0x2;
	s9 =	sadd.s32 s29, s9  }
0x11b: {  	v40 =	vld [tilespmem:s8+$0x510];
	v59 =	vmul.f32 v24, v24;
	s26 =	sshra.s32 s11, $0x2;
	s28 =	sand.u32 $0xFFFFFFE0, s25;
	v60 =	vmul.f32 v25, v25;
	s1 =	spop (v2sf);
	(v2sf) =	vpush v3, $0xE  }
0x11c: {  	v30 =	vld [tilespmem:s6+$0x480];
	v34 =	vbroadcast v62, $0xF;
	v37 =	vbroadcast v42, $0xF;
	v42 =	vsel vm3, v57, v58;
	v11, _, _ =	vpop (xrf2);
	s12 =	sshll.u32 s21, $0x2;
	s31 =	sand.u32 $0x7, s30;
	s3 =	sadd.s32 s26, s23  }
0x11d: {  	v63 =	vld [tilespmem:s7+$0x480];
	v58 =	vmul.f32 v33, v33;
	v50, _, _ =	vpop (xrf2);
	(xrf2) =	vadd.scan.msk.f32 $0xffff, v47;
	s16 =	sshll.u32 s30, $0x2;
	s7 =	sadd.s32 s29, s3;
	v27 =	vadd.f32 v60, v59;
	s3 =	spop (v2sf);
	(v2sf) =	vpush v5, $0xF  }
0x11e: {  	v17 =	vsel vm3, v53, v55;
	v31 =	vld [tilespmem:s6+$0x490];
	v36 =	vmul.f32 v33, v32;
	v20 =	vmul.f32 v24, v20;
	v52, _, _ =	vpop (xrf2);
	(xrf2) =	vadd.scan.msk.f32 $0xffff, v48;
	s11 =	sor.u32 s12, s28;
	s17 =	sand.u32 $0xFFFFFFE0, s16;
	s12 =	sshll.u32 s31, $0x2  }
0x11f: {  	v28 =	vld [tilespmem:s5+$0x500];
	v22 =	vadd.f32 v22, v54;
	v43 =	vbroadcast v50, $0xF;
	v55 =	vmul.f32 v23, v23;
	v56, _, _ =	vpop (xrf2);
	s18 =	sand.u32 $0x7, s0;
	s0 =	sshll.u32 s0, $0x2;
	s11 =	sshra.s32 s11, $0x2;
	(xrf2) =	vadd.scan.msk.f32 $0xffff, v27  }
0x120: {  	v17 =	vsel vm4, v17, v61;
	v54 =	vmul.f32 v40, v35;
	v46 =	vbroadcast v52, $0xF;
	v13, _, _ =	vpop (xrf2);
	s0 =	sand.u32 $0xFFFFFFE0, s0;
	s20 =	sshll.u32 s18, $0x2;
	s21 =	sand.u32 $0x7, s13  }
0x121: {  	v18 =	vsel vm4, v18, v34;
	v47 =	vbroadcast v56, $0xF;
	s25 =	sshll.u32 s13, $0x2;
	v56 =	vmul.f32 v32, v32;
	v14, _, _ =	vpop (xrf2);
	s11 =	sadd.s32 s11, s22;
	s0 =	sor.u32 s20, s0  }
0x122: {  	v45 =	vsel vm4, v42, v37;
	v57 =	vmul.f32 v63, v63;
	v63 =	vmul.f32 v63, v23;
	s26 =	sand.u32 $0xFFFFFFE0, s25;
	v62, _, _ =	vpop (xrf2);
	s6 =	sadd.s32 s29, s11;
	s11 =	sor.u32 s12, s17  }
0x123: {  	v39 =	vld [tilespmem:s8+$0x500];
	v23 =	vmul.f32 v30, v23;
	v18 =	vsel vm5, v18, v46;
	v21 =	vmul.f32 v25, v21;
	s0 =	sshra.s32 s0, $0x2;
	v41, _, _ =	vpop (xrf2);
	s19 =	sshra.s32 s11, $0x2;
	s11 =	sshll.u32 s21, $0x2  }
0x124: {  	v34 =	vld [tilespmem:s4+$0x510];
	v46 =	vmul.f32 v31, v32;
	v26 =	vsel vm5, v45, v47;
	v47 =	vmul.f32 v28, v28;
	s0 =	sadd.s32 s0, s23;
	v44, _, _ =	vpop (xrf2);
	s5 =	sadd.s32 s19, s24;
	s8 =	sor.u32 s11, s26  }
0x125: {  	v17 =	vsel vm5, v17, v43;
	v42 =	vld [tilespmem:s7+$0x580];
	v48 =	vbroadcast v62, $0xF;
	s14 =	sadd.s32 s29, s0;
	v29 =	vbroadcast v44, $0xF;
	s28 =	sand.u32 $0x7, s10;
	s10 =	sshll.u32 s10, $0x2;
	v5, _, _ =	vpop (xrf2)  }
0x126: {  	v43 =	vld [tilespmem:s7+$0x590];
	v59 =	vadd.f32 v21, v20;
	v60 =	vmul.f32 v30, v30;
	v49 =	vbroadcast v41, $0xF;
	s16 =	sshra.s32 s8, $0x2;
	s30 =	sand.u32 $0xFFFFFFE0, s10;
	s31 =	sshll.u32 s28, $0x2;
	v16, _, _ =	vpop (xrf2)  }
0x127: {  	v41 =	vmul.f32 v31, v31;
	v27 =	vsel vm6, v17, v48;
	s5 =	sadd.s32 s29, s5;
	s7 =	sadd.s32 s16, s22;
	v17 =	vsel vm6, v26, v29;
	v29 =	vld [tilespmem:s4+$0x500];
	s4 =	sor.u32 s31, s30;
	v50, _, _ =	vpop (xrf2)  }
0x128: {  	v38 =	vld [tilespmem:s9+$0x590];
	v62 =	vadd.f32 v56, v55;
	v44 =	vadd.f32 v58, v57;
	v48 =	vmul.f32 v35, v35;
	s4 =	sshra.s32 s4, $0x2;
	s10 =	sand.u32 $0x7, s2;
	s2 =	sshll.u32 s2, $0x2;
	(xrf2) =	vadd.scan.msk.f32 $0xffff, v22;
	v52, _, _ =	vpop (xrf2)  }
0x129: {  	v25 =	vld [tilespmem:s6+$0x590];
	v57 =	vmul.f32 v34, v35;
	v37 =	vsel vm6, v18, v49;
	v21 =	vadd.f32 v41, v60;
	s17 =	sadd.s32 s29, s7;
	s4 =	sadd.s32 s4, s24;
	s2 =	sand.u32 $0xFFFFFFE0, s2;
	v61, _, _ =	vpop (xrf2);
	(xrf2) =	vadd.scan.msk.f32 $0xffff, v59  }
0x12a: {  	v49 =	vmul.f32 v39, v39;
	v26 =	vld [tilespmem:s9+$0x580];
	s9 =	sshll.u32 s10, $0x2;
	s20 =	sshll.u32 s15, $0x2;
	v51 =	vbroadcast v50, $0xF;
	(xrf2) =	vadd.scan.msk.f32 $0xffff, v62;
	s12 =	spop (v2sf);
	(v2sf) =	vpush v4, $0xF  }
0x12b: {  	v45 =	vadd.f32 v36, v63;
	v30 =	vld [tilespmem:s14+$0x600];
	s19 =	sand.u32 $0x7, s15;
	s2 =	sor.u32 s9, s2;
	s26 =	sand.u32 $0xFFFFFFE0, s20;
	v50 =	vmul.f32 v40, v40;
	v53 =	vbroadcast v52, $0xF;
	(xrf2) =	vadd.scan.msk.f32 $0xffff, v44  }
0x12c: {  	v31 =	vld [tilespmem:s5+$0x600];
	s8 =	sshll.u32 s19, $0x2;
	s2 =	sshra.s32 s2, $0x2;
	v52 =	vmul.f32 v34, v34;
	(xrf2) =	vadd.scan.msk.f32 $0xffff, v21;
	s21 =	spop (v2sf);
	(v2sf) =	vpush v3, $0xF;
	v3 =	vadd.f32 v46, v23  }
0x12d: {  	v36 =	vld [tilespmem:s5+$0x610];
	s4 =	sadd.s32 s29, s4;
	s7 =	sor.u32 s8, s26;
	s18 =	sadd.s32 s2, s23;
	v18 =	vsel vm7, v27, v51;
	v51 =	vmul.f32 v29, v29;
	(xrf2) =	vadd.scan.msk.f32 $0xffff, v45;
	v4 =	vadd.f32 v48, v47  }
0x12e: {  	s7 =	sshra.s32 s7, $0x2;
	s28 =	sand.u32 $0x7, s1;
	s1 =	sshll.u32 s1, $0x2;
	v27 =	vld [tilespmem:s6+$0x580];
	v19 =	vsel vm7, v37, v53;
	v53 =	vmul.f32 v39, v28;
	(xrf2) =	vadd.scan.msk.f32 $0xffff, v3;
	v3 =	vadd.f32 v50, v49  }
0x12f: {  	v60 =	vmul.f32 v42, v42;
	v63 =	vmul.f32 v25, v25;
	v35 =	vld [tilespmem:s4+$0x680];
	s25 =	sadd.s32 s29, s18;
	s31 =	sadd.s32 s7, s22;
	s1 =	sand.u32 $0xFFFFFFE0, s1;
	(xrf2) =	vadd.scan.msk.f32 $0xffff, v4  }
0x130: {  	v56 =	vmul.f32 v29, v28;
	v41 =	vld [tilespmem:s25+$0x680];
	s8 =	sshll.u32 s28, $0x2;
	s30 =	sand.u32 $0x7, s3;
	s3 =	sshll.u32 s3, $0x2;
	v55 =	vadd.f32 v52, v51;
	(xrf2) =	vadd.scan.msk.f32 $0xffff, v3;
	v3 =	vadd.f32 v54, v53  }
0x131: {  	v58 =	vmul.f32 v26, v26;
	s1 =	sor.u32 s8, s1;
	s3 =	sand.u32 $0xFFFFFFE0, s3;
	s9 =	sshll.u32 s30, $0x2;
	v34 =	vld [tilespmem:s17+$0x610];
	v59 =	vmul.f32 v38, v38  }
0x132: {  	s11 =	sadd.s32 s29, s31;
	v22 =	vadd.f32 v57, v56;
	s3 =	sor.u32 s9, s3;
	s1 =	sshra.s32 s1, $0x2;
	v20 =	vbroadcast v61, $0xF;
	v61 =	vmul.f32 v43, v43;
	v37 =	vld [tilespmem:s14+$0x610];
	(xrf2) =	vadd.scan.msk.f32 $0xffff, v55  }
0x133: {  	v25 =	vmul.f32 v25, v38;
	s1 =	sadd.s32 s1, s24;
	s3 =	sshra.s32 s3, $0x2;
	v28 =	vld [tilespmem:s17+$0x600];
	v21 =	vadd.f32 v59, v58;
	v62 =	vmul.f32 v27, v27;
	s0 =	sshll.u32 s12, $0x2;
	v4, _, _ =	vpop (xrf2);
	(xrf2) =	vadd.scan.msk.f32 $0xffff, v3  }
0x134: {  	s1 =	sadd.s32 s29, s1;
	v39 =	vld [tilespmem:s4+$0x690];
	v45 =	vadd.f32 v61, v60;
	v47 =	vmul.f32 v43, v38;
	s10 =	sand.u32 $0x7, s12;
	v46 =	vmul.f32 v42, v26;
	s0 =	sand.u32 $0xFFFFFFE0, s0;
	(xrf2) =	vadd.scan.msk.f32 $0xffff, v22;
	v3, _, _ =	vpop (xrf2)  }
0x135: {  	v44 =	vld [tilespmem:s1+$0x700];
	v51 =	vmul.f32 v31, v31;
	v48 =	vadd.f32 v63, v62;
	s12 =	sshll.u32 s10, $0x2;
	s14 =	sand.u32 $0x7, s21;
	s2 =	sshll.u32 s21, $0x2;
	v49 =	vmul.f32 v27, v26;
	v29, _, _ =	vpop (xrf2);
	(xrf2) =	vadd.scan.msk.f32 $0xffff, v21  }
0x136: {  	v52 =	vmul.f32 v36, v36;
	v58 =	vmul.f32 v30, v31;
	v42 =	vld [tilespmem:s25+$0x690];
	s0 =	sor.u32 s12, s0;
	s2 =	sand.u32 $0xFFFFFFE0, s2;
	s15 =	sshll.u32 s14, $0x2;
	v50 =	vadd.f32 v47, v46;
	v33, _, _ =	vpop (xrf2);
	(xrf2) =	vadd.scan.msk.f32 $0xffff, v45  }
0x137: {  	s3 =	sadd.s32 s3, s23;
	v38 =	vld [tilespmem:s11+$0x690];
	s2 =	sor.u32 s15, s2;
	s0 =	sshra.s32 s0, $0x2;
	v23 =	vadd.f32 v25, v49;
	v53 =	vmul.f32 v30, v30;
	v54 =	vmul.f32 v37, v37;
	v32, _, _ =	vpop (xrf2);
	(xrf2) =	vadd.scan.msk.f32 $0xffff, v48  }
0x138: {  	s17 =	sadd.s32 s29, s3;
	v24 =	vadd.f32 v52, v51;
	v56 =	vmul.f32 v34, v34;
	v27 =	vld [tilespmem:s11+$0x680];
	s0 =	sadd.s32 s0, s22;
	s2 =	sshra.s32 s2, $0x2;
	v55 =	vmul.f32 v28, v28;
	v21, _, _ =	vpop (xrf2);
	(xrf2) =	vadd.scan.msk.f32 $0xffff, v50  }
0x139: {  	v59 =	vmul.f32 v37, v36;
	v61 =	vmul.f32 v28, v31;
	v31 =	vld [tilespmem:s17+$0x700];
	s0 =	sadd.s32 s29, s0;
	s2 =	sadd.s32 s2, s24;
	v57 =	vadd.f32 v54, v53;
	v22, _, _ =	vpop (xrf2);
	(xrf2) =	vadd.scan.msk.f32 $0xffff, v23;
	s16 =	spop (v2sf)  }
0x13a: {  	v52 =	vmul.f32 v39, v39;
	v62 =	vmul.f32 v34, v36;
	v43 =	vld [tilespmem:s17+$0x710];
	s2 =	sadd.s32 s29, s2;
	v60 =	vadd.f32 v56, v55;
	v40, _, _ =	vpop (xrf2);
	(xrf2) =	vadd.scan.msk.f32 $0xffff, v24;
	s18 =	sand.u32 $0x7, s16;
	s19 =	sshll.u32 s16, $0x2  }
0x13b: {  	v63 =	vmul.f32 v35, v35;
	v37 =	vld [tilespmem:s1+$0x710];
	v25 =	vadd.f32 v59, v58;
	v46 =	vmul.f32 v42, v42;
	v34, _, _ =	vpop (xrf2);
	(xrf2) =	vadd.scan.msk.f32 $0xffff, v57;
	s21 =	spop (v2sf);
	s20 =	sand.u32 $0xFFFFFFE0, s19;
	s3 =	sshll.u32 s18, $0x2  }
0x13c: {  	v8 =	vbroadcast v8, $0xF;
	v26 =	vadd.f32 v62, v61;
	v53 =	vmul.f32 v41, v41;
	v47 =	vld [tilespmem:s0+$0x700];
	v45, _, _ =	vpop (xrf2);
	(xrf2) =	vadd.scan.msk.f32 $0xffff, v60;
	s25 =	sand.u32 $0x7, s21;
	s4 =	sshll.u32 s21, $0x2;
	s1 =	sor.u32 s3, s20  }
0x13d: {  	v30 =	vadd.f32 v52, v63;
	v49 =	vmul.f32 v38, v38;
	v54 =	vmul.f32 v27, v27;
	v28 =	vld [tilespmem:s2+$0x780];
	v23, _, _ =	vpop (xrf2);
	(xrf2) =	vadd.scan.msk.f32 $0xffff, v25;
	s28 =	sand.u32 $0xFFFFFFE0, s4;
	s3 =	sshll.u32 s25, $0x2;
	s26 =	sshra.s32 s1, $0x2  }
0x13e: {  	v42 =	vmul.f32 v42, v39;
	v41 =	vmul.f32 v41, v35;
	v55 =	vadd.f32 v46, v53;
	v48 =	vld [tilespmem:s0+$0x710];
	s1 =	sor.u32 s3, s28;
	v24, _, _ =	vpop (xrf2);
	(xrf2) =	vadd.scan.msk.f32 $0xffff, v26;
	s0 =	sadd.s32 s26, s23  }
0x13f: {  	v59 =	vmul.f32 v44, v44;
	v27 =	vmul.f32 v27, v35;
	v56 =	vadd.f32 v49, v54;
	v25 =	vld [tilespmem:s2+$0x790];
	v46, _, _ =	vpop (xrf2);
	(xrf2) =	vadd.scan.msk.f32 $0xffff, v30;
	s1 =	sshra.s32 s1, $0x2;
	s0 =	sadd.s32 s29, s0  }
0x140: {  	v51 =	vmul.f32 v43, v43;
	v58 =	vadd.f32 v42, v41;
	v57 =	vmul.f32 v38, v39;
	v36, _, _ =	vpop (xrf2);
	(xrf2) =	vadd.scan.msk.f32 $0xffff, v55;
	s1 =	sadd.s32 s1, s22;
	v42 =	vld [tilespmem:s0+$0x780]  }
0x141: {  	v50 =	vmul.f32 v31, v31;
	v60 =	vmul.f32 v37, v37;
	v49, _, _ =	vpop (xrf2);
	(xrf2) =	vadd.scan.msk.f32 $0xffff, v56;
	v30 =	vld [tilespmem:s0+$0x790];
	s29 =	sadd.s32 s29, s1  }
0x142: {  	v62 =	vmul.f32 v47, v47;
	v31 =	vmul.f32 v31, v44;
	v35 =	vadd.f32 v57, v27;
	v26, _, _ =	vpop (xrf2);
	(xrf2) =	vadd.scan.msk.f32 $0xffff, v58;
	v52 =	vld [tilespmem:s29+$0x780]  }
0x143: {  	v63 =	vmul.f32 v48, v48;
	v61 =	vadd.f32 v60, v59;
	v55 =	vadd.f32 v51, v50;
	v50 =	vld [tilespmem:s29+$0x790];
	v27, _, _ =	vpop (xrf2)  }
0x144: {  	v6 =	vsel vm2, v12, v6;
	v43 =	vmul.f32 v43, v37;
	v37 =	vmul.f32 v48, v37;
	(xrf2) =	vadd.scan.msk.f32 $0xffff, v35;
	v51, _, _ =	vpop (xrf2)  }
0x145: {  	v57 =	vmul.f32 v47, v44;
	v59 =	vmul.f32 v28, v28;
	v56 =	vadd.f32 v63, v62;
	(xrf2) =	vadd.scan.msk.f32 $0xffff, v61;
	v41, _, _ =	vpop (xrf2)  }
0x146: {  	v63 =	vbroadcast v29, $0xF;
	v58 =	vadd.f32 v43, v31;
	v60 =	vmul.f32 v25, v25;
	(xrf2) =	vadd.scan.msk.f32 $0xffff, v55;
	v47, _, _ =	vpop (xrf2)  }
0x147: {  	v37 =	vadd.f32 v37, v57;
	(xrf2) =	vadd.scan.msk.f32 $0xffff, v56;
	v61 =	vmul.f32 v42, v42;
	v62 =	vmul.f32 v30, v30;
	v31, _, _ =	vpop (xrf2)  }
0x148: {  	v43 =	vadd.f32 v60, v59;
	(xrf2) =	vadd.scan.msk.f32 $0xffff, v58;
	v48 =	vmul.f32 v52, v52;
	v53 =	vmul.f32 v50, v50;
	v29, _, _ =	vpop (xrf2)  }
0x149: {  	v10 =	vbroadcast v10, $0xF;
	v33 =	vbroadcast v33, $0xF;
	(xrf2) =	vadd.scan.msk.f32 $0xffff, v37;
	v44 =	vadd.f32 v62, v61;
	v54, _, _ =	vpop (xrf2)  }
0x14a: {  	v11 =	vbroadcast v11, $0xF;
	v32 =	vbroadcast v32, $0xF;
	(xrf2) =	vadd.scan.msk.f32 $0xffff, v43;
	v57 =	vadd.f32 v53, v48;
	v55, _, _ =	vpop (xrf2)  }
0x14b: {  	v17 =	vsel vm7, v17, v20;
	v19 =	vsel vm8, v19, v33;
	v59 =	vbroadcast v34, $0xF;
	(xrf2) =	vadd.scan.msk.f32 $0xffff, v44;
	v58, _, _ =	vpop (xrf2)  }
0x14c: {  	v17 =	vsel vm8, v17, v32;
	v36 =	vbroadcast v36, $0xF;
	v60 =	vbroadcast v45, $0xF;
	v39, _, _ =	vpop (xrf2);
	(xrf2) =	vadd.scan.msk.f32 $0xffff, v57  }
0x14d: {  	v18 =	vsel vm8, v18, v63;
	v56 =	vbroadcast v40, $0xF;
	v19 =	vsel vm9, v19, v59  }
0x14e: {  	v17 =	vsel vm9, v17, v60;
	v19 =	vsel vm10, v19, v36;
	v61 =	vbroadcast v46, $0xF;
	v37, _, _ =	vpop (xrf2)  }
0x14f: {  	v18 =	vsel vm9, v18, v56;
	v62 =	vbroadcast v49, $0xF;
	v46 =	vbroadcast v41, $0xF;
	v63, _, _ =	vpop (xrf2)  }
0x150: {  	v47 =	vbroadcast v47, $0xF;
	v18 =	vsel vm10, v18, v61;
	v44 =	vbroadcast v51, $0xF;
	v45, _, _ =	vpop (xrf2)  }
0x151: {  	v17 =	vsel vm10, v17, v62;
	v20 =	vbroadcast v54, $0xF;
	v19 =	vsel vm11, v19, v46;
	v48, _, _ =	vpop (xrf2)  }
0x152: {  	v33 =	vbroadcast v55, $0xF;
	v17 =	vsel vm11, v17, v47;
	v49 =	vbroadcast v58, $0xF;
	v35, _, _ =	vpop (xrf2)  }
0x153: {  	v18 =	vsel vm11, v18, v44;
	v34 =	vbroadcast v63, $0xF;
	v51 =	vbroadcast v45, $0xF;
	v38, _, _ =	vpop (xrf2)  }
0x154: {  	v18 =	vsel vm12, v18, v20;
	v19 =	vsel vm12, v19, v33;
	v54 =	vbroadcast v48, $0xF;
	v53, _, _ =	vpop (xrf2)  }
0x155: {  	v17 =	vsel vm12, v17, v49;
	v18 =	vsel vm13, v18, v34;
	v19 =	vsel vm13, v19, v51;
	v55, _, _ =	vpop (xrf2)  }
0x156: {  	v17 =	vsel vm13, v17, v54;
	v18 =	vsel vm14, v18, v53;
	v19 =	vsel vm14, v19, v55;
	v56, _, _ =	vpop (xrf2)  }
0x157: {  	v18 =	vmax.f32 v18, $9.999999960e-13;
	v19 =	vmax.f32 v19, $9.999999960e-13;
	v57 =	vsel vm14, v17, v56  }
0x158: {  	v14 =	vbroadcast v14, $0xF;
	v58 =	vmul.f32 v19, v18;
	v12 =	vmax.f32 v57, $9.999999960e-13  }
0x159: {  	v5 =	vbroadcast v5, $0xF;
	v12 =	vmul.f32 v12, v18  }
0x15a: {  	v4 =	vbroadcast v4, $0xF;
	v3 =	vbroadcast v3, $0xF;
	v59 =	vshra.s32 v58, $0x1  }
0x15b: {  	v17 =	vmul.f32 $5.000000000e-01, v58;
	v18 =	vshra.s32 v12, $0x1;
	v12 =	vmul.f32 $5.000000000e-01, v12  }
0x15c: {  	v60 =	vbroadcast v9, $0xF;
	v61 =	vsub.s32 $0x5F3759DF, v59;
	v18 =	vsub.s32 $0x5F3759DF, v18  }
0x15d: {  	v7 =	vsel vm2, v15, v7;
	v15 =	vmul.f32 v61, v17;
	v63 =	vmul.f32 v18, v12  }
0x15e: {  	v36 =	vbroadcast v16, $0xF;
	v43 =	vmul.f32 v50, v25  }
0x15f: {  	v6 =	vsel vm3, v6, v8;
	v62 =	vmul.f32 v61, v15;
	v32 =	vmul.f32 v18, v63  }
0x160: {  	v6 =	vsel vm4, v6, v10;
	v50 =	vbroadcast v26, $0xF;
	v46 =	vbroadcast v21, $0xF  }
0x161: {  	v47 =	vbroadcast v22, $0xF;
	v8 =	vsub.f32 $1.500000000e+00, v62;
	v34 =	vsub.f32 $1.500000000e+00, v32  }
0x162: {  	v7 =	vsel vm3, v7, v60;
	v20 =	vmul.f32 v42, v28;
	v33 =	vmul.f32 v52, v28  }
0x163: {  	v7 =	vsel vm4, v7, v11;
	v8 =	vmul.f32 v61, v8;
	v40 =	vmul.f32 v18, v34  }
0x164: {  	v7 =	vsel vm5, v7, v14;
	v42 =	vmul.f32 v30, v25;
	v19 =	vbroadcast v13, $0xF  }
0x165: {  	v7 =	vsel vm6, v7, v36;
	v41 =	vmul.f32 v8, v17;
	v45 =	vmul.f32 v40, v12  }
0x166: {  	v3 =	vsel vm7, v7, v3;
	v11 =	vadd.f32 v42, v20;
	v10 =	vadd.f32 v43, v33  }
0x167: {  	v6 =	vsel vm5, v6, v19;
	v44 =	vmul.f32 v41, v8;
	v9 =	vmul.f32 v45, v40  }
0x168: {  	v52 =	vbroadcast v31, $0xF;
	v49 =	vbroadcast v24, $0xF;
	(xrf2) =	vadd.scan.msk.f32 $0xffff, v11;
	v5 =	vsel vm6, v6, v5  }
0x169: {  	(xrf2) =	vadd.scan.msk.f32 $0xffff, v10;
	v4 =	vsel vm7, v5, v4;
	v5 =	vsub.f32 $1.500000000e+00, v44;
	v9 =	vsub.f32 $1.500000000e+00, v9  }
0x16a: {  	v3 =	vsel vm8, v3, v47;
	v48 =	vbroadcast v23, $0xF;
	v51 =	vbroadcast v27, $0xF  }
0x16b: {  	v3 =	vsel vm9, v3, v49;
	v5 =	vmul.f32 v5, v8;
	v6 =	vmul.f32 v9, v40  }
0x16c: {  	v60 =	vbroadcast v35, $0xF;
	v53 =	vbroadcast v29, $0xF;
	v4 =	vsel vm8, v4, v46  }
0x16d: {  	v4 =	vsel vm9, v4, v48;
	v54 =	vmul.f32 v5, v17;
	v55 =	vmul.f32 v6, v12  }
0x16e: {  	v3 =	vsel vm10, v3, v51;
	v56 =	vbroadcast v39, $0xF;
	v4 =	vsel vm10, v4, v50  }
0x16f: {  	v4 =	vsel vm11, v4, v52;
	v57 =	vmul.f32 v54, v5;
	v58 =	vmul.f32 v55, v6  }
0x170: {  	v3 =	vsel vm11, v3, v53;
	v59 =	vbroadcast v37, $0xF;
	v4 =	vsel vm12, v4, v56  }
0x171: {  	v61 =	vbroadcast v38, $0xF;
	v8 =	vsub.f32 $1.500000000e+00, v57;
	v9 =	vsub.f32 $1.500000000e+00, v58  }
0x172: {  	v3 =	vsel vm12, v3, v59;
	v62, _, _ =	vpop (xrf2);
	v4 =	vsel vm13, v4, v60  }
0x173: {  	v63, _, _ =	vpop (xrf2);
	v3 =	vsel vm13, v3, v61;
	v5 =	vmul.f32 v8, v5;
	v6 =	vmul.f32 v9, v6  }
0x174: {  	v4 =	vsel vm14, v4, v62;
	v3 =	vsel vm14, v3, v63  }
0x175: {  	v4 =	vmul.f32 v5, v4;
	v3 =	vmul.f32 v6, v3  }
0x176: {  	s13 =	rddreg [dreg:$0xd]  }
0x177: {  	p2 =	seq.s32 s13, $0xE000;
	v3 =	vsub.f32 v3, v4  }
.Ltmp2:
0x178: {  	_ = 	snop;
	(pc) =	sbr.rel @!p2 .LBB2_8-.Ltmp2, $4  }
0x179: {  	v3 =	vadd.f32 $1.000000000e+00, v3  }
0x17a: {  	s31 =	rddreg [dreg:$0xc]  }
0x17b: {  	s30 =	rddreg [dreg:$0xe];
	v3 =	vmax.f32 v3, $0.0e+00  }
0x17c: {  	s13 =	sadd.s32 $0x2000, s13;
	s7 =	sadd.s32 $0x10, s30;
	s0 =	sadd.s32 $0x10, s31;
	[tilespmem:s30+$0x0] =	vst v3  }
0x17d: {  	s0 =	rddreg [dreg:$0xb]  }
0x17e: {  	p2 =	seq.s32 s0, $0x4  }
.Ltmp3:
0x17f: {  	_ = 	snop;
	(pc) =	sbr.rel @!p2 .LBB2_3-.Ltmp3, $4  }
0x180: {  	_ = 	snop  }
0x181: {  	s6 =	rddreg [dreg:$0x9]  }
0x182: {  	p0 =	por !p0, !p0;
	s7 =	rddreg [dreg:$0xa]  }
0x183: {  	p1 =	por !p1, !p1;
	s6 =	sadd.s32 $0x80, s6;
	s7 =	sadd.s32 $0x80, s7  }
0x184: {  	s0 =	simm.s32 $0x0;
	s1 =	rddreg [dreg:$0x6];
	s2 =	simm.s32 $0x18C00  }
0x185: {  	[hbm4b:s1+s0] =	stream.linear.scatter [tilespmem:s2], [sflag:$0x2], $0x200, $0x38;
	[tilespmem:$0x18E00] =	vst v63  }
0x186: {  	s2 =	simm.s32 $0x2  }
0x187: {  	_ =	swait.ge [sflag:s2], $0x200  }
0x188: {  	s3 =	rddreg [dreg:$0x8]  }
0x189: {  	s31 =	rddreg [dreg:$0x7];
	s3 =	sadd.s32 $0x1, s3  }
0x18a: {  	p0 =	sne.s32 s3, s31  }
.Ltmp4:
0x18b: {  	_ = 	snop;
	(pc) =	sbr.rel @p0 .LBB2_1-.Ltmp4, $3  }
0x18c: {  	_ =	sdelay $0x1  }
0x18d: {  	[sflag:s2] =	ssyncset.done $0x0  }
0x18e: {  	[sflag:s2] =	ssyncadd.s32 $0xFFFFFE00  }
0x18f: {  	_ =	sfence.sel $0x180000  }
0x190: {  	[bflag:$0x0] =	sbarrier.arrive $0xFFFF  }
0x191: {  	_ =	strace $0x90000047  }
0x192: {  	s0 =	stileid.u32;
	[bflag:$0x2] =	sbarrier.arrive $0xFFFF  }
0x193: {  	p0 =	sne.s32 s0, $0x0;
	s0 =	rddreg [dreg:$0x2]  }
0x194: {  	s0 =	sadd.s32 @!p0 $0x100000, s0  }
0x195: {  	[sflag:s0] =	ssyncadd.tile.s32 @!p0 $0x1;
	_ =	shalt  }
.Lfunc_end2:
_tile_overlayer_lowered:
.L_overlay_start_2:
0x196: {  	(tag) =	ssettag $0x2  }
0x197: {  	s0 =	rddreg [dreg:$0x0];
	s2 =	stileid.u32  }
0x198: {  	s1 =	rddreg [dreg:$0x1];
	p0 =	sne.s32 s2, $0x0  }
0x199: {  	s3 =	rddreg [dreg:$0x2];
	[bflag:$0x3] =	sbarrier.arrive $0xFFFF;
	s2 =	simm.s32 @!p0 $0x1C02  }
0x19a: {  	[timem:s3], [sflag:s2] =	dma.local @!p0 [hbm:s0], s1  }
0x19b: {  	s0 =	simm.s32 @!p0 $0x2  }
0x19c: {  	_ =	swait.ge @!p0 [sflag:s0], s1  }
0x19d: {  	s1 =	ssub.s32 @!p0 $0x0, s1;
	[sflag:s0] =	ssyncset.done @!p0 $0x0  }
0x19e: {  	[sflag:s0] =	ssyncadd.s32 @!p0 s1  }
0x19f: {  	[bflag:$0x3] =	sbarrier.arrive $0xFFFF  }
0x1a0: {  	_ =	shalt  }

</sc_bundles>
